<compile_context>
chip_gen: v7x
topology: tpu7x:2x2x1
jax: 0.10.2.dev20260603
libtpu: 0.0.44.dev20260713+nightly
codegen_flags: <defaults>
</compile_context>

<pallas_src>
import functools

import jax
import jax.numpy as jnp
from jax import lax
from jax.experimental import pallas as pl
from jax.experimental.pallas import tpu as pltpu
from jax.experimental.pallas import tpu_sc as plsc

B = 1024
S = 50
C = 26
D = 128
V = 256
LOW = -3.0
HIGH = 3.0

NC = 2
NS = 16
NW = NC * NS
BPW = B // NW

ROW = S * C
ROWP = 1408
NRV = 82
BINS = C * V


def _tc_quant(x2):
    BM = 128

    def body(x_ref, o_ref):
        v = x_ref[...]
        t = ((v - LOW) / (HIGH - LOW)) * float(V - 1)
        q = jnp.clip(jnp.round(t), 0.0, float(V - 1))
        idx = q.astype(jnp.int32)
        ch = lax.rem(lax.broadcasted_iota(jnp.int32, (BM, ROW), 1), C)
        o_ref[:, : ROW] = ch * V + idx
        o_ref[:, ROW:] = jnp.zeros((BM, ROWP - ROW), jnp.int32)

    return pl.pallas_call(
        body,
        grid=(B // BM,),
        in_specs=[pl.BlockSpec((BM, ROW), lambda i: (i, 0))],
        out_specs=pl.BlockSpec((BM, ROWP), lambda i: (i, 0)),
        out_shape=jax.ShapeDtypeStruct((B, ROWP), jnp.int32),
    )(x2)


def _sc_hist(addr_flat):
    mesh = plsc.VectorSubcoreMesh(core_axis_name="c", subcore_axis_name="s")
    NBUF = 4

    @functools.partial(
        pl.kernel,
        out_type=jax.ShapeDtypeStruct((B * BINS,), jnp.float32),
        mesh=mesh,
        scratch_types=[
            pltpu.VMEM((BPW * ROWP,), jnp.int32),
            pltpu.VMEM((NBUF * BINS,), jnp.float32),
            pltpu.VMEM_SHARED((BINS,), jnp.float32),
            [pltpu.SemaphoreType.DMA] * NBUF,
            [pltpu.SemaphoreType.DMA] * NBUF,
        ],
        compiler_params=pltpu.CompilerParams(needs_layout_passes=False),
    )
    def hist(a_hbm, cnt_hbm, a_v, bins_v, zsp, osem, zsem):
        sid = lax.axis_index("s")
        wid = sid * NC + lax.axis_index("c")
        base_b = wid * BPW
        pltpu.sync_copy(a_hbm.at[pl.ds(base_b * ROWP, BPW * ROWP)], a_v)

        lane = lax.iota(jnp.int32, 16)
        ones = jnp.full((16,), 1.0, jnp.float32)
        zeros = jnp.zeros((16,), jnp.float32)
        tail_mask = lane < (ROW - (NRV - 1) * 16)

        def zero_body(z, c2):
            for k in range(8):
                bins_v[pl.ds(z * 128 + k * 16, 16)] = zeros
            return c2

        lax.fori_loop(0, NBUF * BINS // 128, zero_body, 0)

        @pl.when(sid == 0)
        def _publish_zeros():
            pltpu.sync_copy(bins_v.at[pl.ds(0, BINS)], zsp)

        plsc.subcore_barrier()

        def scat(bb, pbase):
            aoff = bb * ROWP
            for r in range(NRV):
                a = a_v[pl.ds(aoff + r * 16, 16)] + pbase
                if (r + 1) * 16 <= ROW:
                    plsc.addupdate_scatter(bins_v, [a], ones)
                else:
                    plsc.addupdate_scatter(bins_v, [a], ones, mask=tail_mask)

        def batch_body(i, carry):
            for q in range(NBUF):
                bb = i * NBUF + q
                pbase = q * BINS

                @pl.when(i > 0)
                def _wait_zero():
                    pltpu.make_async_copy(
                        zsp, bins_v.at[pl.ds(pbase, BINS)], zsem[q]).wait()

                scat(bb, pbase)

                pltpu.async_copy(
                    bins_v.at[pl.ds(pbase, BINS)],
                    cnt_hbm.at[pl.ds((base_b + bb) * BINS, BINS)],
                    osem[q],
                )

                r2 = (q + 2) % NBUF
                rbase = r2 * BINS

                @pl.when((i > 0) | (q >= 2))
                def _refill():
                    pltpu.make_async_copy(
                        bins_v.at[pl.ds(rbase, BINS)],
                        cnt_hbm.at[pl.ds(0, BINS)],
                        osem[r2],
                    ).wait()
                    pltpu.async_copy(
                        zsp, bins_v.at[pl.ds(rbase, BINS)], zsem[r2])
            return carry

        lax.fori_loop(0, BPW // NBUF, batch_body, 0)

        for q in range(2):
            pltpu.make_async_copy(
                bins_v.at[pl.ds((q + 2) * BINS, BINS)],
                cnt_hbm.at[pl.ds(0, BINS)],
                osem[q + 2],
            ).wait()
        for q in range(NBUF - 2):
            pltpu.make_async_copy(
                zsp, bins_v.at[pl.ds(q * BINS, BINS)], zsem[q]).wait()

    return hist(addr_flat)


def _tc_matmul(counts2d, weight):
    M = B * C
    BM = 3328

    def body(c_ref, w_ref, o_ref):
        acc = lax.dot_general(
            c_ref[...], w_ref[...],
            dimension_numbers=(((1,), (0,)), ((), ())),
            preferred_element_type=jnp.float32,
            precision=lax.Precision.HIGHEST,
        )
        o_ref[...] = acc / float(S)

    return pl.pallas_call(
        body,
        grid=(M // BM,),
        in_specs=[
            pl.BlockSpec((BM, V), lambda i: (i, 0)),
            pl.BlockSpec((V, D), lambda i: (0, 0)),
        ],
        out_specs=pl.BlockSpec((BM, D), lambda i: (i, 0)),
        out_shape=jax.ShapeDtypeStruct((M, D), jnp.float32),
    )(counts2d, weight)


def kernel(x, weight):
    addr = _tc_quant(x.reshape(B, ROW))
    counts = _sc_hist(addr.reshape(-1))
    out2d = _tc_matmul(counts.reshape(B * C, V), weight)
    return out2d.reshape(B, C, D)

# --- scband reference (transcript-rebuilt; emitter-appended) ---
"""Pipeline reference for scband-torch-hd-level-69277822484791 (READ-ONLY COPY).

The authoritative reference and input builder live on the scoring server;
editing this copy changes nothing except your own understanding.
"""

import jax, jax.numpy as jnp
import numpy as np

LOW = -3.0
HIGH = 3.0
NUM_LEVELS = 256
OUT_FEATURES = 128

def setup_inputs(seed: int = 0) -> dict:
    key = jax.random.key(seed)
    k_x, k_w = jax.random.split(key)
    x = jax.random.normal(k_x, (1024, 50, 26), dtype=jnp.float32)
    # Level codebook: [num_levels, out_features] hypervectors (MAP/bipolar-ish; random init)
    weight = jax.random.normal(k_w, (NUM_LEVELS, OUT_FEATURES), dtype=jnp.float32)
    return {"x": x, "weight": weight}

def reference(x, weight):
    # x: [B, S, C] float32 -> transpose to [B, C, S]
    xt = jnp.transpose(x, (0, 2, 1))
    # torchhd Level: map continuous value in [low, high] to level index, then embedding lookup
    idx = jnp.round((xt - LOW) / (HIGH - LOW) * (NUM_LEVELS - 1))
    idx = jnp.clip(idx, 0, NUM_LEVELS - 1).astype(jnp.int32)
    # gather: [B, C, S, D]
    encoded = jnp.take(weight, idx, axis=0)
    # per-channel aggregation: mean over sequence dim -> [B, C, D]
    out = jnp.mean(encoded, axis=2)
    return out

if __name__ == "__main__":
    import jax
    _d = setup_inputs()
    print(jax.jit(kernel)(*tuple(_d.values())))

</pallas_src>

<mosaic_0001>
#map = affine_map<(d0, d1) -> (0)>
module attributes {stable_mosaic.version = 14 : i64} {
  func.func @hist(%arg0: i32, %arg1: i32, %arg2: memref<1441792xi32, #tpu.memory_space<hbm>>, %arg3: memref<6815744xf32, #tpu.memory_space<hbm>>, %arg4: memref<45056xi32, #tpu.memory_space<vmem>>, %arg5: memref<26624xf32, #tpu.memory_space<vmem>>, %arg6: memref<6656xf32, #tpu.memory_space<vmem_shared>>, %arg7: memref<!tpu.dma_semaphore, #tpu.memory_space<semaphore_mem>>, %arg8: memref<!tpu.dma_semaphore, #tpu.memory_space<semaphore_mem>>, %arg9: memref<!tpu.dma_semaphore, #tpu.memory_space<semaphore_mem>>, %arg10: memref<!tpu.dma_semaphore, #tpu.memory_space<semaphore_mem>>, %arg11: memref<!tpu.dma_semaphore, #tpu.memory_space<semaphore_mem>>, %arg12: memref<!tpu.dma_semaphore, #tpu.memory_space<semaphore_mem>>, %arg13: memref<!tpu.dma_semaphore, #tpu.memory_space<semaphore_mem>>, %arg14: memref<!tpu.dma_semaphore, #tpu.memory_space<semaphore_mem>>) attributes {dimension_semantics = [#tpu.dimension_semantics<core_parallel>, #tpu.dimension_semantics<subcore_parallel>], iteration_bounds = array<i64: 2, 16>, scalar_prefetch = 0 : i64, scratch_operands = 11 : i64, tpu.core_type = #tpu.core_type<sc_vector_subcore>, window_params = [{transform_indices = #map}, {transform_indices = #map}]} {
    %mul3A = arith.constant 2 : i32
    %mul3A_0 = arith.muli %arg1, %mul3A : i32
    %add3A = arith.addi %mul3A_0, %arg0 : i32
    %mul3A_1 = arith.constant 32 : i32
    %mul3A_2 = arith.muli %add3A, %mul3A_1 : i32
    %mul3A_3 = arith.constant 1408 : i32
    %mul3A_4 = arith.muli %mul3A_2, %mul3A_3 : i32
    "tpu.region"() ({
      %run_scoped3A = tpu.sem_alloc : memref<!tpu.dma_semaphore, #tpu.memory_space<semaphore_mem>>
      %dma_start3A = tpu.memref_slice %arg2[%mul3A_4] : memref<1441792xi32, #tpu.memory_space<hbm>> -> memref<45056xi32, #tpu.memory_space<hbm>>
      %dma_start3A_46 = tpu.memref_slice %arg2[%mul3A_4] : memref<1441792xi32, #tpu.memory_space<hbm>> -> memref<45056xi32, #tpu.memory_space<hbm>>
      tpu.enqueue_dma source(%dma_start3A_46 : memref<45056xi32, #tpu.memory_space<hbm>>) target(%arg4 : memref<45056xi32, #tpu.memory_space<vmem>>) target_semaphore(%run_scoped3A : memref<!tpu.dma_semaphore, #tpu.memory_space<semaphore_mem>>)
      %dma_wait3A_47 = tpu.memref_slice %arg2[%mul3A_4] : memref<1441792xi32, #tpu.memory_space<hbm>> -> memref<45056xi32, #tpu.memory_space<hbm>>
      %dma_wait3A_48 = tpu.memref_slice %arg2[%mul3A_4] : memref<1441792xi32, #tpu.memory_space<hbm>> -> memref<45056xi32, #tpu.memory_space<hbm>>
      tpu.wait_dma2 semaphore(%run_scoped3A : memref<!tpu.dma_semaphore, #tpu.memory_space<semaphore_mem>>) src(%dma_wait3A_48 : memref<45056xi32, #tpu.memory_space<hbm>>) dst(%arg4 : memref<45056xi32, #tpu.memory_space<vmem>>)
      tpu.yield
    }) : () -> ()
    %iota3A = tpu.iota {dimensions = array<i32: 0>} : vector<16xi32>
    %broadcast_in_dim3A = arith.constant 1.000000e+00 : f32
    %broadcast_in_dim3A_5 = vector.broadcast %broadcast_in_dim3A : f32 to vector<16xf32>
    %broadcast_in_dim3A_6 = arith.constant 0.000000e+00 : f32
    %broadcast_in_dim3A_7 = vector.broadcast %broadcast_in_dim3A_6 : f32 to vector<16xf32>
    %lt3A = arith.constant 4 : i32
    %lt3A_8 = vector.broadcast %lt3A : i32 to vector<16xi32>
    %lt3A_9 = arith.cmpi slt, %iota3A, %lt3A_8 : vector<16xi32>
    %scan3A = arith.constant 0 : i32
    %scan3A_10 = arith.constant 0 : i32
    %scan3A_11 = arith.constant 208 : i32
    %scan3A_12 = arith.addi %scan3A_10, %scan3A_11 : i32
    %scan3A_13 = arith.constant 1 : i32
    scf.for %scan3A_46 = %scan3A_10 to %scan3A_12 step %scan3A_13  : i32 {
      %mul3A_47 = arith.constant 128 : i32
      %mul3A_48 = arith.muli %scan3A_46, %mul3A_47 : i32
      %add3A_49 = arith.constant 0 : i32
      %add3A_50 = arith.addi %mul3A_48, %add3A_49 : i32
      %swap3A = arith.index_cast %add3A_50 : i32 to index
      %swap3A_51 = tpu.vector_load %arg5[%swap3A] {strides = array<i32>} : memref<26624xf32, #tpu.memory_space<vmem>>, vector<16xf32>,
      tpu.vector_store %arg5[%swap3A], %broadcast_in_dim3A_7 {strides = array<i32>} : memref<26624xf32, #tpu.memory_space<vmem>>, vector<16xf32>,
      %mul3A_52 = arith.constant 128 : i32
      %mul3A_53 = arith.muli %scan3A_46, %mul3A_52 : i32
      %add3A_54 = arith.constant 16 : i32
      %add3A_55 = arith.addi %mul3A_53, %add3A_54 : i32
      %swap3A_56 = arith.index_cast %add3A_55 : i32 to index
      %swap3A_57 = tpu.vector_load %arg5[%swap3A_56] {strides = array<i32>} : memref<26624xf32, #tpu.memory_space<vmem>>, vector<16xf32>,
      tpu.vector_store %arg5[%swap3A_56], %broadcast_in_dim3A_7 {strides = array<i32>} : memref<26624xf32, #tpu.memory_space<vmem>>, vector<16xf32>,
      %mul3A_58 = arith.constant 128 : i32
      %mul3A_59 = arith.muli %scan3A_46, %mul3A_58 : i32
      %add3A_60 = arith.constant 32 : i32
      %add3A_61 = arith.addi %mul3A_59, %add3A_60 : i32
      %swap3A_62 = arith.index_cast %add3A_61 : i32 to index
      %swap3A_63 = tpu.vector_load %arg5[%swap3A_62] {strides = array<i32>} : memref<26624xf32, #tpu.memory_space<vmem>>, vector<16xf32>,
      tpu.vector_store %arg5[%swap3A_62], %broadcast_in_dim3A_7 {strides = array<i32>} : memref<26624xf32, #tpu.memory_space<vmem>>, vector<16xf32>,
      %mul3A_64 = arith.constant 128 : i32
      %mul3A_65 = arith.muli %scan3A_46, %mul3A_64 : i32
      %add3A_66 = arith.constant 48 : i32
      %add3A_67 = arith.addi %mul3A_65, %add3A_66 : i32
      %swap3A_68 = arith.index_cast %add3A_67 : i32 to index
      %swap3A_69 = tpu.vector_load %arg5[%swap3A_68] {strides = array<i32>} : memref<26624xf32, #tpu.memory_space<vmem>>, vector<16xf32>,
      tpu.vector_store %arg5[%swap3A_68], %broadcast_in_dim3A_7 {strides = array<i32>} : memref<26624xf32, #tpu.memory_space<vmem>>, vector<16xf32>,
      %mul3A_70 = arith.constant 128 : i32
      %mul3A_71 = arith.muli %scan3A_46, %mul3A_70 : i32
      %add3A_72 = arith.constant 64 : i32
      %add3A_73 = arith.addi %mul3A_71, %add3A_72 : i32
      %swap3A_74 = arith.index_cast %add3A_73 : i32 to index
      %swap3A_75 = tpu.vector_load %arg5[%swap3A_74] {strides = array<i32>} : memref<26624xf32, #tpu.memory_space<vmem>>, vector<16xf32>,
      tpu.vector_store %arg5[%swap3A_74], %broadcast_in_dim3A_7 {strides = array<i32>} : memref<26624xf32, #tpu.memory_space<vmem>>, vector<16xf32>,
      %mul3A_76 = arith.constant 128 : i32
      %mul3A_77 = arith.muli %scan3A_46, %mul3A_76 : i32
      %add3A_78 = arith.constant 80 : i32
      %add3A_79 = arith.addi %mul3A_77, %add3A_78 : i32
      %swap3A_80 = arith.index_cast %add3A_79 : i32 to index
      %swap3A_81 = tpu.vector_load %arg5[%swap3A_80] {strides = array<i32>} : memref<26624xf32, #tpu.memory_space<vmem>>, vector<16xf32>,
      tpu.vector_store %arg5[%swap3A_80], %broadcast_in_dim3A_7 {strides = array<i32>} : memref<26624xf32, #tpu.memory_space<vmem>>, vector<16xf32>,
      %mul3A_82 = arith.constant 128 : i32
      %mul3A_83 = arith.muli %scan3A_46, %mul3A_82 : i32
      %add3A_84 = arith.constant 96 : i32
      %add3A_85 = arith.addi %mul3A_83, %add3A_84 : i32
      %swap3A_86 = arith.index_cast %add3A_85 : i32 to index
      %swap3A_87 = tpu.vector_load %arg5[%swap3A_86] {strides = array<i32>} : memref<26624xf32, #tpu.memory_space<vmem>>, vector<16xf32>,
      tpu.vector_store %arg5[%swap3A_86], %broadcast_in_dim3A_7 {strides = array<i32>} : memref<26624xf32, #tpu.memory_space<vmem>>, vector<16xf32>,
      %mul3A_88 = arith.constant 128 : i32
      %mul3A_89 = arith.muli %scan3A_46, %mul3A_88 : i32
      %add3A_90 = arith.constant 112 : i32
      %add3A_91 = arith.addi %mul3A_89, %add3A_90 : i32
      %swap3A_92 = arith.index_cast %add3A_91 : i32 to index
      %swap3A_93 = tpu.vector_load %arg5[%swap3A_92] {strides = array<i32>} : memref<26624xf32, #tpu.memory_space<vmem>>, vector<16xf32>,
      tpu.vector_store %arg5[%swap3A_92], %broadcast_in_dim3A_7 {strides = array<i32>} : memref<26624xf32, #tpu.memory_space<vmem>>, vector<16xf32>,
    }
    %scan3A_14 = arith.constant 208 : i32
    %eq3A = arith.constant 0 : i32
    %eq3A_15 = arith.cmpi eq, %arg1, %eq3A : i32
    %convert_element_type3A = arith.extui %eq3A_15 : i1 to i32
    %cond3A = arith.constant 0 : i32
    %cond3A_16 = arith.cmpi ne, %convert_element_type3A, %cond3A : i32
    scf.if %cond3A_16 {
      "tpu.region"() ({
        %run_scoped3A = tpu.sem_alloc : memref<!tpu.dma_semaphore, #tpu.memory_space<semaphore_mem>>
        %dma_start3A = arith.constant 0 : i32
        %dma_start3A_46 = tpu.memref_slice %arg5[%dma_start3A] : memref<26624xf32, #tpu.memory_space<vmem>> -> memref<6656xf32, #tpu.memory_space<vmem>>
        %dma_start3A_47 = arith.constant 0 : i32
        %dma_start3A_48 = tpu.memref_slice %arg5[%dma_start3A_47] : memref<26624xf32, #tpu.memory_space<vmem>> -> memref<6656xf32, #tpu.memory_space<vmem>>
        tpu.enqueue_dma source(%dma_start3A_48 : memref<6656xf32, #tpu.memory_space<vmem>>) target(%arg6 : memref<6656xf32, #tpu.memory_space<vmem_shared>>) target_semaphore(%run_scoped3A : memref<!tpu.dma_semaphore, #tpu.memory_space<semaphore_mem>>)
        %dma_wait3A_49 = arith.constant 0 : i32
        %dma_wait3A_50 = tpu.memref_slice %arg5[%dma_wait3A_49] : memref<26624xf32, #tpu.memory_space<vmem>> -> memref<6656xf32, #tpu.memory_space<vmem>>
        %dma_wait3A_51 = arith.constant 0 : i32
        %dma_wait3A_52 = tpu.memref_slice %arg5[%dma_wait3A_51] : memref<26624xf32, #tpu.memory_space<vmem>> -> memref<6656xf32, #tpu.memory_space<vmem>>
        tpu.wait_dma2 semaphore(%run_scoped3A : memref<!tpu.dma_semaphore, #tpu.memory_space<semaphore_mem>>) src(%dma_wait3A_52 : memref<6656xf32, #tpu.memory_space<vmem>>) dst(%arg6 : memref<6656xf32, #tpu.memory_space<vmem_shared>>)
        tpu.yield
      }) : () -> ()
    } else {
    }
    %barrier3A = arith.constant 0 : index
    tpu.barrier barrier_id(%barrier3A)
    %scan3A_17 = arith.constant 0 : i32
    %scan3A_18 = arith.constant 0 : i32
    %scan3A_19 = arith.constant 8 : i32
    %scan3A_20 = arith.addi %scan3A_18, %scan3A_19 : i32
    %scan3A_21 = arith.constant 1 : i32
    scf.for %scan3A_46 = %scan3A_18 to %scan3A_20 step %scan3A_21  : i32 {
      %mul3A_47 = arith.constant 4 : i32
      %mul3A_48 = arith.muli %scan3A_46, %mul3A_47 : i32
      %add3A_49 = arith.constant 0 : i32
      %add3A_50 = arith.addi %mul3A_48, %add3A_49 : i32
      %gt3A = arith.constant 0 : i32
      %gt3A_51 = arith.cmpi sgt, %scan3A_46, %gt3A : i32
      %convert_element_type3A_52 = arith.extui %gt3A_51 : i1 to i32
      %cond3A_53 = arith.constant 0 : i32
      %cond3A_54 = arith.cmpi ne, %convert_element_type3A_52, %cond3A_53 : i32
      scf.if %cond3A_54 {
        %dma_wait3A_2447 = arith.constant 0 : i32
        %dma_wait3A_2448 = tpu.memref_slice %arg5[%dma_wait3A_2447] : memref<26624xf32, #tpu.memory_space<vmem>> -> memref<6656xf32, #tpu.memory_space<vmem>>
        %dma_wait3A_2449 = arith.constant 0 : i32
        %dma_wait3A_2450 = tpu.memref_slice %arg5[%dma_wait3A_2449] : memref<26624xf32, #tpu.memory_space<vmem>> -> memref<6656xf32, #tpu.memory_space<vmem>>
        tpu.wait_dma2 semaphore(%arg11 : memref<!tpu.dma_semaphore, #tpu.memory_space<semaphore_mem>>) src(%arg6 : memref<6656xf32, #tpu.memory_space<vmem_shared>>) dst(%dma_wait3A_2450 : memref<6656xf32, #tpu.memory_space<vmem>>)
      } else {
      }
      %mul3A_55 = arith.constant 1408 : i32
      %mul3A_56 = arith.muli %add3A_50, %mul3A_55 : i32
      %add3A_57 = arith.constant 0 : i32
      %add3A_58 = arith.addi %mul3A_56, %add3A_57 : i32
      %get3A = arith.index_cast %add3A_58 : i32 to index
      %get3A_59 = tpu.vector_load %arg4[%get3A] {strides = array<i32>} : memref<45056xi32, #tpu.memory_space<vmem>>, vector<16xi32>,
      %add3A_60 = arith.constant 0 : i32
      %add3A_61 = vector.broadcast %add3A_60 : i32 to vector<16xi32>
      %add3A_62 = arith.addi %get3A_59, %add3A_61 : vector<16xi32>
      tpu.vector_store_idx %arg5[%add3A_62], %broadcast_in_dim3A_5 {add = true} : memref<26624xf32, #tpu.memory_space<vmem>>[vector<16xi32>], vector<16xf32>,
      %add3A_63 = arith.constant 16 : i32
      %add3A_64 = arith.addi %mul3A_56, %add3A_63 : i32
      %get3A_65 = arith.index_cast %add3A_64 : i32 to index
      %get3A_66 = tpu.vector_load %arg4[%get3A_65] {strides = array<i32>} : memref<45056xi32, #tpu.memory_space<vmem>>, vector<16xi32>,
      %add3A_67 = arith.constant 0 : i32
      %add3A_68 = vector.broadcast %add3A_67 : i32 to vector<16xi32>
      %add3A_69 = arith.addi %get3A_66, %add3A_68 : vector<16xi32>
      tpu.vector_store_idx %arg5[%add3A_69], %broadcast_in_dim3A_5 {add = true} : memref<26624xf32, #tpu.memory_space<vmem>>[vector<16xi32>], vector<16xf32>,
      %add3A_70 = arith.constant 32 : i32
      %add3A_71 = arith.addi %mul3A_56, %add3A_70 : i32
      %get3A_72 = arith.index_cast %add3A_71 : i32 to index
      %get3A_73 = tpu.vector_load %arg4[%get3A_72] {strides = array<i32>} : memref<45056xi32, #tpu.memory_space<vmem>>, vector<16xi32>,
      %add3A_74 = arith.constant 0 : i32
      %add3A_75 = vector.broadcast %add3A_74 : i32 to vector<16xi32>
      %add3A_76 = arith.addi %get3A_73, %add3A_75 : vector<16xi32>
      tpu.vector_store_idx %arg5[%add3A_76], %broadcast_in_dim3A_5 {add = true} : memref<26624xf32, #tpu.memory_space<vmem>>[vector<16xi32>], vector<16xf32>,
      %add3A_77 = arith.constant 48 : i32
      %add3A_78 = arith.addi %mul3A_56, %add3A_77 : i32
      %get3A_79 = arith.index_cast %add3A_78 : i32 to index
      %get3A_80 = tpu.vector_load %arg4[%get3A_79] {strides = array<i32>} : memref<45056xi32, #tpu.memory_space<vmem>>, vector<16xi32>,
      %add3A_81 = arith.constant 0 : i32
      %add3A_82 = vector.broadcast %add3A_81 : i32 to vector<16xi32>
      %add3A_83 = arith.addi %get3A_80, %add3A_82 : vector<16xi32>
      tpu.vector_store_idx %arg5[%add3A_83], %broadcast_in_dim3A_5 {add = true} : memref<26624xf32, #tpu.memory_space<vmem>>[vector<16xi32>], vector<16xf32>,
      %add3A_84 = arith.constant 64 : i32
      %add3A_85 = arith.addi %mul3A_56, %add3A_84 : i32
      %get3A_86 = arith.index_cast %add3A_85 : i32 to index
      %get3A_87 = tpu.vector_load %arg4[%get3A_86] {strides = array<i32>} : memref<45056xi32, #tpu.memory_space<vmem>>, vector<16xi32>,
      %add3A_88 = arith.constant 0 : i32
      %add3A_89 = vector.broadcast %add3A_88 : i32 to vector<16xi32>
      %add3A_90 = arith.addi %get3A_87, %add3A_89 : vector<16xi32>
      tpu.vector_store_idx %arg5[%add3A_90], %broadcast_in_dim3A_5 {add = true} : memref<26624xf32, #tpu.memory_space<vmem>>[vector<16xi32>], vector<16xf32>,
      %add3A_91 = arith.constant 80 : i32
      %add3A_92 = arith.addi %mul3A_56, %add3A_91 : i32
      %get3A_93 = arith.index_cast %add3A_92 : i32 to index
      %get3A_94 = tpu.vector_load %arg4[%get3A_93] {strides = array<i32>} : memref<45056xi32, #tpu.memory_space<vmem>>, vector<16xi32>,
      %add3A_95 = arith.constant 0 : i32
      %add3A_96 = vector.broadcast %add3A_95 : i32 to vector<16xi32>
      %add3A_97 = arith.addi %get3A_94, %add3A_96 : vector<16xi32>
      tpu.vector_store_idx %arg5[%add3A_97], %broadcast_in_dim3A_5 {add = true} : memref<26624xf32, #tpu.memory_space<vmem>>[vector<16xi32>], vector<16xf32>,
      %add3A_98 = arith.constant 96 : i32
      %add3A_99 = arith.addi %mul3A_56, %add3A_98 : i32
      %get3A_100 = arith.index_cast %add3A_99 : i32 to index
      %get3A_101 = tpu.vector_load %arg4[%get3A_100] {strides = array<i32>} : memref<45056xi32, #tpu.memory_space<vmem>>, vector<16xi32>,
      %add3A_102 = arith.constant 0 : i32
      %add3A_103 = vector.broadcast %add3A_102 : i32 to vector<16xi32>
      %add3A_104 = arith.addi %get3A_101, %add3A_103 : vector<16xi32>
      tpu.vector_store_idx %arg5[%add3A_104], %broadcast_in_dim3A_5 {add = true} : memref<26624xf32, #tpu.memory_space<vmem>>[vector<16xi32>], vector<16xf32>,
      %add3A_105 = arith.constant 112 : i32
      %add3A_106 = arith.addi %mul3A_56, %add3A_105 : i32
      %get3A_107 = arith.index_cast %add3A_106 : i32 to index
      %get3A_108 = tpu.vector_load %arg4[%get3A_107] {strides = array<i32>} : memref<45056xi32, #tpu.memory_space<vmem>>, vector<16xi32>,
      %add3A_109 = arith.constant 0 : i32
      %add3A_110 = vector.broadcast %add3A_109 : i32 to vector<16xi32>
      %add3A_111 = arith.addi %get3A_108, %add3A_110 : vector<16xi32>
      tpu.vector_store_idx %arg5[%add3A_111], %broadcast_in_dim3A_5 {add = true} : memref<26624xf32, #tpu.memory_space<vmem>>[vector<16xi32>], vector<16xf32>,
      %add3A_112 = arith.constant 128 : i32
      %add3A_113 = arith.addi %mul3A_56, %add3A_112 : i32
      %get3A_114 = arith.index_cast %add3A_113 : i32 to index
      %get3A_115 = tpu.vector_load %arg4[%get3A_114] {strides = array<i32>} : memref<45056xi32, #tpu.memory_space<vmem>>, vector<16xi32>,
      %add3A_116 = arith.constant 0 : i32
      %add3A_117 = vector.broadcast %add3A_116 : i32 to vector<16xi32>
      %add3A_118 = arith.addi %get3A_115, %add3A_117 : vector<16xi32>
      tpu.vector_store_idx %arg5[%add3A_118], %broadcast_in_dim3A_5 {add = true} : memref<26624xf32, #tpu.memory_space<vmem>>[vector<16xi32>], vector<16xf32>,
      %add3A_119 = arith.constant 144 : i32
      %add3A_120 = arith.addi %mul3A_56, %add3A_119 : i32
      %get3A_121 = arith.index_cast %add3A_120 : i32 to index
      %get3A_122 = tpu.vector_load %arg4[%get3A_121] {strides = array<i32>} : memref<45056xi32, #tpu.memory_space<vmem>>, vector<16xi32>,
      %add3A_123 = arith.constant 0 : i32
      %add3A_124 = vector.broadcast %add3A_123 : i32 to vector<16xi32>
      %add3A_125 = arith.addi %get3A_122, %add3A_124 : vector<16xi32>
      tpu.vector_store_idx %arg5[%add3A_125], %broadcast_in_dim3A_5 {add = true} : memref<26624xf32, #tpu.memory_space<vmem>>[vector<16xi32>], vector<16xf32>,
      %add3A_126 = arith.constant 160 : i32
      %add3A_127 = arith.addi %mul3A_56, %add3A_126 : i32
      %get3A_128 = arith.index_cast %add3A_127 : i32 to index
      %get3A_129 = tpu.vector_load %arg4[%get3A_128] {strides = array<i32>} : memref<45056xi32, #tpu.memory_space<vmem>>, vector<16xi32>,
      %add3A_130 = arith.constant 0 : i32
      %add3A_131 = vector.broadcast %add3A_130 : i32 to vector<16xi32>
      %add3A_132 = arith.addi %get3A_129, %add3A_131 : vector<16xi32>
      tpu.vector_store_idx %arg5[%add3A_132], %broadcast_in_dim3A_5 {add = true} : memref<26624xf32, #tpu.memory_space<vmem>>[vector<16xi32>], vector<16xf32>,
      %add3A_133 = arith.constant 176 : i32
      %add3A_134 = arith.addi %mul3A_56, %add3A_133 : i32
      %get3A_135 = arith.index_cast %add3A_134 : i32 to index
      %get3A_136 = tpu.vector_load %arg4[%get3A_135] {strides = array<i32>} : memref<45056xi32, #tpu.memory_space<vmem>>, vector<16xi32>,
      %add3A_137 = arith.constant 0 : i32
      %add3A_138 = vector.broadcast %add3A_137 : i32 to vector<16xi32>
      %add3A_139 = arith.addi %get3A_136, %add3A_138 : vector<16xi32>
      tpu.vector_store_idx %arg5[%add3A_139], %broadcast_in_dim3A_5 {add = true} : memref<26624xf32, #tpu.memory_space<vmem>>[vector<16xi32>], vector<16xf32>,
      %add3A_140 = arith.constant 192 : i32
      %add3A_141 = arith.addi %mul3A_56, %add3A_140 : i32
      %get3A_142 = arith.index_cast %add3A_141 : i32 to index
      %get3A_143 = tpu.vector_load %arg4[%get3A_142] {strides = array<i32>} : memref<45056xi32, #tpu.memory_space<vmem>>, vector<16xi32>,
      %add3A_144 = arith.constant 0 : i32
      %add3A_145 = vector.broadcast %add3A_144 : i32 to vector<16xi32>
      %add3A_146 = arith.addi %get3A_143, %add3A_145 : vector<16xi32>
      tpu.vector_store_idx %arg5[%add3A_146], %broadcast_in_dim3A_5 {add = true} : memref<26624xf32, #tpu.memory_space<vmem>>[vector<16xi32>], vector<16xf32>,
      %add3A_147 = arith.constant 208 : i32
      %add3A_148 = arith.addi %mul3A_56, %add3A_147 : i32
      %get3A_149 = arith.index_cast %add3A_148 : i32 to index
      %get3A_150 = tpu.vector_load %arg4[%get3A_149] {strides = array<i32>} : memref<45056xi32, #tpu.memory_space<vmem>>, vector<16xi32>,
      %add3A_151 = arith.constant 0 : i32
      %add3A_152 = vector.broadcast %add3A_151 : i32 to vector<16xi32>
      %add3A_153 = arith.addi %get3A_150, %add3A_152 : vector<16xi32>
      tpu.vector_store_idx %arg5[%add3A_153], %broadcast_in_dim3A_5 {add = true} : memref<26624xf32, #tpu.memory_space<vmem>>[vector<16xi32>], vector<16xf32>,
      %add3A_154 = arith.constant 224 : i32
      %add3A_155 = arith.addi %mul3A_56, %add3A_154 : i32
      %get3A_156 = arith.index_cast %add3A_155 : i32 to index
      %get3A_157 = tpu.vector_load %arg4[%get3A_156] {strides = array<i32>} : memref<45056xi32, #tpu.memory_space<vmem>>, vector<16xi32>,
      %add3A_158 = arith.constant 0 : i32
      %add3A_159 = vector.broadcast %add3A_158 : i32 to vector<16xi32>
      %add3A_160 = arith.addi %get3A_157, %add3A_159 : vector<16xi32>
      tpu.vector_store_idx %arg5[%add3A_160], %broadcast_in_dim3A_5 {add = true} : memref<26624xf32, #tpu.memory_space<vmem>>[vector<16xi32>], vector<16xf32>,
      %add3A_161 = arith.constant 240 : i32
      %add3A_162 = arith.addi %mul3A_56, %add3A_161 : i32
      %get3A_163 = arith.index_cast %add3A_162 : i32 to index
      %get3A_164 = tpu.vector_load %arg4[%get3A_163] {strides = array<i32>} : memref<45056xi32, #tpu.memory_space<vmem>>, vector<16xi32>,
      %add3A_165 = arith.constant 0 : i32
      %add3A_166 = vector.broadcast %add3A_165 : i32 to vector<16xi32>
      %add3A_167 = arith.addi %get3A_164, %add3A_166 : vector<16xi32>
      tpu.vector_store_idx %arg5[%add3A_167], %broadcast_in_dim3A_5 {add = true} : memref<26624xf32, #tpu.memory_space<vmem>>[vector<16xi32>], vector<16xf32>,
      %add3A_168 = arith.constant 256 : i32
      %add3A_169 = arith.addi %mul3A_56, %add3A_168 : i32
      %get3A_170 = arith.index_cast %add3A_169 : i32 to index
      %get3A_171 = tpu.vector_load %arg4[%get3A_170] {strides = array<i32>} : memref<45056xi32, #tpu.memory_space<vmem>>, vector<16xi32>,
      %add3A_172 = arith.constant 0 : i32
      %add3A_173 = vector.broadcast %add3A_172 : i32 to vector<16xi32>
      %add3A_174 = arith.addi %get3A_171, %add3A_173 : vector<16xi32>
      tpu.vector_store_idx %arg5[%add3A_174], %broadcast_in_dim3A_5 {add = true} : memref<26624xf32, #tpu.memory_space<vmem>>[vector<16xi32>], vector<16xf32>,
      %add3A_175 = arith.constant 272 : i32
      %add3A_176 = arith.addi %mul3A_56, %add3A_175 : i32
      %get3A_177 = arith.index_cast %add3A_176 : i32 to index
      %get3A_178 = tpu.vector_load %arg4[%get3A_177] {strides = array<i32>} : memref<45056xi32, #tpu.memory_space<vmem>>, vector<16xi32>,
      %add3A_179 = arith.constant 0 : i32
      %add3A_180 = vector.broadcast %add3A_179 : i32 to vector<16xi32>
      %add3A_181 = arith.addi %get3A_178, %add3A_180 : vector<16xi32>
      tpu.vector_store_idx %arg5[%add3A_181], %broadcast_in_dim3A_5 {add = true} : memref<26624xf32, #tpu.memory_space<vmem>>[vector<16xi32>], vector<16xf32>,
      %add3A_182 = arith.constant 288 : i32
      %add3A_183 = arith.addi %mul3A_56, %add3A_182 : i32
      %get3A_184 = arith.index_cast %add3A_183 : i32 to index
      %get3A_185 = tpu.vector_load %arg4[%get3A_184] {strides = array<i32>} : memref<45056xi32, #tpu.memory_space<vmem>>, vector<16xi32>,
      %add3A_186 = arith.constant 0 : i32
      %add3A_187 = vector.broadcast %add3A_186 : i32 to vector<16xi32>
      %add3A_188 = arith.addi %get3A_185, %add3A_187 : vector<16xi32>
      tpu.vector_store_idx %arg5[%add3A_188], %broadcast_in_dim3A_5 {add = true} : memref<26624xf32, #tpu.memory_space<vmem>>[vector<16xi32>], vector<16xf32>,
      %add3A_189 = arith.constant 304 : i32
      %add3A_190 = arith.addi %mul3A_56, %add3A_189 : i32
      %get3A_191 = arith.index_cast %add3A_190 : i32 to index
      %get3A_192 = tpu.vector_load %arg4[%get3A_191] {strides = array<i32>} : memref<45056xi32, #tpu.memory_space<vmem>>, vector<16xi32>,
      %add3A_193 = arith.constant 0 : i32
      %add3A_194 = vector.broadcast %add3A_193 : i32 to vector<16xi32>
      %add3A_195 = arith.addi %get3A_192, %add3A_194 : vector<16xi32>
      tpu.vector_store_idx %arg5[%add3A_195], %broadcast_in_dim3A_5 {add = true} : memref<26624xf32, #tpu.memory_space<vmem>>[vector<16xi32>], vector<16xf32>,
      %add3A_196 = arith.constant 320 : i32
      %add3A_197 = arith.addi %mul3A_56, %add3A_196 : i32
      %get3A_198 = arith.index_cast %add3A_197 : i32 to index
      %get3A_199 = tpu.vector_load %arg4[%get3A_198] {strides = array<i32>} : memref<45056xi32, #tpu.memory_space<vmem>>, vector<16xi32>,
      %add3A_200 = arith.constant 0 : i32
      %add3A_201 = vector.broadcast %add3A_200 : i32 to vector<16xi32>
      %add3A_202 = arith.addi %get3A_199, %add3A_201 : vector<16xi32>
      tpu.vector_store_idx %arg5[%add3A_202], %broadcast_in_dim3A_5 {add = true} : memref<26624xf32, #tpu.memory_space<vmem>>[vector<16xi32>], vector<16xf32>,
      %add3A_203 = arith.constant 336 : i32
      %add3A_204 = arith.addi %mul3A_56, %add3A_203 : i32
      %get3A_205 = arith.index_cast %add3A_204 : i32 to index
      %get3A_206 = tpu.vector_load %arg4[%get3A_205] {strides = array<i32>} : memref<45056xi32, #tpu.memory_space<vmem>>, vector<16xi32>,
      %add3A_207 = arith.constant 0 : i32
      %add3A_208 = vector.broadcast %add3A_207 : i32 to vector<16xi32>
      %add3A_209 = arith.addi %get3A_206, %add3A_208 : vector<16xi32>
      tpu.vector_store_idx %arg5[%add3A_209], %broadcast_in_dim3A_5 {add = true} : memref<26624xf32, #tpu.memory_space<vmem>>[vector<16xi32>], vector<16xf32>,
      %add3A_210 = arith.constant 352 : i32
      %add3A_211 = arith.addi %mul3A_56, %add3A_210 : i32
      %get3A_212 = arith.index_cast %add3A_211 : i32 to index
      %get3A_213 = tpu.vector_load %arg4[%get3A_212] {strides = array<i32>} : memref<45056xi32, #tpu.memory_space<vmem>>, vector<16xi32>,
      %add3A_214 = arith.constant 0 : i32
      %add3A_215 = vector.broadcast %add3A_214 : i32 to vector<16xi32>
      %add3A_216 = arith.addi %get3A_213, %add3A_215 : vector<16xi32>
      tpu.vector_store_idx %arg5[%add3A_216], %broadcast_in_dim3A_5 {add = true} : memref<26624xf32, #tpu.memory_space<vmem>>[vector<16xi32>], vector<16xf32>,
      %add3A_217 = arith.constant 368 : i32
      %add3A_218 = arith.addi %mul3A_56, %add3A_217 : i32
      %get3A_219 = arith.index_cast %add3A_218 : i32 to index
      %get3A_220 = tpu.vector_load %arg4[%get3A_219] {strides = array<i32>} : memref<45056xi32, #tpu.memory_space<vmem>>, vector<16xi32>,
      %add3A_221 = arith.constant 0 : i32
      %add3A_222 = vector.broadcast %add3A_221 : i32 to vector<16xi32>
      %add3A_223 = arith.addi %get3A_220, %add3A_222 : vector<16xi32>
      tpu.vector_store_idx %arg5[%add3A_223], %broadcast_in_dim3A_5 {add = true} : memref<26624xf32, #tpu.memory_space<vmem>>[vector<16xi32>], vector<16xf32>,
      %add3A_224 = arith.constant 384 : i32
      %add3A_225 = arith.addi %mul3A_56, %add3A_224 : i32
      %get3A_226 = arith.index_cast %add3A_225 : i32 to index
      %get3A_227 = tpu.vector_load %arg4[%get3A_226] {strides = array<i32>} : memref<45056xi32, #tpu.memory_space<vmem>>, vector<16xi32>,
      %add3A_228 = arith.constant 0 : i32
      %add3A_229 = vector.broadcast %add3A_228 : i32 to vector<16xi32>
      %add3A_230 = arith.addi %get3A_227, %add3A_229 : vector<16xi32>
      tpu.vector_store_idx %arg5[%add3A_230], %broadcast_in_dim3A_5 {add = true} : memref<26624xf32, #tpu.memory_space<vmem>>[vector<16xi32>], vector<16xf32>,
      %add3A_231 = arith.constant 400 : i32
      %add3A_232 = arith.addi %mul3A_56, %add3A_231 : i32
      %get3A_233 = arith.index_cast %add3A_232 : i32 to index
      %get3A_234 = tpu.vector_load %arg4[%get3A_233] {strides = array<i32>} : memref<45056xi32, #tpu.memory_space<vmem>>, vector<16xi32>,
      %add3A_235 = arith.constant 0 : i32
      %add3A_236 = vector.broadcast %add3A_235 : i32 to vector<16xi32>
      %add3A_237 = arith.addi %get3A_234, %add3A_236 : vector<16xi32>
      tpu.vector_store_idx %arg5[%add3A_237], %broadcast_in_dim3A_5 {add = true} : memref<26624xf32, #tpu.memory_space<vmem>>[vector<16xi32>], vector<16xf32>,
      %add3A_238 = arith.constant 416 : i32
      %add3A_239 = arith.addi %mul3A_56, %add3A_238 : i32
      %get3A_240 = arith.index_cast %add3A_239 : i32 to index
      %get3A_241 = tpu.vector_load %arg4[%get3A_240] {strides = array<i32>} : memref<45056xi32, #tpu.memory_space<vmem>>, vector<16xi32>,
      %add3A_242 = arith.constant 0 : i32
      %add3A_243 = vector.broadcast %add3A_242 : i32 to vector<16xi32>
      %add3A_244 = arith.addi %get3A_241, %add3A_243 : vector<16xi32>
      tpu.vector_store_idx %arg5[%add3A_244], %broadcast_in_dim3A_5 {add = true} : memref<26624xf32, #tpu.memory_space<vmem>>[vector<16xi32>], vector<16xf32>,
      %add3A_245 = arith.constant 432 : i32
      %add3A_246 = arith.addi %mul3A_56, %add3A_245 : i32
      %get3A_247 = arith.index_cast %add3A_246 : i32 to index
      %get3A_248 = tpu.vector_load %arg4[%get3A_247] {strides = array<i32>} : memref<45056xi32, #tpu.memory_space<vmem>>, vector<16xi32>,
      %add3A_249 = arith.constant 0 : i32
      %add3A_250 = vector.broadcast %add3A_249 : i32 to vector<16xi32>
      %add3A_251 = arith.addi %get3A_248, %add3A_250 : vector<16xi32>
      tpu.vector_store_idx %arg5[%add3A_251], %broadcast_in_dim3A_5 {add = true} : memref<26624xf32, #tpu.memory_space<vmem>>[vector<16xi32>], vector<16xf32>,
      %add3A_252 = arith.constant 448 : i32
      %add3A_253 = arith.addi %mul3A_56, %add3A_252 : i32
      %get3A_254 = arith.index_cast %add3A_253 : i32 to index
      %get3A_255 = tpu.vector_load %arg4[%get3A_254] {strides = array<i32>} : memref<45056xi32, #tpu.memory_space<vmem>>, vector<16xi32>,
      %add3A_256 = arith.constant 0 : i32
      %add3A_257 = vector.broadcast %add3A_256 : i32 to vector<16xi32>
      %add3A_258 = arith.addi %get3A_255, %add3A_257 : vector<16xi32>
      tpu.vector_store_idx %arg5[%add3A_258], %broadcast_in_dim3A_5 {add = true} : memref<26624xf32, #tpu.memory_space<vmem>>[vector<16xi32>], vector<16xf32>,
      %add3A_259 = arith.constant 464 : i32
      %add3A_260 = arith.addi %mul3A_56, %add3A_259 : i32
      %get3A_261 = arith.index_cast %add3A_260 : i32 to index
      %get3A_262 = tpu.vector_load %arg4[%get3A_261] {strides = array<i32>} : memref<45056xi32, #tpu.memory_space<vmem>>, vector<16xi32>,
      %add3A_263 = arith.constant 0 : i32
      %add3A_264 = vector.broadcast %add3A_263 : i32 to vector<16xi32>
      %add3A_265 = arith.addi %get3A_262, %add3A_264 : vector<16xi32>
      tpu.vector_store_idx %arg5[%add3A_265], %broadcast_in_dim3A_5 {add = true} : memref<26624xf32, #tpu.memory_space<vmem>>[vector<16xi32>], vector<16xf32>,
      %add3A_266 = arith.constant 480 : i32
      %add3A_267 = arith.addi %mul3A_56, %add3A_266 : i32
      %get3A_268 = arith.index_cast %add3A_267 : i32 to index
      %get3A_269 = tpu.vector_load %arg4[%get3A_268] {strides = array<i32>} : memref<45056xi32, #tpu.memory_space<vmem>>, vector<16xi32>,
      %add3A_270 = arith.constant 0 : i32
      %add3A_271 = vector.broadcast %add3A_270 : i32 to vector<16xi32>
      %add3A_272 = arith.addi %get3A_269, %add3A_271 : vector<16xi32>
      tpu.vector_store_idx %arg5[%add3A_272], %broadcast_in_dim3A_5 {add = true} : memref<26624xf32, #tpu.memory_space<vmem>>[vector<16xi32>], vector<16xf32>,
      %add3A_273 = arith.constant 496 : i32
      %add3A_274 = arith.addi %mul3A_56, %add3A_273 : i32
      %get3A_275 = arith.index_cast %add3A_274 : i32 to index
      %get3A_276 = tpu.vector_load %arg4[%get3A_275] {strides = array<i32>} : memref<45056xi32, #tpu.memory_space<vmem>>, vector<16xi32>,
      %add3A_277 = arith.constant 0 : i32
      %add3A_278 = vector.broadcast %add3A_277 : i32 to vector<16xi32>
      %add3A_279 = arith.addi %get3A_276, %add3A_278 : vector<16xi32>
      tpu.vector_store_idx %arg5[%add3A_279], %broadcast_in_dim3A_5 {add = true} : memref<26624xf32, #tpu.memory_space<vmem>>[vector<16xi32>], vector<16xf32>,
      %add3A_280 = arith.constant 512 : i32
      %add3A_281 = arith.addi %mul3A_56, %add3A_280 : i32
      %get3A_282 = arith.index_cast %add3A_281 : i32 to index
      %get3A_283 = tpu.vector_load %arg4[%get3A_282] {strides = array<i32>} : memref<45056xi32, #tpu.memory_space<vmem>>, vector<16xi32>,
      %add3A_284 = arith.constant 0 : i32
      %add3A_285 = vector.broadcast %add3A_284 : i32 to vector<16xi32>
      %add3A_286 = arith.addi %get3A_283, %add3A_285 : vector<16xi32>
      tpu.vector_store_idx %arg5[%add3A_286], %broadcast_in_dim3A_5 {add = true} : memref<26624xf32, #tpu.memory_space<vmem>>[vector<16xi32>], vector<16xf32>,
      %add3A_287 = arith.constant 528 : i32
      %add3A_288 = arith.addi %mul3A_56, %add3A_287 : i32
      %get3A_289 = arith.index_cast %add3A_288 : i32 to index
      %get3A_290 = tpu.vector_load %arg4[%get3A_289] {strides = array<i32>} : memref<45056xi32, #tpu.memory_space<vmem>>, vector<16xi32>,
      %add3A_291 = arith.constant 0 : i32
      %add3A_292 = vector.broadcast %add3A_291 : i32 to vector<16xi32>
      %add3A_293 = arith.addi %get3A_290, %add3A_292 : vector<16xi32>
      tpu.vector_store_idx %arg5[%add3A_293], %broadcast_in_dim3A_5 {add = true} : memref<26624xf32, #tpu.memory_space<vmem>>[vector<16xi32>], vector<16xf32>,
      %add3A_294 = arith.constant 544 : i32
      %add3A_295 = arith.addi %mul3A_56, %add3A_294 : i32
      %get3A_296 = arith.index_cast %add3A_295 : i32 to index
      %get3A_297 = tpu.vector_load %arg4[%get3A_296] {strides = array<i32>} : memref<45056xi32, #tpu.memory_space<vmem>>, vector<16xi32>,
      %add3A_298 = arith.constant 0 : i32
      %add3A_299 = vector.broadcast %add3A_298 : i32 to vector<16xi32>
      %add3A_300 = arith.addi %get3A_297, %add3A_299 : vector<16xi32>
      tpu.vector_store_idx %arg5[%add3A_300], %broadcast_in_dim3A_5 {add = true} : memref<26624xf32, #tpu.memory_space<vmem>>[vector<16xi32>], vector<16xf32>,
      %add3A_301 = arith.constant 560 : i32
      %add3A_302 = arith.addi %mul3A_56, %add3A_301 : i32
      %get3A_303 = arith.index_cast %add3A_302 : i32 to index
      %get3A_304 = tpu.vector_load %arg4[%get3A_303] {strides = array<i32>} : memref<45056xi32, #tpu.memory_space<vmem>>, vector<16xi32>,
      %add3A_305 = arith.constant 0 : i32
      %add3A_306 = vector.broadcast %add3A_305 : i32 to vector<16xi32>
      %add3A_307 = arith.addi %get3A_304, %add3A_306 : vector<16xi32>
      tpu.vector_store_idx %arg5[%add3A_307], %broadcast_in_dim3A_5 {add = true} : memref<26624xf32, #tpu.memory_space<vmem>>[vector<16xi32>], vector<16xf32>,
      %add3A_308 = arith.constant 576 : i32
      %add3A_309 = arith.addi %mul3A_56, %add3A_308 : i32
      %get3A_310 = arith.index_cast %add3A_309 : i32 to index
      %get3A_311 = tpu.vector_load %arg4[%get3A_310] {strides = array<i32>} : memref<45056xi32, #tpu.memory_space<vmem>>, vector<16xi32>,
      %add3A_312 = arith.constant 0 : i32
      %add3A_313 = vector.broadcast %add3A_312 : i32 to vector<16xi32>
      %add3A_314 = arith.addi %get3A_311, %add3A_313 : vector<16xi32>
      tpu.vector_store_idx %arg5[%add3A_314], %broadcast_in_dim3A_5 {add = true} : memref<26624xf32, #tpu.memory_space<vmem>>[vector<16xi32>], vector<16xf32>,
      %add3A_315 = arith.constant 592 : i32
      %add3A_316 = arith.addi %mul3A_56, %add3A_315 : i32
      %get3A_317 = arith.index_cast %add3A_316 : i32 to index
      %get3A_318 = tpu.vector_load %arg4[%get3A_317] {strides = array<i32>} : memref<45056xi32, #tpu.memory_space<vmem>>, vector<16xi32>,
      %add3A_319 = arith.constant 0 : i32
      %add3A_320 = vector.broadcast %add3A_319 : i32 to vector<16xi32>
      %add3A_321 = arith.addi %get3A_318, %add3A_320 : vector<16xi32>
      tpu.vector_store_idx %arg5[%add3A_321], %broadcast_in_dim3A_5 {add = true} : memref<26624xf32, #tpu.memory_space<vmem>>[vector<16xi32>], vector<16xf32>,
      %add3A_322 = arith.constant 608 : i32
      %add3A_323 = arith.addi %mul3A_56, %add3A_322 : i32
      %get3A_324 = arith.index_cast %add3A_323 : i32 to index
      %get3A_325 = tpu.vector_load %arg4[%get3A_324] {strides = array<i32>} : memref<45056xi32, #tpu.memory_space<vmem>>, vector<16xi32>,
      %add3A_326 = arith.constant 0 : i32
      %add3A_327 = vector.broadcast %add3A_326 : i32 to vector<16xi32>
      %add3A_328 = arith.addi %get3A_325, %add3A_327 : vector<16xi32>
      tpu.vector_store_idx %arg5[%add3A_328], %broadcast_in_dim3A_5 {add = true} : memref<26624xf32, #tpu.memory_space<vmem>>[vector<16xi32>], vector<16xf32>,
      %add3A_329 = arith.constant 624 : i32
      %add3A_330 = arith.addi %mul3A_56, %add3A_329 : i32
      %get3A_331 = arith.index_cast %add3A_330 : i32 to index
      %get3A_332 = tpu.vector_load %arg4[%get3A_331] {strides = array<i32>} : memref<45056xi32, #tpu.memory_space<vmem>>, vector<16xi32>,
      %add3A_333 = arith.constant 0 : i32
      %add3A_334 = vector.broadcast %add3A_333 : i32 to vector<16xi32>
      %add3A_335 = arith.addi %get3A_332, %add3A_334 : vector<16xi32>
      tpu.vector_store_idx %arg5[%add3A_335], %broadcast_in_dim3A_5 {add = true} : memref<26624xf32, #tpu.memory_space<vmem>>[vector<16xi32>], vector<16xf32>,
      %add3A_336 = arith.constant 640 : i32
      %add3A_337 = arith.addi %mul3A_56, %add3A_336 : i32
      %get3A_338 = arith.index_cast %add3A_337 : i32 to index
      %get3A_339 = tpu.vector_load %arg4[%get3A_338] {strides = array<i32>} : memref<45056xi32, #tpu.memory_space<vmem>>, vector<16xi32>,
      %add3A_340 = arith.constant 0 : i32
      %add3A_341 = vector.broadcast %add3A_340 : i32 to vector<16xi32>
      %add3A_342 = arith.addi %get3A_339, %add3A_341 : vector<16xi32>
      tpu.vector_store_idx %arg5[%add3A_342], %broadcast_in_dim3A_5 {add = true} : memref<26624xf32, #tpu.memory_space<vmem>>[vector<16xi32>], vector<16xf32>,
      %add3A_343 = arith.constant 656 : i32
      %add3A_344 = arith.addi %mul3A_56, %add3A_343 : i32
      %get3A_345 = arith.index_cast %add3A_344 : i32 to index
      %get3A_346 = tpu.vector_load %arg4[%get3A_345] {strides = array<i32>} : memref<45056xi32, #tpu.memory_space<vmem>>, vector<16xi32>,
      %add3A_347 = arith.constant 0 : i32
      %add3A_348 = vector.broadcast %add3A_347 : i32 to vector<16xi32>
      %add3A_349 = arith.addi %get3A_346, %add3A_348 : vector<16xi32>
      tpu.vector_store_idx %arg5[%add3A_349], %broadcast_in_dim3A_5 {add = true} : memref<26624xf32, #tpu.memory_space<vmem>>[vector<16xi32>], vector<16xf32>,
      %add3A_350 = arith.constant 672 : i32
      %add3A_351 = arith.addi %mul3A_56, %add3A_350 : i32
      %get3A_352 = arith.index_cast %add3A_351 : i32 to index
      %get3A_353 = tpu.vector_load %arg4[%get3A_352] {strides = array<i32>} : memref<45056xi32, #tpu.memory_space<vmem>>, vector<16xi32>,
      %add3A_354 = arith.constant 0 : i32
      %add3A_355 = vector.broadcast %add3A_354 : i32 to vector<16xi32>
      %add3A_356 = arith.addi %get3A_353, %add3A_355 : vector<16xi32>
      tpu.vector_store_idx %arg5[%add3A_356], %broadcast_in_dim3A_5 {add = true} : memref<26624xf32, #tpu.memory_space<vmem>>[vector<16xi32>], vector<16xf32>,
      %add3A_357 = arith.constant 688 : i32
      %add3A_358 = arith.addi %mul3A_56, %add3A_357 : i32
      %get3A_359 = arith.index_cast %add3A_358 : i32 to index
      %get3A_360 = tpu.vector_load %arg4[%get3A_359] {strides = array<i32>} : memref<45056xi32, #tpu.memory_space<vmem>>, vector<16xi32>,
      %add3A_361 = arith.constant 0 : i32
      %add3A_362 = vector.broadcast %add3A_361 : i32 to vector<16xi32>
      %add3A_363 = arith.addi %get3A_360, %add3A_362 : vector<16xi32>
      tpu.vector_store_idx %arg5[%add3A_363], %broadcast_in_dim3A_5 {add = true} : memref<26624xf32, #tpu.memory_space<vmem>>[vector<16xi32>], vector<16xf32>,
      %add3A_364 = arith.constant 704 : i32
      %add3A_365 = arith.addi %mul3A_56, %add3A_364 : i32
      %get3A_366 = arith.index_cast %add3A_365 : i32 to index
      %get3A_367 = tpu.vector_load %arg4[%get3A_366] {strides = array<i32>} : memref<45056xi32, #tpu.memory_space<vmem>>, vector<16xi32>,
      %add3A_368 = arith.constant 0 : i32
      %add3A_369 = vector.broadcast %add3A_368 : i32 to vector<16xi32>
      %add3A_370 = arith.addi %get3A_367, %add3A_369 : vector<16xi32>
      tpu.vector_store_idx %arg5[%add3A_370], %broadcast_in_dim3A_5 {add = true} : memref<26624xf32, #tpu.memory_space<vmem>>[vector<16xi32>], vector<16xf32>,
      %add3A_371 = arith.constant 720 : i32
      %add3A_372 = arith.addi %mul3A_56, %add3A_371 : i32
      %get3A_373 = arith.index_cast %add3A_372 : i32 to index
      %get3A_374 = tpu.vector_load %arg4[%get3A_373] {strides = array<i32>} : memref<45056xi32, #tpu.memory_space<vmem>>, vector<16xi32>,
      %add3A_375 = arith.constant 0 : i32
      %add3A_376 = vector.broadcast %add3A_375 : i32 to vector<16xi32>
      %add3A_377 = arith.addi %get3A_374, %add3A_376 : vector<16xi32>
      tpu.vector_store_idx %arg5[%add3A_377], %broadcast_in_dim3A_5 {add = true} : memref<26624xf32, #tpu.memory_space<vmem>>[vector<16xi32>], vector<16xf32>,
      %add3A_378 = arith.constant 736 : i32
      %add3A_379 = arith.addi %mul3A_56, %add3A_378 : i32
      %get3A_380 = arith.index_cast %add3A_379 : i32 to index
      %get3A_381 = tpu.vector_load %arg4[%get3A_380] {strides = array<i32>} : memref<45056xi32, #tpu.memory_space<vmem>>, vector<16xi32>,
      %add3A_382 = arith.constant 0 : i32
      %add3A_383 = vector.broadcast %add3A_382 : i32 to vector<16xi32>
      %add3A_384 = arith.addi %get3A_381, %add3A_383 : vector<16xi32>
      tpu.vector_store_idx %arg5[%add3A_384], %broadcast_in_dim3A_5 {add = true} : memref<26624xf32, #tpu.memory_space<vmem>>[vector<16xi32>], vector<16xf32>,
      %add3A_385 = arith.constant 752 : i32
      %add3A_386 = arith.addi %mul3A_56, %add3A_385 : i32
      %get3A_387 = arith.index_cast %add3A_386 : i32 to index
      %get3A_388 = tpu.vector_load %arg4[%get3A_387] {strides = array<i32>} : memref<45056xi32, #tpu.memory_space<vmem>>, vector<16xi32>,
      %add3A_389 = arith.constant 0 : i32
      %add3A_390 = vector.broadcast %add3A_389 : i32 to vector<16xi32>
      %add3A_391 = arith.addi %get3A_388, %add3A_390 : vector<16xi32>
      tpu.vector_store_idx %arg5[%add3A_391], %broadcast_in_dim3A_5 {add = true} : memref<26624xf32, #tpu.memory_space<vmem>>[vector<16xi32>], vector<16xf32>,
      %add3A_392 = arith.constant 768 : i32
      %add3A_393 = arith.addi %mul3A_56, %add3A_392 : i32
      %get3A_394 = arith.index_cast %add3A_393 : i32 to index
      %get3A_395 = tpu.vector_load %arg4[%get3A_394] {strides = array<i32>} : memref<45056xi32, #tpu.memory_space<vmem>>, vector<16xi32>,
      %add3A_396 = arith.constant 0 : i32
      %add3A_397 = vector.broadcast %add3A_396 : i32 to vector<16xi32>
      %add3A_398 = arith.addi %get3A_395, %add3A_397 : vector<16xi32>
      tpu.vector_store_idx %arg5[%add3A_398], %broadcast_in_dim3A_5 {add = true} : memref<26624xf32, #tpu.memory_space<vmem>>[vector<16xi32>], vector<16xf32>,
      %add3A_399 = arith.constant 784 : i32
      %add3A_400 = arith.addi %mul3A_56, %add3A_399 : i32
      %get3A_401 = arith.index_cast %add3A_400 : i32 to index
      %get3A_402 = tpu.vector_load %arg4[%get3A_401] {strides = array<i32>} : memref<45056xi32, #tpu.memory_space<vmem>>, vector<16xi32>,
      %add3A_403 = arith.constant 0 : i32
      %add3A_404 = vector.broadcast %add3A_403 : i32 to vector<16xi32>
      %add3A_405 = arith.addi %get3A_402, %add3A_404 : vector<16xi32>
      tpu.vector_store_idx %arg5[%add3A_405], %broadcast_in_dim3A_5 {add = true} : memref<26624xf32, #tpu.memory_space<vmem>>[vector<16xi32>], vector<16xf32>,
      %add3A_406 = arith.constant 800 : i32
      %add3A_407 = arith.addi %mul3A_56, %add3A_406 : i32
      %get3A_408 = arith.index_cast %add3A_407 : i32 to index
      %get3A_409 = tpu.vector_load %arg4[%get3A_408] {strides = array<i32>} : memref<45056xi32, #tpu.memory_space<vmem>>, vector<16xi32>,
      %add3A_410 = arith.constant 0 : i32
      %add3A_411 = vector.broadcast %add3A_410 : i32 to vector<16xi32>
      %add3A_412 = arith.addi %get3A_409, %add3A_411 : vector<16xi32>
      tpu.vector_store_idx %arg5[%add3A_412], %broadcast_in_dim3A_5 {add = true} : memref<26624xf32, #tpu.memory_space<vmem>>[vector<16xi32>], vector<16xf32>,
      %add3A_413 = arith.constant 816 : i32
      %add3A_414 = arith.addi %mul3A_56, %add3A_413 : i32
      %get3A_415 = arith.index_cast %add3A_414 : i32 to index
      %get3A_416 = tpu.vector_load %arg4[%get3A_415] {strides = array<i32>} : memref<45056xi32, #tpu.memory_space<vmem>>, vector<16xi32>,
      %add3A_417 = arith.constant 0 : i32
      %add3A_418 = vector.broadcast %add3A_417 : i32 to vector<16xi32>
      %add3A_419 = arith.addi %get3A_416, %add3A_418 : vector<16xi32>
      tpu.vector_store_idx %arg5[%add3A_419], %broadcast_in_dim3A_5 {add = true} : memref<26624xf32, #tpu.memory_space<vmem>>[vector<16xi32>], vector<16xf32>,
      %add3A_420 = arith.constant 832 : i32
      %add3A_421 = arith.addi %mul3A_56, %add3A_420 : i32
      %get3A_422 = arith.index_cast %add3A_421 : i32 to index
      %get3A_423 = tpu.vector_load %arg4[%get3A_422] {strides = array<i32>} : memref<45056xi32, #tpu.memory_space<vmem>>, vector<16xi32>,
      %add3A_424 = arith.constant 0 : i32
      %add3A_425 = vector.broadcast %add3A_424 : i32 to vector<16xi32>
      %add3A_426 = arith.addi %get3A_423, %add3A_425 : vector<16xi32>
      tpu.vector_store_idx %arg5[%add3A_426], %broadcast_in_dim3A_5 {add = true} : memref<26624xf32, #tpu.memory_space<vmem>>[vector<16xi32>], vector<16xf32>,
      %add3A_427 = arith.constant 848 : i32
      %add3A_428 = arith.addi %mul3A_56, %add3A_427 : i32
      %get3A_429 = arith.index_cast %add3A_428 : i32 to index
      %get3A_430 = tpu.vector_load %arg4[%get3A_429] {strides = array<i32>} : memref<45056xi32, #tpu.memory_space<vmem>>, vector<16xi32>,
      %add3A_431 = arith.constant 0 : i32
      %add3A_432 = vector.broadcast %add3A_431 : i32 to vector<16xi32>
      %add3A_433 = arith.addi %get3A_430, %add3A_432 : vector<16xi32>
      tpu.vector_store_idx %arg5[%add3A_433], %broadcast_in_dim3A_5 {add = true} : memref<26624xf32, #tpu.memory_space<vmem>>[vector<16xi32>], vector<16xf32>,
      %add3A_434 = arith.constant 864 : i32
      %add3A_435 = arith.addi %mul3A_56, %add3A_434 : i32
      %get3A_436 = arith.index_cast %add3A_435 : i32 to index
      %get3A_437 = tpu.vector_load %arg4[%get3A_436] {strides = array<i32>} : memref<45056xi32, #tpu.memory_space<vmem>>, vector<16xi32>,
      %add3A_438 = arith.constant 0 : i32
      %add3A_439 = vector.broadcast %add3A_438 : i32 to vector<16xi32>
      %add3A_440 = arith.addi %get3A_437, %add3A_439 : vector<16xi32>
      tpu.vector_store_idx %arg5[%add3A_440], %broadcast_in_dim3A_5 {add = true} : memref<26624xf32, #tpu.memory_space<vmem>>[vector<16xi32>], vector<16xf32>,
      %add3A_441 = arith.constant 880 : i32
      %add3A_442 = arith.addi %mul3A_56, %add3A_441 : i32
      %get3A_443 = arith.index_cast %add3A_442 : i32 to index
      %get3A_444 = tpu.vector_load %arg4[%get3A_443] {strides = array<i32>} : memref<45056xi32, #tpu.memory_space<vmem>>, vector<16xi32>,
      %add3A_445 = arith.constant 0 : i32
      %add3A_446 = vector.broadcast %add3A_445 : i32 to vector<16xi32>
      %add3A_447 = arith.addi %get3A_444, %add3A_446 : vector<16xi32>
      tpu.vector_store_idx %arg5[%add3A_447], %broadcast_in_dim3A_5 {add = true} : memref<26624xf32, #tpu.memory_space<vmem>>[vector<16xi32>], vector<16xf32>,
      %add3A_448 = arith.constant 896 : i32
      %add3A_449 = arith.addi %mul3A_56, %add3A_448 : i32
      %get3A_450 = arith.index_cast %add3A_449 : i32 to index
      %get3A_451 = tpu.vector_load %arg4[%get3A_450] {strides = array<i32>} : memref<45056xi32, #tpu.memory_space<vmem>>, vector<16xi32>,
      %add3A_452 = arith.constant 0 : i32
      %add3A_453 = vector.broadcast %add3A_452 : i32 to vector<16xi32>
      %add3A_454 = arith.addi %get3A_451, %add3A_453 : vector<16xi32>
      tpu.vector_store_idx %arg5[%add3A_454], %broadcast_in_dim3A_5 {add = true} : memref<26624xf32, #tpu.memory_space<vmem>>[vector<16xi32>], vector<16xf32>,
      %add3A_455 = arith.constant 912 : i32
      %add3A_456 = arith.addi %mul3A_56, %add3A_455 : i32
      %get3A_457 = arith.index_cast %add3A_456 : i32 to index
      %get3A_458 = tpu.vector_load %arg4[%get3A_457] {strides = array<i32>} : memref<45056xi32, #tpu.memory_space<vmem>>, vector<16xi32>,
      %add3A_459 = arith.constant 0 : i32
      %add3A_460 = vector.broadcast %add3A_459 : i32 to vector<16xi32>
      %add3A_461 = arith.addi %get3A_458, %add3A_460 : vector<16xi32>
      tpu.vector_store_idx %arg5[%add3A_461], %broadcast_in_dim3A_5 {add = true} : memref<26624xf32, #tpu.memory_space<vmem>>[vector<16xi32>], vector<16xf32>,
      %add3A_462 = arith.constant 928 : i32
      %add3A_463 = arith.addi %mul3A_56, %add3A_462 : i32
      %get3A_464 = arith.index_cast %add3A_463 : i32 to index
      %get3A_465 = tpu.vector_load %arg4[%get3A_464] {strides = array<i32>} : memref<45056xi32, #tpu.memory_space<vmem>>, vector<16xi32>,
      %add3A_466 = arith.constant 0 : i32
      %add3A_467 = vector.broadcast %add3A_466 : i32 to vector<16xi32>
      %add3A_468 = arith.addi %get3A_465, %add3A_467 : vector<16xi32>
      tpu.vector_store_idx %arg5[%add3A_468], %broadcast_in_dim3A_5 {add = true} : memref<26624xf32, #tpu.memory_space<vmem>>[vector<16xi32>], vector<16xf32>,
      %add3A_469 = arith.constant 944 : i32
      %add3A_470 = arith.addi %mul3A_56, %add3A_469 : i32
      %get3A_471 = arith.index_cast %add3A_470 : i32 to index
      %get3A_472 = tpu.vector_load %arg4[%get3A_471] {strides = array<i32>} : memref<45056xi32, #tpu.memory_space<vmem>>, vector<16xi32>,
      %add3A_473 = arith.constant 0 : i32
      %add3A_474 = vector.broadcast %add3A_473 : i32 to vector<16xi32>
      %add3A_475 = arith.addi %get3A_472, %add3A_474 : vector<16xi32>
      tpu.vector_store_idx %arg5[%add3A_475], %broadcast_in_dim3A_5 {add = true} : memref<26624xf32, #tpu.memory_space<vmem>>[vector<16xi32>], vector<16xf32>,
      %add3A_476 = arith.constant 960 : i32
      %add3A_477 = arith.addi %mul3A_56, %add3A_476 : i32
      %get3A_478 = arith.index_cast %add3A_477 : i32 to index
      %get3A_479 = tpu.vector_load %arg4[%get3A_478] {strides = array<i32>} : memref<45056xi32, #tpu.memory_space<vmem>>, vector<16xi32>,
      %add3A_480 = arith.constant 0 : i32
      %add3A_481 = vector.broadcast %add3A_480 : i32 to vector<16xi32>
      %add3A_482 = arith.addi %get3A_479, %add3A_481 : vector<16xi32>
      tpu.vector_store_idx %arg5[%add3A_482], %broadcast_in_dim3A_5 {add = true} : memref<26624xf32, #tpu.memory_space<vmem>>[vector<16xi32>], vector<16xf32>,
      %add3A_483 = arith.constant 976 : i32
      %add3A_484 = arith.addi %mul3A_56, %add3A_483 : i32
      %get3A_485 = arith.index_cast %add3A_484 : i32 to index
      %get3A_486 = tpu.vector_load %arg4[%get3A_485] {strides = array<i32>} : memref<45056xi32, #tpu.memory_space<vmem>>, vector<16xi32>,
      %add3A_487 = arith.constant 0 : i32
      %add3A_488 = vector.broadcast %add3A_487 : i32 to vector<16xi32>
      %add3A_489 = arith.addi %get3A_486, %add3A_488 : vector<16xi32>
      tpu.vector_store_idx %arg5[%add3A_489], %broadcast_in_dim3A_5 {add = true} : memref<26624xf32, #tpu.memory_space<vmem>>[vector<16xi32>], vector<16xf32>,
      %add3A_490 = arith.constant 992 : i32
      %add3A_491 = arith.addi %mul3A_56, %add3A_490 : i32
      %get3A_492 = arith.index_cast %add3A_491 : i32 to index
      %get3A_493 = tpu.vector_load %arg4[%get3A_492] {strides = array<i32>} : memref<45056xi32, #tpu.memory_space<vmem>>, vector<16xi32>,
      %add3A_494 = arith.constant 0 : i32
      %add3A_495 = vector.broadcast %add3A_494 : i32 to vector<16xi32>
      %add3A_496 = arith.addi %get3A_493, %add3A_495 : vector<16xi32>
      tpu.vector_store_idx %arg5[%add3A_496], %broadcast_in_dim3A_5 {add = true} : memref<26624xf32, #tpu.memory_space<vmem>>[vector<16xi32>], vector<16xf32>,
      %add3A_497 = arith.constant 1008 : i32
      %add3A_498 = arith.addi %mul3A_56, %add3A_497 : i32
      %get3A_499 = arith.index_cast %add3A_498 : i32 to index
      %get3A_500 = tpu.vector_load %arg4[%get3A_499] {strides = array<i32>} : memref<45056xi32, #tpu.memory_space<vmem>>, vector<16xi32>,
      %add3A_501 = arith.constant 0 : i32
      %add3A_502 = vector.broadcast %add3A_501 : i32 to vector<16xi32>
      %add3A_503 = arith.addi %get3A_500, %add3A_502 : vector<16xi32>
      tpu.vector_store_idx %arg5[%add3A_503], %broadcast_in_dim3A_5 {add = true} : memref<26624xf32, #tpu.memory_space<vmem>>[vector<16xi32>], vector<16xf32>,
      %add3A_504 = arith.constant 1024 : i32
      %add3A_505 = arith.addi %mul3A_56, %add3A_504 : i32
      %get3A_506 = arith.index_cast %add3A_505 : i32 to index
      %get3A_507 = tpu.vector_load %arg4[%get3A_506] {strides = array<i32>} : memref<45056xi32, #tpu.memory_space<vmem>>, vector<16xi32>,
      %add3A_508 = arith.constant 0 : i32
      %add3A_509 = vector.broadcast %add3A_508 : i32 to vector<16xi32>
      %add3A_510 = arith.addi %get3A_507, %add3A_509 : vector<16xi32>
      tpu.vector_store_idx %arg5[%add3A_510], %broadcast_in_dim3A_5 {add = true} : memref<26624xf32, #tpu.memory_space<vmem>>[vector<16xi32>], vector<16xf32>,
      %add3A_511 = arith.constant 1040 : i32
      %add3A_512 = arith.addi %mul3A_56, %add3A_511 : i32
      %get3A_513 = arith.index_cast %add3A_512 : i32 to index
      %get3A_514 = tpu.vector_load %arg4[%get3A_513] {strides = array<i32>} : memref<45056xi32, #tpu.memory_space<vmem>>, vector<16xi32>,
      %add3A_515 = arith.constant 0 : i32
      %add3A_516 = vector.broadcast %add3A_515 : i32 to vector<16xi32>
      %add3A_517 = arith.addi %get3A_514, %add3A_516 : vector<16xi32>
      tpu.vector_store_idx %arg5[%add3A_517], %broadcast_in_dim3A_5 {add = true} : memref<26624xf32, #tpu.memory_space<vmem>>[vector<16xi32>], vector<16xf32>,
      %add3A_518 = arith.constant 1056 : i32
      %add3A_519 = arith.addi %mul3A_56, %add3A_518 : i32
      %get3A_520 = arith.index_cast %add3A_519 : i32 to index
      %get3A_521 = tpu.vector_load %arg4[%get3A_520] {strides = array<i32>} : memref<45056xi32, #tpu.memory_space<vmem>>, vector<16xi32>,
      %add3A_522 = arith.constant 0 : i32
      %add3A_523 = vector.broadcast %add3A_522 : i32 to vector<16xi32>
      %add3A_524 = arith.addi %get3A_521, %add3A_523 : vector<16xi32>
      tpu.vector_store_idx %arg5[%add3A_524], %broadcast_in_dim3A_5 {add = true} : memref<26624xf32, #tpu.memory_space<vmem>>[vector<16xi32>], vector<16xf32>,
      %add3A_525 = arith.constant 1072 : i32
      %add3A_526 = arith.addi %mul3A_56, %add3A_525 : i32
      %get3A_527 = arith.index_cast %add3A_526 : i32 to index
      %get3A_528 = tpu.vector_load %arg4[%get3A_527] {strides = array<i32>} : memref<45056xi32, #tpu.memory_space<vmem>>, vector<16xi32>,
      %add3A_529 = arith.constant 0 : i32
      %add3A_530 = vector.broadcast %add3A_529 : i32 to vector<16xi32>
      %add3A_531 = arith.addi %get3A_528, %add3A_530 : vector<16xi32>
      tpu.vector_store_idx %arg5[%add3A_531], %broadcast_in_dim3A_5 {add = true} : memref<26624xf32, #tpu.memory_space<vmem>>[vector<16xi32>], vector<16xf32>,
      %add3A_532 = arith.constant 1088 : i32
      %add3A_533 = arith.addi %mul3A_56, %add3A_532 : i32
      %get3A_534 = arith.index_cast %add3A_533 : i32 to index
      %get3A_535 = tpu.vector_load %arg4[%get3A_534] {strides = array<i32>} : memref<45056xi32, #tpu.memory_space<vmem>>, vector<16xi32>,
      %add3A_536 = arith.constant 0 : i32
      %add3A_537 = vector.broadcast %add3A_536 : i32 to vector<16xi32>
      %add3A_538 = arith.addi %get3A_535, %add3A_537 : vector<16xi32>
      tpu.vector_store_idx %arg5[%add3A_538], %broadcast_in_dim3A_5 {add = true} : memref<26624xf32, #tpu.memory_space<vmem>>[vector<16xi32>], vector<16xf32>,
      %add3A_539 = arith.constant 1104 : i32
      %add3A_540 = arith.addi %mul3A_56, %add3A_539 : i32
      %get3A_541 = arith.index_cast %add3A_540 : i32 to index
      %get3A_542 = tpu.vector_load %arg4[%get3A_541] {strides = array<i32>} : memref<45056xi32, #tpu.memory_space<vmem>>, vector<16xi32>,
      %add3A_543 = arith.constant 0 : i32
      %add3A_544 = vector.broadcast %add3A_543 : i32 to vector<16xi32>
      %add3A_545 = arith.addi %get3A_542, %add3A_544 : vector<16xi32>
      tpu.vector_store_idx %arg5[%add3A_545], %broadcast_in_dim3A_5 {add = true} : memref<26624xf32, #tpu.memory_space<vmem>>[vector<16xi32>], vector<16xf32>,
      %add3A_546 = arith.constant 1120 : i32
      %add3A_547 = arith.addi %mul3A_56, %add3A_546 : i32
      %get3A_548 = arith.index_cast %add3A_547 : i32 to index
      %get3A_549 = tpu.vector_load %arg4[%get3A_548] {strides = array<i32>} : memref<45056xi32, #tpu.memory_space<vmem>>, vector<16xi32>,
      %add3A_550 = arith.constant 0 : i32
      %add3A_551 = vector.broadcast %add3A_550 : i32 to vector<16xi32>
      %add3A_552 = arith.addi %get3A_549, %add3A_551 : vector<16xi32>
      tpu.vector_store_idx %arg5[%add3A_552], %broadcast_in_dim3A_5 {add = true} : memref<26624xf32, #tpu.memory_space<vmem>>[vector<16xi32>], vector<16xf32>,
      %add3A_553 = arith.constant 1136 : i32
      %add3A_554 = arith.addi %mul3A_56, %add3A_553 : i32
      %get3A_555 = arith.index_cast %add3A_554 : i32 to index
      %get3A_556 = tpu.vector_load %arg4[%get3A_555] {strides = array<i32>} : memref<45056xi32, #tpu.memory_space<vmem>>, vector<16xi32>,
      %add3A_557 = arith.constant 0 : i32
      %add3A_558 = vector.broadcast %add3A_557 : i32 to vector<16xi32>
      %add3A_559 = arith.addi %get3A_556, %add3A_558 : vector<16xi32>
      tpu.vector_store_idx %arg5[%add3A_559], %broadcast_in_dim3A_5 {add = true} : memref<26624xf32, #tpu.memory_space<vmem>>[vector<16xi32>], vector<16xf32>,
      %add3A_560 = arith.constant 1152 : i32
      %add3A_561 = arith.addi %mul3A_56, %add3A_560 : i32
      %get3A_562 = arith.index_cast %add3A_561 : i32 to index
      %get3A_563 = tpu.vector_load %arg4[%get3A_562] {strides = array<i32>} : memref<45056xi32, #tpu.memory_space<vmem>>, vector<16xi32>,
      %add3A_564 = arith.constant 0 : i32
      %add3A_565 = vector.broadcast %add3A_564 : i32 to vector<16xi32>
      %add3A_566 = arith.addi %get3A_563, %add3A_565 : vector<16xi32>
      tpu.vector_store_idx %arg5[%add3A_566], %broadcast_in_dim3A_5 {add = true} : memref<26624xf32, #tpu.memory_space<vmem>>[vector<16xi32>], vector<16xf32>,
      %add3A_567 = arith.constant 1168 : i32
      %add3A_568 = arith.addi %mul3A_56, %add3A_567 : i32
      %get3A_569 = arith.index_cast %add3A_568 : i32 to index
      %get3A_570 = tpu.vector_load %arg4[%get3A_569] {strides = array<i32>} : memref<45056xi32, #tpu.memory_space<vmem>>, vector<16xi32>,
      %add3A_571 = arith.constant 0 : i32
      %add3A_572 = vector.broadcast %add3A_571 : i32 to vector<16xi32>
      %add3A_573 = arith.addi %get3A_570, %add3A_572 : vector<16xi32>
      tpu.vector_store_idx %arg5[%add3A_573], %broadcast_in_dim3A_5 {add = true} : memref<26624xf32, #tpu.memory_space<vmem>>[vector<16xi32>], vector<16xf32>,
      %add3A_574 = arith.constant 1184 : i32
      %add3A_575 = arith.addi %mul3A_56, %add3A_574 : i32
      %get3A_576 = arith.index_cast %add3A_575 : i32 to index
      %get3A_577 = tpu.vector_load %arg4[%get3A_576] {strides = array<i32>} : memref<45056xi32, #tpu.memory_space<vmem>>, vector<16xi32>,
      %add3A_578 = arith.constant 0 : i32
      %add3A_579 = vector.broadcast %add3A_578 : i32 to vector<16xi32>
      %add3A_580 = arith.addi %get3A_577, %add3A_579 : vector<16xi32>
      tpu.vector_store_idx %arg5[%add3A_580], %broadcast_in_dim3A_5 {add = true} : memref<26624xf32, #tpu.memory_space<vmem>>[vector<16xi32>], vector<16xf32>,
      %add3A_581 = arith.constant 1200 : i32
      %add3A_582 = arith.addi %mul3A_56, %add3A_581 : i32
      %get3A_583 = arith.index_cast %add3A_582 : i32 to index
      %get3A_584 = tpu.vector_load %arg4[%get3A_583] {strides = array<i32>} : memref<45056xi32, #tpu.memory_space<vmem>>, vector<16xi32>,
      %add3A_585 = arith.constant 0 : i32
      %add3A_586 = vector.broadcast %add3A_585 : i32 to vector<16xi32>
      %add3A_587 = arith.addi %get3A_584, %add3A_586 : vector<16xi32>
      tpu.vector_store_idx %arg5[%add3A_587], %broadcast_in_dim3A_5 {add = true} : memref<26624xf32, #tpu.memory_space<vmem>>[vector<16xi32>], vector<16xf32>,
      %add3A_588 = arith.constant 1216 : i32
      %add3A_589 = arith.addi %mul3A_56, %add3A_588 : i32
      %get3A_590 = arith.index_cast %add3A_589 : i32 to index
      %get3A_591 = tpu.vector_load %arg4[%get3A_590] {strides = array<i32>} : memref<45056xi32, #tpu.memory_space<vmem>>, vector<16xi32>,
      %add3A_592 = arith.constant 0 : i32
      %add3A_593 = vector.broadcast %add3A_592 : i32 to vector<16xi32>
      %add3A_594 = arith.addi %get3A_591, %add3A_593 : vector<16xi32>
      tpu.vector_store_idx %arg5[%add3A_594], %broadcast_in_dim3A_5 {add = true} : memref<26624xf32, #tpu.memory_space<vmem>>[vector<16xi32>], vector<16xf32>,
      %add3A_595 = arith.constant 1232 : i32
      %add3A_596 = arith.addi %mul3A_56, %add3A_595 : i32
      %get3A_597 = arith.index_cast %add3A_596 : i32 to index
      %get3A_598 = tpu.vector_load %arg4[%get3A_597] {strides = array<i32>} : memref<45056xi32, #tpu.memory_space<vmem>>, vector<16xi32>,
      %add3A_599 = arith.constant 0 : i32
      %add3A_600 = vector.broadcast %add3A_599 : i32 to vector<16xi32>
      %add3A_601 = arith.addi %get3A_598, %add3A_600 : vector<16xi32>
      tpu.vector_store_idx %arg5[%add3A_601], %broadcast_in_dim3A_5 {add = true} : memref<26624xf32, #tpu.memory_space<vmem>>[vector<16xi32>], vector<16xf32>,
      %add3A_602 = arith.constant 1248 : i32
      %add3A_603 = arith.addi %mul3A_56, %add3A_602 : i32
      %get3A_604 = arith.index_cast %add3A_603 : i32 to index
      %get3A_605 = tpu.vector_load %arg4[%get3A_604] {strides = array<i32>} : memref<45056xi32, #tpu.memory_space<vmem>>, vector<16xi32>,
      %add3A_606 = arith.constant 0 : i32
      %add3A_607 = vector.broadcast %add3A_606 : i32 to vector<16xi32>
      %add3A_608 = arith.addi %get3A_605, %add3A_607 : vector<16xi32>
      tpu.vector_store_idx %arg5[%add3A_608], %broadcast_in_dim3A_5 {add = true} : memref<26624xf32, #tpu.memory_space<vmem>>[vector<16xi32>], vector<16xf32>,
      %add3A_609 = arith.constant 1264 : i32
      %add3A_610 = arith.addi %mul3A_56, %add3A_609 : i32
      %get3A_611 = arith.index_cast %add3A_610 : i32 to index
      %get3A_612 = tpu.vector_load %arg4[%get3A_611] {strides = array<i32>} : memref<45056xi32, #tpu.memory_space<vmem>>, vector<16xi32>,
      %add3A_613 = arith.constant 0 : i32
      %add3A_614 = vector.broadcast %add3A_613 : i32 to vector<16xi32>
      %add3A_615 = arith.addi %get3A_612, %add3A_614 : vector<16xi32>
      tpu.vector_store_idx %arg5[%add3A_615], %broadcast_in_dim3A_5 {add = true} : memref<26624xf32, #tpu.memory_space<vmem>>[vector<16xi32>], vector<16xf32>,
      %add3A_616 = arith.constant 1280 : i32
      %add3A_617 = arith.addi %mul3A_56, %add3A_616 : i32
      %get3A_618 = arith.index_cast %add3A_617 : i32 to index
      %get3A_619 = tpu.vector_load %arg4[%get3A_618] {strides = array<i32>} : memref<45056xi32, #tpu.memory_space<vmem>>, vector<16xi32>,
      %add3A_620 = arith.constant 0 : i32
      %add3A_621 = vector.broadcast %add3A_620 : i32 to vector<16xi32>
      %add3A_622 = arith.addi %get3A_619, %add3A_621 : vector<16xi32>
      tpu.vector_store_idx %arg5[%add3A_622], %broadcast_in_dim3A_5 {add = true} : memref<26624xf32, #tpu.memory_space<vmem>>[vector<16xi32>], vector<16xf32>,
      %add3A_623 = arith.constant 1296 : i32
      %add3A_624 = arith.addi %mul3A_56, %add3A_623 : i32
      %get3A_625 = arith.index_cast %add3A_624 : i32 to index
      %get3A_626 = tpu.vector_load %arg4[%get3A_625] {strides = array<i32>} : memref<45056xi32, #tpu.memory_space<vmem>>, vector<16xi32>,
      %add3A_627 = arith.constant 0 : i32
      %add3A_628 = vector.broadcast %add3A_627 : i32 to vector<16xi32>
      %add3A_629 = arith.addi %get3A_626, %add3A_628 : vector<16xi32>
      tpu.vector_store_idx %arg5[%add3A_629], %broadcast_in_dim3A_5 masked %lt3A_9 {add = true} : memref<26624xf32, #tpu.memory_space<vmem>>[vector<16xi32>], vector<16xf32>, vector<16xi1>
      %add3A_630 = arith.addi %mul3A_2, %add3A_50 : i32
      %mul3A_631 = arith.constant 6656 : i32
      %mul3A_632 = arith.muli %add3A_630, %mul3A_631 : i32
      %dma_start3A = arith.constant 0 : i32
      %dma_start3A_633 = tpu.memref_slice %arg5[%dma_start3A] : memref<26624xf32, #tpu.memory_space<vmem>> -> memref<6656xf32, #tpu.memory_space<vmem>>
      %dma_start3A_634 = tpu.memref_slice %arg3[%mul3A_632] : memref<6815744xf32, #tpu.memory_space<hbm>> -> memref<6656xf32, #tpu.memory_space<hbm>>
      %dma_start3A_635 = tpu.memref_slice %arg3[%mul3A_632] : memref<6815744xf32, #tpu.memory_space<hbm>> -> memref<6656xf32, #tpu.memory_space<hbm>>
      %dma_start3A_636 = arith.constant 0 : i32
      %dma_start3A_637 = tpu.memref_slice %arg5[%dma_start3A_636] : memref<26624xf32, #tpu.memory_space<vmem>> -> memref<6656xf32, #tpu.memory_space<vmem>>
      tpu.enqueue_dma source(%dma_start3A_637 : memref<6656xf32, #tpu.memory_space<vmem>>) target(%dma_start3A_635 : memref<6656xf32, #tpu.memory_space<hbm>>) target_semaphore(%arg7 : memref<!tpu.dma_semaphore, #tpu.memory_space<semaphore_mem>>)
      %gt3A_638 = arith.constant 0 : i32
      %gt3A_639 = arith.cmpi sgt, %scan3A_46, %gt3A_638 : i32
      %or3A = arith.constant false
      %or3A_640 = arith.ori %gt3A_639, %or3A : i1
      %convert_element_type3A_641 = arith.extui %or3A_640 : i1 to i32
      %cond3A_642 = arith.constant 0 : i32
      %cond3A_643 = arith.cmpi ne, %convert_element_type3A_641, %cond3A_642 : i32
      scf.if %cond3A_643 {
        %dma_wait3A_2447 = arith.constant 13312 : i32
        %dma_wait3A_2448 = tpu.memref_slice %arg5[%dma_wait3A_2447] : memref<26624xf32, #tpu.memory_space<vmem>> -> memref<6656xf32, #tpu.memory_space<vmem>>
        %dma_wait3A_2449 = arith.constant 0 : i32
        %dma_wait3A_2450 = tpu.memref_slice %arg3[%dma_wait3A_2449] : memref<6815744xf32, #tpu.memory_space<hbm>> -> memref<6656xf32, #tpu.memory_space<hbm>>
        %dma_wait3A_2451 = arith.constant 0 : i32
        %dma_wait3A_2452 = tpu.memref_slice %arg3[%dma_wait3A_2451] : memref<6815744xf32, #tpu.memory_space<hbm>> -> memref<6656xf32, #tpu.memory_space<hbm>>
        %dma_wait3A_2453 = arith.constant 13312 : i32
        %dma_wait3A_2454 = tpu.memref_slice %arg5[%dma_wait3A_2453] : memref<26624xf32, #tpu.memory_space<vmem>> -> memref<6656xf32, #tpu.memory_space<vmem>>
        tpu.wait_dma2 semaphore(%arg9 : memref<!tpu.dma_semaphore, #tpu.memory_space<semaphore_mem>>) src(%dma_wait3A_2454 : memref<6656xf32, #tpu.memory_space<vmem>>) dst(%dma_wait3A_2452 : memref<6656xf32, #tpu.memory_space<hbm>>)
        %dma_start3A_2455 = arith.constant 13312 : i32
        %dma_start3A_2456 = tpu.memref_slice %arg5[%dma_start3A_2455] : memref<26624xf32, #tpu.memory_space<vmem>> -> memref<6656xf32, #tpu.memory_space<vmem>>
        %dma_start3A_2457 = arith.constant 13312 : i32
        %dma_start3A_2458 = tpu.memref_slice %arg5[%dma_start3A_2457] : memref<26624xf32, #tpu.memory_space<vmem>> -> memref<6656xf32, #tpu.memory_space<vmem>>
        tpu.enqueue_dma source(%arg6 : memref<6656xf32, #tpu.memory_space<vmem_shared>>) target(%dma_start3A_2458 : memref<6656xf32, #tpu.memory_space<vmem>>) target_semaphore(%arg13 : memref<!tpu.dma_semaphore, #tpu.memory_space<semaphore_mem>>)
      } else {
      }
      %mul3A_644 = arith.constant 4 : i32
      %mul3A_645 = arith.muli %scan3A_46, %mul3A_644 : i32
      %add3A_646 = arith.constant 1 : i32
      %add3A_647 = arith.addi %mul3A_645, %add3A_646 : i32
      %gt3A_648 = arith.constant 0 : i32
      %gt3A_649 = arith.cmpi sgt, %scan3A_46, %gt3A_648 : i32
      %convert_element_type3A_650 = arith.extui %gt3A_649 : i1 to i32
      %cond3A_651 = arith.constant 0 : i32
      %cond3A_652 = arith.cmpi ne, %convert_element_type3A_650, %cond3A_651 : i32
      scf.if %cond3A_652 {
        %dma_wait3A_2447 = arith.constant 6656 : i32
        %dma_wait3A_2448 = tpu.memref_slice %arg5[%dma_wait3A_2447] : memref<26624xf32, #tpu.memory_space<vmem>> -> memref<6656xf32, #tpu.memory_space<vmem>>
        %dma_wait3A_2449 = arith.constant 6656 : i32
        %dma_wait3A_2450 = tpu.memref_slice %arg5[%dma_wait3A_2449] : memref<26624xf32, #tpu.memory_space<vmem>> -> memref<6656xf32, #tpu.memory_space<vmem>>
        tpu.wait_dma2 semaphore(%arg12 : memref<!tpu.dma_semaphore, #tpu.memory_space<semaphore_mem>>) src(%arg6 : memref<6656xf32, #tpu.memory_space<vmem_shared>>) dst(%dma_wait3A_2450 : memref<6656xf32, #tpu.memory_space<vmem>>)
      } else {
      }
      %mul3A_653 = arith.constant 1408 : i32
      %mul3A_654 = arith.muli %add3A_647, %mul3A_653 : i32
      %add3A_655 = arith.constant 0 : i32
      %add3A_656 = arith.addi %mul3A_654, %add3A_655 : i32
      %get3A_657 = arith.index_cast %add3A_656 : i32 to index
      %get3A_658 = tpu.vector_load %arg4[%get3A_657] {strides = array<i32>} : memref<45056xi32, #tpu.memory_space<vmem>>, vector<16xi32>,
      %add3A_659 = arith.constant 6656 : i32
      %add3A_660 = vector.broadcast %add3A_659 : i32 to vector<16xi32>
      %add3A_661 = arith.addi %get3A_658, %add3A_660 : vector<16xi32>
      tpu.vector_store_idx %arg5[%add3A_661], %broadcast_in_dim3A_5 {add = true} : memref<26624xf32, #tpu.memory_space<vmem>>[vector<16xi32>], vector<16xf32>,
      %add3A_662 = arith.constant 16 : i32
      %add3A_663 = arith.addi %mul3A_654, %add3A_662 : i32
      %get3A_664 = arith.index_cast %add3A_663 : i32 to index
      %get3A_665 = tpu.vector_load %arg4[%get3A_664] {strides = array<i32>} : memref<45056xi32, #tpu.memory_space<vmem>>, vector<16xi32>,
      %add3A_666 = arith.constant 6656 : i32
      %add3A_667 = vector.broadcast %add3A_666 : i32 to vector<16xi32>
      %add3A_668 = arith.addi %get3A_665, %add3A_667 : vector<16xi32>
      tpu.vector_store_idx %arg5[%add3A_668], %broadcast_in_dim3A_5 {add = true} : memref<26624xf32, #tpu.memory_space<vmem>>[vector<16xi32>], vector<16xf32>,
      %add3A_669 = arith.constant 32 : i32
      %add3A_670 = arith.addi %mul3A_654, %add3A_669 : i32
      %get3A_671 = arith.index_cast %add3A_670 : i32 to index
      %get3A_672 = tpu.vector_load %arg4[%get3A_671] {strides = array<i32>} : memref<45056xi32, #tpu.memory_space<vmem>>, vector<16xi32>,
      %add3A_673 = arith.constant 6656 : i32
      %add3A_674 = vector.broadcast %add3A_673 : i32 to vector<16xi32>
      %add3A_675 = arith.addi %get3A_672, %add3A_674 : vector<16xi32>
      tpu.vector_store_idx %arg5[%add3A_675], %broadcast_in_dim3A_5 {add = true} : memref<26624xf32, #tpu.memory_space<vmem>>[vector<16xi32>], vector<16xf32>,
      %add3A_676 = arith.constant 48 : i32
      %add3A_677 = arith.addi %mul3A_654, %add3A_676 : i32
      %get3A_678 = arith.index_cast %add3A_677 : i32 to index
      %get3A_679 = tpu.vector_load %arg4[%get3A_678] {strides = array<i32>} : memref<45056xi32, #tpu.memory_space<vmem>>, vector<16xi32>,
      %add3A_680 = arith.constant 6656 : i32
      %add3A_681 = vector.broadcast %add3A_680 : i32 to vector<16xi32>
      %add3A_682 = arith.addi %get3A_679, %add3A_681 : vector<16xi32>
      tpu.vector_store_idx %arg5[%add3A_682], %broadcast_in_dim3A_5 {add = true} : memref<26624xf32, #tpu.memory_space<vmem>>[vector<16xi32>], vector<16xf32>,
      %add3A_683 = arith.constant 64 : i32
      %add3A_684 = arith.addi %mul3A_654, %add3A_683 : i32
      %get3A_685 = arith.index_cast %add3A_684 : i32 to index
      %get3A_686 = tpu.vector_load %arg4[%get3A_685] {strides = array<i32>} : memref<45056xi32, #tpu.memory_space<vmem>>, vector<16xi32>,
      %add3A_687 = arith.constant 6656 : i32
      %add3A_688 = vector.broadcast %add3A_687 : i32 to vector<16xi32>
      %add3A_689 = arith.addi %get3A_686, %add3A_688 : vector<16xi32>
      tpu.vector_store_idx %arg5[%add3A_689], %broadcast_in_dim3A_5 {add = true} : memref<26624xf32, #tpu.memory_space<vmem>>[vector<16xi32>], vector<16xf32>,
      %add3A_690 = arith.constant 80 : i32
      %add3A_691 = arith.addi %mul3A_654, %add3A_690 : i32
      %get3A_692 = arith.index_cast %add3A_691 : i32 to index
      %get3A_693 = tpu.vector_load %arg4[%get3A_692] {strides = array<i32>} : memref<45056xi32, #tpu.memory_space<vmem>>, vector<16xi32>,
      %add3A_694 = arith.constant 6656 : i32
      %add3A_695 = vector.broadcast %add3A_694 : i32 to vector<16xi32>
      %add3A_696 = arith.addi %get3A_693, %add3A_695 : vector<16xi32>
      tpu.vector_store_idx %arg5[%add3A_696], %broadcast_in_dim3A_5 {add = true} : memref<26624xf32, #tpu.memory_space<vmem>>[vector<16xi32>], vector<16xf32>,
      %add3A_697 = arith.constant 96 : i32
      %add3A_698 = arith.addi %mul3A_654, %add3A_697 : i32
      %get3A_699 = arith.index_cast %add3A_698 : i32 to index
      %get3A_700 = tpu.vector_load %arg4[%get3A_699] {strides = array<i32>} : memref<45056xi32, #tpu.memory_space<vmem>>, vector<16xi32>,
      %add3A_701 = arith.constant 6656 : i32
      %add3A_702 = vector.broadcast %add3A_701 : i32 to vector<16xi32>
      %add3A_703 = arith.addi %get3A_700, %add3A_702 : vector<16xi32>
      tpu.vector_store_idx %arg5[%add3A_703], %broadcast_in_dim3A_5 {add = true} : memref<26624xf32, #tpu.memory_space<vmem>>[vector<16xi32>], vector<16xf32>,
      %add3A_704 = arith.constant 112 : i32
      %add3A_705 = arith.addi %mul3A_654, %add3A_704 : i32
      %get3A_706 = arith.index_cast %add3A_705 : i32 to index
      %get3A_707 = tpu.vector_load %arg4[%get3A_706] {strides = array<i32>} : memref<45056xi32, #tpu.memory_space<vmem>>, vector<16xi32>,
      %add3A_708 = arith.constant 6656 : i32
      %add3A_709 = vector.broadcast %add3A_708 : i32 to vector<16xi32>
      %add3A_710 = arith.addi %get3A_707, %add3A_709 : vector<16xi32>
      tpu.vector_store_idx %arg5[%add3A_710], %broadcast_in_dim3A_5 {add = true} : memref<26624xf32, #tpu.memory_space<vmem>>[vector<16xi32>], vector<16xf32>,
      %add3A_711 = arith.constant 128 : i32
      %add3A_712 = arith.addi %mul3A_654, %add3A_711 : i32
      %get3A_713 = arith.index_cast %add3A_712 : i32 to index
      %get3A_714 = tpu.vector_load %arg4[%get3A_713] {strides = array<i32>} : memref<45056xi32, #tpu.memory_space<vmem>>, vector<16xi32>,
      %add3A_715 = arith.constant 6656 : i32
      %add3A_716 = vector.broadcast %add3A_715 : i32 to vector<16xi32>
      %add3A_717 = arith.addi %get3A_714, %add3A_716 : vector<16xi32>
      tpu.vector_store_idx %arg5[%add3A_717], %broadcast_in_dim3A_5 {add = true} : memref<26624xf32, #tpu.memory_space<vmem>>[vector<16xi32>], vector<16xf32>,
      %add3A_718 = arith.constant 144 : i32
      %add3A_719 = arith.addi %mul3A_654, %add3A_718 : i32
      %get3A_720 = arith.index_cast %add3A_719 : i32 to index
      %get3A_721 = tpu.vector_load %arg4[%get3A_720] {strides = array<i32>} : memref<45056xi32, #tpu.memory_space<vmem>>, vector<16xi32>,
      %add3A_722 = arith.constant 6656 : i32
      %add3A_723 = vector.broadcast %add3A_722 : i32 to vector<16xi32>
      %add3A_724 = arith.addi %get3A_721, %add3A_723 : vector<16xi32>
      tpu.vector_store_idx %arg5[%add3A_724], %broadcast_in_dim3A_5 {add = true} : memref<26624xf32, #tpu.memory_space<vmem>>[vector<16xi32>], vector<16xf32>,
      %add3A_725 = arith.constant 160 : i32
      %add3A_726 = arith.addi %mul3A_654, %add3A_725 : i32
      %get3A_727 = arith.index_cast %add3A_726 : i32 to index
      %get3A_728 = tpu.vector_load %arg4[%get3A_727] {strides = array<i32>} : memref<45056xi32, #tpu.memory_space<vmem>>, vector<16xi32>,
      %add3A_729 = arith.constant 6656 : i32
      %add3A_730 = vector.broadcast %add3A_729 : i32 to vector<16xi32>
      %add3A_731 = arith.addi %get3A_728, %add3A_730 : vector<16xi32>
      tpu.vector_store_idx %arg5[%add3A_731], %broadcast_in_dim3A_5 {add = true} : memref<26624xf32, #tpu.memory_space<vmem>>[vector<16xi32>], vector<16xf32>,
      %add3A_732 = arith.constant 176 : i32
      %add3A_733 = arith.addi %mul3A_654, %add3A_732 : i32
      %get3A_734 = arith.index_cast %add3A_733 : i32 to index
      %get3A_735 = tpu.vector_load %arg4[%get3A_734] {strides = array<i32>} : memref<45056xi32, #tpu.memory_space<vmem>>, vector<16xi32>,
      %add3A_736 = arith.constant 6656 : i32
      %add3A_737 = vector.broadcast %add3A_736 : i32 to vector<16xi32>
      %add3A_738 = arith.addi %get3A_735, %add3A_737 : vector<16xi32>
      tpu.vector_store_idx %arg5[%add3A_738], %broadcast_in_dim3A_5 {add = true} : memref<26624xf32, #tpu.memory_space<vmem>>[vector<16xi32>], vector<16xf32>,
      %add3A_739 = arith.constant 192 : i32
      %add3A_740 = arith.addi %mul3A_654, %add3A_739 : i32
      %get3A_741 = arith.index_cast %add3A_740 : i32 to index
      %get3A_742 = tpu.vector_load %arg4[%get3A_741] {strides = array<i32>} : memref<45056xi32, #tpu.memory_space<vmem>>, vector<16xi32>,
      %add3A_743 = arith.constant 6656 : i32
      %add3A_744 = vector.broadcast %add3A_743 : i32 to vector<16xi32>
      %add3A_745 = arith.addi %get3A_742, %add3A_744 : vector<16xi32>
      tpu.vector_store_idx %arg5[%add3A_745], %broadcast_in_dim3A_5 {add = true} : memref<26624xf32, #tpu.memory_space<vmem>>[vector<16xi32>], vector<16xf32>,
      %add3A_746 = arith.constant 208 : i32
      %add3A_747 = arith.addi %mul3A_654, %add3A_746 : i32
      %get3A_748 = arith.index_cast %add3A_747 : i32 to index
      %get3A_749 = tpu.vector_load %arg4[%get3A_748] {strides = array<i32>} : memref<45056xi32, #tpu.memory_space<vmem>>, vector<16xi32>,
      %add3A_750 = arith.constant 6656 : i32
      %add3A_751 = vector.broadcast %add3A_750 : i32 to vector<16xi32>
      %add3A_752 = arith.addi %get3A_749, %add3A_751 : vector<16xi32>
      tpu.vector_store_idx %arg5[%add3A_752], %broadcast_in_dim3A_5 {add = true} : memref<26624xf32, #tpu.memory_space<vmem>>[vector<16xi32>], vector<16xf32>,
      %add3A_753 = arith.constant 224 : i32
      %add3A_754 = arith.addi %mul3A_654, %add3A_753 : i32
      %get3A_755 = arith.index_cast %add3A_754 : i32 to index
      %get3A_756 = tpu.vector_load %arg4[%get3A_755] {strides = array<i32>} : memref<45056xi32, #tpu.memory_space<vmem>>, vector<16xi32>,
      %add3A_757 = arith.constant 6656 : i32
      %add3A_758 = vector.broadcast %add3A_757 : i32 to vector<16xi32>
      %add3A_759 = arith.addi %get3A_756, %add3A_758 : vector<16xi32>
      tpu.vector_store_idx %arg5[%add3A_759], %broadcast_in_dim3A_5 {add = true} : memref<26624xf32, #tpu.memory_space<vmem>>[vector<16xi32>], vector<16xf32>,
      %add3A_760 = arith.constant 240 : i32
      %add3A_761 = arith.addi %mul3A_654, %add3A_760 : i32
      %get3A_762 = arith.index_cast %add3A_761 : i32 to index
      %get3A_763 = tpu.vector_load %arg4[%get3A_762] {strides = array<i32>} : memref<45056xi32, #tpu.memory_space<vmem>>, vector<16xi32>,
      %add3A_764 = arith.constant 6656 : i32
      %add3A_765 = vector.broadcast %add3A_764 : i32 to vector<16xi32>
      %add3A_766 = arith.addi %get3A_763, %add3A_765 : vector<16xi32>
      tpu.vector_store_idx %arg5[%add3A_766], %broadcast_in_dim3A_5 {add = true} : memref<26624xf32, #tpu.memory_space<vmem>>[vector<16xi32>], vector<16xf32>,
      %add3A_767 = arith.constant 256 : i32
      %add3A_768 = arith.addi %mul3A_654, %add3A_767 : i32
      %get3A_769 = arith.index_cast %add3A_768 : i32 to index
      %get3A_770 = tpu.vector_load %arg4[%get3A_769] {strides = array<i32>} : memref<45056xi32, #tpu.memory_space<vmem>>, vector<16xi32>,
      %add3A_771 = arith.constant 6656 : i32
      %add3A_772 = vector.broadcast %add3A_771 : i32 to vector<16xi32>
      %add3A_773 = arith.addi %get3A_770, %add3A_772 : vector<16xi32>
      tpu.vector_store_idx %arg5[%add3A_773], %broadcast_in_dim3A_5 {add = true} : memref<26624xf32, #tpu.memory_space<vmem>>[vector<16xi32>], vector<16xf32>,
      %add3A_774 = arith.constant 272 : i32
      %add3A_775 = arith.addi %mul3A_654, %add3A_774 : i32
      %get3A_776 = arith.index_cast %add3A_775 : i32 to index
      %get3A_777 = tpu.vector_load %arg4[%get3A_776] {strides = array<i32>} : memref<45056xi32, #tpu.memory_space<vmem>>, vector<16xi32>,
      %add3A_778 = arith.constant 6656 : i32
      %add3A_779 = vector.broadcast %add3A_778 : i32 to vector<16xi32>
      %add3A_780 = arith.addi %get3A_777, %add3A_779 : vector<16xi32>
      tpu.vector_store_idx %arg5[%add3A_780], %broadcast_in_dim3A_5 {add = true} : memref<26624xf32, #tpu.memory_space<vmem>>[vector<16xi32>], vector<16xf32>,
      %add3A_781 = arith.constant 288 : i32
      %add3A_782 = arith.addi %mul3A_654, %add3A_781 : i32
      %get3A_783 = arith.index_cast %add3A_782 : i32 to index
      %get3A_784 = tpu.vector_load %arg4[%get3A_783] {strides = array<i32>} : memref<45056xi32, #tpu.memory_space<vmem>>, vector<16xi32>,
      %add3A_785 = arith.constant 6656 : i32
      %add3A_786 = vector.broadcast %add3A_785 : i32 to vector<16xi32>
      %add3A_787 = arith.addi %get3A_784, %add3A_786 : vector<16xi32>
      tpu.vector_store_idx %arg5[%add3A_787], %broadcast_in_dim3A_5 {add = true} : memref<26624xf32, #tpu.memory_space<vmem>>[vector<16xi32>], vector<16xf32>,
      %add3A_788 = arith.constant 304 : i32
      %add3A_789 = arith.addi %mul3A_654, %add3A_788 : i32
      %get3A_790 = arith.index_cast %add3A_789 : i32 to index
      %get3A_791 = tpu.vector_load %arg4[%get3A_790] {strides = array<i32>} : memref<45056xi32, #tpu.memory_space<vmem>>, vector<16xi32>,
      %add3A_792 = arith.constant 6656 : i32
      %add3A_793 = vector.broadcast %add3A_792 : i32 to vector<16xi32>
      %add3A_794 = arith.addi %get3A_791, %add3A_793 : vector<16xi32>
      tpu.vector_store_idx %arg5[%add3A_794], %broadcast_in_dim3A_5 {add = true} : memref<26624xf32, #tpu.memory_space<vmem>>[vector<16xi32>], vector<16xf32>,
      %add3A_795 = arith.constant 320 : i32
      %add3A_796 = arith.addi %mul3A_654, %add3A_795 : i32
      %get3A_797 = arith.index_cast %add3A_796 : i32 to index
      %get3A_798 = tpu.vector_load %arg4[%get3A_797] {strides = array<i32>} : memref<45056xi32, #tpu.memory_space<vmem>>, vector<16xi32>,
      %add3A_799 = arith.constant 6656 : i32
      %add3A_800 = vector.broadcast %add3A_799 : i32 to vector<16xi32>
      %add3A_801 = arith.addi %get3A_798, %add3A_800 : vector<16xi32>
      tpu.vector_store_idx %arg5[%add3A_801], %broadcast_in_dim3A_5 {add = true} : memref<26624xf32, #tpu.memory_space<vmem>>[vector<16xi32>], vector<16xf32>,
      %add3A_802 = arith.constant 336 : i32
      %add3A_803 = arith.addi %mul3A_654, %add3A_802 : i32
      %get3A_804 = arith.index_cast %add3A_803 : i32 to index
      %get3A_805 = tpu.vector_load %arg4[%get3A_804] {strides = array<i32>} : memref<45056xi32, #tpu.memory_space<vmem>>, vector<16xi32>,
      %add3A_806 = arith.constant 6656 : i32
      %add3A_807 = vector.broadcast %add3A_806 : i32 to vector<16xi32>
      %add3A_808 = arith.addi %get3A_805, %add3A_807 : vector<16xi32>
      tpu.vector_store_idx %arg5[%add3A_808], %broadcast_in_dim3A_5 {add = true} : memref<26624xf32, #tpu.memory_space<vmem>>[vector<16xi32>], vector<16xf32>,
      %add3A_809 = arith.constant 352 : i32
      %add3A_810 = arith.addi %mul3A_654, %add3A_809 : i32
      %get3A_811 = arith.index_cast %add3A_810 : i32 to index
      %get3A_812 = tpu.vector_load %arg4[%get3A_811] {strides = array<i32>} : memref<45056xi32, #tpu.memory_space<vmem>>, vector<16xi32>,
      %add3A_813 = arith.constant 6656 : i32
      %add3A_814 = vector.broadcast %add3A_813 : i32 to vector<16xi32>
      %add3A_815 = arith.addi %get3A_812, %add3A_814 : vector<16xi32>
      tpu.vector_store_idx %arg5[%add3A_815], %broadcast_in_dim3A_5 {add = true} : memref<26624xf32, #tpu.memory_space<vmem>>[vector<16xi32>], vector<16xf32>,
      %add3A_816 = arith.constant 368 : i32
      %add3A_817 = arith.addi %mul3A_654, %add3A_816 : i32
      %get3A_818 = arith.index_cast %add3A_817 : i32 to index
      %get3A_819 = tpu.vector_load %arg4[%get3A_818] {strides = array<i32>} : memref<45056xi32, #tpu.memory_space<vmem>>, vector<16xi32>,
      %add3A_820 = arith.constant 6656 : i32
      %add3A_821 = vector.broadcast %add3A_820 : i32 to vector<16xi32>
      %add3A_822 = arith.addi %get3A_819, %add3A_821 : vector<16xi32>
      tpu.vector_store_idx %arg5[%add3A_822], %broadcast_in_dim3A_5 {add = true} : memref<26624xf32, #tpu.memory_space<vmem>>[vector<16xi32>], vector<16xf32>,
      %add3A_823 = arith.constant 384 : i32
      %add3A_824 = arith.addi %mul3A_654, %add3A_823 : i32
      %get3A_825 = arith.index_cast %add3A_824 : i32 to index
      %get3A_826 = tpu.vector_load %arg4[%get3A_825] {strides = array<i32>} : memref<45056xi32, #tpu.memory_space<vmem>>, vector<16xi32>,
      %add3A_827 = arith.constant 6656 : i32
      %add3A_828 = vector.broadcast %add3A_827 : i32 to vector<16xi32>
      %add3A_829 = arith.addi %get3A_826, %add3A_828 : vector<16xi32>
      tpu.vector_store_idx %arg5[%add3A_829], %broadcast_in_dim3A_5 {add = true} : memref<26624xf32, #tpu.memory_space<vmem>>[vector<16xi32>], vector<16xf32>,
      %add3A_830 = arith.constant 400 : i32
      %add3A_831 = arith.addi %mul3A_654, %add3A_830 : i32
      %get3A_832 = arith.index_cast %add3A_831 : i32 to index
      %get3A_833 = tpu.vector_load %arg4[%get3A_832] {strides = array<i32>} : memref<45056xi32, #tpu.memory_space<vmem>>, vector<16xi32>,
      %add3A_834 = arith.constant 6656 : i32
      %add3A_835 = vector.broadcast %add3A_834 : i32 to vector<16xi32>
      %add3A_836 = arith.addi %get3A_833, %add3A_835 : vector<16xi32>
      tpu.vector_store_idx %arg5[%add3A_836], %broadcast_in_dim3A_5 {add = true} : memref<26624xf32, #tpu.memory_space<vmem>>[vector<16xi32>], vector<16xf32>,
      %add3A_837 = arith.constant 416 : i32
      %add3A_838 = arith.addi %mul3A_654, %add3A_837 : i32
      %get3A_839 = arith.index_cast %add3A_838 : i32 to index
      %get3A_840 = tpu.vector_load %arg4[%get3A_839] {strides = array<i32>} : memref<45056xi32, #tpu.memory_space<vmem>>, vector<16xi32>,
      %add3A_841 = arith.constant 6656 : i32
      %add3A_842 = vector.broadcast %add3A_841 : i32 to vector<16xi32>
      %add3A_843 = arith.addi %get3A_840, %add3A_842 : vector<16xi32>
      tpu.vector_store_idx %arg5[%add3A_843], %broadcast_in_dim3A_5 {add = true} : memref<26624xf32, #tpu.memory_space<vmem>>[vector<16xi32>], vector<16xf32>,
      %add3A_844 = arith.constant 432 : i32
      %add3A_845 = arith.addi %mul3A_654, %add3A_844 : i32
      %get3A_846 = arith.index_cast %add3A_845 : i32 to index
      %get3A_847 = tpu.vector_load %arg4[%get3A_846] {strides = array<i32>} : memref<45056xi32, #tpu.memory_space<vmem>>, vector<16xi32>,
      %add3A_848 = arith.constant 6656 : i32
      %add3A_849 = vector.broadcast %add3A_848 : i32 to vector<16xi32>
      %add3A_850 = arith.addi %get3A_847, %add3A_849 : vector<16xi32>
      tpu.vector_store_idx %arg5[%add3A_850], %broadcast_in_dim3A_5 {add = true} : memref<26624xf32, #tpu.memory_space<vmem>>[vector<16xi32>], vector<16xf32>,
      %add3A_851 = arith.constant 448 : i32
      %add3A_852 = arith.addi %mul3A_654, %add3A_851 : i32
      %get3A_853 = arith.index_cast %add3A_852 : i32 to index
      %get3A_854 = tpu.vector_load %arg4[%get3A_853] {strides = array<i32>} : memref<45056xi32, #tpu.memory_space<vmem>>, vector<16xi32>,
      %add3A_855 = arith.constant 6656 : i32
      %add3A_856 = vector.broadcast %add3A_855 : i32 to vector<16xi32>
      %add3A_857 = arith.addi %get3A_854, %add3A_856 : vector<16xi32>
      tpu.vector_store_idx %arg5[%add3A_857], %broadcast_in_dim3A_5 {add = true} : memref<26624xf32, #tpu.memory_space<vmem>>[vector<16xi32>], vector<16xf32>,
      %add3A_858 = arith.constant 464 : i32
      %add3A_859 = arith.addi %mul3A_654, %add3A_858 : i32
      %get3A_860 = arith.index_cast %add3A_859 : i32 to index
      %get3A_861 = tpu.vector_load %arg4[%get3A_860] {strides = array<i32>} : memref<45056xi32, #tpu.memory_space<vmem>>, vector<16xi32>,
      %add3A_862 = arith.constant 6656 : i32
      %add3A_863 = vector.broadcast %add3A_862 : i32 to vector<16xi32>
      %add3A_864 = arith.addi %get3A_861, %add3A_863 : vector<16xi32>
      tpu.vector_store_idx %arg5[%add3A_864], %broadcast_in_dim3A_5 {add = true} : memref<26624xf32, #tpu.memory_space<vmem>>[vector<16xi32>], vector<16xf32>,
      %add3A_865 = arith.constant 480 : i32
      %add3A_866 = arith.addi %mul3A_654, %add3A_865 : i32
      %get3A_867 = arith.index_cast %add3A_866 : i32 to index
      %get3A_868 = tpu.vector_load %arg4[%get3A_867] {strides = array<i32>} : memref<45056xi32, #tpu.memory_space<vmem>>, vector<16xi32>,
      %add3A_869 = arith.constant 6656 : i32
      %add3A_870 = vector.broadcast %add3A_869 : i32 to vector<16xi32>
      %add3A_871 = arith.addi %get3A_868, %add3A_870 : vector<16xi32>
      tpu.vector_store_idx %arg5[%add3A_871], %broadcast_in_dim3A_5 {add = true} : memref<26624xf32, #tpu.memory_space<vmem>>[vector<16xi32>], vector<16xf32>,
      %add3A_872 = arith.constant 496 : i32
      %add3A_873 = arith.addi %mul3A_654, %add3A_872 : i32
      %get3A_874 = arith.index_cast %add3A_873 : i32 to index
      %get3A_875 = tpu.vector_load %arg4[%get3A_874] {strides = array<i32>} : memref<45056xi32, #tpu.memory_space<vmem>>, vector<16xi32>,
      %add3A_876 = arith.constant 6656 : i32
      %add3A_877 = vector.broadcast %add3A_876 : i32 to vector<16xi32>
      %add3A_878 = arith.addi %get3A_875, %add3A_877 : vector<16xi32>
      tpu.vector_store_idx %arg5[%add3A_878], %broadcast_in_dim3A_5 {add = true} : memref<26624xf32, #tpu.memory_space<vmem>>[vector<16xi32>], vector<16xf32>,
      %add3A_879 = arith.constant 512 : i32
      %add3A_880 = arith.addi %mul3A_654, %add3A_879 : i32
      %get3A_881 = arith.index_cast %add3A_880 : i32 to index
      %get3A_882 = tpu.vector_load %arg4[%get3A_881] {strides = array<i32>} : memref<45056xi32, #tpu.memory_space<vmem>>, vector<16xi32>,
      %add3A_883 = arith.constant 6656 : i32
      %add3A_884 = vector.broadcast %add3A_883 : i32 to vector<16xi32>
      %add3A_885 = arith.addi %get3A_882, %add3A_884 : vector<16xi32>
      tpu.vector_store_idx %arg5[%add3A_885], %broadcast_in_dim3A_5 {add = true} : memref<26624xf32, #tpu.memory_space<vmem>>[vector<16xi32>], vector<16xf32>,
      %add3A_886 = arith.constant 528 : i32
      %add3A_887 = arith.addi %mul3A_654, %add3A_886 : i32
      %get3A_888 = arith.index_cast %add3A_887 : i32 to index
      %get3A_889 = tpu.vector_load %arg4[%get3A_888] {strides = array<i32>} : memref<45056xi32, #tpu.memory_space<vmem>>, vector<16xi32>,
      %add3A_890 = arith.constant 6656 : i32
      %add3A_891 = vector.broadcast %add3A_890 : i32 to vector<16xi32>
      %add3A_892 = arith.addi %get3A_889, %add3A_891 : vector<16xi32>
      tpu.vector_store_idx %arg5[%add3A_892], %broadcast_in_dim3A_5 {add = true} : memref<26624xf32, #tpu.memory_space<vmem>>[vector<16xi32>], vector<16xf32>,
      %add3A_893 = arith.constant 544 : i32
      %add3A_894 = arith.addi %mul3A_654, %add3A_893 : i32
      %get3A_895 = arith.index_cast %add3A_894 : i32 to index
      %get3A_896 = tpu.vector_load %arg4[%get3A_895] {strides = array<i32>} : memref<45056xi32, #tpu.memory_space<vmem>>, vector<16xi32>,
      %add3A_897 = arith.constant 6656 : i32
      %add3A_898 = vector.broadcast %add3A_897 : i32 to vector<16xi32>
      %add3A_899 = arith.addi %get3A_896, %add3A_898 : vector<16xi32>
      tpu.vector_store_idx %arg5[%add3A_899], %broadcast_in_dim3A_5 {add = true} : memref<26624xf32, #tpu.memory_space<vmem>>[vector<16xi32>], vector<16xf32>,
      %add3A_900 = arith.constant 560 : i32
      %add3A_901 = arith.addi %mul3A_654, %add3A_900 : i32
      %get3A_902 = arith.index_cast %add3A_901 : i32 to index
      %get3A_903 = tpu.vector_load %arg4[%get3A_902] {strides = array<i32>} : memref<45056xi32, #tpu.memory_space<vmem>>, vector<16xi32>,
      %add3A_904 = arith.constant 6656 : i32
      %add3A_905 = vector.broadcast %add3A_904 : i32 to vector<16xi32>
      %add3A_906 = arith.addi %get3A_903, %add3A_905 : vector<16xi32>
      tpu.vector_store_idx %arg5[%add3A_906], %broadcast_in_dim3A_5 {add = true} : memref<26624xf32, #tpu.memory_space<vmem>>[vector<16xi32>], vector<16xf32>,
      %add3A_907 = arith.constant 576 : i32
      %add3A_908 = arith.addi %mul3A_654, %add3A_907 : i32
      %get3A_909 = arith.index_cast %add3A_908 : i32 to index
      %get3A_910 = tpu.vector_load %arg4[%get3A_909] {strides = array<i32>} : memref<45056xi32, #tpu.memory_space<vmem>>, vector<16xi32>,
      %add3A_911 = arith.constant 6656 : i32
      %add3A_912 = vector.broadcast %add3A_911 : i32 to vector<16xi32>
      %add3A_913 = arith.addi %get3A_910, %add3A_912 : vector<16xi32>
      tpu.vector_store_idx %arg5[%add3A_913], %broadcast_in_dim3A_5 {add = true} : memref<26624xf32, #tpu.memory_space<vmem>>[vector<16xi32>], vector<16xf32>,
      %add3A_914 = arith.constant 592 : i32
      %add3A_915 = arith.addi %mul3A_654, %add3A_914 : i32
      %get3A_916 = arith.index_cast %add3A_915 : i32 to index
      %get3A_917 = tpu.vector_load %arg4[%get3A_916] {strides = array<i32>} : memref<45056xi32, #tpu.memory_space<vmem>>, vector<16xi32>,
      %add3A_918 = arith.constant 6656 : i32
      %add3A_919 = vector.broadcast %add3A_918 : i32 to vector<16xi32>
      %add3A_920 = arith.addi %get3A_917, %add3A_919 : vector<16xi32>
      tpu.vector_store_idx %arg5[%add3A_920], %broadcast_in_dim3A_5 {add = true} : memref<26624xf32, #tpu.memory_space<vmem>>[vector<16xi32>], vector<16xf32>,
      %add3A_921 = arith.constant 608 : i32
      %add3A_922 = arith.addi %mul3A_654, %add3A_921 : i32
      %get3A_923 = arith.index_cast %add3A_922 : i32 to index
      %get3A_924 = tpu.vector_load %arg4[%get3A_923] {strides = array<i32>} : memref<45056xi32, #tpu.memory_space<vmem>>, vector<16xi32>,
      %add3A_925 = arith.constant 6656 : i32
      %add3A_926 = vector.broadcast %add3A_925 : i32 to vector<16xi32>
      %add3A_927 = arith.addi %get3A_924, %add3A_926 : vector<16xi32>
      tpu.vector_store_idx %arg5[%add3A_927], %broadcast_in_dim3A_5 {add = true} : memref<26624xf32, #tpu.memory_space<vmem>>[vector<16xi32>], vector<16xf32>,
      %add3A_928 = arith.constant 624 : i32
      %add3A_929 = arith.addi %mul3A_654, %add3A_928 : i32
      %get3A_930 = arith.index_cast %add3A_929 : i32 to index
      %get3A_931 = tpu.vector_load %arg4[%get3A_930] {strides = array<i32>} : memref<45056xi32, #tpu.memory_space<vmem>>, vector<16xi32>,
      %add3A_932 = arith.constant 6656 : i32
      %add3A_933 = vector.broadcast %add3A_932 : i32 to vector<16xi32>
      %add3A_934 = arith.addi %get3A_931, %add3A_933 : vector<16xi32>
      tpu.vector_store_idx %arg5[%add3A_934], %broadcast_in_dim3A_5 {add = true} : memref<26624xf32, #tpu.memory_space<vmem>>[vector<16xi32>], vector<16xf32>,
      %add3A_935 = arith.constant 640 : i32
      %add3A_936 = arith.addi %mul3A_654, %add3A_935 : i32
      %get3A_937 = arith.index_cast %add3A_936 : i32 to index
      %get3A_938 = tpu.vector_load %arg4[%get3A_937] {strides = array<i32>} : memref<45056xi32, #tpu.memory_space<vmem>>, vector<16xi32>,
      %add3A_939 = arith.constant 6656 : i32
      %add3A_940 = vector.broadcast %add3A_939 : i32 to vector<16xi32>
      %add3A_941 = arith.addi %get3A_938, %add3A_940 : vector<16xi32>
      tpu.vector_store_idx %arg5[%add3A_941], %broadcast_in_dim3A_5 {add = true} : memref<26624xf32, #tpu.memory_space<vmem>>[vector<16xi32>], vector<16xf32>,
      %add3A_942 = arith.constant 656 : i32
      %add3A_943 = arith.addi %mul3A_654, %add3A_942 : i32
      %get3A_944 = arith.index_cast %add3A_943 : i32 to index
      %get3A_945 = tpu.vector_load %arg4[%get3A_944] {strides = array<i32>} : memref<45056xi32, #tpu.memory_space<vmem>>, vector<16xi32>,
      %add3A_946 = arith.constant 6656 : i32
      %add3A_947 = vector.broadcast %add3A_946 : i32 to vector<16xi32>
      %add3A_948 = arith.addi %get3A_945, %add3A_947 : vector<16xi32>
      tpu.vector_store_idx %arg5[%add3A_948], %broadcast_in_dim3A_5 {add = true} : memref<26624xf32, #tpu.memory_space<vmem>>[vector<16xi32>], vector<16xf32>,
      %add3A_949 = arith.constant 672 : i32
      %add3A_950 = arith.addi %mul3A_654, %add3A_949 : i32
      %get3A_951 = arith.index_cast %add3A_950 : i32 to index
      %get3A_952 = tpu.vector_load %arg4[%get3A_951] {strides = array<i32>} : memref<45056xi32, #tpu.memory_space<vmem>>, vector<16xi32>,
      %add3A_953 = arith.constant 6656 : i32
      %add3A_954 = vector.broadcast %add3A_953 : i32 to vector<16xi32>
      %add3A_955 = arith.addi %get3A_952, %add3A_954 : vector<16xi32>
      tpu.vector_store_idx %arg5[%add3A_955], %broadcast_in_dim3A_5 {add = true} : memref<26624xf32, #tpu.memory_space<vmem>>[vector<16xi32>], vector<16xf32>,
      %add3A_956 = arith.constant 688 : i32
      %add3A_957 = arith.addi %mul3A_654, %add3A_956 : i32
      %get3A_958 = arith.index_cast %add3A_957 : i32 to index
      %get3A_959 = tpu.vector_load %arg4[%get3A_958] {strides = array<i32>} : memref<45056xi32, #tpu.memory_space<vmem>>, vector<16xi32>,
      %add3A_960 = arith.constant 6656 : i32
      %add3A_961 = vector.broadcast %add3A_960 : i32 to vector<16xi32>
      %add3A_962 = arith.addi %get3A_959, %add3A_961 : vector<16xi32>
      tpu.vector_store_idx %arg5[%add3A_962], %broadcast_in_dim3A_5 {add = true} : memref<26624xf32, #tpu.memory_space<vmem>>[vector<16xi32>], vector<16xf32>,
      %add3A_963 = arith.constant 704 : i32
      %add3A_964 = arith.addi %mul3A_654, %add3A_963 : i32
      %get3A_965 = arith.index_cast %add3A_964 : i32 to index
      %get3A_966 = tpu.vector_load %arg4[%get3A_965] {strides = array<i32>} : memref<45056xi32, #tpu.memory_space<vmem>>, vector<16xi32>,
      %add3A_967 = arith.constant 6656 : i32
      %add3A_968 = vector.broadcast %add3A_967 : i32 to vector<16xi32>
      %add3A_969 = arith.addi %get3A_966, %add3A_968 : vector<16xi32>
      tpu.vector_store_idx %arg5[%add3A_969], %broadcast_in_dim3A_5 {add = true} : memref<26624xf32, #tpu.memory_space<vmem>>[vector<16xi32>], vector<16xf32>,
      %add3A_970 = arith.constant 720 : i32
      %add3A_971 = arith.addi %mul3A_654, %add3A_970 : i32
      %get3A_972 = arith.index_cast %add3A_971 : i32 to index
      %get3A_973 = tpu.vector_load %arg4[%get3A_972] {strides = array<i32>} : memref<45056xi32, #tpu.memory_space<vmem>>, vector<16xi32>,
      %add3A_974 = arith.constant 6656 : i32
      %add3A_975 = vector.broadcast %add3A_974 : i32 to vector<16xi32>
      %add3A_976 = arith.addi %get3A_973, %add3A_975 : vector<16xi32>
      tpu.vector_store_idx %arg5[%add3A_976], %broadcast_in_dim3A_5 {add = true} : memref<26624xf32, #tpu.memory_space<vmem>>[vector<16xi32>], vector<16xf32>,
      %add3A_977 = arith.constant 736 : i32
      %add3A_978 = arith.addi %mul3A_654, %add3A_977 : i32
      %get3A_979 = arith.index_cast %add3A_978 : i32 to index
      %get3A_980 = tpu.vector_load %arg4[%get3A_979] {strides = array<i32>} : memref<45056xi32, #tpu.memory_space<vmem>>, vector<16xi32>,
      %add3A_981 = arith.constant 6656 : i32
      %add3A_982 = vector.broadcast %add3A_981 : i32 to vector<16xi32>
      %add3A_983 = arith.addi %get3A_980, %add3A_982 : vector<16xi32>
      tpu.vector_store_idx %arg5[%add3A_983], %broadcast_in_dim3A_5 {add = true} : memref<26624xf32, #tpu.memory_space<vmem>>[vector<16xi32>], vector<16xf32>,
      %add3A_984 = arith.constant 752 : i32
      %add3A_985 = arith.addi %mul3A_654, %add3A_984 : i32
      %get3A_986 = arith.index_cast %add3A_985 : i32 to index
      %get3A_987 = tpu.vector_load %arg4[%get3A_986] {strides = array<i32>} : memref<45056xi32, #tpu.memory_space<vmem>>, vector<16xi32>,
      %add3A_988 = arith.constant 6656 : i32
      %add3A_989 = vector.broadcast %add3A_988 : i32 to vector<16xi32>
      %add3A_990 = arith.addi %get3A_987, %add3A_989 : vector<16xi32>
      tpu.vector_store_idx %arg5[%add3A_990], %broadcast_in_dim3A_5 {add = true} : memref<26624xf32, #tpu.memory_space<vmem>>[vector<16xi32>], vector<16xf32>,
      %add3A_991 = arith.constant 768 : i32
      %add3A_992 = arith.addi %mul3A_654, %add3A_991 : i32
      %get3A_993 = arith.index_cast %add3A_992 : i32 to index
      %get3A_994 = tpu.vector_load %arg4[%get3A_993] {strides = array<i32>} : memref<45056xi32, #tpu.memory_space<vmem>>, vector<16xi32>,
      %add3A_995 = arith.constant 6656 : i32
      %add3A_996 = vector.broadcast %add3A_995 : i32 to vector<16xi32>
      %add3A_997 = arith.addi %get3A_994, %add3A_996 : vector<16xi32>
      tpu.vector_store_idx %arg5[%add3A_997], %broadcast_in_dim3A_5 {add = true} : memref<26624xf32, #tpu.memory_space<vmem>>[vector<16xi32>], vector<16xf32>,
      %add3A_998 = arith.constant 784 : i32
      %add3A_999 = arith.addi %mul3A_654, %add3A_998 : i32
      %get3A_1000 = arith.index_cast %add3A_999 : i32 to index
      %get3A_1001 = tpu.vector_load %arg4[%get3A_1000] {strides = array<i32>} : memref<45056xi32, #tpu.memory_space<vmem>>, vector<16xi32>,
      %add3A_1002 = arith.constant 6656 : i32
      %add3A_1003 = vector.broadcast %add3A_1002 : i32 to vector<16xi32>
      %add3A_1004 = arith.addi %get3A_1001, %add3A_1003 : vector<16xi32>
      tpu.vector_store_idx %arg5[%add3A_1004], %broadcast_in_dim3A_5 {add = true} : memref<26624xf32, #tpu.memory_space<vmem>>[vector<16xi32>], vector<16xf32>,
      %add3A_1005 = arith.constant 800 : i32
      %add3A_1006 = arith.addi %mul3A_654, %add3A_1005 : i32
      %get3A_1007 = arith.index_cast %add3A_1006 : i32 to index
      %get3A_1008 = tpu.vector_load %arg4[%get3A_1007] {strides = array<i32>} : memref<45056xi32, #tpu.memory_space<vmem>>, vector<16xi32>,
      %add3A_1009 = arith.constant 6656 : i32
      %add3A_1010 = vector.broadcast %add3A_1009 : i32 to vector<16xi32>
      %add3A_1011 = arith.addi %get3A_1008, %add3A_1010 : vector<16xi32>
      tpu.vector_store_idx %arg5[%add3A_1011], %broadcast_in_dim3A_5 {add = true} : memref<26624xf32, #tpu.memory_space<vmem>>[vector<16xi32>], vector<16xf32>,
      %add3A_1012 = arith.constant 816 : i32
      %add3A_1013 = arith.addi %mul3A_654, %add3A_1012 : i32
      %get3A_1014 = arith.index_cast %add3A_1013 : i32 to index
      %get3A_1015 = tpu.vector_load %arg4[%get3A_1014] {strides = array<i32>} : memref<45056xi32, #tpu.memory_space<vmem>>, vector<16xi32>,
      %add3A_1016 = arith.constant 6656 : i32
      %add3A_1017 = vector.broadcast %add3A_1016 : i32 to vector<16xi32>
      %add3A_1018 = arith.addi %get3A_1015, %add3A_1017 : vector<16xi32>
      tpu.vector_store_idx %arg5[%add3A_1018], %broadcast_in_dim3A_5 {add = true} : memref<26624xf32, #tpu.memory_space<vmem>>[vector<16xi32>], vector<16xf32>,
      %add3A_1019 = arith.constant 832 : i32
      %add3A_1020 = arith.addi %mul3A_654, %add3A_1019 : i32
      %get3A_1021 = arith.index_cast %add3A_1020 : i32 to index
      %get3A_1022 = tpu.vector_load %arg4[%get3A_1021] {strides = array<i32>} : memref<45056xi32, #tpu.memory_space<vmem>>, vector<16xi32>,
      %add3A_1023 = arith.constant 6656 : i32
      %add3A_1024 = vector.broadcast %add3A_1023 : i32 to vector<16xi32>
      %add3A_1025 = arith.addi %get3A_1022, %add3A_1024 : vector<16xi32>
      tpu.vector_store_idx %arg5[%add3A_1025], %broadcast_in_dim3A_5 {add = true} : memref<26624xf32, #tpu.memory_space<vmem>>[vector<16xi32>], vector<16xf32>,
      %add3A_1026 = arith.constant 848 : i32
      %add3A_1027 = arith.addi %mul3A_654, %add3A_1026 : i32
      %get3A_1028 = arith.index_cast %add3A_1027 : i32 to index
      %get3A_1029 = tpu.vector_load %arg4[%get3A_1028] {strides = array<i32>} : memref<45056xi32, #tpu.memory_space<vmem>>, vector<16xi32>,
      %add3A_1030 = arith.constant 6656 : i32
      %add3A_1031 = vector.broadcast %add3A_1030 : i32 to vector<16xi32>
      %add3A_1032 = arith.addi %get3A_1029, %add3A_1031 : vector<16xi32>
      tpu.vector_store_idx %arg5[%add3A_1032], %broadcast_in_dim3A_5 {add = true} : memref<26624xf32, #tpu.memory_space<vmem>>[vector<16xi32>], vector<16xf32>,
      %add3A_1033 = arith.constant 864 : i32
      %add3A_1034 = arith.addi %mul3A_654, %add3A_1033 : i32
      %get3A_1035 = arith.index_cast %add3A_1034 : i32 to index
      %get3A_1036 = tpu.vector_load %arg4[%get3A_1035] {strides = array<i32>} : memref<45056xi32, #tpu.memory_space<vmem>>, vector<16xi32>,
      %add3A_1037 = arith.constant 6656 : i32
      %add3A_1038 = vector.broadcast %add3A_1037 : i32 to vector<16xi32>
      %add3A_1039 = arith.addi %get3A_1036, %add3A_1038 : vector<16xi32>
      tpu.vector_store_idx %arg5[%add3A_1039], %broadcast_in_dim3A_5 {add = true} : memref<26624xf32, #tpu.memory_space<vmem>>[vector<16xi32>], vector<16xf32>,
      %add3A_1040 = arith.constant 880 : i32
      %add3A_1041 = arith.addi %mul3A_654, %add3A_1040 : i32
      %get3A_1042 = arith.index_cast %add3A_1041 : i32 to index
      %get3A_1043 = tpu.vector_load %arg4[%get3A_1042] {strides = array<i32>} : memref<45056xi32, #tpu.memory_space<vmem>>, vector<16xi32>,
      %add3A_1044 = arith.constant 6656 : i32
      %add3A_1045 = vector.broadcast %add3A_1044 : i32 to vector<16xi32>
      %add3A_1046 = arith.addi %get3A_1043, %add3A_1045 : vector<16xi32>
      tpu.vector_store_idx %arg5[%add3A_1046], %broadcast_in_dim3A_5 {add = true} : memref<26624xf32, #tpu.memory_space<vmem>>[vector<16xi32>], vector<16xf32>,
      %add3A_1047 = arith.constant 896 : i32
      %add3A_1048 = arith.addi %mul3A_654, %add3A_1047 : i32
      %get3A_1049 = arith.index_cast %add3A_1048 : i32 to index
      %get3A_1050 = tpu.vector_load %arg4[%get3A_1049] {strides = array<i32>} : memref<45056xi32, #tpu.memory_space<vmem>>, vector<16xi32>,
      %add3A_1051 = arith.constant 6656 : i32
      %add3A_1052 = vector.broadcast %add3A_1051 : i32 to vector<16xi32>
      %add3A_1053 = arith.addi %get3A_1050, %add3A_1052 : vector<16xi32>
      tpu.vector_store_idx %arg5[%add3A_1053], %broadcast_in_dim3A_5 {add = true} : memref<26624xf32, #tpu.memory_space<vmem>>[vector<16xi32>], vector<16xf32>,
      %add3A_1054 = arith.constant 912 : i32
      %add3A_1055 = arith.addi %mul3A_654, %add3A_1054 : i32
      %get3A_1056 = arith.index_cast %add3A_1055 : i32 to index
      %get3A_1057 = tpu.vector_load %arg4[%get3A_1056] {strides = array<i32>} : memref<45056xi32, #tpu.memory_space<vmem>>, vector<16xi32>,
      %add3A_1058 = arith.constant 6656 : i32
      %add3A_1059 = vector.broadcast %add3A_1058 : i32 to vector<16xi32>
      %add3A_1060 = arith.addi %get3A_1057, %add3A_1059 : vector<16xi32>
      tpu.vector_store_idx %arg5[%add3A_1060], %broadcast_in_dim3A_5 {add = true} : memref<26624xf32, #tpu.memory_space<vmem>>[vector<16xi32>], vector<16xf32>,
      %add3A_1061 = arith.constant 928 : i32
      %add3A_1062 = arith.addi %mul3A_654, %add3A_1061 : i32
      %get3A_1063 = arith.index_cast %add3A_1062 : i32 to index
      %get3A_1064 = tpu.vector_load %arg4[%get3A_1063] {strides = array<i32>} : memref<45056xi32, #tpu.memory_space<vmem>>, vector<16xi32>,
      %add3A_1065 = arith.constant 6656 : i32
      %add3A_1066 = vector.broadcast %add3A_1065 : i32 to vector<16xi32>
      %add3A_1067 = arith.addi %get3A_1064, %add3A_1066 : vector<16xi32>
      tpu.vector_store_idx %arg5[%add3A_1067], %broadcast_in_dim3A_5 {add = true} : memref<26624xf32, #tpu.memory_space<vmem>>[vector<16xi32>], vector<16xf32>,
      %add3A_1068 = arith.constant 944 : i32
      %add3A_1069 = arith.addi %mul3A_654, %add3A_1068 : i32
      %get3A_1070 = arith.index_cast %add3A_1069 : i32 to index
      %get3A_1071 = tpu.vector_load %arg4[%get3A_1070] {strides = array<i32>} : memref<45056xi32, #tpu.memory_space<vmem>>, vector<16xi32>,
      %add3A_1072 = arith.constant 6656 : i32
      %add3A_1073 = vector.broadcast %add3A_1072 : i32 to vector<16xi32>
      %add3A_1074 = arith.addi %get3A_1071, %add3A_1073 : vector<16xi32>
      tpu.vector_store_idx %arg5[%add3A_1074], %broadcast_in_dim3A_5 {add = true} : memref<26624xf32, #tpu.memory_space<vmem>>[vector<16xi32>], vector<16xf32>,
      %add3A_1075 = arith.constant 960 : i32
      %add3A_1076 = arith.addi %mul3A_654, %add3A_1075 : i32
      %get3A_1077 = arith.index_cast %add3A_1076 : i32 to index
      %get3A_1078 = tpu.vector_load %arg4[%get3A_1077] {strides = array<i32>} : memref<45056xi32, #tpu.memory_space<vmem>>, vector<16xi32>,
      %add3A_1079 = arith.constant 6656 : i32
      %add3A_1080 = vector.broadcast %add3A_1079 : i32 to vector<16xi32>
      %add3A_1081 = arith.addi %get3A_1078, %add3A_1080 : vector<16xi32>
      tpu.vector_store_idx %arg5[%add3A_1081], %broadcast_in_dim3A_5 {add = true} : memref<26624xf32, #tpu.memory_space<vmem>>[vector<16xi32>], vector<16xf32>,
      %add3A_1082 = arith.constant 976 : i32
      %add3A_1083 = arith.addi %mul3A_654, %add3A_1082 : i32
      %get3A_1084 = arith.index_cast %add3A_1083 : i32 to index
      %get3A_1085 = tpu.vector_load %arg4[%get3A_1084] {strides = array<i32>} : memref<45056xi32, #tpu.memory_space<vmem>>, vector<16xi32>,
      %add3A_1086 = arith.constant 6656 : i32
      %add3A_1087 = vector.broadcast %add3A_1086 : i32 to vector<16xi32>
      %add3A_1088 = arith.addi %get3A_1085, %add3A_1087 : vector<16xi32>
      tpu.vector_store_idx %arg5[%add3A_1088], %broadcast_in_dim3A_5 {add = true} : memref<26624xf32, #tpu.memory_space<vmem>>[vector<16xi32>], vector<16xf32>,
      %add3A_1089 = arith.constant 992 : i32
      %add3A_1090 = arith.addi %mul3A_654, %add3A_1089 : i32
      %get3A_1091 = arith.index_cast %add3A_1090 : i32 to index
      %get3A_1092 = tpu.vector_load %arg4[%get3A_1091] {strides = array<i32>} : memref<45056xi32, #tpu.memory_space<vmem>>, vector<16xi32>,
      %add3A_1093 = arith.constant 6656 : i32
      %add3A_1094 = vector.broadcast %add3A_1093 : i32 to vector<16xi32>
      %add3A_1095 = arith.addi %get3A_1092, %add3A_1094 : vector<16xi32>
      tpu.vector_store_idx %arg5[%add3A_1095], %broadcast_in_dim3A_5 {add = true} : memref<26624xf32, #tpu.memory_space<vmem>>[vector<16xi32>], vector<16xf32>,
      %add3A_1096 = arith.constant 1008 : i32
      %add3A_1097 = arith.addi %mul3A_654, %add3A_1096 : i32
      %get3A_1098 = arith.index_cast %add3A_1097 : i32 to index
      %get3A_1099 = tpu.vector_load %arg4[%get3A_1098] {strides = array<i32>} : memref<45056xi32, #tpu.memory_space<vmem>>, vector<16xi32>,
      %add3A_1100 = arith.constant 6656 : i32
      %add3A_1101 = vector.broadcast %add3A_1100 : i32 to vector<16xi32>
      %add3A_1102 = arith.addi %get3A_1099, %add3A_1101 : vector<16xi32>
      tpu.vector_store_idx %arg5[%add3A_1102], %broadcast_in_dim3A_5 {add = true} : memref<26624xf32, #tpu.memory_space<vmem>>[vector<16xi32>], vector<16xf32>,
      %add3A_1103 = arith.constant 1024 : i32
      %add3A_1104 = arith.addi %mul3A_654, %add3A_1103 : i32
      %get3A_1105 = arith.index_cast %add3A_1104 : i32 to index
      %get3A_1106 = tpu.vector_load %arg4[%get3A_1105] {strides = array<i32>} : memref<45056xi32, #tpu.memory_space<vmem>>, vector<16xi32>,
      %add3A_1107 = arith.constant 6656 : i32
      %add3A_1108 = vector.broadcast %add3A_1107 : i32 to vector<16xi32>
      %add3A_1109 = arith.addi %get3A_1106, %add3A_1108 : vector<16xi32>
      tpu.vector_store_idx %arg5[%add3A_1109], %broadcast_in_dim3A_5 {add = true} : memref<26624xf32, #tpu.memory_space<vmem>>[vector<16xi32>], vector<16xf32>,
      %add3A_1110 = arith.constant 1040 : i32
      %add3A_1111 = arith.addi %mul3A_654, %add3A_1110 : i32
      %get3A_1112 = arith.index_cast %add3A_1111 : i32 to index
      %get3A_1113 = tpu.vector_load %arg4[%get3A_1112] {strides = array<i32>} : memref<45056xi32, #tpu.memory_space<vmem>>, vector<16xi32>,
      %add3A_1114 = arith.constant 6656 : i32
      %add3A_1115 = vector.broadcast %add3A_1114 : i32 to vector<16xi32>
      %add3A_1116 = arith.addi %get3A_1113, %add3A_1115 : vector<16xi32>
      tpu.vector_store_idx %arg5[%add3A_1116], %broadcast_in_dim3A_5 {add = true} : memref<26624xf32, #tpu.memory_space<vmem>>[vector<16xi32>], vector<16xf32>,
      %add3A_1117 = arith.constant 1056 : i32
      %add3A_1118 = arith.addi %mul3A_654, %add3A_1117 : i32
      %get3A_1119 = arith.index_cast %add3A_1118 : i32 to index
      %get3A_1120 = tpu.vector_load %arg4[%get3A_1119] {strides = array<i32>} : memref<45056xi32, #tpu.memory_space<vmem>>, vector<16xi32>,
      %add3A_1121 = arith.constant 6656 : i32
      %add3A_1122 = vector.broadcast %add3A_1121 : i32 to vector<16xi32>
      %add3A_1123 = arith.addi %get3A_1120, %add3A_1122 : vector<16xi32>
      tpu.vector_store_idx %arg5[%add3A_1123], %broadcast_in_dim3A_5 {add = true} : memref<26624xf32, #tpu.memory_space<vmem>>[vector<16xi32>], vector<16xf32>,
      %add3A_1124 = arith.constant 1072 : i32
      %add3A_1125 = arith.addi %mul3A_654, %add3A_1124 : i32
      %get3A_1126 = arith.index_cast %add3A_1125 : i32 to index
      %get3A_1127 = tpu.vector_load %arg4[%get3A_1126] {strides = array<i32>} : memref<45056xi32, #tpu.memory_space<vmem>>, vector<16xi32>,
      %add3A_1128 = arith.constant 6656 : i32
      %add3A_1129 = vector.broadcast %add3A_1128 : i32 to vector<16xi32>
      %add3A_1130 = arith.addi %get3A_1127, %add3A_1129 : vector<16xi32>
      tpu.vector_store_idx %arg5[%add3A_1130], %broadcast_in_dim3A_5 {add = true} : memref<26624xf32, #tpu.memory_space<vmem>>[vector<16xi32>], vector<16xf32>,
      %add3A_1131 = arith.constant 1088 : i32
      %add3A_1132 = arith.addi %mul3A_654, %add3A_1131 : i32
      %get3A_1133 = arith.index_cast %add3A_1132 : i32 to index
      %get3A_1134 = tpu.vector_load %arg4[%get3A_1133] {strides = array<i32>} : memref<45056xi32, #tpu.memory_space<vmem>>, vector<16xi32>,
      %add3A_1135 = arith.constant 6656 : i32
      %add3A_1136 = vector.broadcast %add3A_1135 : i32 to vector<16xi32>
      %add3A_1137 = arith.addi %get3A_1134, %add3A_1136 : vector<16xi32>
      tpu.vector_store_idx %arg5[%add3A_1137], %broadcast_in_dim3A_5 {add = true} : memref<26624xf32, #tpu.memory_space<vmem>>[vector<16xi32>], vector<16xf32>,
      %add3A_1138 = arith.constant 1104 : i32
      %add3A_1139 = arith.addi %mul3A_654, %add3A_1138 : i32
      %get3A_1140 = arith.index_cast %add3A_1139 : i32 to index
      %get3A_1141 = tpu.vector_load %arg4[%get3A_1140] {strides = array<i32>} : memref<45056xi32, #tpu.memory_space<vmem>>, vector<16xi32>,
      %add3A_1142 = arith.constant 6656 : i32
      %add3A_1143 = vector.broadcast %add3A_1142 : i32 to vector<16xi32>
      %add3A_1144 = arith.addi %get3A_1141, %add3A_1143 : vector<16xi32>
      tpu.vector_store_idx %arg5[%add3A_1144], %broadcast_in_dim3A_5 {add = true} : memref<26624xf32, #tpu.memory_space<vmem>>[vector<16xi32>], vector<16xf32>,
      %add3A_1145 = arith.constant 1120 : i32
      %add3A_1146 = arith.addi %mul3A_654, %add3A_1145 : i32
      %get3A_1147 = arith.index_cast %add3A_1146 : i32 to index
      %get3A_1148 = tpu.vector_load %arg4[%get3A_1147] {strides = array<i32>} : memref<45056xi32, #tpu.memory_space<vmem>>, vector<16xi32>,
      %add3A_1149 = arith.constant 6656 : i32
      %add3A_1150 = vector.broadcast %add3A_1149 : i32 to vector<16xi32>
      %add3A_1151 = arith.addi %get3A_1148, %add3A_1150 : vector<16xi32>
      tpu.vector_store_idx %arg5[%add3A_1151], %broadcast_in_dim3A_5 {add = true} : memref<26624xf32, #tpu.memory_space<vmem>>[vector<16xi32>], vector<16xf32>,
      %add3A_1152 = arith.constant 1136 : i32
      %add3A_1153 = arith.addi %mul3A_654, %add3A_1152 : i32
      %get3A_1154 = arith.index_cast %add3A_1153 : i32 to index
      %get3A_1155 = tpu.vector_load %arg4[%get3A_1154] {strides = array<i32>} : memref<45056xi32, #tpu.memory_space<vmem>>, vector<16xi32>,
      %add3A_1156 = arith.constant 6656 : i32
      %add3A_1157 = vector.broadcast %add3A_1156 : i32 to vector<16xi32>
      %add3A_1158 = arith.addi %get3A_1155, %add3A_1157 : vector<16xi32>
      tpu.vector_store_idx %arg5[%add3A_1158], %broadcast_in_dim3A_5 {add = true} : memref<26624xf32, #tpu.memory_space<vmem>>[vector<16xi32>], vector<16xf32>,
      %add3A_1159 = arith.constant 1152 : i32
      %add3A_1160 = arith.addi %mul3A_654, %add3A_1159 : i32
      %get3A_1161 = arith.index_cast %add3A_1160 : i32 to index
      %get3A_1162 = tpu.vector_load %arg4[%get3A_1161] {strides = array<i32>} : memref<45056xi32, #tpu.memory_space<vmem>>, vector<16xi32>,
      %add3A_1163 = arith.constant 6656 : i32
      %add3A_1164 = vector.broadcast %add3A_1163 : i32 to vector<16xi32>
      %add3A_1165 = arith.addi %get3A_1162, %add3A_1164 : vector<16xi32>
      tpu.vector_store_idx %arg5[%add3A_1165], %broadcast_in_dim3A_5 {add = true} : memref<26624xf32, #tpu.memory_space<vmem>>[vector<16xi32>], vector<16xf32>,
      %add3A_1166 = arith.constant 1168 : i32
      %add3A_1167 = arith.addi %mul3A_654, %add3A_1166 : i32
      %get3A_1168 = arith.index_cast %add3A_1167 : i32 to index
      %get3A_1169 = tpu.vector_load %arg4[%get3A_1168] {strides = array<i32>} : memref<45056xi32, #tpu.memory_space<vmem>>, vector<16xi32>,
      %add3A_1170 = arith.constant 6656 : i32
      %add3A_1171 = vector.broadcast %add3A_1170 : i32 to vector<16xi32>
      %add3A_1172 = arith.addi %get3A_1169, %add3A_1171 : vector<16xi32>
      tpu.vector_store_idx %arg5[%add3A_1172], %broadcast_in_dim3A_5 {add = true} : memref<26624xf32, #tpu.memory_space<vmem>>[vector<16xi32>], vector<16xf32>,
      %add3A_1173 = arith.constant 1184 : i32
      %add3A_1174 = arith.addi %mul3A_654, %add3A_1173 : i32
      %get3A_1175 = arith.index_cast %add3A_1174 : i32 to index
      %get3A_1176 = tpu.vector_load %arg4[%get3A_1175] {strides = array<i32>} : memref<45056xi32, #tpu.memory_space<vmem>>, vector<16xi32>,
      %add3A_1177 = arith.constant 6656 : i32
      %add3A_1178 = vector.broadcast %add3A_1177 : i32 to vector<16xi32>
      %add3A_1179 = arith.addi %get3A_1176, %add3A_1178 : vector<16xi32>
      tpu.vector_store_idx %arg5[%add3A_1179], %broadcast_in_dim3A_5 {add = true} : memref<26624xf32, #tpu.memory_space<vmem>>[vector<16xi32>], vector<16xf32>,
      %add3A_1180 = arith.constant 1200 : i32
      %add3A_1181 = arith.addi %mul3A_654, %add3A_1180 : i32
      %get3A_1182 = arith.index_cast %add3A_1181 : i32 to index
      %get3A_1183 = tpu.vector_load %arg4[%get3A_1182] {strides = array<i32>} : memref<45056xi32, #tpu.memory_space<vmem>>, vector<16xi32>,
      %add3A_1184 = arith.constant 6656 : i32
      %add3A_1185 = vector.broadcast %add3A_1184 : i32 to vector<16xi32>
      %add3A_1186 = arith.addi %get3A_1183, %add3A_1185 : vector<16xi32>
      tpu.vector_store_idx %arg5[%add3A_1186], %broadcast_in_dim3A_5 {add = true} : memref<26624xf32, #tpu.memory_space<vmem>>[vector<16xi32>], vector<16xf32>,
      %add3A_1187 = arith.constant 1216 : i32
      %add3A_1188 = arith.addi %mul3A_654, %add3A_1187 : i32
      %get3A_1189 = arith.index_cast %add3A_1188 : i32 to index
      %get3A_1190 = tpu.vector_load %arg4[%get3A_1189] {strides = array<i32>} : memref<45056xi32, #tpu.memory_space<vmem>>, vector<16xi32>,
      %add3A_1191 = arith.constant 6656 : i32
      %add3A_1192 = vector.broadcast %add3A_1191 : i32 to vector<16xi32>
      %add3A_1193 = arith.addi %get3A_1190, %add3A_1192 : vector<16xi32>
      tpu.vector_store_idx %arg5[%add3A_1193], %broadcast_in_dim3A_5 {add = true} : memref<26624xf32, #tpu.memory_space<vmem>>[vector<16xi32>], vector<16xf32>,
      %add3A_1194 = arith.constant 1232 : i32
      %add3A_1195 = arith.addi %mul3A_654, %add3A_1194 : i32
      %get3A_1196 = arith.index_cast %add3A_1195 : i32 to index
      %get3A_1197 = tpu.vector_load %arg4[%get3A_1196] {strides = array<i32>} : memref<45056xi32, #tpu.memory_space<vmem>>, vector<16xi32>,
      %add3A_1198 = arith.constant 6656 : i32
      %add3A_1199 = vector.broadcast %add3A_1198 : i32 to vector<16xi32>
      %add3A_1200 = arith.addi %get3A_1197, %add3A_1199 : vector<16xi32>
      tpu.vector_store_idx %arg5[%add3A_1200], %broadcast_in_dim3A_5 {add = true} : memref<26624xf32, #tpu.memory_space<vmem>>[vector<16xi32>], vector<16xf32>,
      %add3A_1201 = arith.constant 1248 : i32
      %add3A_1202 = arith.addi %mul3A_654, %add3A_1201 : i32
      %get3A_1203 = arith.index_cast %add3A_1202 : i32 to index
      %get3A_1204 = tpu.vector_load %arg4[%get3A_1203] {strides = array<i32>} : memref<45056xi32, #tpu.memory_space<vmem>>, vector<16xi32>,
      %add3A_1205 = arith.constant 6656 : i32
      %add3A_1206 = vector.broadcast %add3A_1205 : i32 to vector<16xi32>
      %add3A_1207 = arith.addi %get3A_1204, %add3A_1206 : vector<16xi32>
      tpu.vector_store_idx %arg5[%add3A_1207], %broadcast_in_dim3A_5 {add = true} : memref<26624xf32, #tpu.memory_space<vmem>>[vector<16xi32>], vector<16xf32>,
      %add3A_1208 = arith.constant 1264 : i32
      %add3A_1209 = arith.addi %mul3A_654, %add3A_1208 : i32
      %get3A_1210 = arith.index_cast %add3A_1209 : i32 to index
      %get3A_1211 = tpu.vector_load %arg4[%get3A_1210] {strides = array<i32>} : memref<45056xi32, #tpu.memory_space<vmem>>, vector<16xi32>,
      %add3A_1212 = arith.constant 6656 : i32
      %add3A_1213 = vector.broadcast %add3A_1212 : i32 to vector<16xi32>
      %add3A_1214 = arith.addi %get3A_1211, %add3A_1213 : vector<16xi32>
      tpu.vector_store_idx %arg5[%add3A_1214], %broadcast_in_dim3A_5 {add = true} : memref<26624xf32, #tpu.memory_space<vmem>>[vector<16xi32>], vector<16xf32>,
      %add3A_1215 = arith.constant 1280 : i32
      %add3A_1216 = arith.addi %mul3A_654, %add3A_1215 : i32
      %get3A_1217 = arith.index_cast %add3A_1216 : i32 to index
      %get3A_1218 = tpu.vector_load %arg4[%get3A_1217] {strides = array<i32>} : memref<45056xi32, #tpu.memory_space<vmem>>, vector<16xi32>,
      %add3A_1219 = arith.constant 6656 : i32
      %add3A_1220 = vector.broadcast %add3A_1219 : i32 to vector<16xi32>
      %add3A_1221 = arith.addi %get3A_1218, %add3A_1220 : vector<16xi32>
      tpu.vector_store_idx %arg5[%add3A_1221], %broadcast_in_dim3A_5 {add = true} : memref<26624xf32, #tpu.memory_space<vmem>>[vector<16xi32>], vector<16xf32>,
      %add3A_1222 = arith.constant 1296 : i32
      %add3A_1223 = arith.addi %mul3A_654, %add3A_1222 : i32
      %get3A_1224 = arith.index_cast %add3A_1223 : i32 to index
      %get3A_1225 = tpu.vector_load %arg4[%get3A_1224] {strides = array<i32>} : memref<45056xi32, #tpu.memory_space<vmem>>, vector<16xi32>,
      %add3A_1226 = arith.constant 6656 : i32
      %add3A_1227 = vector.broadcast %add3A_1226 : i32 to vector<16xi32>
      %add3A_1228 = arith.addi %get3A_1225, %add3A_1227 : vector<16xi32>
      tpu.vector_store_idx %arg5[%add3A_1228], %broadcast_in_dim3A_5 masked %lt3A_9 {add = true} : memref<26624xf32, #tpu.memory_space<vmem>>[vector<16xi32>], vector<16xf32>, vector<16xi1>
      %add3A_1229 = arith.addi %mul3A_2, %add3A_647 : i32
      %mul3A_1230 = arith.constant 6656 : i32
      %mul3A_1231 = arith.muli %add3A_1229, %mul3A_1230 : i32
      %dma_start3A_1232 = arith.constant 6656 : i32
      %dma_start3A_1233 = tpu.memref_slice %arg5[%dma_start3A_1232] : memref<26624xf32, #tpu.memory_space<vmem>> -> memref<6656xf32, #tpu.memory_space<vmem>>
      %dma_start3A_1234 = tpu.memref_slice %arg3[%mul3A_1231] : memref<6815744xf32, #tpu.memory_space<hbm>> -> memref<6656xf32, #tpu.memory_space<hbm>>
      %dma_start3A_1235 = tpu.memref_slice %arg3[%mul3A_1231] : memref<6815744xf32, #tpu.memory_space<hbm>> -> memref<6656xf32, #tpu.memory_space<hbm>>
      %dma_start3A_1236 = arith.constant 6656 : i32
      %dma_start3A_1237 = tpu.memref_slice %arg5[%dma_start3A_1236] : memref<26624xf32, #tpu.memory_space<vmem>> -> memref<6656xf32, #tpu.memory_space<vmem>>
      tpu.enqueue_dma source(%dma_start3A_1237 : memref<6656xf32, #tpu.memory_space<vmem>>) target(%dma_start3A_1235 : memref<6656xf32, #tpu.memory_space<hbm>>) target_semaphore(%arg8 : memref<!tpu.dma_semaphore, #tpu.memory_space<semaphore_mem>>)
      %gt3A_1238 = arith.constant 0 : i32
      %gt3A_1239 = arith.cmpi sgt, %scan3A_46, %gt3A_1238 : i32
      %or3A_1240 = arith.constant false
      %or3A_1241 = arith.ori %gt3A_1239, %or3A_1240 : i1
      %convert_element_type3A_1242 = arith.extui %or3A_1241 : i1 to i32
      %cond3A_1243 = arith.constant 0 : i32
      %cond3A_1244 = arith.cmpi ne, %convert_element_type3A_1242, %cond3A_1243 : i32
      scf.if %cond3A_1244 {
        %dma_wait3A_2447 = arith.constant 19968 : i32
        %dma_wait3A_2448 = tpu.memref_slice %arg5[%dma_wait3A_2447] : memref<26624xf32, #tpu.memory_space<vmem>> -> memref<6656xf32, #tpu.memory_space<vmem>>
        %dma_wait3A_2449 = arith.constant 0 : i32
        %dma_wait3A_2450 = tpu.memref_slice %arg3[%dma_wait3A_2449] : memref<6815744xf32, #tpu.memory_space<hbm>> -> memref<6656xf32, #tpu.memory_space<hbm>>
        %dma_wait3A_2451 = arith.constant 0 : i32
        %dma_wait3A_2452 = tpu.memref_slice %arg3[%dma_wait3A_2451] : memref<6815744xf32, #tpu.memory_space<hbm>> -> memref<6656xf32, #tpu.memory_space<hbm>>
        %dma_wait3A_2453 = arith.constant 19968 : i32
        %dma_wait3A_2454 = tpu.memref_slice %arg5[%dma_wait3A_2453] : memref<26624xf32, #tpu.memory_space<vmem>> -> memref<6656xf32, #tpu.memory_space<vmem>>
        tpu.wait_dma2 semaphore(%arg10 : memref<!tpu.dma_semaphore, #tpu.memory_space<semaphore_mem>>) src(%dma_wait3A_2454 : memref<6656xf32, #tpu.memory_space<vmem>>) dst(%dma_wait3A_2452 : memref<6656xf32, #tpu.memory_space<hbm>>)
        %dma_start3A_2455 = arith.constant 19968 : i32
        %dma_start3A_2456 = tpu.memref_slice %arg5[%dma_start3A_2455] : memref<26624xf32, #tpu.memory_space<vmem>> -> memref<6656xf32, #tpu.memory_space<vmem>>
        %dma_start3A_2457 = arith.constant 19968 : i32
        %dma_start3A_2458 = tpu.memref_slice %arg5[%dma_start3A_2457] : memref<26624xf32, #tpu.memory_space<vmem>> -> memref<6656xf32, #tpu.memory_space<vmem>>
        tpu.enqueue_dma source(%arg6 : memref<6656xf32, #tpu.memory_space<vmem_shared>>) target(%dma_start3A_2458 : memref<6656xf32, #tpu.memory_space<vmem>>) target_semaphore(%arg14 : memref<!tpu.dma_semaphore, #tpu.memory_space<semaphore_mem>>)
      } else {
      }
      %mul3A_1245 = arith.constant 4 : i32
      %mul3A_1246 = arith.muli %scan3A_46, %mul3A_1245 : i32
      %add3A_1247 = arith.constant 2 : i32
      %add3A_1248 = arith.addi %mul3A_1246, %add3A_1247 : i32
      %gt3A_1249 = arith.constant 0 : i32
      %gt3A_1250 = arith.cmpi sgt, %scan3A_46, %gt3A_1249 : i32
      %convert_element_type3A_1251 = arith.extui %gt3A_1250 : i1 to i32
      %cond3A_1252 = arith.constant 0 : i32
      %cond3A_1253 = arith.cmpi ne, %convert_element_type3A_1251, %cond3A_1252 : i32
      scf.if %cond3A_1253 {
        %dma_wait3A_2447 = arith.constant 13312 : i32
        %dma_wait3A_2448 = tpu.memref_slice %arg5[%dma_wait3A_2447] : memref<26624xf32, #tpu.memory_space<vmem>> -> memref<6656xf32, #tpu.memory_space<vmem>>
        %dma_wait3A_2449 = arith.constant 13312 : i32
        %dma_wait3A_2450 = tpu.memref_slice %arg5[%dma_wait3A_2449] : memref<26624xf32, #tpu.memory_space<vmem>> -> memref<6656xf32, #tpu.memory_space<vmem>>
        tpu.wait_dma2 semaphore(%arg13 : memref<!tpu.dma_semaphore, #tpu.memory_space<semaphore_mem>>) src(%arg6 : memref<6656xf32, #tpu.memory_space<vmem_shared>>) dst(%dma_wait3A_2450 : memref<6656xf32, #tpu.memory_space<vmem>>)
      } else {
      }
      %mul3A_1254 = arith.constant 1408 : i32
      %mul3A_1255 = arith.muli %add3A_1248, %mul3A_1254 : i32
      %add3A_1256 = arith.constant 0 : i32
      %add3A_1257 = arith.addi %mul3A_1255, %add3A_1256 : i32
      %get3A_1258 = arith.index_cast %add3A_1257 : i32 to index
      %get3A_1259 = tpu.vector_load %arg4[%get3A_1258] {strides = array<i32>} : memref<45056xi32, #tpu.memory_space<vmem>>, vector<16xi32>,
      %add3A_1260 = arith.constant 13312 : i32
      %add3A_1261 = vector.broadcast %add3A_1260 : i32 to vector<16xi32>
      %add3A_1262 = arith.addi %get3A_1259, %add3A_1261 : vector<16xi32>
      tpu.vector_store_idx %arg5[%add3A_1262], %broadcast_in_dim3A_5 {add = true} : memref<26624xf32, #tpu.memory_space<vmem>>[vector<16xi32>], vector<16xf32>,
      %add3A_1263 = arith.constant 16 : i32
      %add3A_1264 = arith.addi %mul3A_1255, %add3A_1263 : i32
      %get3A_1265 = arith.index_cast %add3A_1264 : i32 to index
      %get3A_1266 = tpu.vector_load %arg4[%get3A_1265] {strides = array<i32>} : memref<45056xi32, #tpu.memory_space<vmem>>, vector<16xi32>,
      %add3A_1267 = arith.constant 13312 : i32
      %add3A_1268 = vector.broadcast %add3A_1267 : i32 to vector<16xi32>
      %add3A_1269 = arith.addi %get3A_1266, %add3A_1268 : vector<16xi32>
      tpu.vector_store_idx %arg5[%add3A_1269], %broadcast_in_dim3A_5 {add = true} : memref<26624xf32, #tpu.memory_space<vmem>>[vector<16xi32>], vector<16xf32>,
      %add3A_1270 = arith.constant 32 : i32
      %add3A_1271 = arith.addi %mul3A_1255, %add3A_1270 : i32
      %get3A_1272 = arith.index_cast %add3A_1271 : i32 to index
      %get3A_1273 = tpu.vector_load %arg4[%get3A_1272] {strides = array<i32>} : memref<45056xi32, #tpu.memory_space<vmem>>, vector<16xi32>,
      %add3A_1274 = arith.constant 13312 : i32
      %add3A_1275 = vector.broadcast %add3A_1274 : i32 to vector<16xi32>
      %add3A_1276 = arith.addi %get3A_1273, %add3A_1275 : vector<16xi32>
      tpu.vector_store_idx %arg5[%add3A_1276], %broadcast_in_dim3A_5 {add = true} : memref<26624xf32, #tpu.memory_space<vmem>>[vector<16xi32>], vector<16xf32>,
      %add3A_1277 = arith.constant 48 : i32
      %add3A_1278 = arith.addi %mul3A_1255, %add3A_1277 : i32
      %get3A_1279 = arith.index_cast %add3A_1278 : i32 to index
      %get3A_1280 = tpu.vector_load %arg4[%get3A_1279] {strides = array<i32>} : memref<45056xi32, #tpu.memory_space<vmem>>, vector<16xi32>,
      %add3A_1281 = arith.constant 13312 : i32
      %add3A_1282 = vector.broadcast %add3A_1281 : i32 to vector<16xi32>
      %add3A_1283 = arith.addi %get3A_1280, %add3A_1282 : vector<16xi32>
      tpu.vector_store_idx %arg5[%add3A_1283], %broadcast_in_dim3A_5 {add = true} : memref<26624xf32, #tpu.memory_space<vmem>>[vector<16xi32>], vector<16xf32>,
      %add3A_1284 = arith.constant 64 : i32
      %add3A_1285 = arith.addi %mul3A_1255, %add3A_1284 : i32
      %get3A_1286 = arith.index_cast %add3A_1285 : i32 to index
      %get3A_1287 = tpu.vector_load %arg4[%get3A_1286] {strides = array<i32>} : memref<45056xi32, #tpu.memory_space<vmem>>, vector<16xi32>,
      %add3A_1288 = arith.constant 13312 : i32
      %add3A_1289 = vector.broadcast %add3A_1288 : i32 to vector<16xi32>
      %add3A_1290 = arith.addi %get3A_1287, %add3A_1289 : vector<16xi32>
      tpu.vector_store_idx %arg5[%add3A_1290], %broadcast_in_dim3A_5 {add = true} : memref<26624xf32, #tpu.memory_space<vmem>>[vector<16xi32>], vector<16xf32>,
      %add3A_1291 = arith.constant 80 : i32
      %add3A_1292 = arith.addi %mul3A_1255, %add3A_1291 : i32
      %get3A_1293 = arith.index_cast %add3A_1292 : i32 to index
      %get3A_1294 = tpu.vector_load %arg4[%get3A_1293] {strides = array<i32>} : memref<45056xi32, #tpu.memory_space<vmem>>, vector<16xi32>,
      %add3A_1295 = arith.constant 13312 : i32
      %add3A_1296 = vector.broadcast %add3A_1295 : i32 to vector<16xi32>
      %add3A_1297 = arith.addi %get3A_1294, %add3A_1296 : vector<16xi32>
      tpu.vector_store_idx %arg5[%add3A_1297], %broadcast_in_dim3A_5 {add = true} : memref<26624xf32, #tpu.memory_space<vmem>>[vector<16xi32>], vector<16xf32>,
      %add3A_1298 = arith.constant 96 : i32
      %add3A_1299 = arith.addi %mul3A_1255, %add3A_1298 : i32
      %get3A_1300 = arith.index_cast %add3A_1299 : i32 to index
      %get3A_1301 = tpu.vector_load %arg4[%get3A_1300] {strides = array<i32>} : memref<45056xi32, #tpu.memory_space<vmem>>, vector<16xi32>,
      %add3A_1302 = arith.constant 13312 : i32
      %add3A_1303 = vector.broadcast %add3A_1302 : i32 to vector<16xi32>
      %add3A_1304 = arith.addi %get3A_1301, %add3A_1303 : vector<16xi32>
      tpu.vector_store_idx %arg5[%add3A_1304], %broadcast_in_dim3A_5 {add = true} : memref<26624xf32, #tpu.memory_space<vmem>>[vector<16xi32>], vector<16xf32>,
      %add3A_1305 = arith.constant 112 : i32
      %add3A_1306 = arith.addi %mul3A_1255, %add3A_1305 : i32
      %get3A_1307 = arith.index_cast %add3A_1306 : i32 to index
      %get3A_1308 = tpu.vector_load %arg4[%get3A_1307] {strides = array<i32>} : memref<45056xi32, #tpu.memory_space<vmem>>, vector<16xi32>,
      %add3A_1309 = arith.constant 13312 : i32
      %add3A_1310 = vector.broadcast %add3A_1309 : i32 to vector<16xi32>
      %add3A_1311 = arith.addi %get3A_1308, %add3A_1310 : vector<16xi32>
      tpu.vector_store_idx %arg5[%add3A_1311], %broadcast_in_dim3A_5 {add = true} : memref<26624xf32, #tpu.memory_space<vmem>>[vector<16xi32>], vector<16xf32>,
      %add3A_1312 = arith.constant 128 : i32
      %add3A_1313 = arith.addi %mul3A_1255, %add3A_1312 : i32
      %get3A_1314 = arith.index_cast %add3A_1313 : i32 to index
      %get3A_1315 = tpu.vector_load %arg4[%get3A_1314] {strides = array<i32>} : memref<45056xi32, #tpu.memory_space<vmem>>, vector<16xi32>,
      %add3A_1316 = arith.constant 13312 : i32
      %add3A_1317 = vector.broadcast %add3A_1316 : i32 to vector<16xi32>
      %add3A_1318 = arith.addi %get3A_1315, %add3A_1317 : vector<16xi32>
      tpu.vector_store_idx %arg5[%add3A_1318], %broadcast_in_dim3A_5 {add = true} : memref<26624xf32, #tpu.memory_space<vmem>>[vector<16xi32>], vector<16xf32>,
      %add3A_1319 = arith.constant 144 : i32
      %add3A_1320 = arith.addi %mul3A_1255, %add3A_1319 : i32
      %get3A_1321 = arith.index_cast %add3A_1320 : i32 to index
      %get3A_1322 = tpu.vector_load %arg4[%get3A_1321] {strides = array<i32>} : memref<45056xi32, #tpu.memory_space<vmem>>, vector<16xi32>,
      %add3A_1323 = arith.constant 13312 : i32
      %add3A_1324 = vector.broadcast %add3A_1323 : i32 to vector<16xi32>
      %add3A_1325 = arith.addi %get3A_1322, %add3A_1324 : vector<16xi32>
      tpu.vector_store_idx %arg5[%add3A_1325], %broadcast_in_dim3A_5 {add = true} : memref<26624xf32, #tpu.memory_space<vmem>>[vector<16xi32>], vector<16xf32>,
      %add3A_1326 = arith.constant 160 : i32
      %add3A_1327 = arith.addi %mul3A_1255, %add3A_1326 : i32
      %get3A_1328 = arith.index_cast %add3A_1327 : i32 to index
      %get3A_1329 = tpu.vector_load %arg4[%get3A_1328] {strides = array<i32>} : memref<45056xi32, #tpu.memory_space<vmem>>, vector<16xi32>,
      %add3A_1330 = arith.constant 13312 : i32
      %add3A_1331 = vector.broadcast %add3A_1330 : i32 to vector<16xi32>
      %add3A_1332 = arith.addi %get3A_1329, %add3A_1331 : vector<16xi32>
      tpu.vector_store_idx %arg5[%add3A_1332], %broadcast_in_dim3A_5 {add = true} : memref<26624xf32, #tpu.memory_space<vmem>>[vector<16xi32>], vector<16xf32>,
      %add3A_1333 = arith.constant 176 : i32
      %add3A_1334 = arith.addi %mul3A_1255, %add3A_1333 : i32
      %get3A_1335 = arith.index_cast %add3A_1334 : i32 to index
      %get3A_1336 = tpu.vector_load %arg4[%get3A_1335] {strides = array<i32>} : memref<45056xi32, #tpu.memory_space<vmem>>, vector<16xi32>,
      %add3A_1337 = arith.constant 13312 : i32
      %add3A_1338 = vector.broadcast %add3A_1337 : i32 to vector<16xi32>
      %add3A_1339 = arith.addi %get3A_1336, %add3A_1338 : vector<16xi32>
      tpu.vector_store_idx %arg5[%add3A_1339], %broadcast_in_dim3A_5 {add = true} : memref<26624xf32, #tpu.memory_space<vmem>>[vector<16xi32>], vector<16xf32>,
      %add3A_1340 = arith.constant 192 : i32
      %add3A_1341 = arith.addi %mul3A_1255, %add3A_1340 : i32
      %get3A_1342 = arith.index_cast %add3A_1341 : i32 to index
      %get3A_1343 = tpu.vector_load %arg4[%get3A_1342] {strides = array<i32>} : memref<45056xi32, #tpu.memory_space<vmem>>, vector<16xi32>,
      %add3A_1344 = arith.constant 13312 : i32
      %add3A_1345 = vector.broadcast %add3A_1344 : i32 to vector<16xi32>
      %add3A_1346 = arith.addi %get3A_1343, %add3A_1345 : vector<16xi32>
      tpu.vector_store_idx %arg5[%add3A_1346], %broadcast_in_dim3A_5 {add = true} : memref<26624xf32, #tpu.memory_space<vmem>>[vector<16xi32>], vector<16xf32>,
      %add3A_1347 = arith.constant 208 : i32
      %add3A_1348 = arith.addi %mul3A_1255, %add3A_1347 : i32
      %get3A_1349 = arith.index_cast %add3A_1348 : i32 to index
      %get3A_1350 = tpu.vector_load %arg4[%get3A_1349] {strides = array<i32>} : memref<45056xi32, #tpu.memory_space<vmem>>, vector<16xi32>,
      %add3A_1351 = arith.constant 13312 : i32
      %add3A_1352 = vector.broadcast %add3A_1351 : i32 to vector<16xi32>
      %add3A_1353 = arith.addi %get3A_1350, %add3A_1352 : vector<16xi32>
      tpu.vector_store_idx %arg5[%add3A_1353], %broadcast_in_dim3A_5 {add = true} : memref<26624xf32, #tpu.memory_space<vmem>>[vector<16xi32>], vector<16xf32>,
      %add3A_1354 = arith.constant 224 : i32
      %add3A_1355 = arith.addi %mul3A_1255, %add3A_1354 : i32
      %get3A_1356 = arith.index_cast %add3A_1355 : i32 to index
      %get3A_1357 = tpu.vector_load %arg4[%get3A_1356] {strides = array<i32>} : memref<45056xi32, #tpu.memory_space<vmem>>, vector<16xi32>,
      %add3A_1358 = arith.constant 13312 : i32
      %add3A_1359 = vector.broadcast %add3A_1358 : i32 to vector<16xi32>
      %add3A_1360 = arith.addi %get3A_1357, %add3A_1359 : vector<16xi32>
      tpu.vector_store_idx %arg5[%add3A_1360], %broadcast_in_dim3A_5 {add = true} : memref<26624xf32, #tpu.memory_space<vmem>>[vector<16xi32>], vector<16xf32>,
      %add3A_1361 = arith.constant 240 : i32
      %add3A_1362 = arith.addi %mul3A_1255, %add3A_1361 : i32
      %get3A_1363 = arith.index_cast %add3A_1362 : i32 to index
      %get3A_1364 = tpu.vector_load %arg4[%get3A_1363] {strides = array<i32>} : memref<45056xi32, #tpu.memory_space<vmem>>, vector<16xi32>,
      %add3A_1365 = arith.constant 13312 : i32
      %add3A_1366 = vector.broadcast %add3A_1365 : i32 to vector<16xi32>
      %add3A_1367 = arith.addi %get3A_1364, %add3A_1366 : vector<16xi32>
      tpu.vector_store_idx %arg5[%add3A_1367], %broadcast_in_dim3A_5 {add = true} : memref<26624xf32, #tpu.memory_space<vmem>>[vector<16xi32>], vector<16xf32>,
      %add3A_1368 = arith.constant 256 : i32
      %add3A_1369 = arith.addi %mul3A_1255, %add3A_1368 : i32
      %get3A_1370 = arith.index_cast %add3A_1369 : i32 to index
      %get3A_1371 = tpu.vector_load %arg4[%get3A_1370] {strides = array<i32>} : memref<45056xi32, #tpu.memory_space<vmem>>, vector<16xi32>,
      %add3A_1372 = arith.constant 13312 : i32
      %add3A_1373 = vector.broadcast %add3A_1372 : i32 to vector<16xi32>
      %add3A_1374 = arith.addi %get3A_1371, %add3A_1373 : vector<16xi32>
      tpu.vector_store_idx %arg5[%add3A_1374], %broadcast_in_dim3A_5 {add = true} : memref<26624xf32, #tpu.memory_space<vmem>>[vector<16xi32>], vector<16xf32>,
      %add3A_1375 = arith.constant 272 : i32
      %add3A_1376 = arith.addi %mul3A_1255, %add3A_1375 : i32
      %get3A_1377 = arith.index_cast %add3A_1376 : i32 to index
      %get3A_1378 = tpu.vector_load %arg4[%get3A_1377] {strides = array<i32>} : memref<45056xi32, #tpu.memory_space<vmem>>, vector<16xi32>,
      %add3A_1379 = arith.constant 13312 : i32
      %add3A_1380 = vector.broadcast %add3A_1379 : i32 to vector<16xi32>
      %add3A_1381 = arith.addi %get3A_1378, %add3A_1380 : vector<16xi32>
      tpu.vector_store_idx %arg5[%add3A_1381], %broadcast_in_dim3A_5 {add = true} : memref<26624xf32, #tpu.memory_space<vmem>>[vector<16xi32>], vector<16xf32>,
      %add3A_1382 = arith.constant 288 : i32
      %add3A_1383 = arith.addi %mul3A_1255, %add3A_1382 : i32
      %get3A_1384 = arith.index_cast %add3A_1383 : i32 to index
      %get3A_1385 = tpu.vector_load %arg4[%get3A_1384] {strides = array<i32>} : memref<45056xi32, #tpu.memory_space<vmem>>, vector<16xi32>,
      %add3A_1386 = arith.constant 13312 : i32
      %add3A_1387 = vector.broadcast %add3A_1386 : i32 to vector<16xi32>
      %add3A_1388 = arith.addi %get3A_1385, %add3A_1387 : vector<16xi32>
      tpu.vector_store_idx %arg5[%add3A_1388], %broadcast_in_dim3A_5 {add = true} : memref<26624xf32, #tpu.memory_space<vmem>>[vector<16xi32>], vector<16xf32>,
      %add3A_1389 = arith.constant 304 : i32
      %add3A_1390 = arith.addi %mul3A_1255, %add3A_1389 : i32
      %get3A_1391 = arith.index_cast %add3A_1390 : i32 to index
      %get3A_1392 = tpu.vector_load %arg4[%get3A_1391] {strides = array<i32>} : memref<45056xi32, #tpu.memory_space<vmem>>, vector<16xi32>,
      %add3A_1393 = arith.constant 13312 : i32
      %add3A_1394 = vector.broadcast %add3A_1393 : i32 to vector<16xi32>
      %add3A_1395 = arith.addi %get3A_1392, %add3A_1394 : vector<16xi32>
      tpu.vector_store_idx %arg5[%add3A_1395], %broadcast_in_dim3A_5 {add = true} : memref<26624xf32, #tpu.memory_space<vmem>>[vector<16xi32>], vector<16xf32>,
      %add3A_1396 = arith.constant 320 : i32
      %add3A_1397 = arith.addi %mul3A_1255, %add3A_1396 : i32
      %get3A_1398 = arith.index_cast %add3A_1397 : i32 to index
      %get3A_1399 = tpu.vector_load %arg4[%get3A_1398] {strides = array<i32>} : memref<45056xi32, #tpu.memory_space<vmem>>, vector<16xi32>,
      %add3A_1400 = arith.constant 13312 : i32
      %add3A_1401 = vector.broadcast %add3A_1400 : i32 to vector<16xi32>
      %add3A_1402 = arith.addi %get3A_1399, %add3A_1401 : vector<16xi32>
      tpu.vector_store_idx %arg5[%add3A_1402], %broadcast_in_dim3A_5 {add = true} : memref<26624xf32, #tpu.memory_space<vmem>>[vector<16xi32>], vector<16xf32>,
      %add3A_1403 = arith.constant 336 : i32
      %add3A_1404 = arith.addi %mul3A_1255, %add3A_1403 : i32
      %get3A_1405 = arith.index_cast %add3A_1404 : i32 to index
      %get3A_1406 = tpu.vector_load %arg4[%get3A_1405] {strides = array<i32>} : memref<45056xi32, #tpu.memory_space<vmem>>, vector<16xi32>,
      %add3A_1407 = arith.constant 13312 : i32
      %add3A_1408 = vector.broadcast %add3A_1407 : i32 to vector<16xi32>
      %add3A_1409 = arith.addi %get3A_1406, %add3A_1408 : vector<16xi32>
      tpu.vector_store_idx %arg5[%add3A_1409], %broadcast_in_dim3A_5 {add = true} : memref<26624xf32, #tpu.memory_space<vmem>>[vector<16xi32>], vector<16xf32>,
      %add3A_1410 = arith.constant 352 : i32
      %add3A_1411 = arith.addi %mul3A_1255, %add3A_1410 : i32
      %get3A_1412 = arith.index_cast %add3A_1411 : i32 to index
      %get3A_1413 = tpu.vector_load %arg4[%get3A_1412] {strides = array<i32>} : memref<45056xi32, #tpu.memory_space<vmem>>, vector<16xi32>,
      %add3A_1414 = arith.constant 13312 : i32
      %add3A_1415 = vector.broadcast %add3A_1414 : i32 to vector<16xi32>
      %add3A_1416 = arith.addi %get3A_1413, %add3A_1415 : vector<16xi32>
      tpu.vector_store_idx %arg5[%add3A_1416], %broadcast_in_dim3A_5 {add = true} : memref<26624xf32, #tpu.memory_space<vmem>>[vector<16xi32>], vector<16xf32>,
      %add3A_1417 = arith.constant 368 : i32
      %add3A_1418 = arith.addi %mul3A_1255, %add3A_1417 : i32
      %get3A_1419 = arith.index_cast %add3A_1418 : i32 to index
      %get3A_1420 = tpu.vector_load %arg4[%get3A_1419] {strides = array<i32>} : memref<45056xi32, #tpu.memory_space<vmem>>, vector<16xi32>,
      %add3A_1421 = arith.constant 13312 : i32
      %add3A_1422 = vector.broadcast %add3A_1421 : i32 to vector<16xi32>
      %add3A_1423 = arith.addi %get3A_1420, %add3A_1422 : vector<16xi32>
      tpu.vector_store_idx %arg5[%add3A_1423], %broadcast_in_dim3A_5 {add = true} : memref<26624xf32, #tpu.memory_space<vmem>>[vector<16xi32>], vector<16xf32>,
      %add3A_1424 = arith.constant 384 : i32
      %add3A_1425 = arith.addi %mul3A_1255, %add3A_1424 : i32
      %get3A_1426 = arith.index_cast %add3A_1425 : i32 to index
      %get3A_1427 = tpu.vector_load %arg4[%get3A_1426] {strides = array<i32>} : memref<45056xi32, #tpu.memory_space<vmem>>, vector<16xi32>,
      %add3A_1428 = arith.constant 13312 : i32
      %add3A_1429 = vector.broadcast %add3A_1428 : i32 to vector<16xi32>
      %add3A_1430 = arith.addi %get3A_1427, %add3A_1429 : vector<16xi32>
      tpu.vector_store_idx %arg5[%add3A_1430], %broadcast_in_dim3A_5 {add = true} : memref<26624xf32, #tpu.memory_space<vmem>>[vector<16xi32>], vector<16xf32>,
      %add3A_1431 = arith.constant 400 : i32
      %add3A_1432 = arith.addi %mul3A_1255, %add3A_1431 : i32
      %get3A_1433 = arith.index_cast %add3A_1432 : i32 to index
      %get3A_1434 = tpu.vector_load %arg4[%get3A_1433] {strides = array<i32>} : memref<45056xi32, #tpu.memory_space<vmem>>, vector<16xi32>,
      %add3A_1435 = arith.constant 13312 : i32
      %add3A_1436 = vector.broadcast %add3A_1435 : i32 to vector<16xi32>
      %add3A_1437 = arith.addi %get3A_1434, %add3A_1436 : vector<16xi32>
      tpu.vector_store_idx %arg5[%add3A_1437], %broadcast_in_dim3A_5 {add = true} : memref<26624xf32, #tpu.memory_space<vmem>>[vector<16xi32>], vector<16xf32>,
      %add3A_1438 = arith.constant 416 : i32
      %add3A_1439 = arith.addi %mul3A_1255, %add3A_1438 : i32
      %get3A_1440 = arith.index_cast %add3A_1439 : i32 to index
      %get3A_1441 = tpu.vector_load %arg4[%get3A_1440] {strides = array<i32>} : memref<45056xi32, #tpu.memory_space<vmem>>, vector<16xi32>,
      %add3A_1442 = arith.constant 13312 : i32
      %add3A_1443 = vector.broadcast %add3A_1442 : i32 to vector<16xi32>
      %add3A_1444 = arith.addi %get3A_1441, %add3A_1443 : vector<16xi32>
      tpu.vector_store_idx %arg5[%add3A_1444], %broadcast_in_dim3A_5 {add = true} : memref<26624xf32, #tpu.memory_space<vmem>>[vector<16xi32>], vector<16xf32>,
      %add3A_1445 = arith.constant 432 : i32
      %add3A_1446 = arith.addi %mul3A_1255, %add3A_1445 : i32
      %get3A_1447 = arith.index_cast %add3A_1446 : i32 to index
      %get3A_1448 = tpu.vector_load %arg4[%get3A_1447] {strides = array<i32>} : memref<45056xi32, #tpu.memory_space<vmem>>, vector<16xi32>,
      %add3A_1449 = arith.constant 13312 : i32
      %add3A_1450 = vector.broadcast %add3A_1449 : i32 to vector<16xi32>
      %add3A_1451 = arith.addi %get3A_1448, %add3A_1450 : vector<16xi32>
      tpu.vector_store_idx %arg5[%add3A_1451], %broadcast_in_dim3A_5 {add = true} : memref<26624xf32, #tpu.memory_space<vmem>>[vector<16xi32>], vector<16xf32>,
      %add3A_1452 = arith.constant 448 : i32
      %add3A_1453 = arith.addi %mul3A_1255, %add3A_1452 : i32
      %get3A_1454 = arith.index_cast %add3A_1453 : i32 to index
      %get3A_1455 = tpu.vector_load %arg4[%get3A_1454] {strides = array<i32>} : memref<45056xi32, #tpu.memory_space<vmem>>, vector<16xi32>,
      %add3A_1456 = arith.constant 13312 : i32
      %add3A_1457 = vector.broadcast %add3A_1456 : i32 to vector<16xi32>
      %add3A_1458 = arith.addi %get3A_1455, %add3A_1457 : vector<16xi32>
      tpu.vector_store_idx %arg5[%add3A_1458], %broadcast_in_dim3A_5 {add = true} : memref<26624xf32, #tpu.memory_space<vmem>>[vector<16xi32>], vector<16xf32>,
      %add3A_1459 = arith.constant 464 : i32
      %add3A_1460 = arith.addi %mul3A_1255, %add3A_1459 : i32
      %get3A_1461 = arith.index_cast %add3A_1460 : i32 to index
      %get3A_1462 = tpu.vector_load %arg4[%get3A_1461] {strides = array<i32>} : memref<45056xi32, #tpu.memory_space<vmem>>, vector<16xi32>,
      %add3A_1463 = arith.constant 13312 : i32
      %add3A_1464 = vector.broadcast %add3A_1463 : i32 to vector<16xi32>
      %add3A_1465 = arith.addi %get3A_1462, %add3A_1464 : vector<16xi32>
      tpu.vector_store_idx %arg5[%add3A_1465], %broadcast_in_dim3A_5 {add = true} : memref<26624xf32, #tpu.memory_space<vmem>>[vector<16xi32>], vector<16xf32>,
      %add3A_1466 = arith.constant 480 : i32
      %add3A_1467 = arith.addi %mul3A_1255, %add3A_1466 : i32
      %get3A_1468 = arith.index_cast %add3A_1467 : i32 to index
      %get3A_1469 = tpu.vector_load %arg4[%get3A_1468] {strides = array<i32>} : memref<45056xi32, #tpu.memory_space<vmem>>, vector<16xi32>,
      %add3A_1470 = arith.constant 13312 : i32
      %add3A_1471 = vector.broadcast %add3A_1470 : i32 to vector<16xi32>
      %add3A_1472 = arith.addi %get3A_1469, %add3A_1471 : vector<16xi32>
      tpu.vector_store_idx %arg5[%add3A_1472], %broadcast_in_dim3A_5 {add = true} : memref<26624xf32, #tpu.memory_space<vmem>>[vector<16xi32>], vector<16xf32>,
      %add3A_1473 = arith.constant 496 : i32
      %add3A_1474 = arith.addi %mul3A_1255, %add3A_1473 : i32
      %get3A_1475 = arith.index_cast %add3A_1474 : i32 to index
      %get3A_1476 = tpu.vector_load %arg4[%get3A_1475] {strides = array<i32>} : memref<45056xi32, #tpu.memory_space<vmem>>, vector<16xi32>,
      %add3A_1477 = arith.constant 13312 : i32
      %add3A_1478 = vector.broadcast %add3A_1477 : i32 to vector<16xi32>
      %add3A_1479 = arith.addi %get3A_1476, %add3A_1478 : vector<16xi32>
      tpu.vector_store_idx %arg5[%add3A_1479], %broadcast_in_dim3A_5 {add = true} : memref<26624xf32, #tpu.memory_space<vmem>>[vector<16xi32>], vector<16xf32>,
      %add3A_1480 = arith.constant 512 : i32
      %add3A_1481 = arith.addi %mul3A_1255, %add3A_1480 : i32
      %get3A_1482 = arith.index_cast %add3A_1481 : i32 to index
      %get3A_1483 = tpu.vector_load %arg4[%get3A_1482] {strides = array<i32>} : memref<45056xi32, #tpu.memory_space<vmem>>, vector<16xi32>,
      %add3A_1484 = arith.constant 13312 : i32
      %add3A_1485 = vector.broadcast %add3A_1484 : i32 to vector<16xi32>
      %add3A_1486 = arith.addi %get3A_1483, %add3A_1485 : vector<16xi32>
      tpu.vector_store_idx %arg5[%add3A_1486], %broadcast_in_dim3A_5 {add = true} : memref<26624xf32, #tpu.memory_space<vmem>>[vector<16xi32>], vector<16xf32>,
      %add3A_1487 = arith.constant 528 : i32
      %add3A_1488 = arith.addi %mul3A_1255, %add3A_1487 : i32
      %get3A_1489 = arith.index_cast %add3A_1488 : i32 to index
      %get3A_1490 = tpu.vector_load %arg4[%get3A_1489] {strides = array<i32>} : memref<45056xi32, #tpu.memory_space<vmem>>, vector<16xi32>,
      %add3A_1491 = arith.constant 13312 : i32
      %add3A_1492 = vector.broadcast %add3A_1491 : i32 to vector<16xi32>
      %add3A_1493 = arith.addi %get3A_1490, %add3A_1492 : vector<16xi32>
      tpu.vector_store_idx %arg5[%add3A_1493], %broadcast_in_dim3A_5 {add = true} : memref<26624xf32, #tpu.memory_space<vmem>>[vector<16xi32>], vector<16xf32>,
      %add3A_1494 = arith.constant 544 : i32
      %add3A_1495 = arith.addi %mul3A_1255, %add3A_1494 : i32
      %get3A_1496 = arith.index_cast %add3A_1495 : i32 to index
      %get3A_1497 = tpu.vector_load %arg4[%get3A_1496] {strides = array<i32>} : memref<45056xi32, #tpu.memory_space<vmem>>, vector<16xi32>,
      %add3A_1498 = arith.constant 13312 : i32
      %add3A_1499 = vector.broadcast %add3A_1498 : i32 to vector<16xi32>
      %add3A_1500 = arith.addi %get3A_1497, %add3A_1499 : vector<16xi32>
      tpu.vector_store_idx %arg5[%add3A_1500], %broadcast_in_dim3A_5 {add = true} : memref<26624xf32, #tpu.memory_space<vmem>>[vector<16xi32>], vector<16xf32>,
      %add3A_1501 = arith.constant 560 : i32
      %add3A_1502 = arith.addi %mul3A_1255, %add3A_1501 : i32
      %get3A_1503 = arith.index_cast %add3A_1502 : i32 to index
      %get3A_1504 = tpu.vector_load %arg4[%get3A_1503] {strides = array<i32>} : memref<45056xi32, #tpu.memory_space<vmem>>, vector<16xi32>,
      %add3A_1505 = arith.constant 13312 : i32
      %add3A_1506 = vector.broadcast %add3A_1505 : i32 to vector<16xi32>
      %add3A_1507 = arith.addi %get3A_1504, %add3A_1506 : vector<16xi32>
      tpu.vector_store_idx %arg5[%add3A_1507], %broadcast_in_dim3A_5 {add = true} : memref<26624xf32, #tpu.memory_space<vmem>>[vector<16xi32>], vector<16xf32>,
      %add3A_1508 = arith.constant 576 : i32
      %add3A_1509 = arith.addi %mul3A_1255, %add3A_1508 : i32
      %get3A_1510 = arith.index_cast %add3A_1509 : i32 to index
      %get3A_1511 = tpu.vector_load %arg4[%get3A_1510] {strides = array<i32>} : memref<45056xi32, #tpu.memory_space<vmem>>, vector<16xi32>,
      %add3A_1512 = arith.constant 13312 : i32
      %add3A_1513 = vector.broadcast %add3A_1512 : i32 to vector<16xi32>
      %add3A_1514 = arith.addi %get3A_1511, %add3A_1513 : vector<16xi32>
      tpu.vector_store_idx %arg5[%add3A_1514], %broadcast_in_dim3A_5 {add = true} : memref<26624xf32, #tpu.memory_space<vmem>>[vector<16xi32>], vector<16xf32>,
      %add3A_1515 = arith.constant 592 : i32
      %add3A_1516 = arith.addi %mul3A_1255, %add3A_1515 : i32
      %get3A_1517 = arith.index_cast %add3A_1516 : i32 to index
      %get3A_1518 = tpu.vector_load %arg4[%get3A_1517] {strides = array<i32>} : memref<45056xi32, #tpu.memory_space<vmem>>, vector<16xi32>,
      %add3A_1519 = arith.constant 13312 : i32
      %add3A_1520 = vector.broadcast %add3A_1519 : i32 to vector<16xi32>
      %add3A_1521 = arith.addi %get3A_1518, %add3A_1520 : vector<16xi32>
      tpu.vector_store_idx %arg5[%add3A_1521], %broadcast_in_dim3A_5 {add = true} : memref<26624xf32, #tpu.memory_space<vmem>>[vector<16xi32>], vector<16xf32>,
      %add3A_1522 = arith.constant 608 : i32
      %add3A_1523 = arith.addi %mul3A_1255, %add3A_1522 : i32
      %get3A_1524 = arith.index_cast %add3A_1523 : i32 to index
      %get3A_1525 = tpu.vector_load %arg4[%get3A_1524] {strides = array<i32>} : memref<45056xi32, #tpu.memory_space<vmem>>, vector<16xi32>,
      %add3A_1526 = arith.constant 13312 : i32
      %add3A_1527 = vector.broadcast %add3A_1526 : i32 to vector<16xi32>
      %add3A_1528 = arith.addi %get3A_1525, %add3A_1527 : vector<16xi32>
      tpu.vector_store_idx %arg5[%add3A_1528], %broadcast_in_dim3A_5 {add = true} : memref<26624xf32, #tpu.memory_space<vmem>>[vector<16xi32>], vector<16xf32>,
      %add3A_1529 = arith.constant 624 : i32
      %add3A_1530 = arith.addi %mul3A_1255, %add3A_1529 : i32
      %get3A_1531 = arith.index_cast %add3A_1530 : i32 to index
      %get3A_1532 = tpu.vector_load %arg4[%get3A_1531] {strides = array<i32>} : memref<45056xi32, #tpu.memory_space<vmem>>, vector<16xi32>,
      %add3A_1533 = arith.constant 13312 : i32
      %add3A_1534 = vector.broadcast %add3A_1533 : i32 to vector<16xi32>
      %add3A_1535 = arith.addi %get3A_1532, %add3A_1534 : vector<16xi32>
      tpu.vector_store_idx %arg5[%add3A_1535], %broadcast_in_dim3A_5 {add = true} : memref<26624xf32, #tpu.memory_space<vmem>>[vector<16xi32>], vector<16xf32>,
      %add3A_1536 = arith.constant 640 : i32
      %add3A_1537 = arith.addi %mul3A_1255, %add3A_1536 : i32
      %get3A_1538 = arith.index_cast %add3A_1537 : i32 to index
      %get3A_1539 = tpu.vector_load %arg4[%get3A_1538] {strides = array<i32>} : memref<45056xi32, #tpu.memory_space<vmem>>, vector<16xi32>,
      %add3A_1540 = arith.constant 13312 : i32
      %add3A_1541 = vector.broadcast %add3A_1540 : i32 to vector<16xi32>
      %add3A_1542 = arith.addi %get3A_1539, %add3A_1541 : vector<16xi32>
      tpu.vector_store_idx %arg5[%add3A_1542], %broadcast_in_dim3A_5 {add = true} : memref<26624xf32, #tpu.memory_space<vmem>>[vector<16xi32>], vector<16xf32>,
      %add3A_1543 = arith.constant 656 : i32
      %add3A_1544 = arith.addi %mul3A_1255, %add3A_1543 : i32
      %get3A_1545 = arith.index_cast %add3A_1544 : i32 to index
      %get3A_1546 = tpu.vector_load %arg4[%get3A_1545] {strides = array<i32>} : memref<45056xi32, #tpu.memory_space<vmem>>, vector<16xi32>,
      %add3A_1547 = arith.constant 13312 : i32
      %add3A_1548 = vector.broadcast %add3A_1547 : i32 to vector<16xi32>
      %add3A_1549 = arith.addi %get3A_1546, %add3A_1548 : vector<16xi32>
      tpu.vector_store_idx %arg5[%add3A_1549], %broadcast_in_dim3A_5 {add = true} : memref<26624xf32, #tpu.memory_space<vmem>>[vector<16xi32>], vector<16xf32>,
      %add3A_1550 = arith.constant 672 : i32
      %add3A_1551 = arith.addi %mul3A_1255, %add3A_1550 : i32
      %get3A_1552 = arith.index_cast %add3A_1551 : i32 to index
      %get3A_1553 = tpu.vector_load %arg4[%get3A_1552] {strides = array<i32>} : memref<45056xi32, #tpu.memory_space<vmem>>, vector<16xi32>,
      %add3A_1554 = arith.constant 13312 : i32
      %add3A_1555 = vector.broadcast %add3A_1554 : i32 to vector<16xi32>
      %add3A_1556 = arith.addi %get3A_1553, %add3A_1555 : vector<16xi32>
      tpu.vector_store_idx %arg5[%add3A_1556], %broadcast_in_dim3A_5 {add = true} : memref<26624xf32, #tpu.memory_space<vmem>>[vector<16xi32>], vector<16xf32>,
      %add3A_1557 = arith.constant 688 : i32
      %add3A_1558 = arith.addi %mul3A_1255, %add3A_1557 : i32
      %get3A_1559 = arith.index_cast %add3A_1558 : i32 to index
      %get3A_1560 = tpu.vector_load %arg4[%get3A_1559] {strides = array<i32>} : memref<45056xi32, #tpu.memory_space<vmem>>, vector<16xi32>,
      %add3A_1561 = arith.constant 13312 : i32
      %add3A_1562 = vector.broadcast %add3A_1561 : i32 to vector<16xi32>
      %add3A_1563 = arith.addi %get3A_1560, %add3A_1562 : vector<16xi32>
      tpu.vector_store_idx %arg5[%add3A_1563], %broadcast_in_dim3A_5 {add = true} : memref<26624xf32, #tpu.memory_space<vmem>>[vector<16xi32>], vector<16xf32>,
      %add3A_1564 = arith.constant 704 : i32
      %add3A_1565 = arith.addi %mul3A_1255, %add3A_1564 : i32
      %get3A_1566 = arith.index_cast %add3A_1565 : i32 to index
      %get3A_1567 = tpu.vector_load %arg4[%get3A_1566] {strides = array<i32>} : memref<45056xi32, #tpu.memory_space<vmem>>, vector<16xi32>,
      %add3A_1568 = arith.constant 13312 : i32
      %add3A_1569 = vector.broadcast %add3A_1568 : i32 to vector<16xi32>
      %add3A_1570 = arith.addi %get3A_1567, %add3A_1569 : vector<16xi32>
      tpu.vector_store_idx %arg5[%add3A_1570], %broadcast_in_dim3A_5 {add = true} : memref<26624xf32, #tpu.memory_space<vmem>>[vector<16xi32>], vector<16xf32>,
      %add3A_1571 = arith.constant 720 : i32
      %add3A_1572 = arith.addi %mul3A_1255, %add3A_1571 : i32
      %get3A_1573 = arith.index_cast %add3A_1572 : i32 to index
      %get3A_1574 = tpu.vector_load %arg4[%get3A_1573] {strides = array<i32>} : memref<45056xi32, #tpu.memory_space<vmem>>, vector<16xi32>,
      %add3A_1575 = arith.constant 13312 : i32
      %add3A_1576 = vector.broadcast %add3A_1575 : i32 to vector<16xi32>
      %add3A_1577 = arith.addi %get3A_1574, %add3A_1576 : vector<16xi32>
      tpu.vector_store_idx %arg5[%add3A_1577], %broadcast_in_dim3A_5 {add = true} : memref<26624xf32, #tpu.memory_space<vmem>>[vector<16xi32>], vector<16xf32>,
      %add3A_1578 = arith.constant 736 : i32
      %add3A_1579 = arith.addi %mul3A_1255, %add3A_1578 : i32
      %get3A_1580 = arith.index_cast %add3A_1579 : i32 to index
      %get3A_1581 = tpu.vector_load %arg4[%get3A_1580] {strides = array<i32>} : memref<45056xi32, #tpu.memory_space<vmem>>, vector<16xi32>,
      %add3A_1582 = arith.constant 13312 : i32
      %add3A_1583 = vector.broadcast %add3A_1582 : i32 to vector<16xi32>
      %add3A_1584 = arith.addi %get3A_1581, %add3A_1583 : vector<16xi32>
      tpu.vector_store_idx %arg5[%add3A_1584], %broadcast_in_dim3A_5 {add = true} : memref<26624xf32, #tpu.memory_space<vmem>>[vector<16xi32>], vector<16xf32>,
      %add3A_1585 = arith.constant 752 : i32
      %add3A_1586 = arith.addi %mul3A_1255, %add3A_1585 : i32
      %get3A_1587 = arith.index_cast %add3A_1586 : i32 to index
      %get3A_1588 = tpu.vector_load %arg4[%get3A_1587] {strides = array<i32>} : memref<45056xi32, #tpu.memory_space<vmem>>, vector<16xi32>,
      %add3A_1589 = arith.constant 13312 : i32
      %add3A_1590 = vector.broadcast %add3A_1589 : i32 to vector<16xi32>
      %add3A_1591 = arith.addi %get3A_1588, %add3A_1590 : vector<16xi32>
      tpu.vector_store_idx %arg5[%add3A_1591], %broadcast_in_dim3A_5 {add = true} : memref<26624xf32, #tpu.memory_space<vmem>>[vector<16xi32>], vector<16xf32>,
      %add3A_1592 = arith.constant 768 : i32
      %add3A_1593 = arith.addi %mul3A_1255, %add3A_1592 : i32
      %get3A_1594 = arith.index_cast %add3A_1593 : i32 to index
      %get3A_1595 = tpu.vector_load %arg4[%get3A_1594] {strides = array<i32>} : memref<45056xi32, #tpu.memory_space<vmem>>, vector<16xi32>,
      %add3A_1596 = arith.constant 13312 : i32
      %add3A_1597 = vector.broadcast %add3A_1596 : i32 to vector<16xi32>
      %add3A_1598 = arith.addi %get3A_1595, %add3A_1597 : vector<16xi32>
      tpu.vector_store_idx %arg5[%add3A_1598], %broadcast_in_dim3A_5 {add = true} : memref<26624xf32, #tpu.memory_space<vmem>>[vector<16xi32>], vector<16xf32>,
      %add3A_1599 = arith.constant 784 : i32
      %add3A_1600 = arith.addi %mul3A_1255, %add3A_1599 : i32
      %get3A_1601 = arith.index_cast %add3A_1600 : i32 to index
      %get3A_1602 = tpu.vector_load %arg4[%get3A_1601] {strides = array<i32>} : memref<45056xi32, #tpu.memory_space<vmem>>, vector<16xi32>,
      %add3A_1603 = arith.constant 13312 : i32
      %add3A_1604 = vector.broadcast %add3A_1603 : i32 to vector<16xi32>
      %add3A_1605 = arith.addi %get3A_1602, %add3A_1604 : vector<16xi32>
      tpu.vector_store_idx %arg5[%add3A_1605], %broadcast_in_dim3A_5 {add = true} : memref<26624xf32, #tpu.memory_space<vmem>>[vector<16xi32>], vector<16xf32>,
      %add3A_1606 = arith.constant 800 : i32
      %add3A_1607 = arith.addi %mul3A_1255, %add3A_1606 : i32
      %get3A_1608 = arith.index_cast %add3A_1607 : i32 to index
      %get3A_1609 = tpu.vector_load %arg4[%get3A_1608] {strides = array<i32>} : memref<45056xi32, #tpu.memory_space<vmem>>, vector<16xi32>,
      %add3A_1610 = arith.constant 13312 : i32
      %add3A_1611 = vector.broadcast %add3A_1610 : i32 to vector<16xi32>
      %add3A_1612 = arith.addi %get3A_1609, %add3A_1611 : vector<16xi32>
      tpu.vector_store_idx %arg5[%add3A_1612], %broadcast_in_dim3A_5 {add = true} : memref<26624xf32, #tpu.memory_space<vmem>>[vector<16xi32>], vector<16xf32>,
      %add3A_1613 = arith.constant 816 : i32
      %add3A_1614 = arith.addi %mul3A_1255, %add3A_1613 : i32
      %get3A_1615 = arith.index_cast %add3A_1614 : i32 to index
      %get3A_1616 = tpu.vector_load %arg4[%get3A_1615] {strides = array<i32>} : memref<45056xi32, #tpu.memory_space<vmem>>, vector<16xi32>,
      %add3A_1617 = arith.constant 13312 : i32
      %add3A_1618 = vector.broadcast %add3A_1617 : i32 to vector<16xi32>
      %add3A_1619 = arith.addi %get3A_1616, %add3A_1618 : vector<16xi32>
      tpu.vector_store_idx %arg5[%add3A_1619], %broadcast_in_dim3A_5 {add = true} : memref<26624xf32, #tpu.memory_space<vmem>>[vector<16xi32>], vector<16xf32>,
      %add3A_1620 = arith.constant 832 : i32
      %add3A_1621 = arith.addi %mul3A_1255, %add3A_1620 : i32
      %get3A_1622 = arith.index_cast %add3A_1621 : i32 to index
      %get3A_1623 = tpu.vector_load %arg4[%get3A_1622] {strides = array<i32>} : memref<45056xi32, #tpu.memory_space<vmem>>, vector<16xi32>,
      %add3A_1624 = arith.constant 13312 : i32
      %add3A_1625 = vector.broadcast %add3A_1624 : i32 to vector<16xi32>
      %add3A_1626 = arith.addi %get3A_1623, %add3A_1625 : vector<16xi32>
      tpu.vector_store_idx %arg5[%add3A_1626], %broadcast_in_dim3A_5 {add = true} : memref<26624xf32, #tpu.memory_space<vmem>>[vector<16xi32>], vector<16xf32>,
      %add3A_1627 = arith.constant 848 : i32
      %add3A_1628 = arith.addi %mul3A_1255, %add3A_1627 : i32
      %get3A_1629 = arith.index_cast %add3A_1628 : i32 to index
      %get3A_1630 = tpu.vector_load %arg4[%get3A_1629] {strides = array<i32>} : memref<45056xi32, #tpu.memory_space<vmem>>, vector<16xi32>,
      %add3A_1631 = arith.constant 13312 : i32
      %add3A_1632 = vector.broadcast %add3A_1631 : i32 to vector<16xi32>
      %add3A_1633 = arith.addi %get3A_1630, %add3A_1632 : vector<16xi32>
      tpu.vector_store_idx %arg5[%add3A_1633], %broadcast_in_dim3A_5 {add = true} : memref<26624xf32, #tpu.memory_space<vmem>>[vector<16xi32>], vector<16xf32>,
      %add3A_1634 = arith.constant 864 : i32
      %add3A_1635 = arith.addi %mul3A_1255, %add3A_1634 : i32
      %get3A_1636 = arith.index_cast %add3A_1635 : i32 to index
      %get3A_1637 = tpu.vector_load %arg4[%get3A_1636] {strides = array<i32>} : memref<45056xi32, #tpu.memory_space<vmem>>, vector<16xi32>,
      %add3A_1638 = arith.constant 13312 : i32
      %add3A_1639 = vector.broadcast %add3A_1638 : i32 to vector<16xi32>
      %add3A_1640 = arith.addi %get3A_1637, %add3A_1639 : vector<16xi32>
      tpu.vector_store_idx %arg5[%add3A_1640], %broadcast_in_dim3A_5 {add = true} : memref<26624xf32, #tpu.memory_space<vmem>>[vector<16xi32>], vector<16xf32>,
      %add3A_1641 = arith.constant 880 : i32
      %add3A_1642 = arith.addi %mul3A_1255, %add3A_1641 : i32
      %get3A_1643 = arith.index_cast %add3A_1642 : i32 to index
      %get3A_1644 = tpu.vector_load %arg4[%get3A_1643] {strides = array<i32>} : memref<45056xi32, #tpu.memory_space<vmem>>, vector<16xi32>,
      %add3A_1645 = arith.constant 13312 : i32
      %add3A_1646 = vector.broadcast %add3A_1645 : i32 to vector<16xi32>
      %add3A_1647 = arith.addi %get3A_1644, %add3A_1646 : vector<16xi32>
      tpu.vector_store_idx %arg5[%add3A_1647], %broadcast_in_dim3A_5 {add = true} : memref<26624xf32, #tpu.memory_space<vmem>>[vector<16xi32>], vector<16xf32>,
      %add3A_1648 = arith.constant 896 : i32
      %add3A_1649 = arith.addi %mul3A_1255, %add3A_1648 : i32
      %get3A_1650 = arith.index_cast %add3A_1649 : i32 to index
      %get3A_1651 = tpu.vector_load %arg4[%get3A_1650] {strides = array<i32>} : memref<45056xi32, #tpu.memory_space<vmem>>, vector<16xi32>,
      %add3A_1652 = arith.constant 13312 : i32
      %add3A_1653 = vector.broadcast %add3A_1652 : i32 to vector<16xi32>
      %add3A_1654 = arith.addi %get3A_1651, %add3A_1653 : vector<16xi32>
      tpu.vector_store_idx %arg5[%add3A_1654], %broadcast_in_dim3A_5 {add = true} : memref<26624xf32, #tpu.memory_space<vmem>>[vector<16xi32>], vector<16xf32>,
      %add3A_1655 = arith.constant 912 : i32
      %add3A_1656 = arith.addi %mul3A_1255, %add3A_1655 : i32
      %get3A_1657 = arith.index_cast %add3A_1656 : i32 to index
      %get3A_1658 = tpu.vector_load %arg4[%get3A_1657] {strides = array<i32>} : memref<45056xi32, #tpu.memory_space<vmem>>, vector<16xi32>,
      %add3A_1659 = arith.constant 13312 : i32
      %add3A_1660 = vector.broadcast %add3A_1659 : i32 to vector<16xi32>
      %add3A_1661 = arith.addi %get3A_1658, %add3A_1660 : vector<16xi32>
      tpu.vector_store_idx %arg5[%add3A_1661], %broadcast_in_dim3A_5 {add = true} : memref<26624xf32, #tpu.memory_space<vmem>>[vector<16xi32>], vector<16xf32>,
      %add3A_1662 = arith.constant 928 : i32
      %add3A_1663 = arith.addi %mul3A_1255, %add3A_1662 : i32
      %get3A_1664 = arith.index_cast %add3A_1663 : i32 to index
      %get3A_1665 = tpu.vector_load %arg4[%get3A_1664] {strides = array<i32>} : memref<45056xi32, #tpu.memory_space<vmem>>, vector<16xi32>,
      %add3A_1666 = arith.constant 13312 : i32
      %add3A_1667 = vector.broadcast %add3A_1666 : i32 to vector<16xi32>
      %add3A_1668 = arith.addi %get3A_1665, %add3A_1667 : vector<16xi32>
      tpu.vector_store_idx %arg5[%add3A_1668], %broadcast_in_dim3A_5 {add = true} : memref<26624xf32, #tpu.memory_space<vmem>>[vector<16xi32>], vector<16xf32>,
      %add3A_1669 = arith.constant 944 : i32
      %add3A_1670 = arith.addi %mul3A_1255, %add3A_1669 : i32
      %get3A_1671 = arith.index_cast %add3A_1670 : i32 to index
      %get3A_1672 = tpu.vector_load %arg4[%get3A_1671] {strides = array<i32>} : memref<45056xi32, #tpu.memory_space<vmem>>, vector<16xi32>,
      %add3A_1673 = arith.constant 13312 : i32
      %add3A_1674 = vector.broadcast %add3A_1673 : i32 to vector<16xi32>
      %add3A_1675 = arith.addi %get3A_1672, %add3A_1674 : vector<16xi32>
      tpu.vector_store_idx %arg5[%add3A_1675], %broadcast_in_dim3A_5 {add = true} : memref<26624xf32, #tpu.memory_space<vmem>>[vector<16xi32>], vector<16xf32>,
      %add3A_1676 = arith.constant 960 : i32
      %add3A_1677 = arith.addi %mul3A_1255, %add3A_1676 : i32
      %get3A_1678 = arith.index_cast %add3A_1677 : i32 to index
      %get3A_1679 = tpu.vector_load %arg4[%get3A_1678] {strides = array<i32>} : memref<45056xi32, #tpu.memory_space<vmem>>, vector<16xi32>,
      %add3A_1680 = arith.constant 13312 : i32
      %add3A_1681 = vector.broadcast %add3A_1680 : i32 to vector<16xi32>
      %add3A_1682 = arith.addi %get3A_1679, %add3A_1681 : vector<16xi32>
      tpu.vector_store_idx %arg5[%add3A_1682], %broadcast_in_dim3A_5 {add = true} : memref<26624xf32, #tpu.memory_space<vmem>>[vector<16xi32>], vector<16xf32>,
      %add3A_1683 = arith.constant 976 : i32
      %add3A_1684 = arith.addi %mul3A_1255, %add3A_1683 : i32
      %get3A_1685 = arith.index_cast %add3A_1684 : i32 to index
      %get3A_1686 = tpu.vector_load %arg4[%get3A_1685] {strides = array<i32>} : memref<45056xi32, #tpu.memory_space<vmem>>, vector<16xi32>,
      %add3A_1687 = arith.constant 13312 : i32
      %add3A_1688 = vector.broadcast %add3A_1687 : i32 to vector<16xi32>
      %add3A_1689 = arith.addi %get3A_1686, %add3A_1688 : vector<16xi32>
      tpu.vector_store_idx %arg5[%add3A_1689], %broadcast_in_dim3A_5 {add = true} : memref<26624xf32, #tpu.memory_space<vmem>>[vector<16xi32>], vector<16xf32>,
      %add3A_1690 = arith.constant 992 : i32
      %add3A_1691 = arith.addi %mul3A_1255, %add3A_1690 : i32
      %get3A_1692 = arith.index_cast %add3A_1691 : i32 to index
      %get3A_1693 = tpu.vector_load %arg4[%get3A_1692] {strides = array<i32>} : memref<45056xi32, #tpu.memory_space<vmem>>, vector<16xi32>,
      %add3A_1694 = arith.constant 13312 : i32
      %add3A_1695 = vector.broadcast %add3A_1694 : i32 to vector<16xi32>
      %add3A_1696 = arith.addi %get3A_1693, %add3A_1695 : vector<16xi32>
      tpu.vector_store_idx %arg5[%add3A_1696], %broadcast_in_dim3A_5 {add = true} : memref<26624xf32, #tpu.memory_space<vmem>>[vector<16xi32>], vector<16xf32>,
      %add3A_1697 = arith.constant 1008 : i32
      %add3A_1698 = arith.addi %mul3A_1255, %add3A_1697 : i32
      %get3A_1699 = arith.index_cast %add3A_1698 : i32 to index
      %get3A_1700 = tpu.vector_load %arg4[%get3A_1699] {strides = array<i32>} : memref<45056xi32, #tpu.memory_space<vmem>>, vector<16xi32>,
      %add3A_1701 = arith.constant 13312 : i32
      %add3A_1702 = vector.broadcast %add3A_1701 : i32 to vector<16xi32>
      %add3A_1703 = arith.addi %get3A_1700, %add3A_1702 : vector<16xi32>
      tpu.vector_store_idx %arg5[%add3A_1703], %broadcast_in_dim3A_5 {add = true} : memref<26624xf32, #tpu.memory_space<vmem>>[vector<16xi32>], vector<16xf32>,
      %add3A_1704 = arith.constant 1024 : i32
      %add3A_1705 = arith.addi %mul3A_1255, %add3A_1704 : i32
      %get3A_1706 = arith.index_cast %add3A_1705 : i32 to index
      %get3A_1707 = tpu.vector_load %arg4[%get3A_1706] {strides = array<i32>} : memref<45056xi32, #tpu.memory_space<vmem>>, vector<16xi32>,
      %add3A_1708 = arith.constant 13312 : i32
      %add3A_1709 = vector.broadcast %add3A_1708 : i32 to vector<16xi32>
      %add3A_1710 = arith.addi %get3A_1707, %add3A_1709 : vector<16xi32>
      tpu.vector_store_idx %arg5[%add3A_1710], %broadcast_in_dim3A_5 {add = true} : memref<26624xf32, #tpu.memory_space<vmem>>[vector<16xi32>], vector<16xf32>,
      %add3A_1711 = arith.constant 1040 : i32
      %add3A_1712 = arith.addi %mul3A_1255, %add3A_1711 : i32
      %get3A_1713 = arith.index_cast %add3A_1712 : i32 to index
      %get3A_1714 = tpu.vector_load %arg4[%get3A_1713] {strides = array<i32>} : memref<45056xi32, #tpu.memory_space<vmem>>, vector<16xi32>,
      %add3A_1715 = arith.constant 13312 : i32
      %add3A_1716 = vector.broadcast %add3A_1715 : i32 to vector<16xi32>
      %add3A_1717 = arith.addi %get3A_1714, %add3A_1716 : vector<16xi32>
      tpu.vector_store_idx %arg5[%add3A_1717], %broadcast_in_dim3A_5 {add = true} : memref<26624xf32, #tpu.memory_space<vmem>>[vector<16xi32>], vector<16xf32>,
      %add3A_1718 = arith.constant 1056 : i32
      %add3A_1719 = arith.addi %mul3A_1255, %add3A_1718 : i32
      %get3A_1720 = arith.index_cast %add3A_1719 : i32 to index
      %get3A_1721 = tpu.vector_load %arg4[%get3A_1720] {strides = array<i32>} : memref<45056xi32, #tpu.memory_space<vmem>>, vector<16xi32>,
      %add3A_1722 = arith.constant 13312 : i32
      %add3A_1723 = vector.broadcast %add3A_1722 : i32 to vector<16xi32>
      %add3A_1724 = arith.addi %get3A_1721, %add3A_1723 : vector<16xi32>
      tpu.vector_store_idx %arg5[%add3A_1724], %broadcast_in_dim3A_5 {add = true} : memref<26624xf32, #tpu.memory_space<vmem>>[vector<16xi32>], vector<16xf32>,
      %add3A_1725 = arith.constant 1072 : i32
      %add3A_1726 = arith.addi %mul3A_1255, %add3A_1725 : i32
      %get3A_1727 = arith.index_cast %add3A_1726 : i32 to index
      %get3A_1728 = tpu.vector_load %arg4[%get3A_1727] {strides = array<i32>} : memref<45056xi32, #tpu.memory_space<vmem>>, vector<16xi32>,
      %add3A_1729 = arith.constant 13312 : i32
      %add3A_1730 = vector.broadcast %add3A_1729 : i32 to vector<16xi32>
      %add3A_1731 = arith.addi %get3A_1728, %add3A_1730 : vector<16xi32>
      tpu.vector_store_idx %arg5[%add3A_1731], %broadcast_in_dim3A_5 {add = true} : memref<26624xf32, #tpu.memory_space<vmem>>[vector<16xi32>], vector<16xf32>,
      %add3A_1732 = arith.constant 1088 : i32
      %add3A_1733 = arith.addi %mul3A_1255, %add3A_1732 : i32
      %get3A_1734 = arith.index_cast %add3A_1733 : i32 to index
      %get3A_1735 = tpu.vector_load %arg4[%get3A_1734] {strides = array<i32>} : memref<45056xi32, #tpu.memory_space<vmem>>, vector<16xi32>,
      %add3A_1736 = arith.constant 13312 : i32
      %add3A_1737 = vector.broadcast %add3A_1736 : i32 to vector<16xi32>
      %add3A_1738 = arith.addi %get3A_1735, %add3A_1737 : vector<16xi32>
      tpu.vector_store_idx %arg5[%add3A_1738], %broadcast_in_dim3A_5 {add = true} : memref<26624xf32, #tpu.memory_space<vmem>>[vector<16xi32>], vector<16xf32>,
      %add3A_1739 = arith.constant 1104 : i32
      %add3A_1740 = arith.addi %mul3A_1255, %add3A_1739 : i32
      %get3A_1741 = arith.index_cast %add3A_1740 : i32 to index
      %get3A_1742 = tpu.vector_load %arg4[%get3A_1741] {strides = array<i32>} : memref<45056xi32, #tpu.memory_space<vmem>>, vector<16xi32>,
      %add3A_1743 = arith.constant 13312 : i32
      %add3A_1744 = vector.broadcast %add3A_1743 : i32 to vector<16xi32>
      %add3A_1745 = arith.addi %get3A_1742, %add3A_1744 : vector<16xi32>
      tpu.vector_store_idx %arg5[%add3A_1745], %broadcast_in_dim3A_5 {add = true} : memref<26624xf32, #tpu.memory_space<vmem>>[vector<16xi32>], vector<16xf32>,
      %add3A_1746 = arith.constant 1120 : i32
      %add3A_1747 = arith.addi %mul3A_1255, %add3A_1746 : i32
      %get3A_1748 = arith.index_cast %add3A_1747 : i32 to index
      %get3A_1749 = tpu.vector_load %arg4[%get3A_1748] {strides = array<i32>} : memref<45056xi32, #tpu.memory_space<vmem>>, vector<16xi32>,
      %add3A_1750 = arith.constant 13312 : i32
      %add3A_1751 = vector.broadcast %add3A_1750 : i32 to vector<16xi32>
      %add3A_1752 = arith.addi %get3A_1749, %add3A_1751 : vector<16xi32>
      tpu.vector_store_idx %arg5[%add3A_1752], %broadcast_in_dim3A_5 {add = true} : memref<26624xf32, #tpu.memory_space<vmem>>[vector<16xi32>], vector<16xf32>,
      %add3A_1753 = arith.constant 1136 : i32
      %add3A_1754 = arith.addi %mul3A_1255, %add3A_1753 : i32
      %get3A_1755 = arith.index_cast %add3A_1754 : i32 to index
      %get3A_1756 = tpu.vector_load %arg4[%get3A_1755] {strides = array<i32>} : memref<45056xi32, #tpu.memory_space<vmem>>, vector<16xi32>,
      %add3A_1757 = arith.constant 13312 : i32
      %add3A_1758 = vector.broadcast %add3A_1757 : i32 to vector<16xi32>
      %add3A_1759 = arith.addi %get3A_1756, %add3A_1758 : vector<16xi32>
      tpu.vector_store_idx %arg5[%add3A_1759], %broadcast_in_dim3A_5 {add = true} : memref<26624xf32, #tpu.memory_space<vmem>>[vector<16xi32>], vector<16xf32>,
      %add3A_1760 = arith.constant 1152 : i32
      %add3A_1761 = arith.addi %mul3A_1255, %add3A_1760 : i32
      %get3A_1762 = arith.index_cast %add3A_1761 : i32 to index
      %get3A_1763 = tpu.vector_load %arg4[%get3A_1762] {strides = array<i32>} : memref<45056xi32, #tpu.memory_space<vmem>>, vector<16xi32>,
      %add3A_1764 = arith.constant 13312 : i32
      %add3A_1765 = vector.broadcast %add3A_1764 : i32 to vector<16xi32>
      %add3A_1766 = arith.addi %get3A_1763, %add3A_1765 : vector<16xi32>
      tpu.vector_store_idx %arg5[%add3A_1766], %broadcast_in_dim3A_5 {add = true} : memref<26624xf32, #tpu.memory_space<vmem>>[vector<16xi32>], vector<16xf32>,
      %add3A_1767 = arith.constant 1168 : i32
      %add3A_1768 = arith.addi %mul3A_1255, %add3A_1767 : i32
      %get3A_1769 = arith.index_cast %add3A_1768 : i32 to index
      %get3A_1770 = tpu.vector_load %arg4[%get3A_1769] {strides = array<i32>} : memref<45056xi32, #tpu.memory_space<vmem>>, vector<16xi32>,
      %add3A_1771 = arith.constant 13312 : i32
      %add3A_1772 = vector.broadcast %add3A_1771 : i32 to vector<16xi32>
      %add3A_1773 = arith.addi %get3A_1770, %add3A_1772 : vector<16xi32>
      tpu.vector_store_idx %arg5[%add3A_1773], %broadcast_in_dim3A_5 {add = true} : memref<26624xf32, #tpu.memory_space<vmem>>[vector<16xi32>], vector<16xf32>,
      %add3A_1774 = arith.constant 1184 : i32
      %add3A_1775 = arith.addi %mul3A_1255, %add3A_1774 : i32
      %get3A_1776 = arith.index_cast %add3A_1775 : i32 to index
      %get3A_1777 = tpu.vector_load %arg4[%get3A_1776] {strides = array<i32>} : memref<45056xi32, #tpu.memory_space<vmem>>, vector<16xi32>,
      %add3A_1778 = arith.constant 13312 : i32
      %add3A_1779 = vector.broadcast %add3A_1778 : i32 to vector<16xi32>
      %add3A_1780 = arith.addi %get3A_1777, %add3A_1779 : vector<16xi32>
      tpu.vector_store_idx %arg5[%add3A_1780], %broadcast_in_dim3A_5 {add = true} : memref<26624xf32, #tpu.memory_space<vmem>>[vector<16xi32>], vector<16xf32>,
      %add3A_1781 = arith.constant 1200 : i32
      %add3A_1782 = arith.addi %mul3A_1255, %add3A_1781 : i32
      %get3A_1783 = arith.index_cast %add3A_1782 : i32 to index
      %get3A_1784 = tpu.vector_load %arg4[%get3A_1783] {strides = array<i32>} : memref<45056xi32, #tpu.memory_space<vmem>>, vector<16xi32>,
      %add3A_1785 = arith.constant 13312 : i32
      %add3A_1786 = vector.broadcast %add3A_1785 : i32 to vector<16xi32>
      %add3A_1787 = arith.addi %get3A_1784, %add3A_1786 : vector<16xi32>
      tpu.vector_store_idx %arg5[%add3A_1787], %broadcast_in_dim3A_5 {add = true} : memref<26624xf32, #tpu.memory_space<vmem>>[vector<16xi32>], vector<16xf32>,
      %add3A_1788 = arith.constant 1216 : i32
      %add3A_1789 = arith.addi %mul3A_1255, %add3A_1788 : i32
      %get3A_1790 = arith.index_cast %add3A_1789 : i32 to index
      %get3A_1791 = tpu.vector_load %arg4[%get3A_1790] {strides = array<i32>} : memref<45056xi32, #tpu.memory_space<vmem>>, vector<16xi32>,
      %add3A_1792 = arith.constant 13312 : i32
      %add3A_1793 = vector.broadcast %add3A_1792 : i32 to vector<16xi32>
      %add3A_1794 = arith.addi %get3A_1791, %add3A_1793 : vector<16xi32>
      tpu.vector_store_idx %arg5[%add3A_1794], %broadcast_in_dim3A_5 {add = true} : memref<26624xf32, #tpu.memory_space<vmem>>[vector<16xi32>], vector<16xf32>,
      %add3A_1795 = arith.constant 1232 : i32
      %add3A_1796 = arith.addi %mul3A_1255, %add3A_1795 : i32
      %get3A_1797 = arith.index_cast %add3A_1796 : i32 to index
      %get3A_1798 = tpu.vector_load %arg4[%get3A_1797] {strides = array<i32>} : memref<45056xi32, #tpu.memory_space<vmem>>, vector<16xi32>,
      %add3A_1799 = arith.constant 13312 : i32
      %add3A_1800 = vector.broadcast %add3A_1799 : i32 to vector<16xi32>
      %add3A_1801 = arith.addi %get3A_1798, %add3A_1800 : vector<16xi32>
      tpu.vector_store_idx %arg5[%add3A_1801], %broadcast_in_dim3A_5 {add = true} : memref<26624xf32, #tpu.memory_space<vmem>>[vector<16xi32>], vector<16xf32>,
      %add3A_1802 = arith.constant 1248 : i32
      %add3A_1803 = arith.addi %mul3A_1255, %add3A_1802 : i32
      %get3A_1804 = arith.index_cast %add3A_1803 : i32 to index
      %get3A_1805 = tpu.vector_load %arg4[%get3A_1804] {strides = array<i32>} : memref<45056xi32, #tpu.memory_space<vmem>>, vector<16xi32>,
      %add3A_1806 = arith.constant 13312 : i32
      %add3A_1807 = vector.broadcast %add3A_1806 : i32 to vector<16xi32>
      %add3A_1808 = arith.addi %get3A_1805, %add3A_1807 : vector<16xi32>
      tpu.vector_store_idx %arg5[%add3A_1808], %broadcast_in_dim3A_5 {add = true} : memref<26624xf32, #tpu.memory_space<vmem>>[vector<16xi32>], vector<16xf32>,
      %add3A_1809 = arith.constant 1264 : i32
      %add3A_1810 = arith.addi %mul3A_1255, %add3A_1809 : i32
      %get3A_1811 = arith.index_cast %add3A_1810 : i32 to index
      %get3A_1812 = tpu.vector_load %arg4[%get3A_1811] {strides = array<i32>} : memref<45056xi32, #tpu.memory_space<vmem>>, vector<16xi32>,
      %add3A_1813 = arith.constant 13312 : i32
      %add3A_1814 = vector.broadcast %add3A_1813 : i32 to vector<16xi32>
      %add3A_1815 = arith.addi %get3A_1812, %add3A_1814 : vector<16xi32>
      tpu.vector_store_idx %arg5[%add3A_1815], %broadcast_in_dim3A_5 {add = true} : memref<26624xf32, #tpu.memory_space<vmem>>[vector<16xi32>], vector<16xf32>,
      %add3A_1816 = arith.constant 1280 : i32
      %add3A_1817 = arith.addi %mul3A_1255, %add3A_1816 : i32
      %get3A_1818 = arith.index_cast %add3A_1817 : i32 to index
      %get3A_1819 = tpu.vector_load %arg4[%get3A_1818] {strides = array<i32>} : memref<45056xi32, #tpu.memory_space<vmem>>, vector<16xi32>,
      %add3A_1820 = arith.constant 13312 : i32
      %add3A_1821 = vector.broadcast %add3A_1820 : i32 to vector<16xi32>
      %add3A_1822 = arith.addi %get3A_1819, %add3A_1821 : vector<16xi32>
      tpu.vector_store_idx %arg5[%add3A_1822], %broadcast_in_dim3A_5 {add = true} : memref<26624xf32, #tpu.memory_space<vmem>>[vector<16xi32>], vector<16xf32>,
      %add3A_1823 = arith.constant 1296 : i32
      %add3A_1824 = arith.addi %mul3A_1255, %add3A_1823 : i32
      %get3A_1825 = arith.index_cast %add3A_1824 : i32 to index
      %get3A_1826 = tpu.vector_load %arg4[%get3A_1825] {strides = array<i32>} : memref<45056xi32, #tpu.memory_space<vmem>>, vector<16xi32>,
      %add3A_1827 = arith.constant 13312 : i32
      %add3A_1828 = vector.broadcast %add3A_1827 : i32 to vector<16xi32>
      %add3A_1829 = arith.addi %get3A_1826, %add3A_1828 : vector<16xi32>
      tpu.vector_store_idx %arg5[%add3A_1829], %broadcast_in_dim3A_5 masked %lt3A_9 {add = true} : memref<26624xf32, #tpu.memory_space<vmem>>[vector<16xi32>], vector<16xf32>, vector<16xi1>
      %add3A_1830 = arith.addi %mul3A_2, %add3A_1248 : i32
      %mul3A_1831 = arith.constant 6656 : i32
      %mul3A_1832 = arith.muli %add3A_1830, %mul3A_1831 : i32
      %dma_start3A_1833 = arith.constant 13312 : i32
      %dma_start3A_1834 = tpu.memref_slice %arg5[%dma_start3A_1833] : memref<26624xf32, #tpu.memory_space<vmem>> -> memref<6656xf32, #tpu.memory_space<vmem>>
      %dma_start3A_1835 = tpu.memref_slice %arg3[%mul3A_1832] : memref<6815744xf32, #tpu.memory_space<hbm>> -> memref<6656xf32, #tpu.memory_space<hbm>>
      %dma_start3A_1836 = tpu.memref_slice %arg3[%mul3A_1832] : memref<6815744xf32, #tpu.memory_space<hbm>> -> memref<6656xf32, #tpu.memory_space<hbm>>
      %dma_start3A_1837 = arith.constant 13312 : i32
      %dma_start3A_1838 = tpu.memref_slice %arg5[%dma_start3A_1837] : memref<26624xf32, #tpu.memory_space<vmem>> -> memref<6656xf32, #tpu.memory_space<vmem>>
      tpu.enqueue_dma source(%dma_start3A_1838 : memref<6656xf32, #tpu.memory_space<vmem>>) target(%dma_start3A_1836 : memref<6656xf32, #tpu.memory_space<hbm>>) target_semaphore(%arg9 : memref<!tpu.dma_semaphore, #tpu.memory_space<semaphore_mem>>)
      %gt3A_1839 = arith.constant 0 : i32
      %gt3A_1840 = arith.cmpi sgt, %scan3A_46, %gt3A_1839 : i32
      %or3A_1841 = arith.constant true
      %or3A_1842 = arith.ori %gt3A_1840, %or3A_1841 : i1
      %convert_element_type3A_1843 = arith.extui %or3A_1842 : i1 to i32
      %cond3A_1844 = arith.constant 0 : i32
      %cond3A_1845 = arith.cmpi ne, %convert_element_type3A_1843, %cond3A_1844 : i32
      scf.if %cond3A_1845 {
        %dma_wait3A_2447 = arith.constant 0 : i32
        %dma_wait3A_2448 = tpu.memref_slice %arg5[%dma_wait3A_2447] : memref<26624xf32, #tpu.memory_space<vmem>> -> memref<6656xf32, #tpu.memory_space<vmem>>
        %dma_wait3A_2449 = arith.constant 0 : i32
        %dma_wait3A_2450 = tpu.memref_slice %arg3[%dma_wait3A_2449] : memref<6815744xf32, #tpu.memory_space<hbm>> -> memref<6656xf32, #tpu.memory_space<hbm>>
        %dma_wait3A_2451 = arith.constant 0 : i32
        %dma_wait3A_2452 = tpu.memref_slice %arg3[%dma_wait3A_2451] : memref<6815744xf32, #tpu.memory_space<hbm>> -> memref<6656xf32, #tpu.memory_space<hbm>>
        %dma_wait3A_2453 = arith.constant 0 : i32
        %dma_wait3A_2454 = tpu.memref_slice %arg5[%dma_wait3A_2453] : memref<26624xf32, #tpu.memory_space<vmem>> -> memref<6656xf32, #tpu.memory_space<vmem>>
        tpu.wait_dma2 semaphore(%arg7 : memref<!tpu.dma_semaphore, #tpu.memory_space<semaphore_mem>>) src(%dma_wait3A_2454 : memref<6656xf32, #tpu.memory_space<vmem>>) dst(%dma_wait3A_2452 : memref<6656xf32, #tpu.memory_space<hbm>>)
        %dma_start3A_2455 = arith.constant 0 : i32
        %dma_start3A_2456 = tpu.memref_slice %arg5[%dma_start3A_2455] : memref<26624xf32, #tpu.memory_space<vmem>> -> memref<6656xf32, #tpu.memory_space<vmem>>
        %dma_start3A_2457 = arith.constant 0 : i32
        %dma_start3A_2458 = tpu.memref_slice %arg5[%dma_start3A_2457] : memref<26624xf32, #tpu.memory_space<vmem>> -> memref<6656xf32, #tpu.memory_space<vmem>>
        tpu.enqueue_dma source(%arg6 : memref<6656xf32, #tpu.memory_space<vmem_shared>>) target(%dma_start3A_2458 : memref<6656xf32, #tpu.memory_space<vmem>>) target_semaphore(%arg11 : memref<!tpu.dma_semaphore, #tpu.memory_space<semaphore_mem>>)
      } else {
      }
      %mul3A_1846 = arith.constant 4 : i32
      %mul3A_1847 = arith.muli %scan3A_46, %mul3A_1846 : i32
      %add3A_1848 = arith.constant 3 : i32
      %add3A_1849 = arith.addi %mul3A_1847, %add3A_1848 : i32
      %gt3A_1850 = arith.constant 0 : i32
      %gt3A_1851 = arith.cmpi sgt, %scan3A_46, %gt3A_1850 : i32
      %convert_element_type3A_1852 = arith.extui %gt3A_1851 : i1 to i32
      %cond3A_1853 = arith.constant 0 : i32
      %cond3A_1854 = arith.cmpi ne, %convert_element_type3A_1852, %cond3A_1853 : i32
      scf.if %cond3A_1854 {
        %dma_wait3A_2447 = arith.constant 19968 : i32
        %dma_wait3A_2448 = tpu.memref_slice %arg5[%dma_wait3A_2447] : memref<26624xf32, #tpu.memory_space<vmem>> -> memref<6656xf32, #tpu.memory_space<vmem>>
        %dma_wait3A_2449 = arith.constant 19968 : i32
        %dma_wait3A_2450 = tpu.memref_slice %arg5[%dma_wait3A_2449] : memref<26624xf32, #tpu.memory_space<vmem>> -> memref<6656xf32, #tpu.memory_space<vmem>>
        tpu.wait_dma2 semaphore(%arg14 : memref<!tpu.dma_semaphore, #tpu.memory_space<semaphore_mem>>) src(%arg6 : memref<6656xf32, #tpu.memory_space<vmem_shared>>) dst(%dma_wait3A_2450 : memref<6656xf32, #tpu.memory_space<vmem>>)
      } else {
      }
      %mul3A_1855 = arith.constant 1408 : i32
      %mul3A_1856 = arith.muli %add3A_1849, %mul3A_1855 : i32
      %add3A_1857 = arith.constant 0 : i32
      %add3A_1858 = arith.addi %mul3A_1856, %add3A_1857 : i32
      %get3A_1859 = arith.index_cast %add3A_1858 : i32 to index
      %get3A_1860 = tpu.vector_load %arg4[%get3A_1859] {strides = array<i32>} : memref<45056xi32, #tpu.memory_space<vmem>>, vector<16xi32>,
      %add3A_1861 = arith.constant 19968 : i32
      %add3A_1862 = vector.broadcast %add3A_1861 : i32 to vector<16xi32>
      %add3A_1863 = arith.addi %get3A_1860, %add3A_1862 : vector<16xi32>
      tpu.vector_store_idx %arg5[%add3A_1863], %broadcast_in_dim3A_5 {add = true} : memref<26624xf32, #tpu.memory_space<vmem>>[vector<16xi32>], vector<16xf32>,
      %add3A_1864 = arith.constant 16 : i32
      %add3A_1865 = arith.addi %mul3A_1856, %add3A_1864 : i32
      %get3A_1866 = arith.index_cast %add3A_1865 : i32 to index
      %get3A_1867 = tpu.vector_load %arg4[%get3A_1866] {strides = array<i32>} : memref<45056xi32, #tpu.memory_space<vmem>>, vector<16xi32>,
      %add3A_1868 = arith.constant 19968 : i32
      %add3A_1869 = vector.broadcast %add3A_1868 : i32 to vector<16xi32>
      %add3A_1870 = arith.addi %get3A_1867, %add3A_1869 : vector<16xi32>
      tpu.vector_store_idx %arg5[%add3A_1870], %broadcast_in_dim3A_5 {add = true} : memref<26624xf32, #tpu.memory_space<vmem>>[vector<16xi32>], vector<16xf32>,
      %add3A_1871 = arith.constant 32 : i32
      %add3A_1872 = arith.addi %mul3A_1856, %add3A_1871 : i32
      %get3A_1873 = arith.index_cast %add3A_1872 : i32 to index
      %get3A_1874 = tpu.vector_load %arg4[%get3A_1873] {strides = array<i32>} : memref<45056xi32, #tpu.memory_space<vmem>>, vector<16xi32>,
      %add3A_1875 = arith.constant 19968 : i32
      %add3A_1876 = vector.broadcast %add3A_1875 : i32 to vector<16xi32>
      %add3A_1877 = arith.addi %get3A_1874, %add3A_1876 : vector<16xi32>
      tpu.vector_store_idx %arg5[%add3A_1877], %broadcast_in_dim3A_5 {add = true} : memref<26624xf32, #tpu.memory_space<vmem>>[vector<16xi32>], vector<16xf32>,
      %add3A_1878 = arith.constant 48 : i32
      %add3A_1879 = arith.addi %mul3A_1856, %add3A_1878 : i32
      %get3A_1880 = arith.index_cast %add3A_1879 : i32 to index
      %get3A_1881 = tpu.vector_load %arg4[%get3A_1880] {strides = array<i32>} : memref<45056xi32, #tpu.memory_space<vmem>>, vector<16xi32>,
      %add3A_1882 = arith.constant 19968 : i32
      %add3A_1883 = vector.broadcast %add3A_1882 : i32 to vector<16xi32>
      %add3A_1884 = arith.addi %get3A_1881, %add3A_1883 : vector<16xi32>
      tpu.vector_store_idx %arg5[%add3A_1884], %broadcast_in_dim3A_5 {add = true} : memref<26624xf32, #tpu.memory_space<vmem>>[vector<16xi32>], vector<16xf32>,
      %add3A_1885 = arith.constant 64 : i32
      %add3A_1886 = arith.addi %mul3A_1856, %add3A_1885 : i32
      %get3A_1887 = arith.index_cast %add3A_1886 : i32 to index
      %get3A_1888 = tpu.vector_load %arg4[%get3A_1887] {strides = array<i32>} : memref<45056xi32, #tpu.memory_space<vmem>>, vector<16xi32>,
      %add3A_1889 = arith.constant 19968 : i32
      %add3A_1890 = vector.broadcast %add3A_1889 : i32 to vector<16xi32>
      %add3A_1891 = arith.addi %get3A_1888, %add3A_1890 : vector<16xi32>
      tpu.vector_store_idx %arg5[%add3A_1891], %broadcast_in_dim3A_5 {add = true} : memref<26624xf32, #tpu.memory_space<vmem>>[vector<16xi32>], vector<16xf32>,
      %add3A_1892 = arith.constant 80 : i32
      %add3A_1893 = arith.addi %mul3A_1856, %add3A_1892 : i32
      %get3A_1894 = arith.index_cast %add3A_1893 : i32 to index
      %get3A_1895 = tpu.vector_load %arg4[%get3A_1894] {strides = array<i32>} : memref<45056xi32, #tpu.memory_space<vmem>>, vector<16xi32>,
      %add3A_1896 = arith.constant 19968 : i32
      %add3A_1897 = vector.broadcast %add3A_1896 : i32 to vector<16xi32>
      %add3A_1898 = arith.addi %get3A_1895, %add3A_1897 : vector<16xi32>
      tpu.vector_store_idx %arg5[%add3A_1898], %broadcast_in_dim3A_5 {add = true} : memref<26624xf32, #tpu.memory_space<vmem>>[vector<16xi32>], vector<16xf32>,
      %add3A_1899 = arith.constant 96 : i32
      %add3A_1900 = arith.addi %mul3A_1856, %add3A_1899 : i32
      %get3A_1901 = arith.index_cast %add3A_1900 : i32 to index
      %get3A_1902 = tpu.vector_load %arg4[%get3A_1901] {strides = array<i32>} : memref<45056xi32, #tpu.memory_space<vmem>>, vector<16xi32>,
      %add3A_1903 = arith.constant 19968 : i32
      %add3A_1904 = vector.broadcast %add3A_1903 : i32 to vector<16xi32>
      %add3A_1905 = arith.addi %get3A_1902, %add3A_1904 : vector<16xi32>
      tpu.vector_store_idx %arg5[%add3A_1905], %broadcast_in_dim3A_5 {add = true} : memref<26624xf32, #tpu.memory_space<vmem>>[vector<16xi32>], vector<16xf32>,
      %add3A_1906 = arith.constant 112 : i32
      %add3A_1907 = arith.addi %mul3A_1856, %add3A_1906 : i32
      %get3A_1908 = arith.index_cast %add3A_1907 : i32 to index
      %get3A_1909 = tpu.vector_load %arg4[%get3A_1908] {strides = array<i32>} : memref<45056xi32, #tpu.memory_space<vmem>>, vector<16xi32>,
      %add3A_1910 = arith.constant 19968 : i32
      %add3A_1911 = vector.broadcast %add3A_1910 : i32 to vector<16xi32>
      %add3A_1912 = arith.addi %get3A_1909, %add3A_1911 : vector<16xi32>
      tpu.vector_store_idx %arg5[%add3A_1912], %broadcast_in_dim3A_5 {add = true} : memref<26624xf32, #tpu.memory_space<vmem>>[vector<16xi32>], vector<16xf32>,
      %add3A_1913 = arith.constant 128 : i32
      %add3A_1914 = arith.addi %mul3A_1856, %add3A_1913 : i32
      %get3A_1915 = arith.index_cast %add3A_1914 : i32 to index
      %get3A_1916 = tpu.vector_load %arg4[%get3A_1915] {strides = array<i32>} : memref<45056xi32, #tpu.memory_space<vmem>>, vector<16xi32>,
      %add3A_1917 = arith.constant 19968 : i32
      %add3A_1918 = vector.broadcast %add3A_1917 : i32 to vector<16xi32>
      %add3A_1919 = arith.addi %get3A_1916, %add3A_1918 : vector<16xi32>
      tpu.vector_store_idx %arg5[%add3A_1919], %broadcast_in_dim3A_5 {add = true} : memref<26624xf32, #tpu.memory_space<vmem>>[vector<16xi32>], vector<16xf32>,
      %add3A_1920 = arith.constant 144 : i32
      %add3A_1921 = arith.addi %mul3A_1856, %add3A_1920 : i32
      %get3A_1922 = arith.index_cast %add3A_1921 : i32 to index
      %get3A_1923 = tpu.vector_load %arg4[%get3A_1922] {strides = array<i32>} : memref<45056xi32, #tpu.memory_space<vmem>>, vector<16xi32>,
      %add3A_1924 = arith.constant 19968 : i32
      %add3A_1925 = vector.broadcast %add3A_1924 : i32 to vector<16xi32>
      %add3A_1926 = arith.addi %get3A_1923, %add3A_1925 : vector<16xi32>
      tpu.vector_store_idx %arg5[%add3A_1926], %broadcast_in_dim3A_5 {add = true} : memref<26624xf32, #tpu.memory_space<vmem>>[vector<16xi32>], vector<16xf32>,
      %add3A_1927 = arith.constant 160 : i32
      %add3A_1928 = arith.addi %mul3A_1856, %add3A_1927 : i32
      %get3A_1929 = arith.index_cast %add3A_1928 : i32 to index
      %get3A_1930 = tpu.vector_load %arg4[%get3A_1929] {strides = array<i32>} : memref<45056xi32, #tpu.memory_space<vmem>>, vector<16xi32>,
      %add3A_1931 = arith.constant 19968 : i32
      %add3A_1932 = vector.broadcast %add3A_1931 : i32 to vector<16xi32>
      %add3A_1933 = arith.addi %get3A_1930, %add3A_1932 : vector<16xi32>
      tpu.vector_store_idx %arg5[%add3A_1933], %broadcast_in_dim3A_5 {add = true} : memref<26624xf32, #tpu.memory_space<vmem>>[vector<16xi32>], vector<16xf32>,
      %add3A_1934 = arith.constant 176 : i32
      %add3A_1935 = arith.addi %mul3A_1856, %add3A_1934 : i32
      %get3A_1936 = arith.index_cast %add3A_1935 : i32 to index
      %get3A_1937 = tpu.vector_load %arg4[%get3A_1936] {strides = array<i32>} : memref<45056xi32, #tpu.memory_space<vmem>>, vector<16xi32>,
      %add3A_1938 = arith.constant 19968 : i32
      %add3A_1939 = vector.broadcast %add3A_1938 : i32 to vector<16xi32>
      %add3A_1940 = arith.addi %get3A_1937, %add3A_1939 : vector<16xi32>
      tpu.vector_store_idx %arg5[%add3A_1940], %broadcast_in_dim3A_5 {add = true} : memref<26624xf32, #tpu.memory_space<vmem>>[vector<16xi32>], vector<16xf32>,
      %add3A_1941 = arith.constant 192 : i32
      %add3A_1942 = arith.addi %mul3A_1856, %add3A_1941 : i32
      %get3A_1943 = arith.index_cast %add3A_1942 : i32 to index
      %get3A_1944 = tpu.vector_load %arg4[%get3A_1943] {strides = array<i32>} : memref<45056xi32, #tpu.memory_space<vmem>>, vector<16xi32>,
      %add3A_1945 = arith.constant 19968 : i32
      %add3A_1946 = vector.broadcast %add3A_1945 : i32 to vector<16xi32>
      %add3A_1947 = arith.addi %get3A_1944, %add3A_1946 : vector<16xi32>
      tpu.vector_store_idx %arg5[%add3A_1947], %broadcast_in_dim3A_5 {add = true} : memref<26624xf32, #tpu.memory_space<vmem>>[vector<16xi32>], vector<16xf32>,
      %add3A_1948 = arith.constant 208 : i32
      %add3A_1949 = arith.addi %mul3A_1856, %add3A_1948 : i32
      %get3A_1950 = arith.index_cast %add3A_1949 : i32 to index
      %get3A_1951 = tpu.vector_load %arg4[%get3A_1950] {strides = array<i32>} : memref<45056xi32, #tpu.memory_space<vmem>>, vector<16xi32>,
      %add3A_1952 = arith.constant 19968 : i32
      %add3A_1953 = vector.broadcast %add3A_1952 : i32 to vector<16xi32>
      %add3A_1954 = arith.addi %get3A_1951, %add3A_1953 : vector<16xi32>
      tpu.vector_store_idx %arg5[%add3A_1954], %broadcast_in_dim3A_5 {add = true} : memref<26624xf32, #tpu.memory_space<vmem>>[vector<16xi32>], vector<16xf32>,
      %add3A_1955 = arith.constant 224 : i32
      %add3A_1956 = arith.addi %mul3A_1856, %add3A_1955 : i32
      %get3A_1957 = arith.index_cast %add3A_1956 : i32 to index
      %get3A_1958 = tpu.vector_load %arg4[%get3A_1957] {strides = array<i32>} : memref<45056xi32, #tpu.memory_space<vmem>>, vector<16xi32>,
      %add3A_1959 = arith.constant 19968 : i32
      %add3A_1960 = vector.broadcast %add3A_1959 : i32 to vector<16xi32>
      %add3A_1961 = arith.addi %get3A_1958, %add3A_1960 : vector<16xi32>
      tpu.vector_store_idx %arg5[%add3A_1961], %broadcast_in_dim3A_5 {add = true} : memref<26624xf32, #tpu.memory_space<vmem>>[vector<16xi32>], vector<16xf32>,
      %add3A_1962 = arith.constant 240 : i32
      %add3A_1963 = arith.addi %mul3A_1856, %add3A_1962 : i32
      %get3A_1964 = arith.index_cast %add3A_1963 : i32 to index
      %get3A_1965 = tpu.vector_load %arg4[%get3A_1964] {strides = array<i32>} : memref<45056xi32, #tpu.memory_space<vmem>>, vector<16xi32>,
      %add3A_1966 = arith.constant 19968 : i32
      %add3A_1967 = vector.broadcast %add3A_1966 : i32 to vector<16xi32>
      %add3A_1968 = arith.addi %get3A_1965, %add3A_1967 : vector<16xi32>
      tpu.vector_store_idx %arg5[%add3A_1968], %broadcast_in_dim3A_5 {add = true} : memref<26624xf32, #tpu.memory_space<vmem>>[vector<16xi32>], vector<16xf32>,
      %add3A_1969 = arith.constant 256 : i32
      %add3A_1970 = arith.addi %mul3A_1856, %add3A_1969 : i32
      %get3A_1971 = arith.index_cast %add3A_1970 : i32 to index
      %get3A_1972 = tpu.vector_load %arg4[%get3A_1971] {strides = array<i32>} : memref<45056xi32, #tpu.memory_space<vmem>>, vector<16xi32>,
      %add3A_1973 = arith.constant 19968 : i32
      %add3A_1974 = vector.broadcast %add3A_1973 : i32 to vector<16xi32>
      %add3A_1975 = arith.addi %get3A_1972, %add3A_1974 : vector<16xi32>
      tpu.vector_store_idx %arg5[%add3A_1975], %broadcast_in_dim3A_5 {add = true} : memref<26624xf32, #tpu.memory_space<vmem>>[vector<16xi32>], vector<16xf32>,
      %add3A_1976 = arith.constant 272 : i32
      %add3A_1977 = arith.addi %mul3A_1856, %add3A_1976 : i32
      %get3A_1978 = arith.index_cast %add3A_1977 : i32 to index
      %get3A_1979 = tpu.vector_load %arg4[%get3A_1978] {strides = array<i32>} : memref<45056xi32, #tpu.memory_space<vmem>>, vector<16xi32>,
      %add3A_1980 = arith.constant 19968 : i32
      %add3A_1981 = vector.broadcast %add3A_1980 : i32 to vector<16xi32>
      %add3A_1982 = arith.addi %get3A_1979, %add3A_1981 : vector<16xi32>
      tpu.vector_store_idx %arg5[%add3A_1982], %broadcast_in_dim3A_5 {add = true} : memref<26624xf32, #tpu.memory_space<vmem>>[vector<16xi32>], vector<16xf32>,
      %add3A_1983 = arith.constant 288 : i32
      %add3A_1984 = arith.addi %mul3A_1856, %add3A_1983 : i32
      %get3A_1985 = arith.index_cast %add3A_1984 : i32 to index
      %get3A_1986 = tpu.vector_load %arg4[%get3A_1985] {strides = array<i32>} : memref<45056xi32, #tpu.memory_space<vmem>>, vector<16xi32>,
      %add3A_1987 = arith.constant 19968 : i32
      %add3A_1988 = vector.broadcast %add3A_1987 : i32 to vector<16xi32>
      %add3A_1989 = arith.addi %get3A_1986, %add3A_1988 : vector<16xi32>
      tpu.vector_store_idx %arg5[%add3A_1989], %broadcast_in_dim3A_5 {add = true} : memref<26624xf32, #tpu.memory_space<vmem>>[vector<16xi32>], vector<16xf32>,
      %add3A_1990 = arith.constant 304 : i32
      %add3A_1991 = arith.addi %mul3A_1856, %add3A_1990 : i32
      %get3A_1992 = arith.index_cast %add3A_1991 : i32 to index
      %get3A_1993 = tpu.vector_load %arg4[%get3A_1992] {strides = array<i32>} : memref<45056xi32, #tpu.memory_space<vmem>>, vector<16xi32>,
      %add3A_1994 = arith.constant 19968 : i32
      %add3A_1995 = vector.broadcast %add3A_1994 : i32 to vector<16xi32>
      %add3A_1996 = arith.addi %get3A_1993, %add3A_1995 : vector<16xi32>
      tpu.vector_store_idx %arg5[%add3A_1996], %broadcast_in_dim3A_5 {add = true} : memref<26624xf32, #tpu.memory_space<vmem>>[vector<16xi32>], vector<16xf32>,
      %add3A_1997 = arith.constant 320 : i32
      %add3A_1998 = arith.addi %mul3A_1856, %add3A_1997 : i32
      %get3A_1999 = arith.index_cast %add3A_1998 : i32 to index
      %get3A_2000 = tpu.vector_load %arg4[%get3A_1999] {strides = array<i32>} : memref<45056xi32, #tpu.memory_space<vmem>>, vector<16xi32>,
      %add3A_2001 = arith.constant 19968 : i32
      %add3A_2002 = vector.broadcast %add3A_2001 : i32 to vector<16xi32>
      %add3A_2003 = arith.addi %get3A_2000, %add3A_2002 : vector<16xi32>
      tpu.vector_store_idx %arg5[%add3A_2003], %broadcast_in_dim3A_5 {add = true} : memref<26624xf32, #tpu.memory_space<vmem>>[vector<16xi32>], vector<16xf32>,
      %add3A_2004 = arith.constant 336 : i32
      %add3A_2005 = arith.addi %mul3A_1856, %add3A_2004 : i32
      %get3A_2006 = arith.index_cast %add3A_2005 : i32 to index
      %get3A_2007 = tpu.vector_load %arg4[%get3A_2006] {strides = array<i32>} : memref<45056xi32, #tpu.memory_space<vmem>>, vector<16xi32>,
      %add3A_2008 = arith.constant 19968 : i32
      %add3A_2009 = vector.broadcast %add3A_2008 : i32 to vector<16xi32>
      %add3A_2010 = arith.addi %get3A_2007, %add3A_2009 : vector<16xi32>
      tpu.vector_store_idx %arg5[%add3A_2010], %broadcast_in_dim3A_5 {add = true} : memref<26624xf32, #tpu.memory_space<vmem>>[vector<16xi32>], vector<16xf32>,
      %add3A_2011 = arith.constant 352 : i32
      %add3A_2012 = arith.addi %mul3A_1856, %add3A_2011 : i32
      %get3A_2013 = arith.index_cast %add3A_2012 : i32 to index
      %get3A_2014 = tpu.vector_load %arg4[%get3A_2013] {strides = array<i32>} : memref<45056xi32, #tpu.memory_space<vmem>>, vector<16xi32>,
      %add3A_2015 = arith.constant 19968 : i32
      %add3A_2016 = vector.broadcast %add3A_2015 : i32 to vector<16xi32>
      %add3A_2017 = arith.addi %get3A_2014, %add3A_2016 : vector<16xi32>
      tpu.vector_store_idx %arg5[%add3A_2017], %broadcast_in_dim3A_5 {add = true} : memref<26624xf32, #tpu.memory_space<vmem>>[vector<16xi32>], vector<16xf32>,
      %add3A_2018 = arith.constant 368 : i32
      %add3A_2019 = arith.addi %mul3A_1856, %add3A_2018 : i32
      %get3A_2020 = arith.index_cast %add3A_2019 : i32 to index
      %get3A_2021 = tpu.vector_load %arg4[%get3A_2020] {strides = array<i32>} : memref<45056xi32, #tpu.memory_space<vmem>>, vector<16xi32>,
      %add3A_2022 = arith.constant 19968 : i32
      %add3A_2023 = vector.broadcast %add3A_2022 : i32 to vector<16xi32>
      %add3A_2024 = arith.addi %get3A_2021, %add3A_2023 : vector<16xi32>
      tpu.vector_store_idx %arg5[%add3A_2024], %broadcast_in_dim3A_5 {add = true} : memref<26624xf32, #tpu.memory_space<vmem>>[vector<16xi32>], vector<16xf32>,
      %add3A_2025 = arith.constant 384 : i32
      %add3A_2026 = arith.addi %mul3A_1856, %add3A_2025 : i32
      %get3A_2027 = arith.index_cast %add3A_2026 : i32 to index
      %get3A_2028 = tpu.vector_load %arg4[%get3A_2027] {strides = array<i32>} : memref<45056xi32, #tpu.memory_space<vmem>>, vector<16xi32>,
      %add3A_2029 = arith.constant 19968 : i32
      %add3A_2030 = vector.broadcast %add3A_2029 : i32 to vector<16xi32>
      %add3A_2031 = arith.addi %get3A_2028, %add3A_2030 : vector<16xi32>
      tpu.vector_store_idx %arg5[%add3A_2031], %broadcast_in_dim3A_5 {add = true} : memref<26624xf32, #tpu.memory_space<vmem>>[vector<16xi32>], vector<16xf32>,
      %add3A_2032 = arith.constant 400 : i32
      %add3A_2033 = arith.addi %mul3A_1856, %add3A_2032 : i32
      %get3A_2034 = arith.index_cast %add3A_2033 : i32 to index
      %get3A_2035 = tpu.vector_load %arg4[%get3A_2034] {strides = array<i32>} : memref<45056xi32, #tpu.memory_space<vmem>>, vector<16xi32>,
      %add3A_2036 = arith.constant 19968 : i32
      %add3A_2037 = vector.broadcast %add3A_2036 : i32 to vector<16xi32>
      %add3A_2038 = arith.addi %get3A_2035, %add3A_2037 : vector<16xi32>
      tpu.vector_store_idx %arg5[%add3A_2038], %broadcast_in_dim3A_5 {add = true} : memref<26624xf32, #tpu.memory_space<vmem>>[vector<16xi32>], vector<16xf32>,
      %add3A_2039 = arith.constant 416 : i32
      %add3A_2040 = arith.addi %mul3A_1856, %add3A_2039 : i32
      %get3A_2041 = arith.index_cast %add3A_2040 : i32 to index
      %get3A_2042 = tpu.vector_load %arg4[%get3A_2041] {strides = array<i32>} : memref<45056xi32, #tpu.memory_space<vmem>>, vector<16xi32>,
      %add3A_2043 = arith.constant 19968 : i32
      %add3A_2044 = vector.broadcast %add3A_2043 : i32 to vector<16xi32>
      %add3A_2045 = arith.addi %get3A_2042, %add3A_2044 : vector<16xi32>
      tpu.vector_store_idx %arg5[%add3A_2045], %broadcast_in_dim3A_5 {add = true} : memref<26624xf32, #tpu.memory_space<vmem>>[vector<16xi32>], vector<16xf32>,
      %add3A_2046 = arith.constant 432 : i32
      %add3A_2047 = arith.addi %mul3A_1856, %add3A_2046 : i32
      %get3A_2048 = arith.index_cast %add3A_2047 : i32 to index
      %get3A_2049 = tpu.vector_load %arg4[%get3A_2048] {strides = array<i32>} : memref<45056xi32, #tpu.memory_space<vmem>>, vector<16xi32>,
      %add3A_2050 = arith.constant 19968 : i32
      %add3A_2051 = vector.broadcast %add3A_2050 : i32 to vector<16xi32>
      %add3A_2052 = arith.addi %get3A_2049, %add3A_2051 : vector<16xi32>
      tpu.vector_store_idx %arg5[%add3A_2052], %broadcast_in_dim3A_5 {add = true} : memref<26624xf32, #tpu.memory_space<vmem>>[vector<16xi32>], vector<16xf32>,
      %add3A_2053 = arith.constant 448 : i32
      %add3A_2054 = arith.addi %mul3A_1856, %add3A_2053 : i32
      %get3A_2055 = arith.index_cast %add3A_2054 : i32 to index
      %get3A_2056 = tpu.vector_load %arg4[%get3A_2055] {strides = array<i32>} : memref<45056xi32, #tpu.memory_space<vmem>>, vector<16xi32>,
      %add3A_2057 = arith.constant 19968 : i32
      %add3A_2058 = vector.broadcast %add3A_2057 : i32 to vector<16xi32>
      %add3A_2059 = arith.addi %get3A_2056, %add3A_2058 : vector<16xi32>
      tpu.vector_store_idx %arg5[%add3A_2059], %broadcast_in_dim3A_5 {add = true} : memref<26624xf32, #tpu.memory_space<vmem>>[vector<16xi32>], vector<16xf32>,
      %add3A_2060 = arith.constant 464 : i32
      %add3A_2061 = arith.addi %mul3A_1856, %add3A_2060 : i32
      %get3A_2062 = arith.index_cast %add3A_2061 : i32 to index
      %get3A_2063 = tpu.vector_load %arg4[%get3A_2062] {strides = array<i32>} : memref<45056xi32, #tpu.memory_space<vmem>>, vector<16xi32>,
      %add3A_2064 = arith.constant 19968 : i32
      %add3A_2065 = vector.broadcast %add3A_2064 : i32 to vector<16xi32>
      %add3A_2066 = arith.addi %get3A_2063, %add3A_2065 : vector<16xi32>
      tpu.vector_store_idx %arg5[%add3A_2066], %broadcast_in_dim3A_5 {add = true} : memref<26624xf32, #tpu.memory_space<vmem>>[vector<16xi32>], vector<16xf32>,
      %add3A_2067 = arith.constant 480 : i32
      %add3A_2068 = arith.addi %mul3A_1856, %add3A_2067 : i32
      %get3A_2069 = arith.index_cast %add3A_2068 : i32 to index
      %get3A_2070 = tpu.vector_load %arg4[%get3A_2069] {strides = array<i32>} : memref<45056xi32, #tpu.memory_space<vmem>>, vector<16xi32>,
      %add3A_2071 = arith.constant 19968 : i32
      %add3A_2072 = vector.broadcast %add3A_2071 : i32 to vector<16xi32>
      %add3A_2073 = arith.addi %get3A_2070, %add3A_2072 : vector<16xi32>
      tpu.vector_store_idx %arg5[%add3A_2073], %broadcast_in_dim3A_5 {add = true} : memref<26624xf32, #tpu.memory_space<vmem>>[vector<16xi32>], vector<16xf32>,
      %add3A_2074 = arith.constant 496 : i32
      %add3A_2075 = arith.addi %mul3A_1856, %add3A_2074 : i32
      %get3A_2076 = arith.index_cast %add3A_2075 : i32 to index
      %get3A_2077 = tpu.vector_load %arg4[%get3A_2076] {strides = array<i32>} : memref<45056xi32, #tpu.memory_space<vmem>>, vector<16xi32>,
      %add3A_2078 = arith.constant 19968 : i32
      %add3A_2079 = vector.broadcast %add3A_2078 : i32 to vector<16xi32>
      %add3A_2080 = arith.addi %get3A_2077, %add3A_2079 : vector<16xi32>
      tpu.vector_store_idx %arg5[%add3A_2080], %broadcast_in_dim3A_5 {add = true} : memref<26624xf32, #tpu.memory_space<vmem>>[vector<16xi32>], vector<16xf32>,
      %add3A_2081 = arith.constant 512 : i32
      %add3A_2082 = arith.addi %mul3A_1856, %add3A_2081 : i32
      %get3A_2083 = arith.index_cast %add3A_2082 : i32 to index
      %get3A_2084 = tpu.vector_load %arg4[%get3A_2083] {strides = array<i32>} : memref<45056xi32, #tpu.memory_space<vmem>>, vector<16xi32>,
      %add3A_2085 = arith.constant 19968 : i32
      %add3A_2086 = vector.broadcast %add3A_2085 : i32 to vector<16xi32>
      %add3A_2087 = arith.addi %get3A_2084, %add3A_2086 : vector<16xi32>
      tpu.vector_store_idx %arg5[%add3A_2087], %broadcast_in_dim3A_5 {add = true} : memref<26624xf32, #tpu.memory_space<vmem>>[vector<16xi32>], vector<16xf32>,
      %add3A_2088 = arith.constant 528 : i32
      %add3A_2089 = arith.addi %mul3A_1856, %add3A_2088 : i32
      %get3A_2090 = arith.index_cast %add3A_2089 : i32 to index
      %get3A_2091 = tpu.vector_load %arg4[%get3A_2090] {strides = array<i32>} : memref<45056xi32, #tpu.memory_space<vmem>>, vector<16xi32>,
      %add3A_2092 = arith.constant 19968 : i32
      %add3A_2093 = vector.broadcast %add3A_2092 : i32 to vector<16xi32>
      %add3A_2094 = arith.addi %get3A_2091, %add3A_2093 : vector<16xi32>
      tpu.vector_store_idx %arg5[%add3A_2094], %broadcast_in_dim3A_5 {add = true} : memref<26624xf32, #tpu.memory_space<vmem>>[vector<16xi32>], vector<16xf32>,
      %add3A_2095 = arith.constant 544 : i32
      %add3A_2096 = arith.addi %mul3A_1856, %add3A_2095 : i32
      %get3A_2097 = arith.index_cast %add3A_2096 : i32 to index
      %get3A_2098 = tpu.vector_load %arg4[%get3A_2097] {strides = array<i32>} : memref<45056xi32, #tpu.memory_space<vmem>>, vector<16xi32>,
      %add3A_2099 = arith.constant 19968 : i32
      %add3A_2100 = vector.broadcast %add3A_2099 : i32 to vector<16xi32>
      %add3A_2101 = arith.addi %get3A_2098, %add3A_2100 : vector<16xi32>
      tpu.vector_store_idx %arg5[%add3A_2101], %broadcast_in_dim3A_5 {add = true} : memref<26624xf32, #tpu.memory_space<vmem>>[vector<16xi32>], vector<16xf32>,
      %add3A_2102 = arith.constant 560 : i32
      %add3A_2103 = arith.addi %mul3A_1856, %add3A_2102 : i32
      %get3A_2104 = arith.index_cast %add3A_2103 : i32 to index
      %get3A_2105 = tpu.vector_load %arg4[%get3A_2104] {strides = array<i32>} : memref<45056xi32, #tpu.memory_space<vmem>>, vector<16xi32>,
      %add3A_2106 = arith.constant 19968 : i32
      %add3A_2107 = vector.broadcast %add3A_2106 : i32 to vector<16xi32>
      %add3A_2108 = arith.addi %get3A_2105, %add3A_2107 : vector<16xi32>
      tpu.vector_store_idx %arg5[%add3A_2108], %broadcast_in_dim3A_5 {add = true} : memref<26624xf32, #tpu.memory_space<vmem>>[vector<16xi32>], vector<16xf32>,
      %add3A_2109 = arith.constant 576 : i32
      %add3A_2110 = arith.addi %mul3A_1856, %add3A_2109 : i32
      %get3A_2111 = arith.index_cast %add3A_2110 : i32 to index
      %get3A_2112 = tpu.vector_load %arg4[%get3A_2111] {strides = array<i32>} : memref<45056xi32, #tpu.memory_space<vmem>>, vector<16xi32>,
      %add3A_2113 = arith.constant 19968 : i32
      %add3A_2114 = vector.broadcast %add3A_2113 : i32 to vector<16xi32>
      %add3A_2115 = arith.addi %get3A_2112, %add3A_2114 : vector<16xi32>
      tpu.vector_store_idx %arg5[%add3A_2115], %broadcast_in_dim3A_5 {add = true} : memref<26624xf32, #tpu.memory_space<vmem>>[vector<16xi32>], vector<16xf32>,
      %add3A_2116 = arith.constant 592 : i32
      %add3A_2117 = arith.addi %mul3A_1856, %add3A_2116 : i32
      %get3A_2118 = arith.index_cast %add3A_2117 : i32 to index
      %get3A_2119 = tpu.vector_load %arg4[%get3A_2118] {strides = array<i32>} : memref<45056xi32, #tpu.memory_space<vmem>>, vector<16xi32>,
      %add3A_2120 = arith.constant 19968 : i32
      %add3A_2121 = vector.broadcast %add3A_2120 : i32 to vector<16xi32>
      %add3A_2122 = arith.addi %get3A_2119, %add3A_2121 : vector<16xi32>
      tpu.vector_store_idx %arg5[%add3A_2122], %broadcast_in_dim3A_5 {add = true} : memref<26624xf32, #tpu.memory_space<vmem>>[vector<16xi32>], vector<16xf32>,
      %add3A_2123 = arith.constant 608 : i32
      %add3A_2124 = arith.addi %mul3A_1856, %add3A_2123 : i32
      %get3A_2125 = arith.index_cast %add3A_2124 : i32 to index
      %get3A_2126 = tpu.vector_load %arg4[%get3A_2125] {strides = array<i32>} : memref<45056xi32, #tpu.memory_space<vmem>>, vector<16xi32>,
      %add3A_2127 = arith.constant 19968 : i32
      %add3A_2128 = vector.broadcast %add3A_2127 : i32 to vector<16xi32>
      %add3A_2129 = arith.addi %get3A_2126, %add3A_2128 : vector<16xi32>
      tpu.vector_store_idx %arg5[%add3A_2129], %broadcast_in_dim3A_5 {add = true} : memref<26624xf32, #tpu.memory_space<vmem>>[vector<16xi32>], vector<16xf32>,
      %add3A_2130 = arith.constant 624 : i32
      %add3A_2131 = arith.addi %mul3A_1856, %add3A_2130 : i32
      %get3A_2132 = arith.index_cast %add3A_2131 : i32 to index
      %get3A_2133 = tpu.vector_load %arg4[%get3A_2132] {strides = array<i32>} : memref<45056xi32, #tpu.memory_space<vmem>>, vector<16xi32>,
      %add3A_2134 = arith.constant 19968 : i32
      %add3A_2135 = vector.broadcast %add3A_2134 : i32 to vector<16xi32>
      %add3A_2136 = arith.addi %get3A_2133, %add3A_2135 : vector<16xi32>
      tpu.vector_store_idx %arg5[%add3A_2136], %broadcast_in_dim3A_5 {add = true} : memref<26624xf32, #tpu.memory_space<vmem>>[vector<16xi32>], vector<16xf32>,
      %add3A_2137 = arith.constant 640 : i32
      %add3A_2138 = arith.addi %mul3A_1856, %add3A_2137 : i32
      %get3A_2139 = arith.index_cast %add3A_2138 : i32 to index
      %get3A_2140 = tpu.vector_load %arg4[%get3A_2139] {strides = array<i32>} : memref<45056xi32, #tpu.memory_space<vmem>>, vector<16xi32>,
      %add3A_2141 = arith.constant 19968 : i32
      %add3A_2142 = vector.broadcast %add3A_2141 : i32 to vector<16xi32>
      %add3A_2143 = arith.addi %get3A_2140, %add3A_2142 : vector<16xi32>
      tpu.vector_store_idx %arg5[%add3A_2143], %broadcast_in_dim3A_5 {add = true} : memref<26624xf32, #tpu.memory_space<vmem>>[vector<16xi32>], vector<16xf32>,
      %add3A_2144 = arith.constant 656 : i32
      %add3A_2145 = arith.addi %mul3A_1856, %add3A_2144 : i32
      %get3A_2146 = arith.index_cast %add3A_2145 : i32 to index
      %get3A_2147 = tpu.vector_load %arg4[%get3A_2146] {strides = array<i32>} : memref<45056xi32, #tpu.memory_space<vmem>>, vector<16xi32>,
      %add3A_2148 = arith.constant 19968 : i32
      %add3A_2149 = vector.broadcast %add3A_2148 : i32 to vector<16xi32>
      %add3A_2150 = arith.addi %get3A_2147, %add3A_2149 : vector<16xi32>
      tpu.vector_store_idx %arg5[%add3A_2150], %broadcast_in_dim3A_5 {add = true} : memref<26624xf32, #tpu.memory_space<vmem>>[vector<16xi32>], vector<16xf32>,
      %add3A_2151 = arith.constant 672 : i32
      %add3A_2152 = arith.addi %mul3A_1856, %add3A_2151 : i32
      %get3A_2153 = arith.index_cast %add3A_2152 : i32 to index
      %get3A_2154 = tpu.vector_load %arg4[%get3A_2153] {strides = array<i32>} : memref<45056xi32, #tpu.memory_space<vmem>>, vector<16xi32>,
      %add3A_2155 = arith.constant 19968 : i32
      %add3A_2156 = vector.broadcast %add3A_2155 : i32 to vector<16xi32>
      %add3A_2157 = arith.addi %get3A_2154, %add3A_2156 : vector<16xi32>
      tpu.vector_store_idx %arg5[%add3A_2157], %broadcast_in_dim3A_5 {add = true} : memref<26624xf32, #tpu.memory_space<vmem>>[vector<16xi32>], vector<16xf32>,
      %add3A_2158 = arith.constant 688 : i32
      %add3A_2159 = arith.addi %mul3A_1856, %add3A_2158 : i32
      %get3A_2160 = arith.index_cast %add3A_2159 : i32 to index
      %get3A_2161 = tpu.vector_load %arg4[%get3A_2160] {strides = array<i32>} : memref<45056xi32, #tpu.memory_space<vmem>>, vector<16xi32>,
      %add3A_2162 = arith.constant 19968 : i32
      %add3A_2163 = vector.broadcast %add3A_2162 : i32 to vector<16xi32>
      %add3A_2164 = arith.addi %get3A_2161, %add3A_2163 : vector<16xi32>
      tpu.vector_store_idx %arg5[%add3A_2164], %broadcast_in_dim3A_5 {add = true} : memref<26624xf32, #tpu.memory_space<vmem>>[vector<16xi32>], vector<16xf32>,
      %add3A_2165 = arith.constant 704 : i32
      %add3A_2166 = arith.addi %mul3A_1856, %add3A_2165 : i32
      %get3A_2167 = arith.index_cast %add3A_2166 : i32 to index
      %get3A_2168 = tpu.vector_load %arg4[%get3A_2167] {strides = array<i32>} : memref<45056xi32, #tpu.memory_space<vmem>>, vector<16xi32>,
      %add3A_2169 = arith.constant 19968 : i32
      %add3A_2170 = vector.broadcast %add3A_2169 : i32 to vector<16xi32>
      %add3A_2171 = arith.addi %get3A_2168, %add3A_2170 : vector<16xi32>
      tpu.vector_store_idx %arg5[%add3A_2171], %broadcast_in_dim3A_5 {add = true} : memref<26624xf32, #tpu.memory_space<vmem>>[vector<16xi32>], vector<16xf32>,
      %add3A_2172 = arith.constant 720 : i32
      %add3A_2173 = arith.addi %mul3A_1856, %add3A_2172 : i32
      %get3A_2174 = arith.index_cast %add3A_2173 : i32 to index
      %get3A_2175 = tpu.vector_load %arg4[%get3A_2174] {strides = array<i32>} : memref<45056xi32, #tpu.memory_space<vmem>>, vector<16xi32>,
      %add3A_2176 = arith.constant 19968 : i32
      %add3A_2177 = vector.broadcast %add3A_2176 : i32 to vector<16xi32>
      %add3A_2178 = arith.addi %get3A_2175, %add3A_2177 : vector<16xi32>
      tpu.vector_store_idx %arg5[%add3A_2178], %broadcast_in_dim3A_5 {add = true} : memref<26624xf32, #tpu.memory_space<vmem>>[vector<16xi32>], vector<16xf32>,
      %add3A_2179 = arith.constant 736 : i32
      %add3A_2180 = arith.addi %mul3A_1856, %add3A_2179 : i32
      %get3A_2181 = arith.index_cast %add3A_2180 : i32 to index
      %get3A_2182 = tpu.vector_load %arg4[%get3A_2181] {strides = array<i32>} : memref<45056xi32, #tpu.memory_space<vmem>>, vector<16xi32>,
      %add3A_2183 = arith.constant 19968 : i32
      %add3A_2184 = vector.broadcast %add3A_2183 : i32 to vector<16xi32>
      %add3A_2185 = arith.addi %get3A_2182, %add3A_2184 : vector<16xi32>
      tpu.vector_store_idx %arg5[%add3A_2185], %broadcast_in_dim3A_5 {add = true} : memref<26624xf32, #tpu.memory_space<vmem>>[vector<16xi32>], vector<16xf32>,
      %add3A_2186 = arith.constant 752 : i32
      %add3A_2187 = arith.addi %mul3A_1856, %add3A_2186 : i32
      %get3A_2188 = arith.index_cast %add3A_2187 : i32 to index
      %get3A_2189 = tpu.vector_load %arg4[%get3A_2188] {strides = array<i32>} : memref<45056xi32, #tpu.memory_space<vmem>>, vector<16xi32>,
      %add3A_2190 = arith.constant 19968 : i32
      %add3A_2191 = vector.broadcast %add3A_2190 : i32 to vector<16xi32>
      %add3A_2192 = arith.addi %get3A_2189, %add3A_2191 : vector<16xi32>
      tpu.vector_store_idx %arg5[%add3A_2192], %broadcast_in_dim3A_5 {add = true} : memref<26624xf32, #tpu.memory_space<vmem>>[vector<16xi32>], vector<16xf32>,
      %add3A_2193 = arith.constant 768 : i32
      %add3A_2194 = arith.addi %mul3A_1856, %add3A_2193 : i32
      %get3A_2195 = arith.index_cast %add3A_2194 : i32 to index
      %get3A_2196 = tpu.vector_load %arg4[%get3A_2195] {strides = array<i32>} : memref<45056xi32, #tpu.memory_space<vmem>>, vector<16xi32>,
      %add3A_2197 = arith.constant 19968 : i32
      %add3A_2198 = vector.broadcast %add3A_2197 : i32 to vector<16xi32>
      %add3A_2199 = arith.addi %get3A_2196, %add3A_2198 : vector<16xi32>
      tpu.vector_store_idx %arg5[%add3A_2199], %broadcast_in_dim3A_5 {add = true} : memref<26624xf32, #tpu.memory_space<vmem>>[vector<16xi32>], vector<16xf32>,
      %add3A_2200 = arith.constant 784 : i32
      %add3A_2201 = arith.addi %mul3A_1856, %add3A_2200 : i32
      %get3A_2202 = arith.index_cast %add3A_2201 : i32 to index
      %get3A_2203 = tpu.vector_load %arg4[%get3A_2202] {strides = array<i32>} : memref<45056xi32, #tpu.memory_space<vmem>>, vector<16xi32>,
      %add3A_2204 = arith.constant 19968 : i32
      %add3A_2205 = vector.broadcast %add3A_2204 : i32 to vector<16xi32>
      %add3A_2206 = arith.addi %get3A_2203, %add3A_2205 : vector<16xi32>
      tpu.vector_store_idx %arg5[%add3A_2206], %broadcast_in_dim3A_5 {add = true} : memref<26624xf32, #tpu.memory_space<vmem>>[vector<16xi32>], vector<16xf32>,
      %add3A_2207 = arith.constant 800 : i32
      %add3A_2208 = arith.addi %mul3A_1856, %add3A_2207 : i32
      %get3A_2209 = arith.index_cast %add3A_2208 : i32 to index
      %get3A_2210 = tpu.vector_load %arg4[%get3A_2209] {strides = array<i32>} : memref<45056xi32, #tpu.memory_space<vmem>>, vector<16xi32>,
      %add3A_2211 = arith.constant 19968 : i32
      %add3A_2212 = vector.broadcast %add3A_2211 : i32 to vector<16xi32>
      %add3A_2213 = arith.addi %get3A_2210, %add3A_2212 : vector<16xi32>
      tpu.vector_store_idx %arg5[%add3A_2213], %broadcast_in_dim3A_5 {add = true} : memref<26624xf32, #tpu.memory_space<vmem>>[vector<16xi32>], vector<16xf32>,
      %add3A_2214 = arith.constant 816 : i32
      %add3A_2215 = arith.addi %mul3A_1856, %add3A_2214 : i32
      %get3A_2216 = arith.index_cast %add3A_2215 : i32 to index
      %get3A_2217 = tpu.vector_load %arg4[%get3A_2216] {strides = array<i32>} : memref<45056xi32, #tpu.memory_space<vmem>>, vector<16xi32>,
      %add3A_2218 = arith.constant 19968 : i32
      %add3A_2219 = vector.broadcast %add3A_2218 : i32 to vector<16xi32>
      %add3A_2220 = arith.addi %get3A_2217, %add3A_2219 : vector<16xi32>
      tpu.vector_store_idx %arg5[%add3A_2220], %broadcast_in_dim3A_5 {add = true} : memref<26624xf32, #tpu.memory_space<vmem>>[vector<16xi32>], vector<16xf32>,
      %add3A_2221 = arith.constant 832 : i32
      %add3A_2222 = arith.addi %mul3A_1856, %add3A_2221 : i32
      %get3A_2223 = arith.index_cast %add3A_2222 : i32 to index
      %get3A_2224 = tpu.vector_load %arg4[%get3A_2223] {strides = array<i32>} : memref<45056xi32, #tpu.memory_space<vmem>>, vector<16xi32>,
      %add3A_2225 = arith.constant 19968 : i32
      %add3A_2226 = vector.broadcast %add3A_2225 : i32 to vector<16xi32>
      %add3A_2227 = arith.addi %get3A_2224, %add3A_2226 : vector<16xi32>
      tpu.vector_store_idx %arg5[%add3A_2227], %broadcast_in_dim3A_5 {add = true} : memref<26624xf32, #tpu.memory_space<vmem>>[vector<16xi32>], vector<16xf32>,
      %add3A_2228 = arith.constant 848 : i32
      %add3A_2229 = arith.addi %mul3A_1856, %add3A_2228 : i32
      %get3A_2230 = arith.index_cast %add3A_2229 : i32 to index
      %get3A_2231 = tpu.vector_load %arg4[%get3A_2230] {strides = array<i32>} : memref<45056xi32, #tpu.memory_space<vmem>>, vector<16xi32>,
      %add3A_2232 = arith.constant 19968 : i32
      %add3A_2233 = vector.broadcast %add3A_2232 : i32 to vector<16xi32>
      %add3A_2234 = arith.addi %get3A_2231, %add3A_2233 : vector<16xi32>
      tpu.vector_store_idx %arg5[%add3A_2234], %broadcast_in_dim3A_5 {add = true} : memref<26624xf32, #tpu.memory_space<vmem>>[vector<16xi32>], vector<16xf32>,
      %add3A_2235 = arith.constant 864 : i32
      %add3A_2236 = arith.addi %mul3A_1856, %add3A_2235 : i32
      %get3A_2237 = arith.index_cast %add3A_2236 : i32 to index
      %get3A_2238 = tpu.vector_load %arg4[%get3A_2237] {strides = array<i32>} : memref<45056xi32, #tpu.memory_space<vmem>>, vector<16xi32>,
      %add3A_2239 = arith.constant 19968 : i32
      %add3A_2240 = vector.broadcast %add3A_2239 : i32 to vector<16xi32>
      %add3A_2241 = arith.addi %get3A_2238, %add3A_2240 : vector<16xi32>
      tpu.vector_store_idx %arg5[%add3A_2241], %broadcast_in_dim3A_5 {add = true} : memref<26624xf32, #tpu.memory_space<vmem>>[vector<16xi32>], vector<16xf32>,
      %add3A_2242 = arith.constant 880 : i32
      %add3A_2243 = arith.addi %mul3A_1856, %add3A_2242 : i32
      %get3A_2244 = arith.index_cast %add3A_2243 : i32 to index
      %get3A_2245 = tpu.vector_load %arg4[%get3A_2244] {strides = array<i32>} : memref<45056xi32, #tpu.memory_space<vmem>>, vector<16xi32>,
      %add3A_2246 = arith.constant 19968 : i32
      %add3A_2247 = vector.broadcast %add3A_2246 : i32 to vector<16xi32>
      %add3A_2248 = arith.addi %get3A_2245, %add3A_2247 : vector<16xi32>
      tpu.vector_store_idx %arg5[%add3A_2248], %broadcast_in_dim3A_5 {add = true} : memref<26624xf32, #tpu.memory_space<vmem>>[vector<16xi32>], vector<16xf32>,
      %add3A_2249 = arith.constant 896 : i32
      %add3A_2250 = arith.addi %mul3A_1856, %add3A_2249 : i32
      %get3A_2251 = arith.index_cast %add3A_2250 : i32 to index
      %get3A_2252 = tpu.vector_load %arg4[%get3A_2251] {strides = array<i32>} : memref<45056xi32, #tpu.memory_space<vmem>>, vector<16xi32>,
      %add3A_2253 = arith.constant 19968 : i32
      %add3A_2254 = vector.broadcast %add3A_2253 : i32 to vector<16xi32>
      %add3A_2255 = arith.addi %get3A_2252, %add3A_2254 : vector<16xi32>
      tpu.vector_store_idx %arg5[%add3A_2255], %broadcast_in_dim3A_5 {add = true} : memref<26624xf32, #tpu.memory_space<vmem>>[vector<16xi32>], vector<16xf32>,
      %add3A_2256 = arith.constant 912 : i32
      %add3A_2257 = arith.addi %mul3A_1856, %add3A_2256 : i32
      %get3A_2258 = arith.index_cast %add3A_2257 : i32 to index
      %get3A_2259 = tpu.vector_load %arg4[%get3A_2258] {strides = array<i32>} : memref<45056xi32, #tpu.memory_space<vmem>>, vector<16xi32>,
      %add3A_2260 = arith.constant 19968 : i32
      %add3A_2261 = vector.broadcast %add3A_2260 : i32 to vector<16xi32>
      %add3A_2262 = arith.addi %get3A_2259, %add3A_2261 : vector<16xi32>
      tpu.vector_store_idx %arg5[%add3A_2262], %broadcast_in_dim3A_5 {add = true} : memref<26624xf32, #tpu.memory_space<vmem>>[vector<16xi32>], vector<16xf32>,
      %add3A_2263 = arith.constant 928 : i32
      %add3A_2264 = arith.addi %mul3A_1856, %add3A_2263 : i32
      %get3A_2265 = arith.index_cast %add3A_2264 : i32 to index
      %get3A_2266 = tpu.vector_load %arg4[%get3A_2265] {strides = array<i32>} : memref<45056xi32, #tpu.memory_space<vmem>>, vector<16xi32>,
      %add3A_2267 = arith.constant 19968 : i32
      %add3A_2268 = vector.broadcast %add3A_2267 : i32 to vector<16xi32>
      %add3A_2269 = arith.addi %get3A_2266, %add3A_2268 : vector<16xi32>
      tpu.vector_store_idx %arg5[%add3A_2269], %broadcast_in_dim3A_5 {add = true} : memref<26624xf32, #tpu.memory_space<vmem>>[vector<16xi32>], vector<16xf32>,
      %add3A_2270 = arith.constant 944 : i32
      %add3A_2271 = arith.addi %mul3A_1856, %add3A_2270 : i32
      %get3A_2272 = arith.index_cast %add3A_2271 : i32 to index
      %get3A_2273 = tpu.vector_load %arg4[%get3A_2272] {strides = array<i32>} : memref<45056xi32, #tpu.memory_space<vmem>>, vector<16xi32>,
      %add3A_2274 = arith.constant 19968 : i32
      %add3A_2275 = vector.broadcast %add3A_2274 : i32 to vector<16xi32>
      %add3A_2276 = arith.addi %get3A_2273, %add3A_2275 : vector<16xi32>
      tpu.vector_store_idx %arg5[%add3A_2276], %broadcast_in_dim3A_5 {add = true} : memref<26624xf32, #tpu.memory_space<vmem>>[vector<16xi32>], vector<16xf32>,
      %add3A_2277 = arith.constant 960 : i32
      %add3A_2278 = arith.addi %mul3A_1856, %add3A_2277 : i32
      %get3A_2279 = arith.index_cast %add3A_2278 : i32 to index
      %get3A_2280 = tpu.vector_load %arg4[%get3A_2279] {strides = array<i32>} : memref<45056xi32, #tpu.memory_space<vmem>>, vector<16xi32>,
      %add3A_2281 = arith.constant 19968 : i32
      %add3A_2282 = vector.broadcast %add3A_2281 : i32 to vector<16xi32>
      %add3A_2283 = arith.addi %get3A_2280, %add3A_2282 : vector<16xi32>
      tpu.vector_store_idx %arg5[%add3A_2283], %broadcast_in_dim3A_5 {add = true} : memref<26624xf32, #tpu.memory_space<vmem>>[vector<16xi32>], vector<16xf32>,
      %add3A_2284 = arith.constant 976 : i32
      %add3A_2285 = arith.addi %mul3A_1856, %add3A_2284 : i32
      %get3A_2286 = arith.index_cast %add3A_2285 : i32 to index
      %get3A_2287 = tpu.vector_load %arg4[%get3A_2286] {strides = array<i32>} : memref<45056xi32, #tpu.memory_space<vmem>>, vector<16xi32>,
      %add3A_2288 = arith.constant 19968 : i32
      %add3A_2289 = vector.broadcast %add3A_2288 : i32 to vector<16xi32>
      %add3A_2290 = arith.addi %get3A_2287, %add3A_2289 : vector<16xi32>
      tpu.vector_store_idx %arg5[%add3A_2290], %broadcast_in_dim3A_5 {add = true} : memref<26624xf32, #tpu.memory_space<vmem>>[vector<16xi32>], vector<16xf32>,
      %add3A_2291 = arith.constant 992 : i32
      %add3A_2292 = arith.addi %mul3A_1856, %add3A_2291 : i32
      %get3A_2293 = arith.index_cast %add3A_2292 : i32 to index
      %get3A_2294 = tpu.vector_load %arg4[%get3A_2293] {strides = array<i32>} : memref<45056xi32, #tpu.memory_space<vmem>>, vector<16xi32>,
      %add3A_2295 = arith.constant 19968 : i32
      %add3A_2296 = vector.broadcast %add3A_2295 : i32 to vector<16xi32>
      %add3A_2297 = arith.addi %get3A_2294, %add3A_2296 : vector<16xi32>
      tpu.vector_store_idx %arg5[%add3A_2297], %broadcast_in_dim3A_5 {add = true} : memref<26624xf32, #tpu.memory_space<vmem>>[vector<16xi32>], vector<16xf32>,
      %add3A_2298 = arith.constant 1008 : i32
      %add3A_2299 = arith.addi %mul3A_1856, %add3A_2298 : i32
      %get3A_2300 = arith.index_cast %add3A_2299 : i32 to index
      %get3A_2301 = tpu.vector_load %arg4[%get3A_2300] {strides = array<i32>} : memref<45056xi32, #tpu.memory_space<vmem>>, vector<16xi32>,
      %add3A_2302 = arith.constant 19968 : i32
      %add3A_2303 = vector.broadcast %add3A_2302 : i32 to vector<16xi32>
      %add3A_2304 = arith.addi %get3A_2301, %add3A_2303 : vector<16xi32>
      tpu.vector_store_idx %arg5[%add3A_2304], %broadcast_in_dim3A_5 {add = true} : memref<26624xf32, #tpu.memory_space<vmem>>[vector<16xi32>], vector<16xf32>,
      %add3A_2305 = arith.constant 1024 : i32
      %add3A_2306 = arith.addi %mul3A_1856, %add3A_2305 : i32
      %get3A_2307 = arith.index_cast %add3A_2306 : i32 to index
      %get3A_2308 = tpu.vector_load %arg4[%get3A_2307] {strides = array<i32>} : memref<45056xi32, #tpu.memory_space<vmem>>, vector<16xi32>,
      %add3A_2309 = arith.constant 19968 : i32
      %add3A_2310 = vector.broadcast %add3A_2309 : i32 to vector<16xi32>
      %add3A_2311 = arith.addi %get3A_2308, %add3A_2310 : vector<16xi32>
      tpu.vector_store_idx %arg5[%add3A_2311], %broadcast_in_dim3A_5 {add = true} : memref<26624xf32, #tpu.memory_space<vmem>>[vector<16xi32>], vector<16xf32>,
      %add3A_2312 = arith.constant 1040 : i32
      %add3A_2313 = arith.addi %mul3A_1856, %add3A_2312 : i32
      %get3A_2314 = arith.index_cast %add3A_2313 : i32 to index
      %get3A_2315 = tpu.vector_load %arg4[%get3A_2314] {strides = array<i32>} : memref<45056xi32, #tpu.memory_space<vmem>>, vector<16xi32>,
      %add3A_2316 = arith.constant 19968 : i32
      %add3A_2317 = vector.broadcast %add3A_2316 : i32 to vector<16xi32>
      %add3A_2318 = arith.addi %get3A_2315, %add3A_2317 : vector<16xi32>
      tpu.vector_store_idx %arg5[%add3A_2318], %broadcast_in_dim3A_5 {add = true} : memref<26624xf32, #tpu.memory_space<vmem>>[vector<16xi32>], vector<16xf32>,
      %add3A_2319 = arith.constant 1056 : i32
      %add3A_2320 = arith.addi %mul3A_1856, %add3A_2319 : i32
      %get3A_2321 = arith.index_cast %add3A_2320 : i32 to index
      %get3A_2322 = tpu.vector_load %arg4[%get3A_2321] {strides = array<i32>} : memref<45056xi32, #tpu.memory_space<vmem>>, vector<16xi32>,
      %add3A_2323 = arith.constant 19968 : i32
      %add3A_2324 = vector.broadcast %add3A_2323 : i32 to vector<16xi32>
      %add3A_2325 = arith.addi %get3A_2322, %add3A_2324 : vector<16xi32>
      tpu.vector_store_idx %arg5[%add3A_2325], %broadcast_in_dim3A_5 {add = true} : memref<26624xf32, #tpu.memory_space<vmem>>[vector<16xi32>], vector<16xf32>,
      %add3A_2326 = arith.constant 1072 : i32
      %add3A_2327 = arith.addi %mul3A_1856, %add3A_2326 : i32
      %get3A_2328 = arith.index_cast %add3A_2327 : i32 to index
      %get3A_2329 = tpu.vector_load %arg4[%get3A_2328] {strides = array<i32>} : memref<45056xi32, #tpu.memory_space<vmem>>, vector<16xi32>,
      %add3A_2330 = arith.constant 19968 : i32
      %add3A_2331 = vector.broadcast %add3A_2330 : i32 to vector<16xi32>
      %add3A_2332 = arith.addi %get3A_2329, %add3A_2331 : vector<16xi32>
      tpu.vector_store_idx %arg5[%add3A_2332], %broadcast_in_dim3A_5 {add = true} : memref<26624xf32, #tpu.memory_space<vmem>>[vector<16xi32>], vector<16xf32>,
      %add3A_2333 = arith.constant 1088 : i32
      %add3A_2334 = arith.addi %mul3A_1856, %add3A_2333 : i32
      %get3A_2335 = arith.index_cast %add3A_2334 : i32 to index
      %get3A_2336 = tpu.vector_load %arg4[%get3A_2335] {strides = array<i32>} : memref<45056xi32, #tpu.memory_space<vmem>>, vector<16xi32>,
      %add3A_2337 = arith.constant 19968 : i32
      %add3A_2338 = vector.broadcast %add3A_2337 : i32 to vector<16xi32>
      %add3A_2339 = arith.addi %get3A_2336, %add3A_2338 : vector<16xi32>
      tpu.vector_store_idx %arg5[%add3A_2339], %broadcast_in_dim3A_5 {add = true} : memref<26624xf32, #tpu.memory_space<vmem>>[vector<16xi32>], vector<16xf32>,
      %add3A_2340 = arith.constant 1104 : i32
      %add3A_2341 = arith.addi %mul3A_1856, %add3A_2340 : i32
      %get3A_2342 = arith.index_cast %add3A_2341 : i32 to index
      %get3A_2343 = tpu.vector_load %arg4[%get3A_2342] {strides = array<i32>} : memref<45056xi32, #tpu.memory_space<vmem>>, vector<16xi32>,
      %add3A_2344 = arith.constant 19968 : i32
      %add3A_2345 = vector.broadcast %add3A_2344 : i32 to vector<16xi32>
      %add3A_2346 = arith.addi %get3A_2343, %add3A_2345 : vector<16xi32>
      tpu.vector_store_idx %arg5[%add3A_2346], %broadcast_in_dim3A_5 {add = true} : memref<26624xf32, #tpu.memory_space<vmem>>[vector<16xi32>], vector<16xf32>,
      %add3A_2347 = arith.constant 1120 : i32
      %add3A_2348 = arith.addi %mul3A_1856, %add3A_2347 : i32
      %get3A_2349 = arith.index_cast %add3A_2348 : i32 to index
      %get3A_2350 = tpu.vector_load %arg4[%get3A_2349] {strides = array<i32>} : memref<45056xi32, #tpu.memory_space<vmem>>, vector<16xi32>,
      %add3A_2351 = arith.constant 19968 : i32
      %add3A_2352 = vector.broadcast %add3A_2351 : i32 to vector<16xi32>
      %add3A_2353 = arith.addi %get3A_2350, %add3A_2352 : vector<16xi32>
      tpu.vector_store_idx %arg5[%add3A_2353], %broadcast_in_dim3A_5 {add = true} : memref<26624xf32, #tpu.memory_space<vmem>>[vector<16xi32>], vector<16xf32>,
      %add3A_2354 = arith.constant 1136 : i32
      %add3A_2355 = arith.addi %mul3A_1856, %add3A_2354 : i32
      %get3A_2356 = arith.index_cast %add3A_2355 : i32 to index
      %get3A_2357 = tpu.vector_load %arg4[%get3A_2356] {strides = array<i32>} : memref<45056xi32, #tpu.memory_space<vmem>>, vector<16xi32>,
      %add3A_2358 = arith.constant 19968 : i32
      %add3A_2359 = vector.broadcast %add3A_2358 : i32 to vector<16xi32>
      %add3A_2360 = arith.addi %get3A_2357, %add3A_2359 : vector<16xi32>
      tpu.vector_store_idx %arg5[%add3A_2360], %broadcast_in_dim3A_5 {add = true} : memref<26624xf32, #tpu.memory_space<vmem>>[vector<16xi32>], vector<16xf32>,
      %add3A_2361 = arith.constant 1152 : i32
      %add3A_2362 = arith.addi %mul3A_1856, %add3A_2361 : i32
      %get3A_2363 = arith.index_cast %add3A_2362 : i32 to index
      %get3A_2364 = tpu.vector_load %arg4[%get3A_2363] {strides = array<i32>} : memref<45056xi32, #tpu.memory_space<vmem>>, vector<16xi32>,
      %add3A_2365 = arith.constant 19968 : i32
      %add3A_2366 = vector.broadcast %add3A_2365 : i32 to vector<16xi32>
      %add3A_2367 = arith.addi %get3A_2364, %add3A_2366 : vector<16xi32>
      tpu.vector_store_idx %arg5[%add3A_2367], %broadcast_in_dim3A_5 {add = true} : memref<26624xf32, #tpu.memory_space<vmem>>[vector<16xi32>], vector<16xf32>,
      %add3A_2368 = arith.constant 1168 : i32
      %add3A_2369 = arith.addi %mul3A_1856, %add3A_2368 : i32
      %get3A_2370 = arith.index_cast %add3A_2369 : i32 to index
      %get3A_2371 = tpu.vector_load %arg4[%get3A_2370] {strides = array<i32>} : memref<45056xi32, #tpu.memory_space<vmem>>, vector<16xi32>,
      %add3A_2372 = arith.constant 19968 : i32
      %add3A_2373 = vector.broadcast %add3A_2372 : i32 to vector<16xi32>
      %add3A_2374 = arith.addi %get3A_2371, %add3A_2373 : vector<16xi32>
      tpu.vector_store_idx %arg5[%add3A_2374], %broadcast_in_dim3A_5 {add = true} : memref<26624xf32, #tpu.memory_space<vmem>>[vector<16xi32>], vector<16xf32>,
      %add3A_2375 = arith.constant 1184 : i32
      %add3A_2376 = arith.addi %mul3A_1856, %add3A_2375 : i32
      %get3A_2377 = arith.index_cast %add3A_2376 : i32 to index
      %get3A_2378 = tpu.vector_load %arg4[%get3A_2377] {strides = array<i32>} : memref<45056xi32, #tpu.memory_space<vmem>>, vector<16xi32>,
      %add3A_2379 = arith.constant 19968 : i32
      %add3A_2380 = vector.broadcast %add3A_2379 : i32 to vector<16xi32>
      %add3A_2381 = arith.addi %get3A_2378, %add3A_2380 : vector<16xi32>
      tpu.vector_store_idx %arg5[%add3A_2381], %broadcast_in_dim3A_5 {add = true} : memref<26624xf32, #tpu.memory_space<vmem>>[vector<16xi32>], vector<16xf32>,
      %add3A_2382 = arith.constant 1200 : i32
      %add3A_2383 = arith.addi %mul3A_1856, %add3A_2382 : i32
      %get3A_2384 = arith.index_cast %add3A_2383 : i32 to index
      %get3A_2385 = tpu.vector_load %arg4[%get3A_2384] {strides = array<i32>} : memref<45056xi32, #tpu.memory_space<vmem>>, vector<16xi32>,
      %add3A_2386 = arith.constant 19968 : i32
      %add3A_2387 = vector.broadcast %add3A_2386 : i32 to vector<16xi32>
      %add3A_2388 = arith.addi %get3A_2385, %add3A_2387 : vector<16xi32>
      tpu.vector_store_idx %arg5[%add3A_2388], %broadcast_in_dim3A_5 {add = true} : memref<26624xf32, #tpu.memory_space<vmem>>[vector<16xi32>], vector<16xf32>,
      %add3A_2389 = arith.constant 1216 : i32
      %add3A_2390 = arith.addi %mul3A_1856, %add3A_2389 : i32
      %get3A_2391 = arith.index_cast %add3A_2390 : i32 to index
      %get3A_2392 = tpu.vector_load %arg4[%get3A_2391] {strides = array<i32>} : memref<45056xi32, #tpu.memory_space<vmem>>, vector<16xi32>,
      %add3A_2393 = arith.constant 19968 : i32
      %add3A_2394 = vector.broadcast %add3A_2393 : i32 to vector<16xi32>
      %add3A_2395 = arith.addi %get3A_2392, %add3A_2394 : vector<16xi32>
      tpu.vector_store_idx %arg5[%add3A_2395], %broadcast_in_dim3A_5 {add = true} : memref<26624xf32, #tpu.memory_space<vmem>>[vector<16xi32>], vector<16xf32>,
      %add3A_2396 = arith.constant 1232 : i32
      %add3A_2397 = arith.addi %mul3A_1856, %add3A_2396 : i32
      %get3A_2398 = arith.index_cast %add3A_2397 : i32 to index
      %get3A_2399 = tpu.vector_load %arg4[%get3A_2398] {strides = array<i32>} : memref<45056xi32, #tpu.memory_space<vmem>>, vector<16xi32>,
      %add3A_2400 = arith.constant 19968 : i32
      %add3A_2401 = vector.broadcast %add3A_2400 : i32 to vector<16xi32>
      %add3A_2402 = arith.addi %get3A_2399, %add3A_2401 : vector<16xi32>
      tpu.vector_store_idx %arg5[%add3A_2402], %broadcast_in_dim3A_5 {add = true} : memref<26624xf32, #tpu.memory_space<vmem>>[vector<16xi32>], vector<16xf32>,
      %add3A_2403 = arith.constant 1248 : i32
      %add3A_2404 = arith.addi %mul3A_1856, %add3A_2403 : i32
      %get3A_2405 = arith.index_cast %add3A_2404 : i32 to index
      %get3A_2406 = tpu.vector_load %arg4[%get3A_2405] {strides = array<i32>} : memref<45056xi32, #tpu.memory_space<vmem>>, vector<16xi32>,
      %add3A_2407 = arith.constant 19968 : i32
      %add3A_2408 = vector.broadcast %add3A_2407 : i32 to vector<16xi32>
      %add3A_2409 = arith.addi %get3A_2406, %add3A_2408 : vector<16xi32>
      tpu.vector_store_idx %arg5[%add3A_2409], %broadcast_in_dim3A_5 {add = true} : memref<26624xf32, #tpu.memory_space<vmem>>[vector<16xi32>], vector<16xf32>,
      %add3A_2410 = arith.constant 1264 : i32
      %add3A_2411 = arith.addi %mul3A_1856, %add3A_2410 : i32
      %get3A_2412 = arith.index_cast %add3A_2411 : i32 to index
      %get3A_2413 = tpu.vector_load %arg4[%get3A_2412] {strides = array<i32>} : memref<45056xi32, #tpu.memory_space<vmem>>, vector<16xi32>,
      %add3A_2414 = arith.constant 19968 : i32
      %add3A_2415 = vector.broadcast %add3A_2414 : i32 to vector<16xi32>
      %add3A_2416 = arith.addi %get3A_2413, %add3A_2415 : vector<16xi32>
      tpu.vector_store_idx %arg5[%add3A_2416], %broadcast_in_dim3A_5 {add = true} : memref<26624xf32, #tpu.memory_space<vmem>>[vector<16xi32>], vector<16xf32>,
      %add3A_2417 = arith.constant 1280 : i32
      %add3A_2418 = arith.addi %mul3A_1856, %add3A_2417 : i32
      %get3A_2419 = arith.index_cast %add3A_2418 : i32 to index
      %get3A_2420 = tpu.vector_load %arg4[%get3A_2419] {strides = array<i32>} : memref<45056xi32, #tpu.memory_space<vmem>>, vector<16xi32>,
      %add3A_2421 = arith.constant 19968 : i32
      %add3A_2422 = vector.broadcast %add3A_2421 : i32 to vector<16xi32>
      %add3A_2423 = arith.addi %get3A_2420, %add3A_2422 : vector<16xi32>
      tpu.vector_store_idx %arg5[%add3A_2423], %broadcast_in_dim3A_5 {add = true} : memref<26624xf32, #tpu.memory_space<vmem>>[vector<16xi32>], vector<16xf32>,
      %add3A_2424 = arith.constant 1296 : i32
      %add3A_2425 = arith.addi %mul3A_1856, %add3A_2424 : i32
      %get3A_2426 = arith.index_cast %add3A_2425 : i32 to index
      %get3A_2427 = tpu.vector_load %arg4[%get3A_2426] {strides = array<i32>} : memref<45056xi32, #tpu.memory_space<vmem>>, vector<16xi32>,
      %add3A_2428 = arith.constant 19968 : i32
      %add3A_2429 = vector.broadcast %add3A_2428 : i32 to vector<16xi32>
      %add3A_2430 = arith.addi %get3A_2427, %add3A_2429 : vector<16xi32>
      tpu.vector_store_idx %arg5[%add3A_2430], %broadcast_in_dim3A_5 masked %lt3A_9 {add = true} : memref<26624xf32, #tpu.memory_space<vmem>>[vector<16xi32>], vector<16xf32>, vector<16xi1>
      %add3A_2431 = arith.addi %mul3A_2, %add3A_1849 : i32
      %mul3A_2432 = arith.constant 6656 : i32
      %mul3A_2433 = arith.muli %add3A_2431, %mul3A_2432 : i32
      %dma_start3A_2434 = arith.constant 19968 : i32
      %dma_start3A_2435 = tpu.memref_slice %arg5[%dma_start3A_2434] : memref<26624xf32, #tpu.memory_space<vmem>> -> memref<6656xf32, #tpu.memory_space<vmem>>
      %dma_start3A_2436 = tpu.memref_slice %arg3[%mul3A_2433] : memref<6815744xf32, #tpu.memory_space<hbm>> -> memref<6656xf32, #tpu.memory_space<hbm>>
      %dma_start3A_2437 = tpu.memref_slice %arg3[%mul3A_2433] : memref<6815744xf32, #tpu.memory_space<hbm>> -> memref<6656xf32, #tpu.memory_space<hbm>>
      %dma_start3A_2438 = arith.constant 19968 : i32
      %dma_start3A_2439 = tpu.memref_slice %arg5[%dma_start3A_2438] : memref<26624xf32, #tpu.memory_space<vmem>> -> memref<6656xf32, #tpu.memory_space<vmem>>
      tpu.enqueue_dma source(%dma_start3A_2439 : memref<6656xf32, #tpu.memory_space<vmem>>) target(%dma_start3A_2437 : memref<6656xf32, #tpu.memory_space<hbm>>) target_semaphore(%arg10 : memref<!tpu.dma_semaphore, #tpu.memory_space<semaphore_mem>>)
      %gt3A_2440 = arith.constant 0 : i32
      %gt3A_2441 = arith.cmpi sgt, %scan3A_46, %gt3A_2440 : i32
      %or3A_2442 = arith.constant true
      %or3A_2443 = arith.ori %gt3A_2441, %or3A_2442 : i1
      %convert_element_type3A_2444 = arith.extui %or3A_2443 : i1 to i32
      %cond3A_2445 = arith.constant 0 : i32
      %cond3A_2446 = arith.cmpi ne, %convert_element_type3A_2444, %cond3A_2445 : i32
      scf.if %cond3A_2446 {
        %dma_wait3A_2447 = arith.constant 6656 : i32
        %dma_wait3A_2448 = tpu.memref_slice %arg5[%dma_wait3A_2447] : memref<26624xf32, #tpu.memory_space<vmem>> -> memref<6656xf32, #tpu.memory_space<vmem>>
        %dma_wait3A_2449 = arith.constant 0 : i32
        %dma_wait3A_2450 = tpu.memref_slice %arg3[%dma_wait3A_2449] : memref<6815744xf32, #tpu.memory_space<hbm>> -> memref<6656xf32, #tpu.memory_space<hbm>>
        %dma_wait3A_2451 = arith.constant 0 : i32
        %dma_wait3A_2452 = tpu.memref_slice %arg3[%dma_wait3A_2451] : memref<6815744xf32, #tpu.memory_space<hbm>> -> memref<6656xf32, #tpu.memory_space<hbm>>
        %dma_wait3A_2453 = arith.constant 6656 : i32
        %dma_wait3A_2454 = tpu.memref_slice %arg5[%dma_wait3A_2453] : memref<26624xf32, #tpu.memory_space<vmem>> -> memref<6656xf32, #tpu.memory_space<vmem>>
        tpu.wait_dma2 semaphore(%arg8 : memref<!tpu.dma_semaphore, #tpu.memory_space<semaphore_mem>>) src(%dma_wait3A_2454 : memref<6656xf32, #tpu.memory_space<vmem>>) dst(%dma_wait3A_2452 : memref<6656xf32, #tpu.memory_space<hbm>>)
        %dma_start3A_2455 = arith.constant 6656 : i32
        %dma_start3A_2456 = tpu.memref_slice %arg5[%dma_start3A_2455] : memref<26624xf32, #tpu.memory_space<vmem>> -> memref<6656xf32, #tpu.memory_space<vmem>>
        %dma_start3A_2457 = arith.constant 6656 : i32
        %dma_start3A_2458 = tpu.memref_slice %arg5[%dma_start3A_2457] : memref<26624xf32, #tpu.memory_space<vmem>> -> memref<6656xf32, #tpu.memory_space<vmem>>
        tpu.enqueue_dma source(%arg6 : memref<6656xf32, #tpu.memory_space<vmem_shared>>) target(%dma_start3A_2458 : memref<6656xf32, #tpu.memory_space<vmem>>) target_semaphore(%arg12 : memref<!tpu.dma_semaphore, #tpu.memory_space<semaphore_mem>>)
      } else {
      }
    }
    %scan3A_22 = arith.constant 8 : i32
    %dma_wait3A = arith.constant 13312 : i32
    %dma_wait3A_23 = tpu.memref_slice %arg5[%dma_wait3A] : memref<26624xf32, #tpu.memory_space<vmem>> -> memref<6656xf32, #tpu.memory_space<vmem>>
    %dma_wait3A_24 = arith.constant 0 : i32
    %dma_wait3A_25 = tpu.memref_slice %arg3[%dma_wait3A_24] : memref<6815744xf32, #tpu.memory_space<hbm>> -> memref<6656xf32, #tpu.memory_space<hbm>>
    %dma_wait3A_26 = arith.constant 0 : i32
    %dma_wait3A_27 = tpu.memref_slice %arg3[%dma_wait3A_26] : memref<6815744xf32, #tpu.memory_space<hbm>> -> memref<6656xf32, #tpu.memory_space<hbm>>
    %dma_wait3A_28 = arith.constant 13312 : i32
    %dma_wait3A_29 = tpu.memref_slice %arg5[%dma_wait3A_28] : memref<26624xf32, #tpu.memory_space<vmem>> -> memref<6656xf32, #tpu.memory_space<vmem>>
    tpu.wait_dma2 semaphore(%arg9 : memref<!tpu.dma_semaphore, #tpu.memory_space<semaphore_mem>>) src(%dma_wait3A_29 : memref<6656xf32, #tpu.memory_space<vmem>>) dst(%dma_wait3A_27 : memref<6656xf32, #tpu.memory_space<hbm>>)
    %dma_wait3A_30 = arith.constant 19968 : i32
    %dma_wait3A_31 = tpu.memref_slice %arg5[%dma_wait3A_30] : memref<26624xf32, #tpu.memory_space<vmem>> -> memref<6656xf32, #tpu.memory_space<vmem>>
    %dma_wait3A_32 = arith.constant 0 : i32
    %dma_wait3A_33 = tpu.memref_slice %arg3[%dma_wait3A_32] : memref<6815744xf32, #tpu.memory_space<hbm>> -> memref<6656xf32, #tpu.memory_space<hbm>>
    %dma_wait3A_34 = arith.constant 0 : i32
    %dma_wait3A_35 = tpu.memref_slice %arg3[%dma_wait3A_34] : memref<6815744xf32, #tpu.memory_space<hbm>> -> memref<6656xf32, #tpu.memory_space<hbm>>
    %dma_wait3A_36 = arith.constant 19968 : i32
    %dma_wait3A_37 = tpu.memref_slice %arg5[%dma_wait3A_36] : memref<26624xf32, #tpu.memory_space<vmem>> -> memref<6656xf32, #tpu.memory_space<vmem>>
    tpu.wait_dma2 semaphore(%arg10 : memref<!tpu.dma_semaphore, #tpu.memory_space<semaphore_mem>>) src(%dma_wait3A_37 : memref<6656xf32, #tpu.memory_space<vmem>>) dst(%dma_wait3A_35 : memref<6656xf32, #tpu.memory_space<hbm>>)
    %dma_wait3A_38 = arith.constant 0 : i32
    %dma_wait3A_39 = tpu.memref_slice %arg5[%dma_wait3A_38] : memref<26624xf32, #tpu.memory_space<vmem>> -> memref<6656xf32, #tpu.memory_space<vmem>>
    %dma_wait3A_40 = arith.constant 0 : i32
    %dma_wait3A_41 = tpu.memref_slice %arg5[%dma_wait3A_40] : memref<26624xf32, #tpu.memory_space<vmem>> -> memref<6656xf32, #tpu.memory_space<vmem>>
    tpu.wait_dma2 semaphore(%arg11 : memref<!tpu.dma_semaphore, #tpu.memory_space<semaphore_mem>>) src(%arg6 : memref<6656xf32, #tpu.memory_space<vmem_shared>>) dst(%dma_wait3A_41 : memref<6656xf32, #tpu.memory_space<vmem>>)
    %dma_wait3A_42 = arith.constant 6656 : i32
    %dma_wait3A_43 = tpu.memref_slice %arg5[%dma_wait3A_42] : memref<26624xf32, #tpu.memory_space<vmem>> -> memref<6656xf32, #tpu.memory_space<vmem>>
    %dma_wait3A_44 = arith.constant 6656 : i32
    %dma_wait3A_45 = tpu.memref_slice %arg5[%dma_wait3A_44] : memref<26624xf32, #tpu.memory_space<vmem>> -> memref<6656xf32, #tpu.memory_space<vmem>>
    tpu.wait_dma2 semaphore(%arg12 : memref<!tpu.dma_semaphore, #tpu.memory_space<semaphore_mem>>) src(%arg6 : memref<6656xf32, #tpu.memory_space<vmem_shared>>) dst(%dma_wait3A_45 : memref<6656xf32, #tpu.memory_space<vmem>>)
    return
  }
}

module attributes {stable_mosaic.version = 14 : i64} {
  func.func @body(%arg0: i32, %arg1: memref<128x1300xf32, #tpu.memory_space<vmem>>, %arg2: memref<128x1408xi32, #tpu.memory_space<vmem>>) attributes {dimension_semantics = [#tpu.dimension_semantics<arbitrary>], iteration_bounds = array<i64: 8>, scalar_prefetch = 0 : i64, scratch_operands = 0 : i64, tpu.core_type = #tpu.core_type<tc>, window_params = [{transform_indices = @transform_0, window_bounds = array<i64: 128, 1300>}, {transform_indices = @transform_1, window_bounds = array<i64: 128, 1408>}]} {
    %get3A = arith.constant 0 : index
    %get3A_0 = arith.constant 0 : index
    %get3A_1 = vector.load %arg1[%get3A, %get3A_0] : memref<128x1300xf32, #tpu.memory_space<vmem>>, vector<128x1300xf32>
    %sub3A = arith.constant -3.000000e+00 : f32
    %sub3A_2 = vector.broadcast %sub3A : f32 to vector<128x1300xf32>
    %sub3A_3 = arith.subf %get3A_1, %sub3A_2 : vector<128x1300xf32>
    %div3A = arith.constant 6.000000e+00 : f32
    %div3A_4 = vector.broadcast %div3A : f32 to vector<128x1300xf32>
    %div3A_5 = arith.divf %sub3A_3, %div3A_4 : vector<128x1300xf32>
    %mul3A = arith.constant 2.550000e+02 : f32
    %mul3A_6 = vector.broadcast %mul3A : f32 to vector<128x1300xf32>
    %mul3A_7 = arith.mulf %div3A_5, %mul3A_6 : vector<128x1300xf32>
    %round3A = math.roundeven %mul3A_7 : vector<128x1300xf32>
    %jit3A = arith.constant 0.000000e+00 : f32
    %jit3A_8 = arith.constant 2.550000e+02 : f32
    %max3A = vector.broadcast %jit3A : f32 to vector<128x1300xf32>
    %max3A_9 = arith.maximumf %max3A, %round3A : vector<128x1300xf32>
    %min3A = vector.broadcast %jit3A_8 : f32 to vector<128x1300xf32>
    %min3A_10 = arith.minimumf %min3A, %max3A_9 : vector<128x1300xf32>
    %convert_element_type3A = arith.fptosi %min3A_10 : vector<128x1300xf32> to vector<128x1300xi32>
    %iota3A = tpu.iota {dimensions = array<i32: 1>} : vector<128x1300xi32>
    %rem3A = arith.constant 26 : i32
    %rem3A_11 = vector.broadcast %rem3A : i32 to vector<128x1300xi32>
    %rem3A_12 = arith.remsi %iota3A, %rem3A_11 : vector<128x1300xi32>
    %mul3A_13 = arith.constant 256 : i32
    %mul3A_14 = vector.broadcast %mul3A_13 : i32 to vector<128x1300xi32>
    %mul3A_15 = arith.muli %rem3A_12, %mul3A_14 : vector<128x1300xi32>
    %add3A = arith.addi %mul3A_15, %convert_element_type3A : vector<128x1300xi32>
    %swap3A = arith.constant 0 : index
    %swap3A_16 = arith.constant 0 : index
    %swap3A_17 = vector.load %arg2[%swap3A, %swap3A_16] : memref<128x1408xi32, #tpu.memory_space<vmem>>, vector<128x1300xi32>
    tpu.vector_store %arg2[%swap3A, %swap3A_16], %add3A {strides = array<i32>} : memref<128x1408xi32, #tpu.memory_space<vmem>>, vector<128x1300xi32>,
    %broadcast_in_dim3A = arith.constant 0 : i32
    %broadcast_in_dim3A_18 = vector.broadcast %broadcast_in_dim3A : i32 to vector<128x108xi32>
    %swap3A_19 = arith.constant 0 : index
    %swap3A_20 = arith.constant 1300 : index
    %swap3A_21 = vector.load %arg2[%swap3A_19, %swap3A_20] : memref<128x1408xi32, #tpu.memory_space<vmem>>, vector<128x108xi32>
    tpu.vector_store %arg2[%swap3A_19, %swap3A_20], %broadcast_in_dim3A_18 {strides = array<i32>} : memref<128x1408xi32, #tpu.memory_space<vmem>>, vector<128x108xi32>,
    return
  }
  func.func @transform_0(%arg0: i32) -> (i32, i32) {
    %c0_i32 = arith.constant 0 : i32
    %c0_i32_0 = arith.constant 0 : i32
    return %arg0, %c0_i32 : i32, i32
  }
  func.func @transform_1(%arg0: i32) -> (i32, i32) {
    %c0_i32 = arith.constant 0 : i32
    %c0_i32_0 = arith.constant 0 : i32
    return %arg0, %c0_i32 : i32, i32
  }
}

module attributes {stable_mosaic.version = 14 : i64} {
  func.func @body(%arg0: i32, %arg1: memref<3328x256xf32, #tpu.memory_space<vmem>>, %arg2: memref<256x128xf32, #tpu.memory_space<vmem>>, %arg3: memref<3328x128xf32, #tpu.memory_space<vmem>>) attributes {dimension_semantics = [#tpu.dimension_semantics<arbitrary>], iteration_bounds = array<i64: 8>, scalar_prefetch = 0 : i64, scratch_operands = 0 : i64, tpu.core_type = #tpu.core_type<tc>, window_params = [{transform_indices = @transform_0, window_bounds = array<i64: 3328, 256>}, {pipeline_mode = #tpu.pipeline_mode<synchronous>, transform_indices = @transform_1, window_bounds = array<i64: 256, 128>}, {transform_indices = @transform_2, window_bounds = array<i64: 3328, 128>}]} {
    %get3A = arith.constant 0 : index
    %get3A_0 = arith.constant 0 : index
    %get3A_1 = vector.load %arg1[%get3A, %get3A_0] : memref<3328x256xf32, #tpu.memory_space<vmem>>, vector<3328x256xf32>
    %get3A_2 = arith.constant 0 : index
    %get3A_3 = arith.constant 0 : index
    %get3A_4 = vector.load %arg2[%get3A_2, %get3A_3] : memref<256x128xf32, #tpu.memory_space<vmem>>, vector<256x128xf32>
    %dot_general3A = arith.constant dense<0.000000e+00> : vector<3328x128xf32>
    %dot_general3A_5 = tpu.matmul %get3A_1, %get3A_4, %dot_general3A {dimension_numbers = #tpu.dot_dimension_numbers<[1], [0], [0], [1], [0, 0, 1, 1], [], []>, precision = #tpu.contract_precision<fp32>, transpose_lhs_hint = false} : vector<3328x256xf32>, vector<256x128xf32>, vector<3328x128xf32> -> vector<3328x128xf32>
    %div3A = arith.constant 5.000000e+01 : f32
    %div3A_6 = vector.broadcast %div3A : f32 to vector<3328x128xf32>
    %div3A_7 = arith.divf %dot_general3A_5, %div3A_6 : vector<3328x128xf32>
    %swap3A = arith.constant 0 : index
    %swap3A_8 = arith.constant 0 : index
    %swap3A_9 = vector.load %arg3[%swap3A, %swap3A_8] : memref<3328x128xf32, #tpu.memory_space<vmem>>, vector<3328x128xf32>
    tpu.vector_store %arg3[%swap3A, %swap3A_8], %div3A_7 {strides = array<i32>} : memref<3328x128xf32, #tpu.memory_space<vmem>>, vector<3328x128xf32>,
    return
  }
  func.func @transform_0(%arg0: i32) -> (i32, i32) {
    %c0_i32 = arith.constant 0 : i32
    %c0_i32_0 = arith.constant 0 : i32
    return %arg0, %c0_i32 : i32, i32
  }
  func.func @transform_1(%arg0: i32) -> (i32, i32) {
    %c0_i32 = arith.constant 0 : i32
    %c0_i32_0 = arith.constant 0 : i32
    %c0_i32_1 = arith.constant 0 : i32
    return %c0_i32, %c0_i32_0 : i32, i32
  }
  func.func @transform_2(%arg0: i32) -> (i32, i32) {
    %c0_i32 = arith.constant 0 : i32
    %c0_i32_0 = arith.constant 0 : i32
    return %arg0, %c0_i32 : i32, i32
  }
}

</mosaic_0001>

<sc_bundles>
// kernel: kernel.5.cloned.1.call-start
scs
__scs_entry_jumppad:
0x0: {  	(pc) =	sbr.rel $0x88, $3  }
0x1: {  	(tag) =	ssettag $0x0;
	lr =	simm.s32 $0x1  }
0x2: {  	[smem:$0x3F9F] =	sst lr;
	_ =	strace $0xD0000000  }
0x3: {  	_ = 	snop  }
0x4: {  	_ = 	snop  }
0x5: {  	_ = 	snop  }
0x6: {  	_ = 	snop  }
0x7: {  	_ = 	snop  }
__scs_overlays_trampoline_lowered:
0x8: {  	[smem:$0x3FAE] =	sst s0  }
0x9: {  	[smem:$0x3FAF] =	sst s1  }
0xa: {  	[smem:$0x3FB0] =	sst s2  }
0xb: {  	[smem:$0x3FB1] =	sst s3  }
0xc: {  	[smem:$0x3FB2] =	sst s4  }
0xd: {  	[smem:$0x3FB3] =	sst s5  }
0xe: {  	[smem:$0x3FB4] =	sst s6  }
0xf: {  	[smem:$0x3FB5] =	sst s7  }
0x10: {  	[smem:$0x3FB6] =	sst s8  }
0x11: {  	[smem:$0x3FB7] =	sst s9;
	s0 =	simm.s32 @!p0 $0x0  }
0x12: {  	s1 =	sld [smem:$0x3F9D];
	s0 =	simm.s32 @p0 $0x1  }
0x13: {  	[smem:$0x3FB8] =	sst s0;
	s0 =	simm.s32 @!p1 $0x0  }
0x14: {  	s2 =	sld [smem:$0x3F9C];
	s0 =	simm.s32 @p1 $0x1  }
0x15: {  	[smem:$0x3FB9] =	sst s0;
	s0 =	simm.s32 @!p2 $0x0  }
0x16: {  	s3 =	sld [smem:$0x3FDB];
	s0 =	simm.s32 @p2 $0x1  }
0x17: {  	s4 =	simm.s32 $0x1BF5;
	[smem:$0x3FBB] =	sst s0  }
0x18: {  	s0 =	sld [smem:$0x3F9E];
	_ =	swait.ge [sflag:s4], $0x0  }
0x19: {  	s7 =	sld [smem:$0x3F9F]  }
0x1a: {  	s8 =	sadd.s32 $0xFFFFE003, lr  }
0x1b: {  	s9 =	sadd.s32 $0xFFFFFEF7, lr;
	s5 =	simm.s32 $0xFFFFFFFF;
	p2 =	slt.u32 s8, $0xFFFFF086  }
0x1c: {  	p1 =	slt.u32 s9, $0xF7A;
	s5 =	simm.s32 @!p2 $0x0  }
0x1d: {  	s5 =	simm.s32 @p1 $0x1;
	p0 =	seq.s32 s7, s2  }
0x1e: {  	s7 =	smul.u32 @!p0 $0xF7A, s2;
	p2 =	seq.s32 @!p0 s5, $0x0  }
0x1f: {  	s9 =	smul.u32 $0xF7A, s1;
	s8 =	simm.s32 @!p0 $0x1BF5;
	p2 =	por !p2, p0  }
0x20: {  	[sflag:s8] =	ssyncset.s32 @!p0 $0xFFFFF086;
	s6 =	sadd.s32 @!p0 s3, s7;
	s7 =	simm.s32 @!p0 $0x108  }
0x21: {  	s3 =	sadd.s32 s3, s9;
	s6 =	sadd.s32 @!p0 $0x88, s6;
	s7 =	simm.s32 @p2 $0x1082  }
0x22: {  	[simem:s7], [sflag:s8] =	dma.local @!p0 [hbm:s6], $0xF7A  }
0x23: {  	s9 =	sor.u32 $0xD0000000, s2;
	s6 =	simm.s32 $0x108;
	_ =	swait.ge @!p0 [sflag:s8], $0x0  }
0x24: {  	s3 =	sadd.s32 $0x88, s3;
	s6 =	simm.s32 @!p1 $0x1082;
	[sflag:s4] =	ssyncset.s32 $0xFFFFF086  }
0x25: {  	[simem:s6], [sflag:s4] =	dma.local [hbm:s3], $0xF7A  }
0x26: {  	[smem:$0x3F9F] =	sst s1;
	(tag) =	ssettag s2;
	_ =	strace s9  }
0x27: {  	s1 =	sld [smem:$0x3FAF]  }
0x28: {  	s2 =	sld [smem:$0x3FB0]  }
0x29: {  	s4 =	sld [smem:$0x3FB2]  }
0x2a: {  	p0 =	seq.s32 s5, $0x0;
	s5 =	sld [smem:$0x3FB3]  }
0x2b: {  	s6 =	sld [smem:$0x3FB4]  }
0x2c: {  	s7 =	sld [smem:$0x3FB5]  }
0x2d: {  	s3 =	simm.s32 $0x108;
	s8 =	sld [smem:$0x3FB6]  }
0x2e: {  	s3 =	simm.s32 @!p0 $0x1082;
	s9 =	sld [smem:$0x3FB7]  }
0x2f: {  	lr =	sadd.s32 s0, s3;
	s0 =	sld [smem:$0x3FAE]  }
0x30: {  	s3 =	sld [smem:$0x3FB1]  }
0x31: {  	[smem:$0x3FBA] =	sst s10  }
0x32: {  	s10 =	sld [smem:$0x3FB8];
	_ =	sdelay $0x3  }
0x33: {  	p0 =	seq.s32 s10, $0x1;
	s10 =	sld [smem:$0x3FBA];
	_ =	sdelay $0x3  }
0x34: {  	[smem:$0x3FBA] =	sst s10  }
0x35: {  	s10 =	sld [smem:$0x3FB9];
	_ =	sdelay $0x3  }
0x36: {  	p1 =	seq.s32 s10, $0x1;
	s10 =	sld [smem:$0x3FBA];
	_ =	sdelay $0x3  }
0x37: {  	[smem:$0x3FBA] =	sst s10  }
0x38: {  	s10 =	sld [smem:$0x3FBB]  }
0x39: {  	_ = 	snop;
	(pc) =	sbr.ind lr, $3  }
0x3a: {  	_ = 	snop  }
0x3b: {  	_ = 	snop  }
0x3c: {  	p2 =	seq.s32 s10, $0x1;
	s10 =	sld [smem:$0x3FBA]  }
0x3d: {  	_ =	shalt  }
0x3e: {  	_ =	shalt  }
0x3f: {  	_ =	shalt  }
0x40: {  	_ =	shalt  }
0x41: {  	_ =	shalt  }
0x42: {  	_ =	shalt  }
0x43: {  	_ =	shalt  }
0x44: {  	_ =	shalt  }
0x45: {  	_ =	shalt  }
0x46: {  	_ =	shalt  }
0x47: {  	_ =	shalt  }
0x48: {  	_ =	shalt  }
0x49: {  	_ =	shalt  }
0x4a: {  	_ =	shalt  }
0x4b: {  	_ =	shalt  }
0x4c: {  	_ =	shalt  }
0x4d: {  	_ =	shalt  }
0x4e: {  	_ =	shalt  }
0x4f: {  	_ =	shalt  }
0x50: {  	_ =	shalt  }
0x51: {  	_ =	shalt  }
0x52: {  	_ =	shalt  }
0x53: {  	_ =	shalt  }
0x54: {  	_ =	shalt  }
0x55: {  	_ =	shalt  }
0x56: {  	_ =	shalt  }
0x57: {  	_ =	shalt  }
0x58: {  	_ =	shalt  }
0x59: {  	_ =	shalt  }
0x5a: {  	_ =	shalt  }
0x5b: {  	_ =	shalt  }
0x5c: {  	_ =	shalt  }
0x5d: {  	_ =	shalt  }
0x5e: {  	_ =	shalt  }
0x5f: {  	_ =	shalt  }
0x60: {  	_ =	shalt  }
0x61: {  	_ =	shalt  }
0x62: {  	_ =	shalt  }
0x63: {  	_ =	shalt  }
0x64: {  	_ =	shalt  }
0x65: {  	_ =	shalt  }
0x66: {  	_ =	shalt  }
0x67: {  	_ =	shalt  }
0x68: {  	_ =	shalt  }
0x69: {  	_ =	shalt  }
0x6a: {  	_ =	shalt  }
0x6b: {  	_ =	shalt  }
0x6c: {  	_ =	shalt  }
0x6d: {  	_ =	shalt  }
0x6e: {  	_ =	shalt  }
0x6f: {  	_ =	shalt  }
0x70: {  	_ =	shalt  }
0x71: {  	_ =	shalt  }
0x72: {  	_ =	shalt  }
0x73: {  	_ =	shalt  }
0x74: {  	_ =	shalt  }
0x75: {  	_ =	shalt  }
0x76: {  	_ =	shalt  }
0x77: {  	_ =	shalt  }
0x78: {  	_ =	shalt  }
0x79: {  	_ =	shalt  }
0x7a: {  	_ =	shalt  }
0x7b: {  	_ =	shalt  }
0x7c: {  	_ =	shalt  }
0x7d: {  	_ =	shalt  }
0x7e: {  	_ =	shalt  }
0x7f: {  	_ =	shalt  }
0x80: {  	_ =	shalt  }
0x81: {  	_ =	shalt  }
0x82: {  	_ =	shalt  }
0x83: {  	_ =	shalt  }
0x84: {  	_ =	shalt  }
0x85: {  	_ =	shalt  }
0x86: {  	_ =	shalt  }
0x87: {  	_ =	shalt  }
.Lfunc_end0:
.L_simem_size_0:
called_computation_lowered:
.L_overlay_start_0:
0x88: {  	s2 =	sld [smem:$0x3FD9]  }
0x89: {  	s3 =	sld [smem:$0x3FFE];
	_ =	sdelay $0x1  }
0x8a: {  	s1 =	srdreg.scid  }
0x8b: {  	s0 =	sand.u32 $0x1, s1  }
0x8c: {  	s17 =	sshll.u32 s0, $0xA;
	s2 =	sadd.s32 s3, s2  }
0x8d: {  	s2 =	sadd.s32 s2, s17  }
0x8e: {  	[smem:$0x3FC6] =	sst s2  }
0x8f: {  	_ = 	snop  }
0x90: {  	s2 =	sld [smem:$0x3FD0];
	(tm) =	ssettm $0x1  }
0x91: {  	s18 =	sld [smem:$0x3FFB];
	_ =	sdelay $0x3  }
0x92: {  	_ =	strace s18  }
0x93: {  	s3 =	sld [smem:$0x3FFC];
	_ =	sdelay $0x3  }
0x94: {  	_ =	strace s3  }
0x95: {  	s3 =	sld [smem:$0x3FFD];
	_ =	sdelay $0x3  }
0x96: {  	_ =	strace s3  }
0x97: {  	_ =	strace $0x8FFFFFFF  }
0x98: {  	s19 =	sld [smem:$0x3FDB];
	_ =	sdelay $0x1  }
0x99: {  	s4 =	simm.s32 $_scs_section_size  }
0x9a: {  	s5 =	simm.s32 $_size__tile_overlayer_lowered;
	s6 =	simm.s32 $_tile_overlayer_lowered  }
0x9b: {  	s22 =	simm.s32 $0x1BFF;
	s21 =	sshll.u32 s6, $0x1;
	s3 =	sadd.s32 s4, s19  }
0x9c: {  	s7 =	simm.s32 $0x0;
	s20 =	sshll.u32 s5, $0x1;
	s5 =	sadd.s32 s21, s3  }
0x9d: {  	[timem:s7], [sflag:s22] =	dma.local [hbm:s5], s20  }
0x9e: {  	_ =	swait.ge [sflag:s22], s20  }
0x9f: {  	s4 =	ssub.s32 $0x0, s20;
	[sflag:s22] =	ssyncset.done $0x0  }
0xa0: {  	[sflag:s22] =	ssyncadd.s32 s4;
	_ =	sdelay $0x1  }
0xa1: {  	s23 =	simm.s32 $0x1B8B  }
0xa2: {  	_ =	swait.ge [sflag:s23], $0x1  }
0xa3: {  	[sflag:s23] =	ssyncset.done $0x0  }
0xa4: {  	s25 =	simm.s32 $0x1B8E;
	s24 =	sld [smem:$0x3FFE];
	[sflag:s23] =	ssyncadd.s32 $0xFFFFFFFF  }
0xa5: {  	s26 =	simm.s32 $execute0_lowered;
	[smem:$0x3FD2] =	sst s25  }
0xa6: {  	s5 =	sshll.u32 s26, $0x1;
	_ =	strace $0x80000046;
	[dreg:$0x1] =	wrdreg $0xFFFFFFFF  }
0xa7: {  	s28 =	simm.s32 $_size_execute0_lowered;
	s3 =	sadd.s32 s3, s5;
	[dreg:$0x0] =	wrdreg $0x0  }
0xa8: {  	s5 =	sshll.u32 s28, $0x1;
	[dreg:$0x2] =	wrdreg s3  }
0xa9: {  	[dreg:$0x3] =	wrdreg s5  }
0xaa: {  	[dreg:$0x4] =	wrdreg $0xC0  }
0xab: {  	_ =	task [dreg:s7], $0x5FFFF  }
0xac: {  	[dreg:$0x1] =	wrdreg $0xFFFFFFFF  }
0xad: {  	[dreg:$0x0] =	wrdreg $0x60  }
0xae: {  	[dreg:$0x2] =	wrdreg s2  }
0xaf: {  	[dreg:$0x3] =	wrdreg s24  }
0xb0: {  	[dreg:$0x4] =	wrdreg $0x118000  }
0xb1: {  	[dreg:$0x5] =	wrdreg $0x9  }
0xb2: {  	_ =	task.clear_ibuf [dreg:s7], $0x6FFFF;
	_ =	strace $0x90000046  }
0xb3: {  	s29 =	simm.s32 $0x9;
	_ =	strace $0x80000048  }
0xb4: {  	_ =	swait.ge [sflag:s29], $0x1  }
0xb5: {  	[sflag:s29] =	ssyncadd.s32 $0xFFFFFFFF  }
0xb6: {  	_ =	strace $0x90000048  }
0xb7: {  	_ =	sfence  }
0xb8: {  	s30 =	sld [smem:$0x0];
	_ =	sdelay $0x2  }
0xb9: {  	s31 =	sshll.u32 s1, $0xD;
	s1 =	sshrl.u32 s1, $0x2  }
0xba: {  	s3 =	sand.u32 $0x4000, s31;
	s1 =	sadd.s32 s1, s30  }
0xbb: {  	s0 =	sor.u32 s3, s0;
	s1 =	sshll.u32 s1, $0x11  }
0xbc: {  	s0 =	sor.u32 s1, s0  }
0xbd: {  	s0 =	sadd.s32 $0x8F2B, s0  }
0xbe: {  	[sflag:s0] =	ssyncadd.remote.s32 $0x1  }
0xbf: {  	_ =	sfence.sel $0xFFFF  }
0xc0: {  	[dreg:$0x0] =	wrdreg $0xFFFFFFFF;
	(pc) =	sbr.abs _section_cstart, $3  }
0xc1: {  	[dreg:$0x1] =	wrdreg $0xFFFFFFFF  }
0xc2: {  	_ =	task.clear_ibuf [dreg:s7], $0x2FFFF;
	_ =	strace $0x9FFFFFFF  }
0xc3: {  	(tm) =	ssettm $0x7FFFFFFF  }
tec
execute0_lowered:
.L_overlay_start_1:
0x0: {  	(tag) =	ssettag $0x1  }
0x1: {  	s5 =	rddreg [dreg:$0x0]  }
0x2: {  	s3 =	rddreg [dreg:$0x1];
	s0 =	srdreg.scid  }
0x3: {  	s9 =	stileid.u32;
	s1 =	rddreg [dreg:$0x2];
	s2 =	simm.s32 $0x0  }
0x4: {  	s13 =	simm.s32 $0xE400;
	s31 =	simm.s32 $0xFE00;
	s14 =	simm.s32 $0x4  }
0x5: {  	s15 =	simm.s32 $0x5;
	s16 =	simm.s32 $0x6;
	s17 =	simm.s32 $0x0  }
0x6: {  	s4 =	sand.u32 $0x1, s0;
	s6 =	sshll.u32 s9, $0x1;
	s0 =	rddreg [dreg:$0x3]  }
0x7: {  	[smem:$0x7FF] =	sst s2;
	s10 =	smul.u32 $0xD000, s9;
	s3 =	sadd.s32 $0x600, s3  }
0x8: {  	p0 =	sne.s32 s9, $0x0;
	s9 =	simm.s32 $0xB000;
	s6 =	sor.u32 s4, s6  }
0x9: {  	_ =	strace $0x80000047;
	s8 =	ssub.s32 $0x2, s4;
	[dreg:$0x4] =	wrdreg s13  }
0xa: {  	s12 =	smul.u32 $0x6800, s4;
	[dreg:$0x5] =	wrdreg s31;
	s13 =	simm.s32 $0x3  }
0xb: {  	s7 =	smul.u32 $0x1600, s6;
	s11 =	sshrl.u32 s8, $0x1;
	s4 =	sshll.u32 s6, $0x5  }
0xc: {  	s10 =	sadd.s32 s10, s3;
	s8 =	ssub.s32 s8, s11;
	s11 =	simm.s32 $0xCA00  }
0xd: {  	s5 =	sadd.s32 s5, s7;
	s6 =	smax.u32 s8, $0x1;
	s7 =	sadd.s32 s12, s10  }
0xe: {  	v0 =	vimm.f32 $0.0e+00;
	v1 =	vimm.f32 $1.000000000e+00;
	s8 =	simm.s32 $0x9;
	s10 =	simm.s32 $0x1;
	s12 =	simm.s32 $0x2  }
.LBB2_1:
0xf: {  	[tilespmem:s2], [sflag:$0x9] =	stream.linear.gather [hbm4b:s5+s2], $0xB000, $0x38;
	[tilespmem:$0x119A0] =	vst v63  }
0x10: {  	_ =	swait.ge [sflag:s8], $0xB000  }
0x11: {  	[sflag:s8] =	ssyncset.done $0x0  }
0x12: {  	s18 =	simm.s32 $0x0;
	s19 =	simm.s32 $0x200;
	[sflag:s8] =	ssyncadd.s32 $0xFFFF5000  }
.LBB2_2:
0x13: {  	p1 =	sne.s32 s19, $0x19E00;
	[tilespmem:s18+$0xB070] =	vst v0  }
0x14: {  	[tilespmem:s18+$0xB000] =	vst v0  }
0x15: {  	[tilespmem:s18+$0xB010] =	vst v0  }
.Ltmp0:
0x16: {  	[tilespmem:s18+$0xB020] =	vst v0;
	(pc) =	sbr.rel @p1 .LBB2_2-.Ltmp0, $4  }
0x17: {  	[tilespmem:s18+$0xB030] =	vst v0  }
0x18: {  	[tilespmem:s18+$0xB040] =	vst v0  }
0x19: {  	[tilespmem:s18+$0xB050] =	vst v0  }
0x1a: {  	[tilespmem:s18+$0xB060] =	vst v0;
	s18 =	sshra.s32 s19, $0x2;
	s19 =	sadd.s32 $0x200, s19  }
0x1b: {  	[tilespmem:s18+$0xB070] =	vst v0  }
0x1c: {  	[tilespmem:s18+$0xB000] =	vst v0  }
0x1d: {  	[tilespmem:s18+$0xB010] =	vst v0  }
0x1e: {  	[tilespmem:s18+$0xB020] =	vst v0  }
0x1f: {  	[tilespmem:s18+$0xB030] =	vst v0  }
0x20: {  	[tilespmem:s18+$0xB040] =	vst v0  }
0x21: {  	[tilespmem:s18+$0xB050] =	vst v0  }
0x22: {  	[tilespmem:s18+$0xB060] =	vst v0;
	s18 =	simm.s32 @!p0 $0xB000  }
0x23: {  	[spmem:s1] =	stream.linear.scatter @!p0 [tilespmem:s18], [sflag:$0x9], $0x1A00, $0x38;
	[tilespmem:$0x119A0] =	vst v63  }
0x24: {  	s18 =	simm.s32 @!p0 $0x9  }
0x25: {  	_ =	swait.ge @!p0 [sflag:s18], $0x1A00  }
0x26: {  	[sflag:s18] =	ssyncset.done @!p0 $0x0  }
0x27: {  	s19 =	simm.s32 $0x1080;
	[sflag:s18] =	ssyncadd.s32 @!p0 $0xFFFFE600  }
0x28: {  	s20 =	smov.u32 s7;
	s18 =	simm.s32 $0x2;
	[bflag:$0x0] =	sbarrier.arrive $0xFFFF  }
.LBB2_4:
0x29: {  	p1 =	seq.s32 s18, $0x2  }
0x2a: {  	s21 =	simm.s32 @!p1 $0x5  }
0x2b: {  	_ =	swait.ge @!p1 [sflag:s21], $0x1A00  }
0x2c: {  	[sflag:s21] =	ssyncset.done @!p1 $0x0  }
0x2d: {  	[sflag:s21] =	ssyncadd.s32 @!p1 $0xFFFFE600  }
0x2e: {  	v2 =	vld [tilespmem:s19+$0xFFFFEF80];
	_ =	sdelay $0x7  }
0x2f: {  	[tilespmem:v2+s9+$0x0] =	vst.idx.add.f32.msk $0xffff, v1  }
0x30: {  	v2 =	vld [tilespmem:s19+$0xFFFFEF90];
	_ =	sdelay $0x7  }
0x31: {  	[tilespmem:v2+s9+$0x0] =	vst.idx.add.f32.msk $0xffff, v1  }
0x32: {  	v2 =	vld [tilespmem:s19+$0xFFFFEFA0];
	_ =	sdelay $0x7  }
0x33: {  	[tilespmem:v2+s9+$0x0] =	vst.idx.add.f32.msk $0xffff, v1  }
0x34: {  	v2 =	vld [tilespmem:s19+$0xFFFFEFB0];
	_ =	sdelay $0x7  }
0x35: {  	[tilespmem:v2+s9+$0x0] =	vst.idx.add.f32.msk $0xffff, v1  }
0x36: {  	v2 =	vld [tilespmem:s19+$0xFFFFEFC0];
	_ =	sdelay $0x7  }
0x37: {  	[tilespmem:v2+s9+$0x0] =	vst.idx.add.f32.msk $0xffff, v1  }
0x38: {  	v2 =	vld [tilespmem:s19+$0xFFFFEFD0];
	_ =	sdelay $0x7  }
0x39: {  	[tilespmem:v2+s9+$0x0] =	vst.idx.add.f32.msk $0xffff, v1  }
0x3a: {  	v2 =	vld [tilespmem:s19+$0xFFFFEFE0];
	_ =	sdelay $0x7  }
0x3b: {  	[tilespmem:v2+s9+$0x0] =	vst.idx.add.f32.msk $0xffff, v1  }
0x3c: {  	v2 =	vld [tilespmem:s19+$0xFFFFEFF0];
	_ =	sdelay $0x7  }
0x3d: {  	[tilespmem:v2+s9+$0x0] =	vst.idx.add.f32.msk $0xffff, v1  }
0x3e: {  	v2 =	vld [tilespmem:s19+$0xFFFFF000];
	_ =	sdelay $0x7  }
0x3f: {  	[tilespmem:v2+s9+$0x0] =	vst.idx.add.f32.msk $0xffff, v1  }
0x40: {  	v2 =	vld [tilespmem:s19+$0xFFFFF010];
	_ =	sdelay $0x7  }
0x41: {  	[tilespmem:v2+s9+$0x0] =	vst.idx.add.f32.msk $0xffff, v1  }
0x42: {  	v2 =	vld [tilespmem:s19+$0xFFFFF020];
	_ =	sdelay $0x7  }
0x43: {  	[tilespmem:v2+s9+$0x0] =	vst.idx.add.f32.msk $0xffff, v1  }
0x44: {  	v2 =	vld [tilespmem:s19+$0xFFFFF030];
	_ =	sdelay $0x7  }
0x45: {  	[tilespmem:v2+s9+$0x0] =	vst.idx.add.f32.msk $0xffff, v1  }
0x46: {  	v2 =	vld [tilespmem:s19+$0xFFFFF040];
	_ =	sdelay $0x7  }
0x47: {  	[tilespmem:v2+s9+$0x0] =	vst.idx.add.f32.msk $0xffff, v1  }
0x48: {  	v2 =	vld [tilespmem:s19+$0xFFFFF050];
	_ =	sdelay $0x7  }
0x49: {  	[tilespmem:v2+s9+$0x0] =	vst.idx.add.f32.msk $0xffff, v1  }
0x4a: {  	v2 =	vld [tilespmem:s19+$0xFFFFF060];
	_ =	sdelay $0x7  }
0x4b: {  	[tilespmem:v2+s9+$0x0] =	vst.idx.add.f32.msk $0xffff, v1  }
0x4c: {  	v2 =	vld [tilespmem:s19+$0xFFFFF070];
	_ =	sdelay $0x7  }
0x4d: {  	[tilespmem:v2+s9+$0x0] =	vst.idx.add.f32.msk $0xffff, v1  }
0x4e: {  	v2 =	vld [tilespmem:s19+$0xFFFFF080];
	_ =	sdelay $0x7  }
0x4f: {  	[tilespmem:v2+s9+$0x0] =	vst.idx.add.f32.msk $0xffff, v1  }
0x50: {  	v2 =	vld [tilespmem:s19+$0xFFFFF090];
	_ =	sdelay $0x7  }
0x51: {  	[tilespmem:v2+s9+$0x0] =	vst.idx.add.f32.msk $0xffff, v1  }
0x52: {  	v2 =	vld [tilespmem:s19+$0xFFFFF0A0];
	_ =	sdelay $0x7  }
0x53: {  	[tilespmem:v2+s9+$0x0] =	vst.idx.add.f32.msk $0xffff, v1  }
0x54: {  	v2 =	vld [tilespmem:s19+$0xFFFFF0B0];
	_ =	sdelay $0x7  }
0x55: {  	[tilespmem:v2+s9+$0x0] =	vst.idx.add.f32.msk $0xffff, v1  }
0x56: {  	v2 =	vld [tilespmem:s19+$0xFFFFF0C0];
	_ =	sdelay $0x7  }
0x57: {  	[tilespmem:v2+s9+$0x0] =	vst.idx.add.f32.msk $0xffff, v1  }
0x58: {  	v2 =	vld [tilespmem:s19+$0xFFFFF0D0];
	_ =	sdelay $0x7  }
0x59: {  	[tilespmem:v2+s9+$0x0] =	vst.idx.add.f32.msk $0xffff, v1  }
0x5a: {  	v2 =	vld [tilespmem:s19+$0xFFFFF0E0];
	_ =	sdelay $0x7  }
0x5b: {  	[tilespmem:v2+s9+$0x0] =	vst.idx.add.f32.msk $0xffff, v1  }
0x5c: {  	v2 =	vld [tilespmem:s19+$0xFFFFF0F0];
	_ =	sdelay $0x7  }
0x5d: {  	[tilespmem:v2+s9+$0x0] =	vst.idx.add.f32.msk $0xffff, v1  }
0x5e: {  	v2 =	vld [tilespmem:s19+$0xFFFFF100];
	_ =	sdelay $0x7  }
0x5f: {  	[tilespmem:v2+s9+$0x0] =	vst.idx.add.f32.msk $0xffff, v1  }
0x60: {  	v2 =	vld [tilespmem:s19+$0xFFFFF110];
	_ =	sdelay $0x7  }
0x61: {  	[tilespmem:v2+s9+$0x0] =	vst.idx.add.f32.msk $0xffff, v1  }
0x62: {  	v2 =	vld [tilespmem:s19+$0xFFFFF120];
	_ =	sdelay $0x7  }
0x63: {  	[tilespmem:v2+s9+$0x0] =	vst.idx.add.f32.msk $0xffff, v1  }
0x64: {  	v2 =	vld [tilespmem:s19+$0xFFFFF130];
	_ =	sdelay $0x7  }
0x65: {  	[tilespmem:v2+s9+$0x0] =	vst.idx.add.f32.msk $0xffff, v1  }
0x66: {  	v2 =	vld [tilespmem:s19+$0xFFFFF140];
	_ =	sdelay $0x7  }
0x67: {  	[tilespmem:v2+s9+$0x0] =	vst.idx.add.f32.msk $0xffff, v1  }
0x68: {  	v2 =	vld [tilespmem:s19+$0xFFFFF150];
	_ =	sdelay $0x7  }
0x69: {  	[tilespmem:v2+s9+$0x0] =	vst.idx.add.f32.msk $0xffff, v1  }
0x6a: {  	v2 =	vld [tilespmem:s19+$0xFFFFF160];
	_ =	sdelay $0x7  }
0x6b: {  	[tilespmem:v2+s9+$0x0] =	vst.idx.add.f32.msk $0xffff, v1  }
0x6c: {  	v2 =	vld [tilespmem:s19+$0xFFFFF170];
	_ =	sdelay $0x7  }
0x6d: {  	[tilespmem:v2+s9+$0x0] =	vst.idx.add.f32.msk $0xffff, v1  }
0x6e: {  	v2 =	vld [tilespmem:s19+$0xFFFFF180];
	_ =	sdelay $0x7  }
0x6f: {  	[tilespmem:v2+s9+$0x0] =	vst.idx.add.f32.msk $0xffff, v1  }
0x70: {  	v2 =	vld [tilespmem:s19+$0xFFFFF190];
	_ =	sdelay $0x7  }
0x71: {  	[tilespmem:v2+s9+$0x0] =	vst.idx.add.f32.msk $0xffff, v1  }
0x72: {  	v2 =	vld [tilespmem:s19+$0xFFFFF1A0];
	_ =	sdelay $0x7  }
0x73: {  	[tilespmem:v2+s9+$0x0] =	vst.idx.add.f32.msk $0xffff, v1  }
0x74: {  	v2 =	vld [tilespmem:s19+$0xFFFFF1B0];
	_ =	sdelay $0x7  }
0x75: {  	[tilespmem:v2+s9+$0x0] =	vst.idx.add.f32.msk $0xffff, v1  }
0x76: {  	v2 =	vld [tilespmem:s19+$0xFFFFF1C0];
	_ =	sdelay $0x7  }
0x77: {  	[tilespmem:v2+s9+$0x0] =	vst.idx.add.f32.msk $0xffff, v1  }
0x78: {  	v2 =	vld [tilespmem:s19+$0xFFFFF1D0];
	_ =	sdelay $0x7  }
0x79: {  	[tilespmem:v2+s9+$0x0] =	vst.idx.add.f32.msk $0xffff, v1  }
0x7a: {  	v2 =	vld [tilespmem:s19+$0xFFFFF1E0];
	_ =	sdelay $0x7  }
0x7b: {  	[tilespmem:v2+s9+$0x0] =	vst.idx.add.f32.msk $0xffff, v1  }
0x7c: {  	v2 =	vld [tilespmem:s19+$0xFFFFF1F0];
	_ =	sdelay $0x7  }
0x7d: {  	[tilespmem:v2+s9+$0x0] =	vst.idx.add.f32.msk $0xffff, v1  }
0x7e: {  	v2 =	vld [tilespmem:s19+$0xFFFFF200];
	_ =	sdelay $0x7  }
0x7f: {  	[tilespmem:v2+s9+$0x0] =	vst.idx.add.f32.msk $0xffff, v1  }
0x80: {  	v2 =	vld [tilespmem:s19+$0xFFFFF210];
	_ =	sdelay $0x7  }
0x81: {  	[tilespmem:v2+s9+$0x0] =	vst.idx.add.f32.msk $0xffff, v1  }
0x82: {  	v2 =	vld [tilespmem:s19+$0xFFFFF220];
	_ =	sdelay $0x7  }
0x83: {  	[tilespmem:v2+s9+$0x0] =	vst.idx.add.f32.msk $0xffff, v1  }
0x84: {  	v2 =	vld [tilespmem:s19+$0xFFFFF230];
	_ =	sdelay $0x7  }
0x85: {  	[tilespmem:v2+s9+$0x0] =	vst.idx.add.f32.msk $0xffff, v1  }
0x86: {  	v2 =	vld [tilespmem:s19+$0xFFFFF240];
	_ =	sdelay $0x7  }
0x87: {  	[tilespmem:v2+s9+$0x0] =	vst.idx.add.f32.msk $0xffff, v1  }
0x88: {  	v2 =	vld [tilespmem:s19+$0xFFFFF250];
	_ =	sdelay $0x7  }
0x89: {  	[tilespmem:v2+s9+$0x0] =	vst.idx.add.f32.msk $0xffff, v1  }
0x8a: {  	v2 =	vld [tilespmem:s19+$0xFFFFF260];
	_ =	sdelay $0x7  }
0x8b: {  	[tilespmem:v2+s9+$0x0] =	vst.idx.add.f32.msk $0xffff, v1  }
0x8c: {  	v2 =	vld [tilespmem:s19+$0xFFFFF270];
	_ =	sdelay $0x7  }
0x8d: {  	[tilespmem:v2+s9+$0x0] =	vst.idx.add.f32.msk $0xffff, v1  }
0x8e: {  	v2 =	vld [tilespmem:s19+$0xFFFFF280];
	_ =	sdelay $0x7  }
0x8f: {  	[tilespmem:v2+s9+$0x0] =	vst.idx.add.f32.msk $0xffff, v1  }
0x90: {  	v2 =	vld [tilespmem:s19+$0xFFFFF290];
	_ =	sdelay $0x7  }
0x91: {  	[tilespmem:v2+s9+$0x0] =	vst.idx.add.f32.msk $0xffff, v1  }
0x92: {  	v2 =	vld [tilespmem:s19+$0xFFFFF2A0];
	_ =	sdelay $0x7  }
0x93: {  	[tilespmem:v2+s9+$0x0] =	vst.idx.add.f32.msk $0xffff, v1  }
0x94: {  	v2 =	vld [tilespmem:s19+$0xFFFFF2B0];
	_ =	sdelay $0x7  }
0x95: {  	[tilespmem:v2+s9+$0x0] =	vst.idx.add.f32.msk $0xffff, v1  }
0x96: {  	v2 =	vld [tilespmem:s19+$0xFFFFF2C0];
	_ =	sdelay $0x7  }
0x97: {  	[tilespmem:v2+s9+$0x0] =	vst.idx.add.f32.msk $0xffff, v1  }
0x98: {  	v2 =	vld [tilespmem:s19+$0xFFFFF2D0];
	_ =	sdelay $0x7  }
0x99: {  	[tilespmem:v2+s9+$0x0] =	vst.idx.add.f32.msk $0xffff, v1  }
0x9a: {  	v2 =	vld [tilespmem:s19+$0xFFFFF2E0];
	_ =	sdelay $0x7  }
0x9b: {  	[tilespmem:v2+s9+$0x0] =	vst.idx.add.f32.msk $0xffff, v1  }
0x9c: {  	v2 =	vld [tilespmem:s19+$0xFFFFF2F0];
	_ =	sdelay $0x7  }
0x9d: {  	[tilespmem:v2+s9+$0x0] =	vst.idx.add.f32.msk $0xffff, v1  }
0x9e: {  	v2 =	vld [tilespmem:s19+$0xFFFFF300];
	_ =	sdelay $0x7  }
0x9f: {  	[tilespmem:v2+s9+$0x0] =	vst.idx.add.f32.msk $0xffff, v1  }
0xa0: {  	v2 =	vld [tilespmem:s19+$0xFFFFF310];
	_ =	sdelay $0x7  }
0xa1: {  	[tilespmem:v2+s9+$0x0] =	vst.idx.add.f32.msk $0xffff, v1  }
0xa2: {  	v2 =	vld [tilespmem:s19+$0xFFFFF320];
	_ =	sdelay $0x7  }
0xa3: {  	[tilespmem:v2+s9+$0x0] =	vst.idx.add.f32.msk $0xffff, v1  }
0xa4: {  	v2 =	vld [tilespmem:s19+$0xFFFFF330];
	_ =	sdelay $0x7  }
0xa5: {  	[tilespmem:v2+s9+$0x0] =	vst.idx.add.f32.msk $0xffff, v1  }
0xa6: {  	v2 =	vld [tilespmem:s19+$0xFFFFF340];
	_ =	sdelay $0x7  }
0xa7: {  	[tilespmem:v2+s9+$0x0] =	vst.idx.add.f32.msk $0xffff, v1  }
0xa8: {  	v2 =	vld [tilespmem:s19+$0xFFFFF350];
	_ =	sdelay $0x7  }
0xa9: {  	[tilespmem:v2+s9+$0x0] =	vst.idx.add.f32.msk $0xffff, v1  }
0xaa: {  	v2 =	vld [tilespmem:s19+$0xFFFFF360];
	_ =	sdelay $0x7  }
0xab: {  	[tilespmem:v2+s9+$0x0] =	vst.idx.add.f32.msk $0xffff, v1  }
0xac: {  	v2 =	vld [tilespmem:s19+$0xFFFFF370];
	_ =	sdelay $0x7  }
0xad: {  	[tilespmem:v2+s9+$0x0] =	vst.idx.add.f32.msk $0xffff, v1  }
0xae: {  	v2 =	vld [tilespmem:s19+$0xFFFFF380];
	_ =	sdelay $0x7  }
0xaf: {  	[tilespmem:v2+s9+$0x0] =	vst.idx.add.f32.msk $0xffff, v1  }
0xb0: {  	v2 =	vld [tilespmem:s19+$0xFFFFF390];
	_ =	sdelay $0x7  }
0xb1: {  	[tilespmem:v2+s9+$0x0] =	vst.idx.add.f32.msk $0xffff, v1  }
0xb2: {  	v2 =	vld [tilespmem:s19+$0xFFFFF3A0];
	_ =	sdelay $0x7  }
0xb3: {  	[tilespmem:v2+s9+$0x0] =	vst.idx.add.f32.msk $0xffff, v1  }
0xb4: {  	v2 =	vld [tilespmem:s19+$0xFFFFF3B0];
	_ =	sdelay $0x7  }
0xb5: {  	[tilespmem:v2+s9+$0x0] =	vst.idx.add.f32.msk $0xffff, v1  }
0xb6: {  	v2 =	vld [tilespmem:s19+$0xFFFFF3C0];
	_ =	sdelay $0x7  }
0xb7: {  	[tilespmem:v2+s9+$0x0] =	vst.idx.add.f32.msk $0xffff, v1  }
0xb8: {  	v2 =	vld [tilespmem:s19+$0xFFFFF3D0];
	_ =	sdelay $0x7  }
0xb9: {  	[tilespmem:v2+s9+$0x0] =	vst.idx.add.f32.msk $0xffff, v1  }
0xba: {  	v2 =	vld [tilespmem:s19+$0xFFFFF3E0];
	_ =	sdelay $0x7  }
0xbb: {  	[tilespmem:v2+s9+$0x0] =	vst.idx.add.f32.msk $0xffff, v1  }
0xbc: {  	v2 =	vld [tilespmem:s19+$0xFFFFF3F0];
	_ =	sdelay $0x7  }
0xbd: {  	[tilespmem:v2+s9+$0x0] =	vst.idx.add.f32.msk $0xffff, v1  }
0xbe: {  	v2 =	vld [tilespmem:s19+$0xFFFFF400];
	_ =	sdelay $0x7  }
0xbf: {  	[tilespmem:v2+s9+$0x0] =	vst.idx.add.f32.msk $0xffff, v1  }
0xc0: {  	v2 =	vld [tilespmem:s19+$0xFFFFF410];
	_ =	sdelay $0x7  }
0xc1: {  	[tilespmem:v2+s9+$0x0] =	vst.idx.add.f32.msk $0xffff, v1  }
0xc2: {  	v2 =	vld [tilespmem:s19+$0xFFFFF420];
	_ =	sdelay $0x7  }
0xc3: {  	[tilespmem:v2+s9+$0x0] =	vst.idx.add.f32.msk $0xffff, v1  }
0xc4: {  	v2 =	vld [tilespmem:s19+$0xFFFFF430];
	_ =	sdelay $0x7  }
0xc5: {  	[tilespmem:v2+s9+$0x0] =	vst.idx.add.f32.msk $0xffff, v1  }
0xc6: {  	v2 =	vld [tilespmem:s19+$0xFFFFF440];
	_ =	sdelay $0x7  }
0xc7: {  	[tilespmem:v2+s9+$0x0] =	vst.idx.add.f32.msk $0xffff, v1  }
0xc8: {  	v2 =	vld [tilespmem:s19+$0xFFFFF450];
	_ =	sdelay $0x7  }
0xc9: {  	[tilespmem:v2+s9+$0x0] =	vst.idx.add.f32.msk $0xffff, v1  }
0xca: {  	v2 =	vld [tilespmem:s19+$0xFFFFF460];
	_ =	sdelay $0x7  }
0xcb: {  	[tilespmem:v2+s9+$0x0] =	vst.idx.add.f32.msk $0xffff, v1  }
0xcc: {  	v2 =	vld [tilespmem:s19+$0xFFFFF470];
	_ =	sdelay $0x7  }
0xcd: {  	[tilespmem:v2+s9+$0x0] =	vst.idx.add.f32.msk $0xffff, v1  }
0xce: {  	v2 =	vld [tilespmem:s19+$0xFFFFF480];
	_ =	sdelay $0x7  }
0xcf: {  	[tilespmem:v2+s9+$0x0] =	vst.idx.add.f32.msk $0xffff, v1  }
0xd0: {  	v2 =	vld [tilespmem:s19+$0xFFFFF490];
	_ =	sdelay $0x7  }
0xd1: {  	s21 =	simm.s32 @!p1 $0x3;
	[tilespmem:v2+s9+$0x0] =	vst.idx.add.f32.msk $0xf, v1  }
0xd2: {  	[hbm4b:s20+s2] =	stream.linear.scatter [tilespmem:s9], [sflag:$0x1], $0x1A00, $0x38;
	[tilespmem:$0x119A0] =	vst v63  }
0xd3: {  	_ =	swait.ge @!p1 [sflag:s21], $0x1A00  }
0xd4: {  	[sflag:s21] =	ssyncset.done @!p1 $0x0  }
0xd5: {  	[sflag:s21] =	ssyncadd.s32 @!p1 $0xFFFFE600;
	s21 =	simm.s32 @!p1 $0xE400  }
0xd6: {  	[tilespmem:s21], [sflag:$0x7] =	stream.linear.gather @!p1 [spmem:s1], $0x1A00, $0x38;
	[tilespmem:$0x119A0] =	vst v63  }
0xd7: {  	s21 =	sadd.s32 @!p1 $0xFFFFFFFF, s18  }
0xd8: {  	s22 =	simm.s32 @!p1 $0x6;
	s21 =	simm.s32 @p1 $0x1  }
0xd9: {  	_ =	swait.ge @!p1 [sflag:s22], $0x1A00;
	s23 =	smul.u32 $0x1600, s21  }
0xda: {  	[sflag:s22] =	ssyncset.done @!p1 $0x0  }
0xdb: {  	[sflag:s22] =	ssyncadd.s32 @!p1 $0xFFFFE600;
	s25 =	sshra.s32 s23, $0x2  }
0xdc: {  	v2 =	vld [tilespmem:s25+$0x0];
	_ =	sdelay $0x4  }
0xdd: {  	v2 =	vadd.s32 $0x1A00, v2;
	_ =	sdelay $0x4  }
0xde: {  	[tilespmem:v2+s9+$0x0] =	vst.idx.add.f32.msk $0xffff, v1  }
0xdf: {  	v2 =	vld [tilespmem:s25+$0x10];
	_ =	sdelay $0x4  }
0xe0: {  	v2 =	vadd.s32 $0x1A00, v2;
	_ =	sdelay $0x4  }
0xe1: {  	[tilespmem:v2+s9+$0x0] =	vst.idx.add.f32.msk $0xffff, v1  }
0xe2: {  	v2 =	vld [tilespmem:s25+$0x20];
	_ =	sdelay $0x4  }
0xe3: {  	v2 =	vadd.s32 $0x1A00, v2;
	_ =	sdelay $0x4  }
0xe4: {  	[tilespmem:v2+s9+$0x0] =	vst.idx.add.f32.msk $0xffff, v1  }
0xe5: {  	v2 =	vld [tilespmem:s25+$0x30];
	_ =	sdelay $0x4  }
0xe6: {  	v2 =	vadd.s32 $0x1A00, v2;
	_ =	sdelay $0x4  }
0xe7: {  	[tilespmem:v2+s9+$0x0] =	vst.idx.add.f32.msk $0xffff, v1  }
0xe8: {  	v2 =	vld [tilespmem:s25+$0x40];
	_ =	sdelay $0x4  }
0xe9: {  	v2 =	vadd.s32 $0x1A00, v2;
	_ =	sdelay $0x4  }
0xea: {  	[tilespmem:v2+s9+$0x0] =	vst.idx.add.f32.msk $0xffff, v1  }
0xeb: {  	v2 =	vld [tilespmem:s25+$0x50];
	_ =	sdelay $0x4  }
0xec: {  	v2 =	vadd.s32 $0x1A00, v2;
	_ =	sdelay $0x4  }
0xed: {  	[tilespmem:v2+s9+$0x0] =	vst.idx.add.f32.msk $0xffff, v1  }
0xee: {  	v2 =	vld [tilespmem:s25+$0x60];
	_ =	sdelay $0x4  }
0xef: {  	v2 =	vadd.s32 $0x1A00, v2;
	_ =	sdelay $0x4  }
0xf0: {  	[tilespmem:v2+s9+$0x0] =	vst.idx.add.f32.msk $0xffff, v1  }
0xf1: {  	v2 =	vld [tilespmem:s25+$0x70];
	_ =	sdelay $0x4  }
0xf2: {  	v2 =	vadd.s32 $0x1A00, v2;
	_ =	sdelay $0x4  }
0xf3: {  	[tilespmem:v2+s9+$0x0] =	vst.idx.add.f32.msk $0xffff, v1  }
0xf4: {  	v2 =	vld [tilespmem:s25+$0x80];
	_ =	sdelay $0x4  }
0xf5: {  	v2 =	vadd.s32 $0x1A00, v2;
	_ =	sdelay $0x4  }
0xf6: {  	[tilespmem:v2+s9+$0x0] =	vst.idx.add.f32.msk $0xffff, v1  }
0xf7: {  	v2 =	vld [tilespmem:s25+$0x90];
	_ =	sdelay $0x4  }
0xf8: {  	v2 =	vadd.s32 $0x1A00, v2;
	_ =	sdelay $0x4  }
0xf9: {  	[tilespmem:v2+s9+$0x0] =	vst.idx.add.f32.msk $0xffff, v1  }
0xfa: {  	v2 =	vld [tilespmem:s25+$0xA0];
	_ =	sdelay $0x4  }
0xfb: {  	v2 =	vadd.s32 $0x1A00, v2;
	_ =	sdelay $0x4  }
0xfc: {  	[tilespmem:v2+s9+$0x0] =	vst.idx.add.f32.msk $0xffff, v1  }
0xfd: {  	v2 =	vld [tilespmem:s25+$0xB0];
	_ =	sdelay $0x4  }
0xfe: {  	v2 =	vadd.s32 $0x1A00, v2;
	_ =	sdelay $0x4  }
0xff: {  	[tilespmem:v2+s9+$0x0] =	vst.idx.add.f32.msk $0xffff, v1  }
0x100: {  	v2 =	vld [tilespmem:s25+$0xC0];
	_ =	sdelay $0x4  }
0x101: {  	v2 =	vadd.s32 $0x1A00, v2;
	_ =	sdelay $0x4  }
0x102: {  	[tilespmem:v2+s9+$0x0] =	vst.idx.add.f32.msk $0xffff, v1  }
0x103: {  	v2 =	vld [tilespmem:s25+$0xD0];
	_ =	sdelay $0x4  }
0x104: {  	v2 =	vadd.s32 $0x1A00, v2;
	_ =	sdelay $0x4  }
0x105: {  	[tilespmem:v2+s9+$0x0] =	vst.idx.add.f32.msk $0xffff, v1  }
0x106: {  	v2 =	vld [tilespmem:s25+$0xE0];
	_ =	sdelay $0x4  }
0x107: {  	v2 =	vadd.s32 $0x1A00, v2;
	_ =	sdelay $0x4  }
0x108: {  	[tilespmem:v2+s9+$0x0] =	vst.idx.add.f32.msk $0xffff, v1  }
0x109: {  	v2 =	vld [tilespmem:s25+$0xF0];
	_ =	sdelay $0x4  }
0x10a: {  	v2 =	vadd.s32 $0x1A00, v2;
	_ =	sdelay $0x4  }
0x10b: {  	[tilespmem:v2+s9+$0x0] =	vst.idx.add.f32.msk $0xffff, v1  }
0x10c: {  	v2 =	vld [tilespmem:s25+$0x100];
	_ =	sdelay $0x4  }
0x10d: {  	v2 =	vadd.s32 $0x1A00, v2;
	_ =	sdelay $0x4  }
0x10e: {  	[tilespmem:v2+s9+$0x0] =	vst.idx.add.f32.msk $0xffff, v1  }
0x10f: {  	v2 =	vld [tilespmem:s25+$0x110];
	_ =	sdelay $0x4  }
0x110: {  	v2 =	vadd.s32 $0x1A00, v2;
	_ =	sdelay $0x4  }
0x111: {  	[tilespmem:v2+s9+$0x0] =	vst.idx.add.f32.msk $0xffff, v1  }
0x112: {  	v2 =	vld [tilespmem:s25+$0x120];
	_ =	sdelay $0x4  }
0x113: {  	v2 =	vadd.s32 $0x1A00, v2;
	_ =	sdelay $0x4  }
0x114: {  	[tilespmem:v2+s9+$0x0] =	vst.idx.add.f32.msk $0xffff, v1  }
0x115: {  	v2 =	vld [tilespmem:s25+$0x130];
	_ =	sdelay $0x4  }
0x116: {  	v2 =	vadd.s32 $0x1A00, v2;
	_ =	sdelay $0x4  }
0x117: {  	[tilespmem:v2+s9+$0x0] =	vst.idx.add.f32.msk $0xffff, v1  }
0x118: {  	v2 =	vld [tilespmem:s25+$0x140];
	_ =	sdelay $0x4  }
0x119: {  	v2 =	vadd.s32 $0x1A00, v2;
	_ =	sdelay $0x4  }
0x11a: {  	[tilespmem:v2+s9+$0x0] =	vst.idx.add.f32.msk $0xffff, v1  }
0x11b: {  	v2 =	vld [tilespmem:s25+$0x150];
	_ =	sdelay $0x4  }
0x11c: {  	v2 =	vadd.s32 $0x1A00, v2;
	_ =	sdelay $0x4  }
0x11d: {  	[tilespmem:v2+s9+$0x0] =	vst.idx.add.f32.msk $0xffff, v1  }
0x11e: {  	v2 =	vld [tilespmem:s25+$0x160];
	_ =	sdelay $0x4  }
0x11f: {  	v2 =	vadd.s32 $0x1A00, v2;
	_ =	sdelay $0x4  }
0x120: {  	[tilespmem:v2+s9+$0x0] =	vst.idx.add.f32.msk $0xffff, v1  }
0x121: {  	v2 =	vld [tilespmem:s25+$0x170];
	_ =	sdelay $0x4  }
0x122: {  	v2 =	vadd.s32 $0x1A00, v2;
	_ =	sdelay $0x4  }
0x123: {  	[tilespmem:v2+s9+$0x0] =	vst.idx.add.f32.msk $0xffff, v1  }
0x124: {  	v2 =	vld [tilespmem:s25+$0x180];
	_ =	sdelay $0x4  }
0x125: {  	v2 =	vadd.s32 $0x1A00, v2;
	_ =	sdelay $0x4  }
0x126: {  	[tilespmem:v2+s9+$0x0] =	vst.idx.add.f32.msk $0xffff, v1  }
0x127: {  	v2 =	vld [tilespmem:s25+$0x190];
	_ =	sdelay $0x4  }
0x128: {  	v2 =	vadd.s32 $0x1A00, v2;
	_ =	sdelay $0x4  }
0x129: {  	[tilespmem:v2+s9+$0x0] =	vst.idx.add.f32.msk $0xffff, v1  }
0x12a: {  	v2 =	vld [tilespmem:s25+$0x1A0];
	_ =	sdelay $0x4  }
0x12b: {  	v2 =	vadd.s32 $0x1A00, v2;
	_ =	sdelay $0x4  }
0x12c: {  	[tilespmem:v2+s9+$0x0] =	vst.idx.add.f32.msk $0xffff, v1  }
0x12d: {  	v2 =	vld [tilespmem:s25+$0x1B0];
	_ =	sdelay $0x4  }
0x12e: {  	v2 =	vadd.s32 $0x1A00, v2;
	_ =	sdelay $0x4  }
0x12f: {  	[tilespmem:v2+s9+$0x0] =	vst.idx.add.f32.msk $0xffff, v1  }
0x130: {  	v2 =	vld [tilespmem:s25+$0x1C0];
	_ =	sdelay $0x4  }
0x131: {  	v2 =	vadd.s32 $0x1A00, v2;
	_ =	sdelay $0x4  }
0x132: {  	[tilespmem:v2+s9+$0x0] =	vst.idx.add.f32.msk $0xffff, v1  }
0x133: {  	v2 =	vld [tilespmem:s25+$0x1D0];
	_ =	sdelay $0x4  }
0x134: {  	v2 =	vadd.s32 $0x1A00, v2;
	_ =	sdelay $0x4  }
0x135: {  	[tilespmem:v2+s9+$0x0] =	vst.idx.add.f32.msk $0xffff, v1  }
0x136: {  	v2 =	vld [tilespmem:s25+$0x1E0];
	_ =	sdelay $0x4  }
0x137: {  	v2 =	vadd.s32 $0x1A00, v2;
	_ =	sdelay $0x4  }
0x138: {  	[tilespmem:v2+s9+$0x0] =	vst.idx.add.f32.msk $0xffff, v1  }
0x139: {  	v2 =	vld [tilespmem:s25+$0x1F0];
	_ =	sdelay $0x4  }
0x13a: {  	v2 =	vadd.s32 $0x1A00, v2;
	_ =	sdelay $0x4  }
0x13b: {  	[tilespmem:v2+s9+$0x0] =	vst.idx.add.f32.msk $0xffff, v1  }
0x13c: {  	v2 =	vld [tilespmem:s25+$0x200];
	_ =	sdelay $0x4  }
0x13d: {  	v2 =	vadd.s32 $0x1A00, v2;
	_ =	sdelay $0x4  }
0x13e: {  	[tilespmem:v2+s9+$0x0] =	vst.idx.add.f32.msk $0xffff, v1  }
0x13f: {  	v2 =	vld [tilespmem:s25+$0x210];
	_ =	sdelay $0x4  }
0x140: {  	v2 =	vadd.s32 $0x1A00, v2;
	_ =	sdelay $0x4  }
0x141: {  	[tilespmem:v2+s9+$0x0] =	vst.idx.add.f32.msk $0xffff, v1  }
0x142: {  	v2 =	vld [tilespmem:s25+$0x220];
	_ =	sdelay $0x4  }
0x143: {  	v2 =	vadd.s32 $0x1A00, v2;
	_ =	sdelay $0x4  }
0x144: {  	[tilespmem:v2+s9+$0x0] =	vst.idx.add.f32.msk $0xffff, v1  }
0x145: {  	v2 =	vld [tilespmem:s25+$0x230];
	_ =	sdelay $0x4  }
0x146: {  	v2 =	vadd.s32 $0x1A00, v2;
	_ =	sdelay $0x4  }
0x147: {  	[tilespmem:v2+s9+$0x0] =	vst.idx.add.f32.msk $0xffff, v1  }
0x148: {  	v2 =	vld [tilespmem:s25+$0x240];
	_ =	sdelay $0x4  }
0x149: {  	v2 =	vadd.s32 $0x1A00, v2;
	_ =	sdelay $0x4  }
0x14a: {  	[tilespmem:v2+s9+$0x0] =	vst.idx.add.f32.msk $0xffff, v1  }
0x14b: {  	v2 =	vld [tilespmem:s25+$0x250];
	_ =	sdelay $0x4  }
0x14c: {  	v2 =	vadd.s32 $0x1A00, v2;
	_ =	sdelay $0x4  }
0x14d: {  	[tilespmem:v2+s9+$0x0] =	vst.idx.add.f32.msk $0xffff, v1  }
0x14e: {  	v2 =	vld [tilespmem:s25+$0x260];
	_ =	sdelay $0x4  }
0x14f: {  	v2 =	vadd.s32 $0x1A00, v2;
	_ =	sdelay $0x4  }
0x150: {  	[tilespmem:v2+s9+$0x0] =	vst.idx.add.f32.msk $0xffff, v1  }
0x151: {  	v2 =	vld [tilespmem:s25+$0x270];
	_ =	sdelay $0x4  }
0x152: {  	v2 =	vadd.s32 $0x1A00, v2;
	_ =	sdelay $0x4  }
0x153: {  	[tilespmem:v2+s9+$0x0] =	vst.idx.add.f32.msk $0xffff, v1  }
0x154: {  	v2 =	vld [tilespmem:s25+$0x280];
	_ =	sdelay $0x4  }
0x155: {  	v2 =	vadd.s32 $0x1A00, v2;
	_ =	sdelay $0x4  }
0x156: {  	[tilespmem:v2+s9+$0x0] =	vst.idx.add.f32.msk $0xffff, v1  }
0x157: {  	v2 =	vld [tilespmem:s25+$0x290];
	_ =	sdelay $0x4  }
0x158: {  	v2 =	vadd.s32 $0x1A00, v2;
	_ =	sdelay $0x4  }
0x159: {  	[tilespmem:v2+s9+$0x0] =	vst.idx.add.f32.msk $0xffff, v1  }
0x15a: {  	v2 =	vld [tilespmem:s25+$0x2A0];
	_ =	sdelay $0x4  }
0x15b: {  	v2 =	vadd.s32 $0x1A00, v2;
	_ =	sdelay $0x4  }
0x15c: {  	[tilespmem:v2+s9+$0x0] =	vst.idx.add.f32.msk $0xffff, v1  }
0x15d: {  	v2 =	vld [tilespmem:s25+$0x2B0];
	_ =	sdelay $0x4  }
0x15e: {  	v2 =	vadd.s32 $0x1A00, v2;
	_ =	sdelay $0x4  }
0x15f: {  	[tilespmem:v2+s9+$0x0] =	vst.idx.add.f32.msk $0xffff, v1  }
0x160: {  	v2 =	vld [tilespmem:s25+$0x2C0];
	_ =	sdelay $0x4  }
0x161: {  	v2 =	vadd.s32 $0x1A00, v2;
	_ =	sdelay $0x4  }
0x162: {  	[tilespmem:v2+s9+$0x0] =	vst.idx.add.f32.msk $0xffff, v1  }
0x163: {  	v2 =	vld [tilespmem:s25+$0x2D0];
	_ =	sdelay $0x4  }
0x164: {  	v2 =	vadd.s32 $0x1A00, v2;
	_ =	sdelay $0x4  }
0x165: {  	[tilespmem:v2+s9+$0x0] =	vst.idx.add.f32.msk $0xffff, v1  }
0x166: {  	v2 =	vld [tilespmem:s25+$0x2E0];
	_ =	sdelay $0x4  }
0x167: {  	v2 =	vadd.s32 $0x1A00, v2;
	_ =	sdelay $0x4  }
0x168: {  	[tilespmem:v2+s9+$0x0] =	vst.idx.add.f32.msk $0xffff, v1  }
0x169: {  	v2 =	vld [tilespmem:s25+$0x2F0];
	_ =	sdelay $0x4  }
0x16a: {  	v2 =	vadd.s32 $0x1A00, v2;
	_ =	sdelay $0x4  }
0x16b: {  	[tilespmem:v2+s9+$0x0] =	vst.idx.add.f32.msk $0xffff, v1  }
0x16c: {  	v2 =	vld [tilespmem:s25+$0x300];
	_ =	sdelay $0x4  }
0x16d: {  	v2 =	vadd.s32 $0x1A00, v2;
	_ =	sdelay $0x4  }
0x16e: {  	[tilespmem:v2+s9+$0x0] =	vst.idx.add.f32.msk $0xffff, v1  }
0x16f: {  	v2 =	vld [tilespmem:s25+$0x310];
	_ =	sdelay $0x4  }
0x170: {  	v2 =	vadd.s32 $0x1A00, v2;
	_ =	sdelay $0x4  }
0x171: {  	[tilespmem:v2+s9+$0x0] =	vst.idx.add.f32.msk $0xffff, v1  }
0x172: {  	v2 =	vld [tilespmem:s25+$0x320];
	_ =	sdelay $0x4  }
0x173: {  	v2 =	vadd.s32 $0x1A00, v2;
	_ =	sdelay $0x4  }
0x174: {  	[tilespmem:v2+s9+$0x0] =	vst.idx.add.f32.msk $0xffff, v1  }
0x175: {  	v2 =	vld [tilespmem:s25+$0x330];
	_ =	sdelay $0x4  }
0x176: {  	v2 =	vadd.s32 $0x1A00, v2;
	_ =	sdelay $0x4  }
0x177: {  	[tilespmem:v2+s9+$0x0] =	vst.idx.add.f32.msk $0xffff, v1  }
0x178: {  	v2 =	vld [tilespmem:s25+$0x340];
	_ =	sdelay $0x4  }
0x179: {  	v2 =	vadd.s32 $0x1A00, v2;
	_ =	sdelay $0x4  }
0x17a: {  	[tilespmem:v2+s9+$0x0] =	vst.idx.add.f32.msk $0xffff, v1  }
0x17b: {  	v2 =	vld [tilespmem:s25+$0x350];
	_ =	sdelay $0x4  }
0x17c: {  	v2 =	vadd.s32 $0x1A00, v2;
	_ =	sdelay $0x4  }
0x17d: {  	[tilespmem:v2+s9+$0x0] =	vst.idx.add.f32.msk $0xffff, v1  }
0x17e: {  	v2 =	vld [tilespmem:s25+$0x360];
	_ =	sdelay $0x4  }
0x17f: {  	v2 =	vadd.s32 $0x1A00, v2;
	_ =	sdelay $0x4  }
0x180: {  	[tilespmem:v2+s9+$0x0] =	vst.idx.add.f32.msk $0xffff, v1  }
0x181: {  	v2 =	vld [tilespmem:s25+$0x370];
	_ =	sdelay $0x4  }
0x182: {  	v2 =	vadd.s32 $0x1A00, v2;
	_ =	sdelay $0x4  }
0x183: {  	[tilespmem:v2+s9+$0x0] =	vst.idx.add.f32.msk $0xffff, v1  }
0x184: {  	v2 =	vld [tilespmem:s25+$0x380];
	_ =	sdelay $0x4  }
0x185: {  	v2 =	vadd.s32 $0x1A00, v2;
	_ =	sdelay $0x4  }
0x186: {  	[tilespmem:v2+s9+$0x0] =	vst.idx.add.f32.msk $0xffff, v1  }
0x187: {  	v2 =	vld [tilespmem:s25+$0x390];
	_ =	sdelay $0x4  }
0x188: {  	v2 =	vadd.s32 $0x1A00, v2;
	_ =	sdelay $0x4  }
0x189: {  	[tilespmem:v2+s9+$0x0] =	vst.idx.add.f32.msk $0xffff, v1  }
0x18a: {  	v2 =	vld [tilespmem:s25+$0x3A0];
	_ =	sdelay $0x4  }
0x18b: {  	v2 =	vadd.s32 $0x1A00, v2;
	_ =	sdelay $0x4  }
0x18c: {  	[tilespmem:v2+s9+$0x0] =	vst.idx.add.f32.msk $0xffff, v1  }
0x18d: {  	v2 =	vld [tilespmem:s25+$0x3B0];
	_ =	sdelay $0x4  }
0x18e: {  	v2 =	vadd.s32 $0x1A00, v2;
	_ =	sdelay $0x4  }
0x18f: {  	[tilespmem:v2+s9+$0x0] =	vst.idx.add.f32.msk $0xffff, v1  }
0x190: {  	v2 =	vld [tilespmem:s25+$0x3C0];
	_ =	sdelay $0x4  }
0x191: {  	v2 =	vadd.s32 $0x1A00, v2;
	_ =	sdelay $0x4  }
0x192: {  	[tilespmem:v2+s9+$0x0] =	vst.idx.add.f32.msk $0xffff, v1  }
0x193: {  	v2 =	vld [tilespmem:s25+$0x3D0];
	_ =	sdelay $0x4  }
0x194: {  	v2 =	vadd.s32 $0x1A00, v2;
	_ =	sdelay $0x4  }
0x195: {  	[tilespmem:v2+s9+$0x0] =	vst.idx.add.f32.msk $0xffff, v1  }
0x196: {  	v2 =	vld [tilespmem:s25+$0x3E0];
	_ =	sdelay $0x4  }
0x197: {  	v2 =	vadd.s32 $0x1A00, v2;
	_ =	sdelay $0x4  }
0x198: {  	[tilespmem:v2+s9+$0x0] =	vst.idx.add.f32.msk $0xffff, v1  }
0x199: {  	v2 =	vld [tilespmem:s25+$0x3F0];
	_ =	sdelay $0x4  }
0x19a: {  	v2 =	vadd.s32 $0x1A00, v2;
	_ =	sdelay $0x4  }
0x19b: {  	[tilespmem:v2+s9+$0x0] =	vst.idx.add.f32.msk $0xffff, v1  }
0x19c: {  	v2 =	vld [tilespmem:s25+$0x400];
	_ =	sdelay $0x4  }
0x19d: {  	v2 =	vadd.s32 $0x1A00, v2;
	_ =	sdelay $0x4  }
0x19e: {  	[tilespmem:v2+s9+$0x0] =	vst.idx.add.f32.msk $0xffff, v1  }
0x19f: {  	v2 =	vld [tilespmem:s25+$0x410];
	_ =	sdelay $0x4  }
0x1a0: {  	v2 =	vadd.s32 $0x1A00, v2;
	_ =	sdelay $0x4  }
0x1a1: {  	[tilespmem:v2+s9+$0x0] =	vst.idx.add.f32.msk $0xffff, v1  }
0x1a2: {  	v2 =	vld [tilespmem:s25+$0x420];
	_ =	sdelay $0x4  }
0x1a3: {  	v2 =	vadd.s32 $0x1A00, v2;
	_ =	sdelay $0x4  }
0x1a4: {  	[tilespmem:v2+s9+$0x0] =	vst.idx.add.f32.msk $0xffff, v1  }
0x1a5: {  	v2 =	vld [tilespmem:s25+$0x430];
	_ =	sdelay $0x4  }
0x1a6: {  	v2 =	vadd.s32 $0x1A00, v2;
	_ =	sdelay $0x4  }
0x1a7: {  	[tilespmem:v2+s9+$0x0] =	vst.idx.add.f32.msk $0xffff, v1  }
0x1a8: {  	v2 =	vld [tilespmem:s25+$0x440];
	_ =	sdelay $0x4  }
0x1a9: {  	v2 =	vadd.s32 $0x1A00, v2;
	_ =	sdelay $0x4  }
0x1aa: {  	[tilespmem:v2+s9+$0x0] =	vst.idx.add.f32.msk $0xffff, v1  }
0x1ab: {  	v2 =	vld [tilespmem:s25+$0x450];
	_ =	sdelay $0x4  }
0x1ac: {  	v2 =	vadd.s32 $0x1A00, v2;
	_ =	sdelay $0x4  }
0x1ad: {  	[tilespmem:v2+s9+$0x0] =	vst.idx.add.f32.msk $0xffff, v1  }
0x1ae: {  	v2 =	vld [tilespmem:s25+$0x460];
	_ =	sdelay $0x4  }
0x1af: {  	v2 =	vadd.s32 $0x1A00, v2;
	_ =	sdelay $0x4  }
0x1b0: {  	[tilespmem:v2+s9+$0x0] =	vst.idx.add.f32.msk $0xffff, v1  }
0x1b1: {  	v2 =	vld [tilespmem:s25+$0x470];
	_ =	sdelay $0x4  }
0x1b2: {  	v2 =	vadd.s32 $0x1A00, v2;
	_ =	sdelay $0x4  }
0x1b3: {  	[tilespmem:v2+s9+$0x0] =	vst.idx.add.f32.msk $0xffff, v1  }
0x1b4: {  	v2 =	vld [tilespmem:s25+$0x480];
	_ =	sdelay $0x4  }
0x1b5: {  	v2 =	vadd.s32 $0x1A00, v2;
	_ =	sdelay $0x4  }
0x1b6: {  	[tilespmem:v2+s9+$0x0] =	vst.idx.add.f32.msk $0xffff, v1  }
0x1b7: {  	v2 =	vld [tilespmem:s25+$0x490];
	_ =	sdelay $0x4  }
0x1b8: {  	v2 =	vadd.s32 $0x1A00, v2;
	_ =	sdelay $0x4  }
0x1b9: {  	[tilespmem:v2+s9+$0x0] =	vst.idx.add.f32.msk $0xffff, v1  }
0x1ba: {  	v2 =	vld [tilespmem:s25+$0x4A0];
	_ =	sdelay $0x4  }
0x1bb: {  	v2 =	vadd.s32 $0x1A00, v2;
	_ =	sdelay $0x4  }
0x1bc: {  	[tilespmem:v2+s9+$0x0] =	vst.idx.add.f32.msk $0xffff, v1  }
0x1bd: {  	v2 =	vld [tilespmem:s25+$0x4B0];
	_ =	sdelay $0x4  }
0x1be: {  	v2 =	vadd.s32 $0x1A00, v2;
	_ =	sdelay $0x4  }
0x1bf: {  	[tilespmem:v2+s9+$0x0] =	vst.idx.add.f32.msk $0xffff, v1  }
0x1c0: {  	v2 =	vld [tilespmem:s25+$0x4C0];
	_ =	sdelay $0x4  }
0x1c1: {  	v2 =	vadd.s32 $0x1A00, v2;
	_ =	sdelay $0x4  }
0x1c2: {  	[tilespmem:v2+s9+$0x0] =	vst.idx.add.f32.msk $0xffff, v1  }
0x1c3: {  	v2 =	vld [tilespmem:s25+$0x4D0];
	_ =	sdelay $0x4  }
0x1c4: {  	v2 =	vadd.s32 $0x1A00, v2;
	_ =	sdelay $0x4  }
0x1c5: {  	[tilespmem:v2+s9+$0x0] =	vst.idx.add.f32.msk $0xffff, v1  }
0x1c6: {  	v2 =	vld [tilespmem:s25+$0x4E0];
	_ =	sdelay $0x4  }
0x1c7: {  	v2 =	vadd.s32 $0x1A00, v2;
	_ =	sdelay $0x4  }
0x1c8: {  	[tilespmem:v2+s9+$0x0] =	vst.idx.add.f32.msk $0xffff, v1  }
0x1c9: {  	v2 =	vld [tilespmem:s25+$0x4F0];
	_ =	sdelay $0x4  }
0x1ca: {  	v2 =	vadd.s32 $0x1A00, v2;
	_ =	sdelay $0x4  }
0x1cb: {  	[tilespmem:v2+s9+$0x0] =	vst.idx.add.f32.msk $0xffff, v1  }
0x1cc: {  	v2 =	vld [tilespmem:s25+$0x500];
	_ =	sdelay $0x4  }
0x1cd: {  	v2 =	vadd.s32 $0x1A00, v2;
	_ =	sdelay $0x4  }
0x1ce: {  	[tilespmem:v2+s9+$0x0] =	vst.idx.add.f32.msk $0xffff, v1  }
0x1cf: {  	v2 =	vld [tilespmem:s25+$0x510];
	_ =	sdelay $0x4  }
0x1d0: {  	v2 =	vadd.s32 $0x1A00, v2;
	_ =	sdelay $0x1  }
0x1d1: {  	s21 =	sadd.s32 s4, s21  }
0x1d2: {  	s21 =	smul.u32 $0x340, s21;
	_ =	sdelay $0x1  }
0x1d3: {  	s21 =	sadd.s32 s3, s21;
	[tilespmem:v2+s9+$0x0] =	vst.idx.add.f32.msk $0xf, v1  }
0x1d4: {  	[hbm4b:s21+s2] =	stream.linear.scatter [tilespmem:s11], [sflag:$0x2], $0x1A00, $0x38;
	[tilespmem:$0x119A0] =	vst v63  }
0x1d5: {  	s21 =	simm.s32 @!p1 $0x4  }
0x1d6: {  	_ =	swait.ge @!p1 [sflag:s21], $0x1A00  }
0x1d7: {  	[sflag:s21] =	ssyncset.done @!p1 $0x0  }
0x1d8: {  	[sflag:s21] =	ssyncadd.s32 @!p1 $0xFFFFE600;
	s21 =	simm.s32 @!p1 $0xFE00  }
0x1d9: {  	[tilespmem:s21], [sflag:$0x8] =	stream.linear.gather @!p1 [spmem:s1], $0x1A00, $0x38;
	[tilespmem:$0x119A0] =	vst v63  }
0x1da: {  	s21 =	smov.u32 s18  }
0x1db: {  	s22 =	simm.s32 @!p1 $0x7;
	s21 =	simm.s32 @p1 $0x2  }
0x1dc: {  	_ =	swait.ge @!p1 [sflag:s22], $0x1A00;
	s26 =	smul.u32 $0x1600, s21  }
0x1dd: {  	[sflag:s22] =	ssyncset.done @!p1 $0x0  }
0x1de: {  	[sflag:s22] =	ssyncadd.s32 @!p1 $0xFFFFE600;
	s28 =	sshra.s32 s26, $0x2  }
0x1df: {  	v2 =	vld [tilespmem:s28+$0x0];
	_ =	sdelay $0x4  }
0x1e0: {  	v2 =	vadd.s32 $0x3400, v2;
	_ =	sdelay $0x4  }
0x1e1: {  	[tilespmem:v2+s9+$0x0] =	vst.idx.add.f32.msk $0xffff, v1  }
0x1e2: {  	v2 =	vld [tilespmem:s28+$0x10];
	_ =	sdelay $0x4  }
0x1e3: {  	v2 =	vadd.s32 $0x3400, v2;
	_ =	sdelay $0x4  }
0x1e4: {  	[tilespmem:v2+s9+$0x0] =	vst.idx.add.f32.msk $0xffff, v1  }
0x1e5: {  	v2 =	vld [tilespmem:s28+$0x20];
	_ =	sdelay $0x4  }
0x1e6: {  	v2 =	vadd.s32 $0x3400, v2;
	_ =	sdelay $0x4  }
0x1e7: {  	[tilespmem:v2+s9+$0x0] =	vst.idx.add.f32.msk $0xffff, v1  }
0x1e8: {  	v2 =	vld [tilespmem:s28+$0x30];
	_ =	sdelay $0x4  }
0x1e9: {  	v2 =	vadd.s32 $0x3400, v2;
	_ =	sdelay $0x4  }
0x1ea: {  	[tilespmem:v2+s9+$0x0] =	vst.idx.add.f32.msk $0xffff, v1  }
0x1eb: {  	v2 =	vld [tilespmem:s28+$0x40];
	_ =	sdelay $0x4  }
0x1ec: {  	v2 =	vadd.s32 $0x3400, v2;
	_ =	sdelay $0x4  }
0x1ed: {  	[tilespmem:v2+s9+$0x0] =	vst.idx.add.f32.msk $0xffff, v1  }
0x1ee: {  	v2 =	vld [tilespmem:s28+$0x50];
	_ =	sdelay $0x4  }
0x1ef: {  	v2 =	vadd.s32 $0x3400, v2;
	_ =	sdelay $0x4  }
0x1f0: {  	[tilespmem:v2+s9+$0x0] =	vst.idx.add.f32.msk $0xffff, v1  }
0x1f1: {  	v2 =	vld [tilespmem:s28+$0x60];
	_ =	sdelay $0x4  }
0x1f2: {  	v2 =	vadd.s32 $0x3400, v2;
	_ =	sdelay $0x4  }
0x1f3: {  	[tilespmem:v2+s9+$0x0] =	vst.idx.add.f32.msk $0xffff, v1  }
0x1f4: {  	v2 =	vld [tilespmem:s28+$0x70];
	_ =	sdelay $0x4  }
0x1f5: {  	v2 =	vadd.s32 $0x3400, v2;
	_ =	sdelay $0x4  }
0x1f6: {  	[tilespmem:v2+s9+$0x0] =	vst.idx.add.f32.msk $0xffff, v1  }
0x1f7: {  	v2 =	vld [tilespmem:s28+$0x80];
	_ =	sdelay $0x4  }
0x1f8: {  	v2 =	vadd.s32 $0x3400, v2;
	_ =	sdelay $0x4  }
0x1f9: {  	[tilespmem:v2+s9+$0x0] =	vst.idx.add.f32.msk $0xffff, v1  }
0x1fa: {  	v2 =	vld [tilespmem:s28+$0x90];
	_ =	sdelay $0x4  }
0x1fb: {  	v2 =	vadd.s32 $0x3400, v2;
	_ =	sdelay $0x4  }
0x1fc: {  	[tilespmem:v2+s9+$0x0] =	vst.idx.add.f32.msk $0xffff, v1  }
0x1fd: {  	v2 =	vld [tilespmem:s28+$0xA0];
	_ =	sdelay $0x4  }
0x1fe: {  	v2 =	vadd.s32 $0x3400, v2;
	_ =	sdelay $0x4  }
0x1ff: {  	[tilespmem:v2+s9+$0x0] =	vst.idx.add.f32.msk $0xffff, v1  }
0x200: {  	v2 =	vld [tilespmem:s28+$0xB0];
	_ =	sdelay $0x4  }
0x201: {  	v2 =	vadd.s32 $0x3400, v2;
	_ =	sdelay $0x4  }
0x202: {  	[tilespmem:v2+s9+$0x0] =	vst.idx.add.f32.msk $0xffff, v1  }
0x203: {  	v2 =	vld [tilespmem:s28+$0xC0];
	_ =	sdelay $0x4  }
0x204: {  	v2 =	vadd.s32 $0x3400, v2;
	_ =	sdelay $0x4  }
0x205: {  	[tilespmem:v2+s9+$0x0] =	vst.idx.add.f32.msk $0xffff, v1  }
0x206: {  	v2 =	vld [tilespmem:s28+$0xD0];
	_ =	sdelay $0x4  }
0x207: {  	v2 =	vadd.s32 $0x3400, v2;
	_ =	sdelay $0x4  }
0x208: {  	[tilespmem:v2+s9+$0x0] =	vst.idx.add.f32.msk $0xffff, v1  }
0x209: {  	v2 =	vld [tilespmem:s28+$0xE0];
	_ =	sdelay $0x4  }
0x20a: {  	v2 =	vadd.s32 $0x3400, v2;
	_ =	sdelay $0x4  }
0x20b: {  	[tilespmem:v2+s9+$0x0] =	vst.idx.add.f32.msk $0xffff, v1  }
0x20c: {  	v2 =	vld [tilespmem:s28+$0xF0];
	_ =	sdelay $0x4  }
0x20d: {  	v2 =	vadd.s32 $0x3400, v2;
	_ =	sdelay $0x4  }
0x20e: {  	[tilespmem:v2+s9+$0x0] =	vst.idx.add.f32.msk $0xffff, v1  }
0x20f: {  	v2 =	vld [tilespmem:s28+$0x100];
	_ =	sdelay $0x4  }
0x210: {  	v2 =	vadd.s32 $0x3400, v2;
	_ =	sdelay $0x4  }
0x211: {  	[tilespmem:v2+s9+$0x0] =	vst.idx.add.f32.msk $0xffff, v1  }
0x212: {  	v2 =	vld [tilespmem:s28+$0x110];
	_ =	sdelay $0x4  }
0x213: {  	v2 =	vadd.s32 $0x3400, v2;
	_ =	sdelay $0x4  }
0x214: {  	[tilespmem:v2+s9+$0x0] =	vst.idx.add.f32.msk $0xffff, v1  }
0x215: {  	v2 =	vld [tilespmem:s28+$0x120];
	_ =	sdelay $0x4  }
0x216: {  	v2 =	vadd.s32 $0x3400, v2;
	_ =	sdelay $0x4  }
0x217: {  	[tilespmem:v2+s9+$0x0] =	vst.idx.add.f32.msk $0xffff, v1  }
0x218: {  	v2 =	vld [tilespmem:s28+$0x130];
	_ =	sdelay $0x4  }
0x219: {  	v2 =	vadd.s32 $0x3400, v2;
	_ =	sdelay $0x4  }
0x21a: {  	[tilespmem:v2+s9+$0x0] =	vst.idx.add.f32.msk $0xffff, v1  }
0x21b: {  	v2 =	vld [tilespmem:s28+$0x140];
	_ =	sdelay $0x4  }
0x21c: {  	v2 =	vadd.s32 $0x3400, v2;
	_ =	sdelay $0x4  }
0x21d: {  	[tilespmem:v2+s9+$0x0] =	vst.idx.add.f32.msk $0xffff, v1  }
0x21e: {  	v2 =	vld [tilespmem:s28+$0x150];
	_ =	sdelay $0x4  }
0x21f: {  	v2 =	vadd.s32 $0x3400, v2;
	_ =	sdelay $0x4  }
0x220: {  	[tilespmem:v2+s9+$0x0] =	vst.idx.add.f32.msk $0xffff, v1  }
0x221: {  	v2 =	vld [tilespmem:s28+$0x160];
	_ =	sdelay $0x4  }
0x222: {  	v2 =	vadd.s32 $0x3400, v2;
	_ =	sdelay $0x4  }
0x223: {  	[tilespmem:v2+s9+$0x0] =	vst.idx.add.f32.msk $0xffff, v1  }
0x224: {  	v2 =	vld [tilespmem:s28+$0x170];
	_ =	sdelay $0x4  }
0x225: {  	v2 =	vadd.s32 $0x3400, v2;
	_ =	sdelay $0x4  }
0x226: {  	[tilespmem:v2+s9+$0x0] =	vst.idx.add.f32.msk $0xffff, v1  }
0x227: {  	v2 =	vld [tilespmem:s28+$0x180];
	_ =	sdelay $0x4  }
0x228: {  	v2 =	vadd.s32 $0x3400, v2;
	_ =	sdelay $0x4  }
0x229: {  	[tilespmem:v2+s9+$0x0] =	vst.idx.add.f32.msk $0xffff, v1  }
0x22a: {  	v2 =	vld [tilespmem:s28+$0x190];
	_ =	sdelay $0x4  }
0x22b: {  	v2 =	vadd.s32 $0x3400, v2;
	_ =	sdelay $0x4  }
0x22c: {  	[tilespmem:v2+s9+$0x0] =	vst.idx.add.f32.msk $0xffff, v1  }
0x22d: {  	v2 =	vld [tilespmem:s28+$0x1A0];
	_ =	sdelay $0x4  }
0x22e: {  	v2 =	vadd.s32 $0x3400, v2;
	_ =	sdelay $0x4  }
0x22f: {  	[tilespmem:v2+s9+$0x0] =	vst.idx.add.f32.msk $0xffff, v1  }
0x230: {  	v2 =	vld [tilespmem:s28+$0x1B0];
	_ =	sdelay $0x4  }
0x231: {  	v2 =	vadd.s32 $0x3400, v2;
	_ =	sdelay $0x4  }
0x232: {  	[tilespmem:v2+s9+$0x0] =	vst.idx.add.f32.msk $0xffff, v1  }
0x233: {  	v2 =	vld [tilespmem:s28+$0x1C0];
	_ =	sdelay $0x4  }
0x234: {  	v2 =	vadd.s32 $0x3400, v2;
	_ =	sdelay $0x4  }
0x235: {  	[tilespmem:v2+s9+$0x0] =	vst.idx.add.f32.msk $0xffff, v1  }
0x236: {  	v2 =	vld [tilespmem:s28+$0x1D0];
	_ =	sdelay $0x4  }
0x237: {  	v2 =	vadd.s32 $0x3400, v2;
	_ =	sdelay $0x4  }
0x238: {  	[tilespmem:v2+s9+$0x0] =	vst.idx.add.f32.msk $0xffff, v1  }
0x239: {  	v2 =	vld [tilespmem:s28+$0x1E0];
	_ =	sdelay $0x4  }
0x23a: {  	v2 =	vadd.s32 $0x3400, v2;
	_ =	sdelay $0x4  }
0x23b: {  	[tilespmem:v2+s9+$0x0] =	vst.idx.add.f32.msk $0xffff, v1  }
0x23c: {  	v2 =	vld [tilespmem:s28+$0x1F0];
	_ =	sdelay $0x4  }
0x23d: {  	v2 =	vadd.s32 $0x3400, v2;
	_ =	sdelay $0x4  }
0x23e: {  	[tilespmem:v2+s9+$0x0] =	vst.idx.add.f32.msk $0xffff, v1  }
0x23f: {  	v2 =	vld [tilespmem:s28+$0x200];
	_ =	sdelay $0x4  }
0x240: {  	v2 =	vadd.s32 $0x3400, v2;
	_ =	sdelay $0x4  }
0x241: {  	[tilespmem:v2+s9+$0x0] =	vst.idx.add.f32.msk $0xffff, v1  }
0x242: {  	v2 =	vld [tilespmem:s28+$0x210];
	_ =	sdelay $0x4  }
0x243: {  	v2 =	vadd.s32 $0x3400, v2;
	_ =	sdelay $0x4  }
0x244: {  	[tilespmem:v2+s9+$0x0] =	vst.idx.add.f32.msk $0xffff, v1  }
0x245: {  	v2 =	vld [tilespmem:s28+$0x220];
	_ =	sdelay $0x4  }
0x246: {  	v2 =	vadd.s32 $0x3400, v2;
	_ =	sdelay $0x4  }
0x247: {  	[tilespmem:v2+s9+$0x0] =	vst.idx.add.f32.msk $0xffff, v1  }
0x248: {  	v2 =	vld [tilespmem:s28+$0x230];
	_ =	sdelay $0x4  }
0x249: {  	v2 =	vadd.s32 $0x3400, v2;
	_ =	sdelay $0x4  }
0x24a: {  	[tilespmem:v2+s9+$0x0] =	vst.idx.add.f32.msk $0xffff, v1  }
0x24b: {  	v2 =	vld [tilespmem:s28+$0x240];
	_ =	sdelay $0x4  }
0x24c: {  	v2 =	vadd.s32 $0x3400, v2;
	_ =	sdelay $0x4  }
0x24d: {  	[tilespmem:v2+s9+$0x0] =	vst.idx.add.f32.msk $0xffff, v1  }
0x24e: {  	v2 =	vld [tilespmem:s28+$0x250];
	_ =	sdelay $0x4  }
0x24f: {  	v2 =	vadd.s32 $0x3400, v2;
	_ =	sdelay $0x4  }
0x250: {  	[tilespmem:v2+s9+$0x0] =	vst.idx.add.f32.msk $0xffff, v1  }
0x251: {  	v2 =	vld [tilespmem:s28+$0x260];
	_ =	sdelay $0x4  }
0x252: {  	v2 =	vadd.s32 $0x3400, v2;
	_ =	sdelay $0x4  }
0x253: {  	[tilespmem:v2+s9+$0x0] =	vst.idx.add.f32.msk $0xffff, v1  }
0x254: {  	v2 =	vld [tilespmem:s28+$0x270];
	_ =	sdelay $0x4  }
0x255: {  	v2 =	vadd.s32 $0x3400, v2;
	_ =	sdelay $0x4  }
0x256: {  	[tilespmem:v2+s9+$0x0] =	vst.idx.add.f32.msk $0xffff, v1  }
0x257: {  	v2 =	vld [tilespmem:s28+$0x280];
	_ =	sdelay $0x4  }
0x258: {  	v2 =	vadd.s32 $0x3400, v2;
	_ =	sdelay $0x4  }
0x259: {  	[tilespmem:v2+s9+$0x0] =	vst.idx.add.f32.msk $0xffff, v1  }
0x25a: {  	v2 =	vld [tilespmem:s28+$0x290];
	_ =	sdelay $0x4  }
0x25b: {  	v2 =	vadd.s32 $0x3400, v2;
	_ =	sdelay $0x4  }
0x25c: {  	[tilespmem:v2+s9+$0x0] =	vst.idx.add.f32.msk $0xffff, v1  }
0x25d: {  	v2 =	vld [tilespmem:s28+$0x2A0];
	_ =	sdelay $0x4  }
0x25e: {  	v2 =	vadd.s32 $0x3400, v2;
	_ =	sdelay $0x4  }
0x25f: {  	[tilespmem:v2+s9+$0x0] =	vst.idx.add.f32.msk $0xffff, v1  }
0x260: {  	v2 =	vld [tilespmem:s28+$0x2B0];
	_ =	sdelay $0x4  }
0x261: {  	v2 =	vadd.s32 $0x3400, v2;
	_ =	sdelay $0x4  }
0x262: {  	[tilespmem:v2+s9+$0x0] =	vst.idx.add.f32.msk $0xffff, v1  }
0x263: {  	v2 =	vld [tilespmem:s28+$0x2C0];
	_ =	sdelay $0x4  }
0x264: {  	v2 =	vadd.s32 $0x3400, v2;
	_ =	sdelay $0x4  }
0x265: {  	[tilespmem:v2+s9+$0x0] =	vst.idx.add.f32.msk $0xffff, v1  }
0x266: {  	v2 =	vld [tilespmem:s28+$0x2D0];
	_ =	sdelay $0x4  }
0x267: {  	v2 =	vadd.s32 $0x3400, v2;
	_ =	sdelay $0x4  }
0x268: {  	[tilespmem:v2+s9+$0x0] =	vst.idx.add.f32.msk $0xffff, v1  }
0x269: {  	v2 =	vld [tilespmem:s28+$0x2E0];
	_ =	sdelay $0x4  }
0x26a: {  	v2 =	vadd.s32 $0x3400, v2;
	_ =	sdelay $0x4  }
0x26b: {  	[tilespmem:v2+s9+$0x0] =	vst.idx.add.f32.msk $0xffff, v1  }
0x26c: {  	v2 =	vld [tilespmem:s28+$0x2F0];
	_ =	sdelay $0x4  }
0x26d: {  	v2 =	vadd.s32 $0x3400, v2;
	_ =	sdelay $0x4  }
0x26e: {  	[tilespmem:v2+s9+$0x0] =	vst.idx.add.f32.msk $0xffff, v1  }
0x26f: {  	v2 =	vld [tilespmem:s28+$0x300];
	_ =	sdelay $0x4  }
0x270: {  	v2 =	vadd.s32 $0x3400, v2;
	_ =	sdelay $0x4  }
0x271: {  	[tilespmem:v2+s9+$0x0] =	vst.idx.add.f32.msk $0xffff, v1  }
0x272: {  	v2 =	vld [tilespmem:s28+$0x310];
	_ =	sdelay $0x4  }
0x273: {  	v2 =	vadd.s32 $0x3400, v2;
	_ =	sdelay $0x4  }
0x274: {  	[tilespmem:v2+s9+$0x0] =	vst.idx.add.f32.msk $0xffff, v1  }
0x275: {  	v2 =	vld [tilespmem:s28+$0x320];
	_ =	sdelay $0x4  }
0x276: {  	v2 =	vadd.s32 $0x3400, v2;
	_ =	sdelay $0x4  }
0x277: {  	[tilespmem:v2+s9+$0x0] =	vst.idx.add.f32.msk $0xffff, v1  }
0x278: {  	v2 =	vld [tilespmem:s28+$0x330];
	_ =	sdelay $0x4  }
0x279: {  	v2 =	vadd.s32 $0x3400, v2;
	_ =	sdelay $0x4  }
0x27a: {  	[tilespmem:v2+s9+$0x0] =	vst.idx.add.f32.msk $0xffff, v1  }
0x27b: {  	v2 =	vld [tilespmem:s28+$0x340];
	_ =	sdelay $0x4  }
0x27c: {  	v2 =	vadd.s32 $0x3400, v2;
	_ =	sdelay $0x4  }
0x27d: {  	[tilespmem:v2+s9+$0x0] =	vst.idx.add.f32.msk $0xffff, v1  }
0x27e: {  	v2 =	vld [tilespmem:s28+$0x350];
	_ =	sdelay $0x4  }
0x27f: {  	v2 =	vadd.s32 $0x3400, v2;
	_ =	sdelay $0x4  }
0x280: {  	[tilespmem:v2+s9+$0x0] =	vst.idx.add.f32.msk $0xffff, v1  }
0x281: {  	v2 =	vld [tilespmem:s28+$0x360];
	_ =	sdelay $0x4  }
0x282: {  	v2 =	vadd.s32 $0x3400, v2;
	_ =	sdelay $0x4  }
0x283: {  	[tilespmem:v2+s9+$0x0] =	vst.idx.add.f32.msk $0xffff, v1  }
0x284: {  	v2 =	vld [tilespmem:s28+$0x370];
	_ =	sdelay $0x4  }
0x285: {  	v2 =	vadd.s32 $0x3400, v2;
	_ =	sdelay $0x4  }
0x286: {  	[tilespmem:v2+s9+$0x0] =	vst.idx.add.f32.msk $0xffff, v1  }
0x287: {  	v2 =	vld [tilespmem:s28+$0x380];
	_ =	sdelay $0x4  }
0x288: {  	v2 =	vadd.s32 $0x3400, v2;
	_ =	sdelay $0x4  }
0x289: {  	[tilespmem:v2+s9+$0x0] =	vst.idx.add.f32.msk $0xffff, v1  }
0x28a: {  	v2 =	vld [tilespmem:s28+$0x390];
	_ =	sdelay $0x4  }
0x28b: {  	v2 =	vadd.s32 $0x3400, v2;
	_ =	sdelay $0x4  }
0x28c: {  	[tilespmem:v2+s9+$0x0] =	vst.idx.add.f32.msk $0xffff, v1  }
0x28d: {  	v2 =	vld [tilespmem:s28+$0x3A0];
	_ =	sdelay $0x4  }
0x28e: {  	v2 =	vadd.s32 $0x3400, v2;
	_ =	sdelay $0x4  }
0x28f: {  	[tilespmem:v2+s9+$0x0] =	vst.idx.add.f32.msk $0xffff, v1  }
0x290: {  	v2 =	vld [tilespmem:s28+$0x3B0];
	_ =	sdelay $0x4  }
0x291: {  	v2 =	vadd.s32 $0x3400, v2;
	_ =	sdelay $0x4  }
0x292: {  	[tilespmem:v2+s9+$0x0] =	vst.idx.add.f32.msk $0xffff, v1  }
0x293: {  	v2 =	vld [tilespmem:s28+$0x3C0];
	_ =	sdelay $0x4  }
0x294: {  	v2 =	vadd.s32 $0x3400, v2;
	_ =	sdelay $0x4  }
0x295: {  	[tilespmem:v2+s9+$0x0] =	vst.idx.add.f32.msk $0xffff, v1  }
0x296: {  	v2 =	vld [tilespmem:s28+$0x3D0];
	_ =	sdelay $0x4  }
0x297: {  	v2 =	vadd.s32 $0x3400, v2;
	_ =	sdelay $0x4  }
0x298: {  	[tilespmem:v2+s9+$0x0] =	vst.idx.add.f32.msk $0xffff, v1  }
0x299: {  	v2 =	vld [tilespmem:s28+$0x3E0];
	_ =	sdelay $0x4  }
0x29a: {  	v2 =	vadd.s32 $0x3400, v2;
	_ =	sdelay $0x4  }
0x29b: {  	[tilespmem:v2+s9+$0x0] =	vst.idx.add.f32.msk $0xffff, v1  }
0x29c: {  	v2 =	vld [tilespmem:s28+$0x3F0];
	_ =	sdelay $0x4  }
0x29d: {  	v2 =	vadd.s32 $0x3400, v2;
	_ =	sdelay $0x4  }
0x29e: {  	[tilespmem:v2+s9+$0x0] =	vst.idx.add.f32.msk $0xffff, v1  }
0x29f: {  	v2 =	vld [tilespmem:s28+$0x400];
	_ =	sdelay $0x4  }
0x2a0: {  	v2 =	vadd.s32 $0x3400, v2;
	_ =	sdelay $0x4  }
0x2a1: {  	[tilespmem:v2+s9+$0x0] =	vst.idx.add.f32.msk $0xffff, v1  }
0x2a2: {  	v2 =	vld [tilespmem:s28+$0x410];
	_ =	sdelay $0x4  }
0x2a3: {  	v2 =	vadd.s32 $0x3400, v2;
	_ =	sdelay $0x4  }
0x2a4: {  	[tilespmem:v2+s9+$0x0] =	vst.idx.add.f32.msk $0xffff, v1  }
0x2a5: {  	v2 =	vld [tilespmem:s28+$0x420];
	_ =	sdelay $0x4  }
0x2a6: {  	v2 =	vadd.s32 $0x3400, v2;
	_ =	sdelay $0x4  }
0x2a7: {  	[tilespmem:v2+s9+$0x0] =	vst.idx.add.f32.msk $0xffff, v1  }
0x2a8: {  	v2 =	vld [tilespmem:s28+$0x430];
	_ =	sdelay $0x4  }
0x2a9: {  	v2 =	vadd.s32 $0x3400, v2;
	_ =	sdelay $0x4  }
0x2aa: {  	[tilespmem:v2+s9+$0x0] =	vst.idx.add.f32.msk $0xffff, v1  }
0x2ab: {  	v2 =	vld [tilespmem:s28+$0x440];
	_ =	sdelay $0x4  }
0x2ac: {  	v2 =	vadd.s32 $0x3400, v2;
	_ =	sdelay $0x4  }
0x2ad: {  	[tilespmem:v2+s9+$0x0] =	vst.idx.add.f32.msk $0xffff, v1  }
0x2ae: {  	v2 =	vld [tilespmem:s28+$0x450];
	_ =	sdelay $0x4  }
0x2af: {  	v2 =	vadd.s32 $0x3400, v2;
	_ =	sdelay $0x4  }
0x2b0: {  	[tilespmem:v2+s9+$0x0] =	vst.idx.add.f32.msk $0xffff, v1  }
0x2b1: {  	v2 =	vld [tilespmem:s28+$0x460];
	_ =	sdelay $0x4  }
0x2b2: {  	v2 =	vadd.s32 $0x3400, v2;
	_ =	sdelay $0x4  }
0x2b3: {  	[tilespmem:v2+s9+$0x0] =	vst.idx.add.f32.msk $0xffff, v1  }
0x2b4: {  	v2 =	vld [tilespmem:s28+$0x470];
	_ =	sdelay $0x4  }
0x2b5: {  	v2 =	vadd.s32 $0x3400, v2;
	_ =	sdelay $0x4  }
0x2b6: {  	[tilespmem:v2+s9+$0x0] =	vst.idx.add.f32.msk $0xffff, v1  }
0x2b7: {  	v2 =	vld [tilespmem:s28+$0x480];
	_ =	sdelay $0x4  }
0x2b8: {  	v2 =	vadd.s32 $0x3400, v2;
	_ =	sdelay $0x4  }
0x2b9: {  	[tilespmem:v2+s9+$0x0] =	vst.idx.add.f32.msk $0xffff, v1  }
0x2ba: {  	v2 =	vld [tilespmem:s28+$0x490];
	_ =	sdelay $0x4  }
0x2bb: {  	v2 =	vadd.s32 $0x3400, v2;
	_ =	sdelay $0x4  }
0x2bc: {  	[tilespmem:v2+s9+$0x0] =	vst.idx.add.f32.msk $0xffff, v1  }
0x2bd: {  	v2 =	vld [tilespmem:s28+$0x4A0];
	_ =	sdelay $0x4  }
0x2be: {  	v2 =	vadd.s32 $0x3400, v2;
	_ =	sdelay $0x4  }
0x2bf: {  	[tilespmem:v2+s9+$0x0] =	vst.idx.add.f32.msk $0xffff, v1  }
0x2c0: {  	v2 =	vld [tilespmem:s28+$0x4B0];
	_ =	sdelay $0x4  }
0x2c1: {  	v2 =	vadd.s32 $0x3400, v2;
	_ =	sdelay $0x4  }
0x2c2: {  	[tilespmem:v2+s9+$0x0] =	vst.idx.add.f32.msk $0xffff, v1  }
0x2c3: {  	v2 =	vld [tilespmem:s28+$0x4C0];
	_ =	sdelay $0x4  }
0x2c4: {  	v2 =	vadd.s32 $0x3400, v2;
	_ =	sdelay $0x4  }
0x2c5: {  	[tilespmem:v2+s9+$0x0] =	vst.idx.add.f32.msk $0xffff, v1  }
0x2c6: {  	v2 =	vld [tilespmem:s28+$0x4D0];
	_ =	sdelay $0x4  }
0x2c7: {  	v2 =	vadd.s32 $0x3400, v2;
	_ =	sdelay $0x4  }
0x2c8: {  	[tilespmem:v2+s9+$0x0] =	vst.idx.add.f32.msk $0xffff, v1  }
0x2c9: {  	v2 =	vld [tilespmem:s28+$0x4E0];
	_ =	sdelay $0x4  }
0x2ca: {  	v2 =	vadd.s32 $0x3400, v2;
	_ =	sdelay $0x4  }
0x2cb: {  	[tilespmem:v2+s9+$0x0] =	vst.idx.add.f32.msk $0xffff, v1  }
0x2cc: {  	v2 =	vld [tilespmem:s28+$0x4F0];
	_ =	sdelay $0x4  }
0x2cd: {  	v2 =	vadd.s32 $0x3400, v2;
	_ =	sdelay $0x4  }
0x2ce: {  	[tilespmem:v2+s9+$0x0] =	vst.idx.add.f32.msk $0xffff, v1  }
0x2cf: {  	v2 =	vld [tilespmem:s28+$0x500];
	_ =	sdelay $0x4  }
0x2d0: {  	v2 =	vadd.s32 $0x3400, v2;
	_ =	sdelay $0x4  }
0x2d1: {  	[tilespmem:v2+s9+$0x0] =	vst.idx.add.f32.msk $0xffff, v1  }
0x2d2: {  	v2 =	vld [tilespmem:s28+$0x510];
	_ =	sdelay $0x4  }
0x2d3: {  	v2 =	vadd.s32 $0x3400, v2;
	_ =	sdelay $0x1  }
0x2d4: {  	s21 =	sadd.s32 s4, s21  }
0x2d5: {  	s21 =	smul.u32 $0x340, s21;
	_ =	sdelay $0x1  }
0x2d6: {  	s29 =	rddreg [dreg:$0x4];
	s21 =	sadd.s32 s3, s21;
	[tilespmem:v2+s9+$0x0] =	vst.idx.add.f32.msk $0xf, v1  }
0x2d7: {  	[hbm4b:s21+s2] =	stream.linear.scatter [tilespmem:s29], [sflag:$0x3], $0x1A00, $0x38;
	[tilespmem:$0x119A0] =	vst v63  }
0x2d8: {  	_ =	swait.ge [sflag:s10], $0x1A00  }
0x2d9: {  	[sflag:s10] =	ssyncset.done $0x0  }
0x2da: {  	s21 =	simm.s32 @!p1 $0x8;
	[sflag:s10] =	ssyncadd.s32 $0xFFFFE600  }
0x2db: {  	[tilespmem:s9], [sflag:$0x5] =	stream.linear.gather [spmem:s1], $0x1A00, $0x38;
	[tilespmem:$0x119A0] =	vst v63  }
0x2dc: {  	_ =	swait.ge @!p1 [sflag:s21], $0x1A00  }
0x2dd: {  	[sflag:s21] =	ssyncset.done @!p1 $0x0  }
0x2de: {  	[sflag:s21] =	ssyncadd.s32 @!p1 $0xFFFFE600  }
0x2df: {  	v2 =	vld [tilespmem:s19+$0x0];
	_ =	sdelay $0x4  }
0x2e0: {  	v2 =	vadd.s32 $0x4E00, v2;
	_ =	sdelay $0x4  }
0x2e1: {  	[tilespmem:v2+s9+$0x0] =	vst.idx.add.f32.msk $0xffff, v1  }
0x2e2: {  	v2 =	vld [tilespmem:s19+$0x10];
	_ =	sdelay $0x4  }
0x2e3: {  	v2 =	vadd.s32 $0x4E00, v2;
	_ =	sdelay $0x4  }
0x2e4: {  	[tilespmem:v2+s9+$0x0] =	vst.idx.add.f32.msk $0xffff, v1  }
0x2e5: {  	v2 =	vld [tilespmem:s19+$0x20];
	_ =	sdelay $0x4  }
0x2e6: {  	v2 =	vadd.s32 $0x4E00, v2;
	_ =	sdelay $0x4  }
0x2e7: {  	[tilespmem:v2+s9+$0x0] =	vst.idx.add.f32.msk $0xffff, v1  }
0x2e8: {  	v2 =	vld [tilespmem:s19+$0x30];
	_ =	sdelay $0x4  }
0x2e9: {  	v2 =	vadd.s32 $0x4E00, v2;
	_ =	sdelay $0x4  }
0x2ea: {  	[tilespmem:v2+s9+$0x0] =	vst.idx.add.f32.msk $0xffff, v1  }
0x2eb: {  	v2 =	vld [tilespmem:s19+$0x40];
	_ =	sdelay $0x4  }
0x2ec: {  	v2 =	vadd.s32 $0x4E00, v2;
	_ =	sdelay $0x4  }
0x2ed: {  	[tilespmem:v2+s9+$0x0] =	vst.idx.add.f32.msk $0xffff, v1  }
0x2ee: {  	v2 =	vld [tilespmem:s19+$0x50];
	_ =	sdelay $0x4  }
0x2ef: {  	v2 =	vadd.s32 $0x4E00, v2;
	_ =	sdelay $0x4  }
0x2f0: {  	[tilespmem:v2+s9+$0x0] =	vst.idx.add.f32.msk $0xffff, v1  }
0x2f1: {  	v2 =	vld [tilespmem:s19+$0x60];
	_ =	sdelay $0x4  }
0x2f2: {  	v2 =	vadd.s32 $0x4E00, v2;
	_ =	sdelay $0x4  }
0x2f3: {  	[tilespmem:v2+s9+$0x0] =	vst.idx.add.f32.msk $0xffff, v1  }
0x2f4: {  	v2 =	vld [tilespmem:s19+$0x70];
	_ =	sdelay $0x4  }
0x2f5: {  	v2 =	vadd.s32 $0x4E00, v2;
	_ =	sdelay $0x4  }
0x2f6: {  	[tilespmem:v2+s9+$0x0] =	vst.idx.add.f32.msk $0xffff, v1  }
0x2f7: {  	v2 =	vld [tilespmem:s19+$0x80];
	_ =	sdelay $0x4  }
0x2f8: {  	v2 =	vadd.s32 $0x4E00, v2;
	_ =	sdelay $0x4  }
0x2f9: {  	[tilespmem:v2+s9+$0x0] =	vst.idx.add.f32.msk $0xffff, v1  }
0x2fa: {  	v2 =	vld [tilespmem:s19+$0x90];
	_ =	sdelay $0x4  }
0x2fb: {  	v2 =	vadd.s32 $0x4E00, v2;
	_ =	sdelay $0x4  }
0x2fc: {  	[tilespmem:v2+s9+$0x0] =	vst.idx.add.f32.msk $0xffff, v1  }
0x2fd: {  	v2 =	vld [tilespmem:s19+$0xA0];
	_ =	sdelay $0x4  }
0x2fe: {  	v2 =	vadd.s32 $0x4E00, v2;
	_ =	sdelay $0x4  }
0x2ff: {  	[tilespmem:v2+s9+$0x0] =	vst.idx.add.f32.msk $0xffff, v1  }
0x300: {  	v2 =	vld [tilespmem:s19+$0xB0];
	_ =	sdelay $0x4  }
0x301: {  	v2 =	vadd.s32 $0x4E00, v2;
	_ =	sdelay $0x4  }
0x302: {  	[tilespmem:v2+s9+$0x0] =	vst.idx.add.f32.msk $0xffff, v1  }
0x303: {  	v2 =	vld [tilespmem:s19+$0xC0];
	_ =	sdelay $0x4  }
0x304: {  	v2 =	vadd.s32 $0x4E00, v2;
	_ =	sdelay $0x4  }
0x305: {  	[tilespmem:v2+s9+$0x0] =	vst.idx.add.f32.msk $0xffff, v1  }
0x306: {  	v2 =	vld [tilespmem:s19+$0xD0];
	_ =	sdelay $0x4  }
0x307: {  	v2 =	vadd.s32 $0x4E00, v2;
	_ =	sdelay $0x4  }
0x308: {  	[tilespmem:v2+s9+$0x0] =	vst.idx.add.f32.msk $0xffff, v1  }
0x309: {  	v2 =	vld [tilespmem:s19+$0xE0];
	_ =	sdelay $0x4  }
0x30a: {  	v2 =	vadd.s32 $0x4E00, v2;
	_ =	sdelay $0x4  }
0x30b: {  	[tilespmem:v2+s9+$0x0] =	vst.idx.add.f32.msk $0xffff, v1  }
0x30c: {  	v2 =	vld [tilespmem:s19+$0xF0];
	_ =	sdelay $0x4  }
0x30d: {  	v2 =	vadd.s32 $0x4E00, v2;
	_ =	sdelay $0x4  }
0x30e: {  	[tilespmem:v2+s9+$0x0] =	vst.idx.add.f32.msk $0xffff, v1  }
0x30f: {  	v2 =	vld [tilespmem:s19+$0x100];
	_ =	sdelay $0x4  }
0x310: {  	v2 =	vadd.s32 $0x4E00, v2;
	_ =	sdelay $0x4  }
0x311: {  	[tilespmem:v2+s9+$0x0] =	vst.idx.add.f32.msk $0xffff, v1  }
0x312: {  	v2 =	vld [tilespmem:s19+$0x110];
	_ =	sdelay $0x4  }
0x313: {  	v2 =	vadd.s32 $0x4E00, v2;
	_ =	sdelay $0x4  }
0x314: {  	[tilespmem:v2+s9+$0x0] =	vst.idx.add.f32.msk $0xffff, v1  }
0x315: {  	v2 =	vld [tilespmem:s19+$0x120];
	_ =	sdelay $0x4  }
0x316: {  	v2 =	vadd.s32 $0x4E00, v2;
	_ =	sdelay $0x4  }
0x317: {  	[tilespmem:v2+s9+$0x0] =	vst.idx.add.f32.msk $0xffff, v1  }
0x318: {  	v2 =	vld [tilespmem:s19+$0x130];
	_ =	sdelay $0x4  }
0x319: {  	v2 =	vadd.s32 $0x4E00, v2;
	_ =	sdelay $0x4  }
0x31a: {  	[tilespmem:v2+s9+$0x0] =	vst.idx.add.f32.msk $0xffff, v1  }
0x31b: {  	v2 =	vld [tilespmem:s19+$0x140];
	_ =	sdelay $0x4  }
0x31c: {  	v2 =	vadd.s32 $0x4E00, v2;
	_ =	sdelay $0x4  }
0x31d: {  	[tilespmem:v2+s9+$0x0] =	vst.idx.add.f32.msk $0xffff, v1  }
0x31e: {  	v2 =	vld [tilespmem:s19+$0x150];
	_ =	sdelay $0x4  }
0x31f: {  	v2 =	vadd.s32 $0x4E00, v2;
	_ =	sdelay $0x4  }
0x320: {  	[tilespmem:v2+s9+$0x0] =	vst.idx.add.f32.msk $0xffff, v1  }
0x321: {  	v2 =	vld [tilespmem:s19+$0x160];
	_ =	sdelay $0x4  }
0x322: {  	v2 =	vadd.s32 $0x4E00, v2;
	_ =	sdelay $0x4  }
0x323: {  	[tilespmem:v2+s9+$0x0] =	vst.idx.add.f32.msk $0xffff, v1  }
0x324: {  	v2 =	vld [tilespmem:s19+$0x170];
	_ =	sdelay $0x4  }
0x325: {  	v2 =	vadd.s32 $0x4E00, v2;
	_ =	sdelay $0x4  }
0x326: {  	[tilespmem:v2+s9+$0x0] =	vst.idx.add.f32.msk $0xffff, v1  }
0x327: {  	v2 =	vld [tilespmem:s19+$0x180];
	_ =	sdelay $0x4  }
0x328: {  	v2 =	vadd.s32 $0x4E00, v2;
	_ =	sdelay $0x4  }
0x329: {  	[tilespmem:v2+s9+$0x0] =	vst.idx.add.f32.msk $0xffff, v1  }
0x32a: {  	v2 =	vld [tilespmem:s19+$0x190];
	_ =	sdelay $0x4  }
0x32b: {  	v2 =	vadd.s32 $0x4E00, v2;
	_ =	sdelay $0x4  }
0x32c: {  	[tilespmem:v2+s9+$0x0] =	vst.idx.add.f32.msk $0xffff, v1  }
0x32d: {  	v2 =	vld [tilespmem:s19+$0x1A0];
	_ =	sdelay $0x4  }
0x32e: {  	v2 =	vadd.s32 $0x4E00, v2;
	_ =	sdelay $0x4  }
0x32f: {  	[tilespmem:v2+s9+$0x0] =	vst.idx.add.f32.msk $0xffff, v1  }
0x330: {  	v2 =	vld [tilespmem:s19+$0x1B0];
	_ =	sdelay $0x4  }
0x331: {  	v2 =	vadd.s32 $0x4E00, v2;
	_ =	sdelay $0x4  }
0x332: {  	[tilespmem:v2+s9+$0x0] =	vst.idx.add.f32.msk $0xffff, v1  }
0x333: {  	v2 =	vld [tilespmem:s19+$0x1C0];
	_ =	sdelay $0x4  }
0x334: {  	v2 =	vadd.s32 $0x4E00, v2;
	_ =	sdelay $0x4  }
0x335: {  	[tilespmem:v2+s9+$0x0] =	vst.idx.add.f32.msk $0xffff, v1  }
0x336: {  	v2 =	vld [tilespmem:s19+$0x1D0];
	_ =	sdelay $0x4  }
0x337: {  	v2 =	vadd.s32 $0x4E00, v2;
	_ =	sdelay $0x4  }
0x338: {  	[tilespmem:v2+s9+$0x0] =	vst.idx.add.f32.msk $0xffff, v1  }
0x339: {  	v2 =	vld [tilespmem:s19+$0x1E0];
	_ =	sdelay $0x4  }
0x33a: {  	v2 =	vadd.s32 $0x4E00, v2;
	_ =	sdelay $0x4  }
0x33b: {  	[tilespmem:v2+s9+$0x0] =	vst.idx.add.f32.msk $0xffff, v1  }
0x33c: {  	v2 =	vld [tilespmem:s19+$0x1F0];
	_ =	sdelay $0x4  }
0x33d: {  	v2 =	vadd.s32 $0x4E00, v2;
	_ =	sdelay $0x4  }
0x33e: {  	[tilespmem:v2+s9+$0x0] =	vst.idx.add.f32.msk $0xffff, v1  }
0x33f: {  	v2 =	vld [tilespmem:s19+$0x200];
	_ =	sdelay $0x4  }
0x340: {  	v2 =	vadd.s32 $0x4E00, v2;
	_ =	sdelay $0x4  }
0x341: {  	[tilespmem:v2+s9+$0x0] =	vst.idx.add.f32.msk $0xffff, v1  }
0x342: {  	v2 =	vld [tilespmem:s19+$0x210];
	_ =	sdelay $0x4  }
0x343: {  	v2 =	vadd.s32 $0x4E00, v2;
	_ =	sdelay $0x4  }
0x344: {  	[tilespmem:v2+s9+$0x0] =	vst.idx.add.f32.msk $0xffff, v1  }
0x345: {  	v2 =	vld [tilespmem:s19+$0x220];
	_ =	sdelay $0x4  }
0x346: {  	v2 =	vadd.s32 $0x4E00, v2;
	_ =	sdelay $0x4  }
0x347: {  	[tilespmem:v2+s9+$0x0] =	vst.idx.add.f32.msk $0xffff, v1  }
0x348: {  	v2 =	vld [tilespmem:s19+$0x230];
	_ =	sdelay $0x4  }
0x349: {  	v2 =	vadd.s32 $0x4E00, v2;
	_ =	sdelay $0x4  }
0x34a: {  	[tilespmem:v2+s9+$0x0] =	vst.idx.add.f32.msk $0xffff, v1  }
0x34b: {  	v2 =	vld [tilespmem:s19+$0x240];
	_ =	sdelay $0x4  }
0x34c: {  	v2 =	vadd.s32 $0x4E00, v2;
	_ =	sdelay $0x4  }
0x34d: {  	[tilespmem:v2+s9+$0x0] =	vst.idx.add.f32.msk $0xffff, v1  }
0x34e: {  	v2 =	vld [tilespmem:s19+$0x250];
	_ =	sdelay $0x4  }
0x34f: {  	v2 =	vadd.s32 $0x4E00, v2;
	_ =	sdelay $0x4  }
0x350: {  	[tilespmem:v2+s9+$0x0] =	vst.idx.add.f32.msk $0xffff, v1  }
0x351: {  	v2 =	vld [tilespmem:s19+$0x260];
	_ =	sdelay $0x4  }
0x352: {  	v2 =	vadd.s32 $0x4E00, v2;
	_ =	sdelay $0x4  }
0x353: {  	[tilespmem:v2+s9+$0x0] =	vst.idx.add.f32.msk $0xffff, v1  }
0x354: {  	v2 =	vld [tilespmem:s19+$0x270];
	_ =	sdelay $0x4  }
0x355: {  	v2 =	vadd.s32 $0x4E00, v2;
	_ =	sdelay $0x4  }
0x356: {  	[tilespmem:v2+s9+$0x0] =	vst.idx.add.f32.msk $0xffff, v1  }
0x357: {  	v2 =	vld [tilespmem:s19+$0x280];
	_ =	sdelay $0x4  }
0x358: {  	v2 =	vadd.s32 $0x4E00, v2;
	_ =	sdelay $0x4  }
0x359: {  	[tilespmem:v2+s9+$0x0] =	vst.idx.add.f32.msk $0xffff, v1  }
0x35a: {  	v2 =	vld [tilespmem:s19+$0x290];
	_ =	sdelay $0x4  }
0x35b: {  	v2 =	vadd.s32 $0x4E00, v2;
	_ =	sdelay $0x4  }
0x35c: {  	[tilespmem:v2+s9+$0x0] =	vst.idx.add.f32.msk $0xffff, v1  }
0x35d: {  	v2 =	vld [tilespmem:s19+$0x2A0];
	_ =	sdelay $0x4  }
0x35e: {  	v2 =	vadd.s32 $0x4E00, v2;
	_ =	sdelay $0x4  }
0x35f: {  	[tilespmem:v2+s9+$0x0] =	vst.idx.add.f32.msk $0xffff, v1  }
0x360: {  	v2 =	vld [tilespmem:s19+$0x2B0];
	_ =	sdelay $0x4  }
0x361: {  	v2 =	vadd.s32 $0x4E00, v2;
	_ =	sdelay $0x4  }
0x362: {  	[tilespmem:v2+s9+$0x0] =	vst.idx.add.f32.msk $0xffff, v1  }
0x363: {  	v2 =	vld [tilespmem:s19+$0x2C0];
	_ =	sdelay $0x4  }
0x364: {  	v2 =	vadd.s32 $0x4E00, v2;
	_ =	sdelay $0x4  }
0x365: {  	[tilespmem:v2+s9+$0x0] =	vst.idx.add.f32.msk $0xffff, v1  }
0x366: {  	v2 =	vld [tilespmem:s19+$0x2D0];
	_ =	sdelay $0x4  }
0x367: {  	v2 =	vadd.s32 $0x4E00, v2;
	_ =	sdelay $0x4  }
0x368: {  	[tilespmem:v2+s9+$0x0] =	vst.idx.add.f32.msk $0xffff, v1  }
0x369: {  	v2 =	vld [tilespmem:s19+$0x2E0];
	_ =	sdelay $0x4  }
0x36a: {  	v2 =	vadd.s32 $0x4E00, v2;
	_ =	sdelay $0x4  }
0x36b: {  	[tilespmem:v2+s9+$0x0] =	vst.idx.add.f32.msk $0xffff, v1  }
0x36c: {  	v2 =	vld [tilespmem:s19+$0x2F0];
	_ =	sdelay $0x4  }
0x36d: {  	v2 =	vadd.s32 $0x4E00, v2;
	_ =	sdelay $0x4  }
0x36e: {  	[tilespmem:v2+s9+$0x0] =	vst.idx.add.f32.msk $0xffff, v1  }
0x36f: {  	v2 =	vld [tilespmem:s19+$0x300];
	_ =	sdelay $0x4  }
0x370: {  	v2 =	vadd.s32 $0x4E00, v2;
	_ =	sdelay $0x4  }
0x371: {  	[tilespmem:v2+s9+$0x0] =	vst.idx.add.f32.msk $0xffff, v1  }
0x372: {  	v2 =	vld [tilespmem:s19+$0x310];
	_ =	sdelay $0x4  }
0x373: {  	v2 =	vadd.s32 $0x4E00, v2;
	_ =	sdelay $0x4  }
0x374: {  	[tilespmem:v2+s9+$0x0] =	vst.idx.add.f32.msk $0xffff, v1  }
0x375: {  	v2 =	vld [tilespmem:s19+$0x320];
	_ =	sdelay $0x4  }
0x376: {  	v2 =	vadd.s32 $0x4E00, v2;
	_ =	sdelay $0x4  }
0x377: {  	[tilespmem:v2+s9+$0x0] =	vst.idx.add.f32.msk $0xffff, v1  }
0x378: {  	v2 =	vld [tilespmem:s19+$0x330];
	_ =	sdelay $0x4  }
0x379: {  	v2 =	vadd.s32 $0x4E00, v2;
	_ =	sdelay $0x4  }
0x37a: {  	[tilespmem:v2+s9+$0x0] =	vst.idx.add.f32.msk $0xffff, v1  }
0x37b: {  	v2 =	vld [tilespmem:s19+$0x340];
	_ =	sdelay $0x4  }
0x37c: {  	v2 =	vadd.s32 $0x4E00, v2;
	_ =	sdelay $0x4  }
0x37d: {  	[tilespmem:v2+s9+$0x0] =	vst.idx.add.f32.msk $0xffff, v1  }
0x37e: {  	v2 =	vld [tilespmem:s19+$0x350];
	_ =	sdelay $0x4  }
0x37f: {  	v2 =	vadd.s32 $0x4E00, v2;
	_ =	sdelay $0x4  }
0x380: {  	[tilespmem:v2+s9+$0x0] =	vst.idx.add.f32.msk $0xffff, v1  }
0x381: {  	v2 =	vld [tilespmem:s19+$0x360];
	_ =	sdelay $0x4  }
0x382: {  	v2 =	vadd.s32 $0x4E00, v2;
	_ =	sdelay $0x4  }
0x383: {  	[tilespmem:v2+s9+$0x0] =	vst.idx.add.f32.msk $0xffff, v1  }
0x384: {  	v2 =	vld [tilespmem:s19+$0x370];
	_ =	sdelay $0x4  }
0x385: {  	v2 =	vadd.s32 $0x4E00, v2;
	_ =	sdelay $0x4  }
0x386: {  	[tilespmem:v2+s9+$0x0] =	vst.idx.add.f32.msk $0xffff, v1  }
0x387: {  	v2 =	vld [tilespmem:s19+$0x380];
	_ =	sdelay $0x4  }
0x388: {  	v2 =	vadd.s32 $0x4E00, v2;
	_ =	sdelay $0x4  }
0x389: {  	[tilespmem:v2+s9+$0x0] =	vst.idx.add.f32.msk $0xffff, v1  }
0x38a: {  	v2 =	vld [tilespmem:s19+$0x390];
	_ =	sdelay $0x4  }
0x38b: {  	v2 =	vadd.s32 $0x4E00, v2;
	_ =	sdelay $0x4  }
0x38c: {  	[tilespmem:v2+s9+$0x0] =	vst.idx.add.f32.msk $0xffff, v1  }
0x38d: {  	v2 =	vld [tilespmem:s19+$0x3A0];
	_ =	sdelay $0x4  }
0x38e: {  	v2 =	vadd.s32 $0x4E00, v2;
	_ =	sdelay $0x4  }
0x38f: {  	[tilespmem:v2+s9+$0x0] =	vst.idx.add.f32.msk $0xffff, v1  }
0x390: {  	v2 =	vld [tilespmem:s19+$0x3B0];
	_ =	sdelay $0x4  }
0x391: {  	v2 =	vadd.s32 $0x4E00, v2;
	_ =	sdelay $0x4  }
0x392: {  	[tilespmem:v2+s9+$0x0] =	vst.idx.add.f32.msk $0xffff, v1  }
0x393: {  	v2 =	vld [tilespmem:s19+$0x3C0];
	_ =	sdelay $0x4  }
0x394: {  	v2 =	vadd.s32 $0x4E00, v2;
	_ =	sdelay $0x4  }
0x395: {  	[tilespmem:v2+s9+$0x0] =	vst.idx.add.f32.msk $0xffff, v1  }
0x396: {  	v2 =	vld [tilespmem:s19+$0x3D0];
	_ =	sdelay $0x4  }
0x397: {  	v2 =	vadd.s32 $0x4E00, v2;
	_ =	sdelay $0x4  }
0x398: {  	[tilespmem:v2+s9+$0x0] =	vst.idx.add.f32.msk $0xffff, v1  }
0x399: {  	v2 =	vld [tilespmem:s19+$0x3E0];
	_ =	sdelay $0x4  }
0x39a: {  	v2 =	vadd.s32 $0x4E00, v2;
	_ =	sdelay $0x4  }
0x39b: {  	[tilespmem:v2+s9+$0x0] =	vst.idx.add.f32.msk $0xffff, v1  }
0x39c: {  	v2 =	vld [tilespmem:s19+$0x3F0];
	_ =	sdelay $0x4  }
0x39d: {  	v2 =	vadd.s32 $0x4E00, v2;
	_ =	sdelay $0x4  }
0x39e: {  	[tilespmem:v2+s9+$0x0] =	vst.idx.add.f32.msk $0xffff, v1  }
0x39f: {  	v2 =	vld [tilespmem:s19+$0x400];
	_ =	sdelay $0x4  }
0x3a0: {  	v2 =	vadd.s32 $0x4E00, v2;
	_ =	sdelay $0x4  }
0x3a1: {  	[tilespmem:v2+s9+$0x0] =	vst.idx.add.f32.msk $0xffff, v1  }
0x3a2: {  	v2 =	vld [tilespmem:s19+$0x410];
	_ =	sdelay $0x4  }
0x3a3: {  	v2 =	vadd.s32 $0x4E00, v2;
	_ =	sdelay $0x4  }
0x3a4: {  	[tilespmem:v2+s9+$0x0] =	vst.idx.add.f32.msk $0xffff, v1  }
0x3a5: {  	v2 =	vld [tilespmem:s19+$0x420];
	_ =	sdelay $0x4  }
0x3a6: {  	v2 =	vadd.s32 $0x4E00, v2;
	_ =	sdelay $0x4  }
0x3a7: {  	[tilespmem:v2+s9+$0x0] =	vst.idx.add.f32.msk $0xffff, v1  }
0x3a8: {  	v2 =	vld [tilespmem:s19+$0x430];
	_ =	sdelay $0x4  }
0x3a9: {  	v2 =	vadd.s32 $0x4E00, v2;
	_ =	sdelay $0x4  }
0x3aa: {  	[tilespmem:v2+s9+$0x0] =	vst.idx.add.f32.msk $0xffff, v1  }
0x3ab: {  	v2 =	vld [tilespmem:s19+$0x440];
	_ =	sdelay $0x4  }
0x3ac: {  	v2 =	vadd.s32 $0x4E00, v2;
	_ =	sdelay $0x4  }
0x3ad: {  	[tilespmem:v2+s9+$0x0] =	vst.idx.add.f32.msk $0xffff, v1  }
0x3ae: {  	v2 =	vld [tilespmem:s19+$0x450];
	_ =	sdelay $0x4  }
0x3af: {  	v2 =	vadd.s32 $0x4E00, v2;
	_ =	sdelay $0x4  }
0x3b0: {  	[tilespmem:v2+s9+$0x0] =	vst.idx.add.f32.msk $0xffff, v1  }
0x3b1: {  	v2 =	vld [tilespmem:s19+$0x460];
	_ =	sdelay $0x4  }
0x3b2: {  	v2 =	vadd.s32 $0x4E00, v2;
	_ =	sdelay $0x4  }
0x3b3: {  	[tilespmem:v2+s9+$0x0] =	vst.idx.add.f32.msk $0xffff, v1  }
0x3b4: {  	v2 =	vld [tilespmem:s19+$0x470];
	_ =	sdelay $0x4  }
0x3b5: {  	v2 =	vadd.s32 $0x4E00, v2;
	_ =	sdelay $0x4  }
0x3b6: {  	[tilespmem:v2+s9+$0x0] =	vst.idx.add.f32.msk $0xffff, v1  }
0x3b7: {  	v2 =	vld [tilespmem:s19+$0x480];
	_ =	sdelay $0x4  }
0x3b8: {  	v2 =	vadd.s32 $0x4E00, v2;
	_ =	sdelay $0x4  }
0x3b9: {  	[tilespmem:v2+s9+$0x0] =	vst.idx.add.f32.msk $0xffff, v1  }
0x3ba: {  	v2 =	vld [tilespmem:s19+$0x490];
	_ =	sdelay $0x4  }
0x3bb: {  	v2 =	vadd.s32 $0x4E00, v2;
	_ =	sdelay $0x4  }
0x3bc: {  	[tilespmem:v2+s9+$0x0] =	vst.idx.add.f32.msk $0xffff, v1  }
0x3bd: {  	v2 =	vld [tilespmem:s19+$0x4A0];
	_ =	sdelay $0x4  }
0x3be: {  	v2 =	vadd.s32 $0x4E00, v2;
	_ =	sdelay $0x4  }
0x3bf: {  	[tilespmem:v2+s9+$0x0] =	vst.idx.add.f32.msk $0xffff, v1  }
0x3c0: {  	v2 =	vld [tilespmem:s19+$0x4B0];
	_ =	sdelay $0x4  }
0x3c1: {  	v2 =	vadd.s32 $0x4E00, v2;
	_ =	sdelay $0x4  }
0x3c2: {  	[tilespmem:v2+s9+$0x0] =	vst.idx.add.f32.msk $0xffff, v1  }
0x3c3: {  	v2 =	vld [tilespmem:s19+$0x4C0];
	_ =	sdelay $0x4  }
0x3c4: {  	v2 =	vadd.s32 $0x4E00, v2;
	_ =	sdelay $0x4  }
0x3c5: {  	[tilespmem:v2+s9+$0x0] =	vst.idx.add.f32.msk $0xffff, v1  }
0x3c6: {  	v2 =	vld [tilespmem:s19+$0x4D0];
	_ =	sdelay $0x4  }
0x3c7: {  	v2 =	vadd.s32 $0x4E00, v2;
	_ =	sdelay $0x4  }
0x3c8: {  	[tilespmem:v2+s9+$0x0] =	vst.idx.add.f32.msk $0xffff, v1  }
0x3c9: {  	v2 =	vld [tilespmem:s19+$0x4E0];
	_ =	sdelay $0x4  }
0x3ca: {  	v2 =	vadd.s32 $0x4E00, v2;
	_ =	sdelay $0x4  }
0x3cb: {  	[tilespmem:v2+s9+$0x0] =	vst.idx.add.f32.msk $0xffff, v1  }
0x3cc: {  	v2 =	vld [tilespmem:s19+$0x4F0];
	_ =	sdelay $0x4  }
0x3cd: {  	v2 =	vadd.s32 $0x4E00, v2;
	_ =	sdelay $0x4  }
0x3ce: {  	[tilespmem:v2+s9+$0x0] =	vst.idx.add.f32.msk $0xffff, v1  }
0x3cf: {  	v2 =	vld [tilespmem:s19+$0x500];
	_ =	sdelay $0x4  }
0x3d0: {  	v2 =	vadd.s32 $0x4E00, v2;
	_ =	sdelay $0x4  }
0x3d1: {  	[tilespmem:v2+s9+$0x0] =	vst.idx.add.f32.msk $0xffff, v1  }
0x3d2: {  	v2 =	vld [tilespmem:s19+$0x510];
	_ =	sdelay $0x4  }
0x3d3: {  	v2 =	vadd.s32 $0x4E00, v2;
	_ =	sdelay $0x3  }
0x3d4: {  	s18 =	sadd.s32 $0x4, s18  }
0x3d5: {  	s31 =	sadd.s32 $0x9C0, s20;
	s30 =	rddreg [dreg:$0x5];
	p1 =	sne.s32 s18, $0x22;
	[tilespmem:v2+s9+$0x0] =	vst.idx.add.f32.msk $0xf, v1  }
0x3d6: {  	[hbm4b:s31+s2] =	stream.linear.scatter [tilespmem:s30], [sflag:$0x4], $0x1A00, $0x38;
	[tilespmem:$0x119A0] =	vst v63  }
.Ltmp1:
0x3d7: {  	_ = 	snop;
	(pc) =	sbr.rel @p1 .LBB2_4-.Ltmp1, $4  }
0x3d8: {  	_ =	swait.ge [sflag:s12], $0x1A00  }
0x3d9: {  	[sflag:s12] =	ssyncset.done $0x0  }
0x3da: {  	s20 =	sadd.s32 $0xD00, s20;
	s19 =	sadd.s32 $0x1600, s19;
	[sflag:s12] =	ssyncadd.s32 $0xFFFFE600  }
0x3db: {  	[tilespmem:s11], [sflag:$0x6] =	stream.linear.gather [spmem:s1], $0x1A00, $0x38;
	[tilespmem:$0x119A0] =	vst v63  }
0x3dc: {  	_ =	swait.ge [sflag:s13], $0x1A00  }
0x3dd: {  	[sflag:s13] =	ssyncset.done $0x0  }
0x3de: {  	[sflag:s13] =	ssyncadd.s32 $0xFFFFE600  }
0x3df: {  	_ =	swait.ge [sflag:s14], $0x1A00  }
0x3e0: {  	[sflag:s14] =	ssyncset.done $0x0  }
0x3e1: {  	s17 =	sadd.s32 $0x1, s17;
	[sflag:s14] =	ssyncadd.s32 $0xFFFFE600  }
0x3e2: {  	p1 =	sne.s32 s17, s6;
	_ =	swait.ge [sflag:s15], $0x1A00  }
.Ltmp2:
0x3e3: {  	[sflag:s15] =	ssyncset.done $0x0;
	(pc) =	sbr.rel @p1 .LBB2_1-.Ltmp2, $4  }
0x3e4: {  	[sflag:s15] =	ssyncadd.s32 $0xFFFFE600  }
0x3e5: {  	_ =	swait.ge [sflag:s16], $0x1A00  }
0x3e6: {  	[sflag:s16] =	ssyncset.done $0x0  }
0x3e7: {  	[sflag:s16] =	ssyncadd.s32 $0xFFFFE600  }
0x3e8: {  	_ =	sfence.sel $0x180000  }
0x3e9: {  	[bflag:$0x0] =	sbarrier.arrive $0xFFFF  }
0x3ea: {  	_ =	strace $0x90000047  }
0x3eb: {  	s0 =	sadd.s32 @!p0 $0x100000, s0;
	[bflag:$0x2] =	sbarrier.arrive $0xFFFF  }
0x3ec: {  	[sflag:s0] =	ssyncadd.tile.s32 @!p0 $0x1;
	_ =	shalt  }
.Lfunc_end2:
_tile_overlayer_lowered:
.L_overlay_start_2:
0x3ed: {  	(tag) =	ssettag $0x2  }
0x3ee: {  	s0 =	rddreg [dreg:$0x0];
	s2 =	stileid.u32  }
0x3ef: {  	s1 =	rddreg [dreg:$0x1];
	p0 =	sne.s32 s2, $0x0  }
0x3f0: {  	s3 =	rddreg [dreg:$0x2];
	[bflag:$0x3] =	sbarrier.arrive $0xFFFF;
	s2 =	simm.s32 @!p0 $0x1C09  }
0x3f1: {  	[timem:s3], [sflag:s2] =	dma.local @!p0 [hbm:s0], s1  }
0x3f2: {  	s0 =	simm.s32 @!p0 $0x9  }
0x3f3: {  	_ =	swait.ge @!p0 [sflag:s0], s1  }
0x3f4: {  	s1 =	ssub.s32 @!p0 $0x0, s1;
	[sflag:s0] =	ssyncset.done @!p0 $0x0  }
0x3f5: {  	[sflag:s0] =	ssyncadd.s32 @!p0 s1  }
0x3f6: {  	[bflag:$0x3] =	sbarrier.arrive $0xFFFF  }
0x3f7: {  	_ =	shalt  }

</sc_bundles>
